<compile_context>
chip_gen: v7x
topology: tpu7x:2x2x1
jax: 0.10.2.dev20260603
libtpu: 0.0.44.dev20260713+nightly
codegen_flags: <defaults>
</compile_context>

<pallas_src>
import jax
import jax.numpy as jnp
from jax import lax
from jax.experimental import pallas as pl
from jax.experimental.pallas import tpu as pltpu
from jax.experimental.pallas import tpu_sc as plsc

B = 16384
H = 50
D = 64
NC, NS = 2, 16
NW = NC * NS
BPW = B // NW
G = 16
CHUNKS = BPW // G
GI = G * H
DMA_ROWS = 80
NDMA = GI // DMA_ROWS
NV = D // 16
DP = 128


def _body(weight_hbm, idx_hbm, out_hbm, idx_v, rows_v, out_v, sem0, sem1,
          osem0, osem1):
    wid = lax.axis_index("s") * NC + lax.axis_index("c")
    idx_base = wid * (BPW * H)
    out_base = wid * BPW
    sems = (sem0, sem1)
    osems = (osem0, osem1)

    def stage_fire(c, buf):
        pltpu.sync_copy(
            idx_hbm.at[pl.ds(idx_base + c * GI, GI)], idx_v.at[buf]
        )
        for j in range(NDMA):
            pltpu.async_copy(
                weight_hbm.at[idx_v.at[buf, pl.ds(j * DMA_ROWS, DMA_ROWS)]],
                rows_v.at[buf, pl.ds(j * DMA_ROWS, DMA_ROWS)],
                sems[buf],
            )

    def drain(buf):
        for j in range(NDMA):
            pltpu.make_async_copy(
                weight_hbm.at[idx_v.at[buf, pl.ds(j * DMA_ROWS, DMA_ROWS)]],
                rows_v.at[buf, pl.ds(j * DMA_ROWS, DMA_ROWS)],
                sems[buf],
            ).wait()

    def fire_out(c, buf):
        pltpu.async_copy(
            out_v.at[buf], out_hbm.at[pl.ds(out_base + c * G, G)], osems[buf]
        )

    def drain_out(buf):
        pltpu.make_async_copy(
            out_v.at[buf], out_hbm.at[pl.ds(out_base, G)], osems[buf]
        ).wait()

    def compute(c, buf):
        def bag(b, carry):
            rb = b * H
            acc = [rows_v[buf, rb, pl.ds(v * 16, 16)] for v in range(NV)]
            for l in range(1, H):
                for v in range(NV):
                    acc[v] = acc[v] + rows_v[buf, rb + l, pl.ds(v * 16, 16)]
            for v in range(NV):
                out_v[buf, b, pl.ds(v * 16, 16)] = acc[v] * (1.0 / H)
            return carry

        lax.fori_loop(0, G, bag, 0)

    zpad = jnp.zeros((16,), jnp.float32)
    for zb in range(2):
        def zrow(b, carry, _zb=zb):
            for v in range(NV, DP // 16):
                out_v[_zb, b, pl.ds(v * 16, 16)] = zpad
            return carry

        lax.fori_loop(0, G, zrow, 0)

    stage_fire(0, 0)

    def body(t, carry):
        c0 = 2 * t
        c1 = 2 * t + 1
        stage_fire(c1, 1)
        drain(0)

        @pl.when(t >= 1)
        def _():
            drain_out(0)

        compute(c0, 0)
        fire_out(c0, 0)

        @pl.when(c0 + 2 < CHUNKS)
        def _():
            stage_fire(c0 + 2, 0)

        drain(1)

        @pl.when(t >= 1)
        def _():
            drain_out(1)

        compute(c1, 1)
        fire_out(c1, 1)
        return carry

    lax.fori_loop(0, CHUNKS // 2, body, 0)
    drain_out(0)
    drain_out(1)


_sc_call = pl.kernel(
    _body,
    out_type=jax.ShapeDtypeStruct((B, DP), jnp.float32),
    mesh=plsc.VectorSubcoreMesh(
        core_axis_name="c", subcore_axis_name="s", num_cores=NC, num_subcores=NS
    ),
    scratch_types=[
        pltpu.VMEM((2, GI), jnp.int32),
        pltpu.VMEM((2, GI, D), jnp.float32),
        pltpu.VMEM((2, G, DP), jnp.float32),
        pltpu.SemaphoreType.DMA,
        pltpu.SemaphoreType.DMA,
        pltpu.SemaphoreType.DMA,
        pltpu.SemaphoreType.DMA,
    ],
    compiler_params=pltpu.CompilerParams(use_tc_tiling_on_sc=False),
)


def kernel(input, weight):
    idx = input.astype(jnp.int32).reshape(B * H)
    return _sc_call(weight, idx)[:, :D]

# --- scband reference (transcript-rebuilt; emitter-appended) ---
"""Pipeline reference for scband-embedding-bag-13237089206540 (READ-ONLY COPY).

The authoritative reference and input builder live on the scoring server;
editing this copy changes nothing except your own understanding.
"""

import jax, jax.numpy as jnp
import numpy as np

NUM_EMBEDDINGS = 1000000
EMBED_DIM = 64
BATCH = 16384
HIST = 50

def setup_inputs(seed: int = 0) -> dict:
    key = jax.random.key(seed)
    k1, k2 = jax.random.split(key)
    input = jax.random.randint(k1, (BATCH, HIST), 0, NUM_EMBEDDINGS, dtype=jnp.int64 if jax.config.jax_enable_x64 else jnp.int32)
    weight = jax.random.normal(k2, (NUM_EMBEDDINGS, EMBED_DIM), dtype=jnp.float32) * 0.01
    return {"input": input, "weight": weight}

def reference(input, weight):
    # EmbeddingBag with 2D input and offsets=None: each row is a bag; mode='mean'
    gathered = jnp.take(weight, input, axis=0)  # [B, L, D]
    out = jnp.mean(gathered, axis=1)            # [B, D]
    return out

if __name__ == "__main__":
    import jax
    _d = setup_inputs()
    print(jax.jit(kernel)(*tuple(_d.values())))

</pallas_src>

<mosaic_0001>
#map = affine_map<(d0, d1) -> (0, 0)>
#map1 = affine_map<(d0, d1) -> (0)>
module attributes {stable_mosaic.version = 14 : i64} {
  func.func @_body(%arg0: i32, %arg1: i32, %arg2: memref<1000000x64xf32, #tpu.memory_space<hbm>>, %arg3: memref<819200xi32, #tpu.memory_space<hbm>>, %arg4: memref<16384x128xf32, #tpu.memory_space<hbm>>, %arg5: memref<2x800xi32, #tpu.memory_space<vmem>>, %arg6: memref<2x800x64xf32, #tpu.memory_space<vmem>>, %arg7: memref<2x16x128xf32, #tpu.memory_space<vmem>>, %arg8: memref<!tpu.dma_semaphore, #tpu.memory_space<semaphore_mem>>, %arg9: memref<!tpu.dma_semaphore, #tpu.memory_space<semaphore_mem>>, %arg10: memref<!tpu.dma_semaphore, #tpu.memory_space<semaphore_mem>>, %arg11: memref<!tpu.dma_semaphore, #tpu.memory_space<semaphore_mem>>) attributes {dimension_semantics = [#tpu.dimension_semantics<core_parallel>, #tpu.dimension_semantics<subcore_parallel>], iteration_bounds = array<i64: 2, 16>, scalar_prefetch = 0 : i64, scratch_operands = 7 : i64, tpu.core_type = #tpu.core_type<sc_vector_subcore>, window_params = [{transform_indices = #map}, {transform_indices = #map1}, {transform_indices = #map}]} {
    %mul3A = arith.constant 2 : i32
    %mul3A_0 = arith.muli %arg1, %mul3A : i32
    %add3A = arith.addi %mul3A_0, %arg0 : i32
    %mul3A_1 = arith.constant 25600 : i32
    %mul3A_2 = arith.muli %add3A, %mul3A_1 : i32
    %mul3A_3 = arith.constant 512 : i32
    %mul3A_4 = arith.muli %add3A, %mul3A_3 : i32
    %broadcast_in_dim3A = arith.constant 0.000000e+00 : f32
    %broadcast_in_dim3A_5 = vector.broadcast %broadcast_in_dim3A : f32 to vector<16xf32>
    %scan3A = arith.constant 0 : i32
    %scan3A_6 = arith.constant 0 : i32
    %scan3A_7 = arith.constant 16 : i32
    %scan3A_8 = arith.addi %scan3A_6, %scan3A_7 : i32
    %scan3A_9 = arith.constant 1 : i32
    scf.for %scan3A_169 = %scan3A_6 to %scan3A_8 step %scan3A_9  : i32 {
      %swap3A = arith.constant 0 : i32
      %swap3A_170 = arith.index_cast %swap3A : i32 to index
      %swap3A_171 = arith.index_cast %scan3A_169 : i32 to index
      %swap3A_172 = arith.constant 64 : index
      %swap3A_173 = tpu.vector_load %arg7[%swap3A_170, %swap3A_171, %swap3A_172] {strides = array<i32>} : memref<2x16x128xf32, #tpu.memory_space<vmem>>, vector<1x1x16xf32>,
      %swap3A_174 = vector.shape_cast %swap3A_173 : vector<1x1x16xf32> to vector<16xf32>
      %swap3A_175 = vector.shape_cast %broadcast_in_dim3A_5 : vector<16xf32> to vector<1x1x16xf32>
      tpu.vector_store %arg7[%swap3A_170, %swap3A_171, %swap3A_172], %swap3A_175 {strides = array<i32>} : memref<2x16x128xf32, #tpu.memory_space<vmem>>, vector<1x1x16xf32>,
      %swap3A_176 = arith.constant 0 : i32
      %swap3A_177 = arith.index_cast %swap3A_176 : i32 to index
      %swap3A_178 = arith.index_cast %scan3A_169 : i32 to index
      %swap3A_179 = arith.constant 80 : index
      %swap3A_180 = tpu.vector_load %arg7[%swap3A_177, %swap3A_178, %swap3A_179] {strides = array<i32>} : memref<2x16x128xf32, #tpu.memory_space<vmem>>, vector<1x1x16xf32>,
      %swap3A_181 = vector.shape_cast %swap3A_180 : vector<1x1x16xf32> to vector<16xf32>
      %swap3A_182 = vector.shape_cast %broadcast_in_dim3A_5 : vector<16xf32> to vector<1x1x16xf32>
      tpu.vector_store %arg7[%swap3A_177, %swap3A_178, %swap3A_179], %swap3A_182 {strides = array<i32>} : memref<2x16x128xf32, #tpu.memory_space<vmem>>, vector<1x1x16xf32>,
      %swap3A_183 = arith.constant 0 : i32
      %swap3A_184 = arith.index_cast %swap3A_183 : i32 to index
      %swap3A_185 = arith.index_cast %scan3A_169 : i32 to index
      %swap3A_186 = arith.constant 96 : index
      %swap3A_187 = tpu.vector_load %arg7[%swap3A_184, %swap3A_185, %swap3A_186] {strides = array<i32>} : memref<2x16x128xf32, #tpu.memory_space<vmem>>, vector<1x1x16xf32>,
      %swap3A_188 = vector.shape_cast %swap3A_187 : vector<1x1x16xf32> to vector<16xf32>
      %swap3A_189 = vector.shape_cast %broadcast_in_dim3A_5 : vector<16xf32> to vector<1x1x16xf32>
      tpu.vector_store %arg7[%swap3A_184, %swap3A_185, %swap3A_186], %swap3A_189 {strides = array<i32>} : memref<2x16x128xf32, #tpu.memory_space<vmem>>, vector<1x1x16xf32>,
      %swap3A_190 = arith.constant 0 : i32
      %swap3A_191 = arith.index_cast %swap3A_190 : i32 to index
      %swap3A_192 = arith.index_cast %scan3A_169 : i32 to index
      %swap3A_193 = arith.constant 112 : index
      %swap3A_194 = tpu.vector_load %arg7[%swap3A_191, %swap3A_192, %swap3A_193] {strides = array<i32>} : memref<2x16x128xf32, #tpu.memory_space<vmem>>, vector<1x1x16xf32>,
      %swap3A_195 = vector.shape_cast %swap3A_194 : vector<1x1x16xf32> to vector<16xf32>
      %swap3A_196 = vector.shape_cast %broadcast_in_dim3A_5 : vector<16xf32> to vector<1x1x16xf32>
      tpu.vector_store %arg7[%swap3A_191, %swap3A_192, %swap3A_193], %swap3A_196 {strides = array<i32>} : memref<2x16x128xf32, #tpu.memory_space<vmem>>, vector<1x1x16xf32>,
    }
    %scan3A_10 = arith.constant 16 : i32
    %scan3A_11 = arith.constant 0 : i32
    %scan3A_12 = arith.constant 0 : i32
    %scan3A_13 = arith.constant 16 : i32
    %scan3A_14 = arith.addi %scan3A_12, %scan3A_13 : i32
    %scan3A_15 = arith.constant 1 : i32
    scf.for %scan3A_169 = %scan3A_12 to %scan3A_14 step %scan3A_15  : i32 {
      %swap3A = arith.constant 1 : i32
      %swap3A_170 = arith.index_cast %swap3A : i32 to index
      %swap3A_171 = arith.index_cast %scan3A_169 : i32 to index
      %swap3A_172 = arith.constant 64 : index
      %swap3A_173 = tpu.vector_load %arg7[%swap3A_170, %swap3A_171, %swap3A_172] {strides = array<i32>} : memref<2x16x128xf32, #tpu.memory_space<vmem>>, vector<1x1x16xf32>,
      %swap3A_174 = vector.shape_cast %swap3A_173 : vector<1x1x16xf32> to vector<16xf32>
      %swap3A_175 = vector.shape_cast %broadcast_in_dim3A_5 : vector<16xf32> to vector<1x1x16xf32>
      tpu.vector_store %arg7[%swap3A_170, %swap3A_171, %swap3A_172], %swap3A_175 {strides = array<i32>} : memref<2x16x128xf32, #tpu.memory_space<vmem>>, vector<1x1x16xf32>,
      %swap3A_176 = arith.constant 1 : i32
      %swap3A_177 = arith.index_cast %swap3A_176 : i32 to index
      %swap3A_178 = arith.index_cast %scan3A_169 : i32 to index
      %swap3A_179 = arith.constant 80 : index
      %swap3A_180 = tpu.vector_load %arg7[%swap3A_177, %swap3A_178, %swap3A_179] {strides = array<i32>} : memref<2x16x128xf32, #tpu.memory_space<vmem>>, vector<1x1x16xf32>,
      %swap3A_181 = vector.shape_cast %swap3A_180 : vector<1x1x16xf32> to vector<16xf32>
      %swap3A_182 = vector.shape_cast %broadcast_in_dim3A_5 : vector<16xf32> to vector<1x1x16xf32>
      tpu.vector_store %arg7[%swap3A_177, %swap3A_178, %swap3A_179], %swap3A_182 {strides = array<i32>} : memref<2x16x128xf32, #tpu.memory_space<vmem>>, vector<1x1x16xf32>,
      %swap3A_183 = arith.constant 1 : i32
      %swap3A_184 = arith.index_cast %swap3A_183 : i32 to index
      %swap3A_185 = arith.index_cast %scan3A_169 : i32 to index
      %swap3A_186 = arith.constant 96 : index
      %swap3A_187 = tpu.vector_load %arg7[%swap3A_184, %swap3A_185, %swap3A_186] {strides = array<i32>} : memref<2x16x128xf32, #tpu.memory_space<vmem>>, vector<1x1x16xf32>,
      %swap3A_188 = vector.shape_cast %swap3A_187 : vector<1x1x16xf32> to vector<16xf32>
      %swap3A_189 = vector.shape_cast %broadcast_in_dim3A_5 : vector<16xf32> to vector<1x1x16xf32>
      tpu.vector_store %arg7[%swap3A_184, %swap3A_185, %swap3A_186], %swap3A_189 {strides = array<i32>} : memref<2x16x128xf32, #tpu.memory_space<vmem>>, vector<1x1x16xf32>,
      %swap3A_190 = arith.constant 1 : i32
      %swap3A_191 = arith.index_cast %swap3A_190 : i32 to index
      %swap3A_192 = arith.index_cast %scan3A_169 : i32 to index
      %swap3A_193 = arith.constant 112 : index
      %swap3A_194 = tpu.vector_load %arg7[%swap3A_191, %swap3A_192, %swap3A_193] {strides = array<i32>} : memref<2x16x128xf32, #tpu.memory_space<vmem>>, vector<1x1x16xf32>,
      %swap3A_195 = vector.shape_cast %swap3A_194 : vector<1x1x16xf32> to vector<16xf32>
      %swap3A_196 = vector.shape_cast %broadcast_in_dim3A_5 : vector<16xf32> to vector<1x1x16xf32>
      tpu.vector_store %arg7[%swap3A_191, %swap3A_192, %swap3A_193], %swap3A_196 {strides = array<i32>} : memref<2x16x128xf32, #tpu.memory_space<vmem>>, vector<1x1x16xf32>,
    }
    %scan3A_16 = arith.constant 16 : i32
    %add3A_17 = arith.constant 0 : i32
    %add3A_18 = arith.addi %mul3A_2, %add3A_17 : i32
    %run_scoped3A = arith.constant 0 : i32
    "tpu.region"() ({
      %run_scoped3A_169 = tpu.sem_alloc : memref<!tpu.dma_semaphore, #tpu.memory_space<semaphore_mem>>
      %dma_start3A_170 = arith.constant 0 : i32
      %dma_start3A_171 = tpu.memref_slice %arg5[%run_scoped3A, %dma_start3A_170] : memref<2x800xi32, #tpu.memory_space<vmem>> -> memref<1x800xi32, #tpu.memory_space<vmem>>
      %dma_start3A_172 = tpu.memref_squeeze %dma_start3A_171 : memref<1x800xi32, #tpu.memory_space<vmem>> -> memref<800xi32, #tpu.memory_space<vmem>>
      %dma_start3A_173 = tpu.memref_slice %arg3[%add3A_18] : memref<819200xi32, #tpu.memory_space<hbm>> -> memref<800xi32, #tpu.memory_space<hbm>>
      %dma_start3A_174 = arith.constant 0 : i32
      %dma_start3A_175 = tpu.memref_slice %arg5[%run_scoped3A, %dma_start3A_174] : memref<2x800xi32, #tpu.memory_space<vmem>> -> memref<1x800xi32, #tpu.memory_space<vmem>>
      %dma_start3A_176 = tpu.memref_squeeze %dma_start3A_175 : memref<1x800xi32, #tpu.memory_space<vmem>> -> memref<800xi32, #tpu.memory_space<vmem>>
      %dma_start3A_177 = tpu.memref_slice %arg3[%add3A_18] : memref<819200xi32, #tpu.memory_space<hbm>> -> memref<800xi32, #tpu.memory_space<hbm>>
      tpu.enqueue_dma source(%dma_start3A_177 : memref<800xi32, #tpu.memory_space<hbm>>) target(%dma_start3A_176 : memref<800xi32, #tpu.memory_space<vmem>>) target_semaphore(%run_scoped3A_169 : memref<!tpu.dma_semaphore, #tpu.memory_space<semaphore_mem>>)
      %dma_wait3A_178 = arith.constant 0 : i32
      %dma_wait3A_179 = tpu.memref_slice %arg5[%run_scoped3A, %dma_wait3A_178] : memref<2x800xi32, #tpu.memory_space<vmem>> -> memref<1x800xi32, #tpu.memory_space<vmem>>
      %dma_wait3A_180 = tpu.memref_squeeze %dma_wait3A_179 : memref<1x800xi32, #tpu.memory_space<vmem>> -> memref<800xi32, #tpu.memory_space<vmem>>
      %dma_wait3A_181 = tpu.memref_slice %arg3[%add3A_18] : memref<819200xi32, #tpu.memory_space<hbm>> -> memref<800xi32, #tpu.memory_space<hbm>>
      %dma_wait3A_182 = arith.constant 0 : i32
      %dma_wait3A_183 = tpu.memref_slice %arg5[%run_scoped3A, %dma_wait3A_182] : memref<2x800xi32, #tpu.memory_space<vmem>> -> memref<1x800xi32, #tpu.memory_space<vmem>>
      %dma_wait3A_184 = tpu.memref_squeeze %dma_wait3A_183 : memref<1x800xi32, #tpu.memory_space<vmem>> -> memref<800xi32, #tpu.memory_space<vmem>>
      %dma_wait3A_185 = tpu.memref_slice %arg3[%add3A_18] : memref<819200xi32, #tpu.memory_space<hbm>> -> memref<800xi32, #tpu.memory_space<hbm>>
      tpu.wait_dma2 semaphore(%run_scoped3A_169 : memref<!tpu.dma_semaphore, #tpu.memory_space<semaphore_mem>>) src(%dma_wait3A_185 : memref<800xi32, #tpu.memory_space<hbm>>) dst(%dma_wait3A_184 : memref<800xi32, #tpu.memory_space<vmem>>)
      tpu.yield
    }) : () -> ()
    %dma_start3A = arith.constant 0 : i32
    %dma_start3A_19 = arith.constant 0 : i32
    %dma_start3A_20 = arith.constant 0 : i32
    %dma_start3A_21 = arith.constant 0 : i32
    %dma_start3A_22 = tpu.memref_slice %arg6[%dma_start3A_19, %dma_start3A_20, %dma_start3A_21] : memref<2x800x64xf32, #tpu.memory_space<vmem>> -> memref<1x80x64xf32, #tpu.memory_space<vmem>>
    %dma_start3A_23 = tpu.memref_squeeze %dma_start3A_22 : memref<1x80x64xf32, #tpu.memory_space<vmem>> -> memref<80x64xf32, #tpu.memory_space<vmem>>
    %dma_start3A_24 = arith.constant 0 : i32
    %dma_start3A_25 = tpu.memref_slice %arg5[%dma_start3A, %dma_start3A_24] : memref<2x800xi32, #tpu.memory_space<vmem>> -> memref<1x80xi32, #tpu.memory_space<vmem>>
    %dma_start3A_26 = tpu.memref_squeeze %dma_start3A_25 : memref<1x80xi32, #tpu.memory_space<vmem>> -> memref<80xi32, #tpu.memory_space<vmem>>
    %dma_start3A_27 = arith.constant 0 : i32
    %dma_start3A_28 = arith.constant 0 : i32
    %dma_start3A_29 = tpu.memref_slice %arg2[%dma_start3A_27, %dma_start3A_28] : memref<1000000x64xf32, #tpu.memory_space<hbm>> -> memref<1000000x64xf32, #tpu.memory_space<hbm>>
    tpu.enqueue_indirect_dma source(%dma_start3A_29 : memref<1000000x64xf32, #tpu.memory_space<hbm>>) target(%dma_start3A_23 : memref<80x64xf32, #tpu.memory_space<vmem>>) offsets(%dma_start3A_26 : memref<80xi32, #tpu.memory_space<vmem>>) semaphore(%arg8 : memref<!tpu.dma_semaphore, #tpu.memory_space<semaphore_mem>>)
    %dma_start3A_30 = arith.constant 0 : i32
    %dma_start3A_31 = arith.constant 0 : i32
    %dma_start3A_32 = arith.constant 80 : i32
    %dma_start3A_33 = arith.constant 0 : i32
    %dma_start3A_34 = tpu.memref_slice %arg6[%dma_start3A_31, %dma_start3A_32, %dma_start3A_33] : memref<2x800x64xf32, #tpu.memory_space<vmem>> -> memref<1x80x64xf32, #tpu.memory_space<vmem>>
    %dma_start3A_35 = tpu.memref_squeeze %dma_start3A_34 : memref<1x80x64xf32, #tpu.memory_space<vmem>> -> memref<80x64xf32, #tpu.memory_space<vmem>>
    %dma_start3A_36 = arith.constant 80 : i32
    %dma_start3A_37 = tpu.memref_slice %arg5[%dma_start3A_30, %dma_start3A_36] : memref<2x800xi32, #tpu.memory_space<vmem>> -> memref<1x80xi32, #tpu.memory_space<vmem>>
    %dma_start3A_38 = tpu.memref_squeeze %dma_start3A_37 : memref<1x80xi32, #tpu.memory_space<vmem>> -> memref<80xi32, #tpu.memory_space<vmem>>
    %dma_start3A_39 = arith.constant 0 : i32
    %dma_start3A_40 = arith.constant 0 : i32
    %dma_start3A_41 = tpu.memref_slice %arg2[%dma_start3A_39, %dma_start3A_40] : memref<1000000x64xf32, #tpu.memory_space<hbm>> -> memref<1000000x64xf32, #tpu.memory_space<hbm>>
    tpu.enqueue_indirect_dma source(%dma_start3A_41 : memref<1000000x64xf32, #tpu.memory_space<hbm>>) target(%dma_start3A_35 : memref<80x64xf32, #tpu.memory_space<vmem>>) offsets(%dma_start3A_38 : memref<80xi32, #tpu.memory_space<vmem>>) semaphore(%arg8 : memref<!tpu.dma_semaphore, #tpu.memory_space<semaphore_mem>>)
    %dma_start3A_42 = arith.constant 0 : i32
    %dma_start3A_43 = arith.constant 0 : i32
    %dma_start3A_44 = arith.constant 160 : i32
    %dma_start3A_45 = arith.constant 0 : i32
    %dma_start3A_46 = tpu.memref_slice %arg6[%dma_start3A_43, %dma_start3A_44, %dma_start3A_45] : memref<2x800x64xf32, #tpu.memory_space<vmem>> -> memref<1x80x64xf32, #tpu.memory_space<vmem>>
    %dma_start3A_47 = tpu.memref_squeeze %dma_start3A_46 : memref<1x80x64xf32, #tpu.memory_space<vmem>> -> memref<80x64xf32, #tpu.memory_space<vmem>>
    %dma_start3A_48 = arith.constant 160 : i32
    %dma_start3A_49 = tpu.memref_slice %arg5[%dma_start3A_42, %dma_start3A_48] : memref<2x800xi32, #tpu.memory_space<vmem>> -> memref<1x80xi32, #tpu.memory_space<vmem>>
    %dma_start3A_50 = tpu.memref_squeeze %dma_start3A_49 : memref<1x80xi32, #tpu.memory_space<vmem>> -> memref<80xi32, #tpu.memory_space<vmem>>
    %dma_start3A_51 = arith.constant 0 : i32
    %dma_start3A_52 = arith.constant 0 : i32
    %dma_start3A_53 = tpu.memref_slice %arg2[%dma_start3A_51, %dma_start3A_52] : memref<1000000x64xf32, #tpu.memory_space<hbm>> -> memref<1000000x64xf32, #tpu.memory_space<hbm>>
    tpu.enqueue_indirect_dma source(%dma_start3A_53 : memref<1000000x64xf32, #tpu.memory_space<hbm>>) target(%dma_start3A_47 : memref<80x64xf32, #tpu.memory_space<vmem>>) offsets(%dma_start3A_50 : memref<80xi32, #tpu.memory_space<vmem>>) semaphore(%arg8 : memref<!tpu.dma_semaphore, #tpu.memory_space<semaphore_mem>>)
    %dma_start3A_54 = arith.constant 0 : i32
    %dma_start3A_55 = arith.constant 0 : i32
    %dma_start3A_56 = arith.constant 240 : i32
    %dma_start3A_57 = arith.constant 0 : i32
    %dma_start3A_58 = tpu.memref_slice %arg6[%dma_start3A_55, %dma_start3A_56, %dma_start3A_57] : memref<2x800x64xf32, #tpu.memory_space<vmem>> -> memref<1x80x64xf32, #tpu.memory_space<vmem>>
    %dma_start3A_59 = tpu.memref_squeeze %dma_start3A_58 : memref<1x80x64xf32, #tpu.memory_space<vmem>> -> memref<80x64xf32, #tpu.memory_space<vmem>>
    %dma_start3A_60 = arith.constant 240 : i32
    %dma_start3A_61 = tpu.memref_slice %arg5[%dma_start3A_54, %dma_start3A_60] : memref<2x800xi32, #tpu.memory_space<vmem>> -> memref<1x80xi32, #tpu.memory_space<vmem>>
    %dma_start3A_62 = tpu.memref_squeeze %dma_start3A_61 : memref<1x80xi32, #tpu.memory_space<vmem>> -> memref<80xi32, #tpu.memory_space<vmem>>
    %dma_start3A_63 = arith.constant 0 : i32
    %dma_start3A_64 = arith.constant 0 : i32
    %dma_start3A_65 = tpu.memref_slice %arg2[%dma_start3A_63, %dma_start3A_64] : memref<1000000x64xf32, #tpu.memory_space<hbm>> -> memref<1000000x64xf32, #tpu.memory_space<hbm>>
    tpu.enqueue_indirect_dma source(%dma_start3A_65 : memref<1000000x64xf32, #tpu.memory_space<hbm>>) target(%dma_start3A_59 : memref<80x64xf32, #tpu.memory_space<vmem>>) offsets(%dma_start3A_62 : memref<80xi32, #tpu.memory_space<vmem>>) semaphore(%arg8 : memref<!tpu.dma_semaphore, #tpu.memory_space<semaphore_mem>>)
    %dma_start3A_66 = arith.constant 0 : i32
    %dma_start3A_67 = arith.constant 0 : i32
    %dma_start3A_68 = arith.constant 320 : i32
    %dma_start3A_69 = arith.constant 0 : i32
    %dma_start3A_70 = tpu.memref_slice %arg6[%dma_start3A_67, %dma_start3A_68, %dma_start3A_69] : memref<2x800x64xf32, #tpu.memory_space<vmem>> -> memref<1x80x64xf32, #tpu.memory_space<vmem>>
    %dma_start3A_71 = tpu.memref_squeeze %dma_start3A_70 : memref<1x80x64xf32, #tpu.memory_space<vmem>> -> memref<80x64xf32, #tpu.memory_space<vmem>>
    %dma_start3A_72 = arith.constant 320 : i32
    %dma_start3A_73 = tpu.memref_slice %arg5[%dma_start3A_66, %dma_start3A_72] : memref<2x800xi32, #tpu.memory_space<vmem>> -> memref<1x80xi32, #tpu.memory_space<vmem>>
    %dma_start3A_74 = tpu.memref_squeeze %dma_start3A_73 : memref<1x80xi32, #tpu.memory_space<vmem>> -> memref<80xi32, #tpu.memory_space<vmem>>
    %dma_start3A_75 = arith.constant 0 : i32
    %dma_start3A_76 = arith.constant 0 : i32
    %dma_start3A_77 = tpu.memref_slice %arg2[%dma_start3A_75, %dma_start3A_76] : memref<1000000x64xf32, #tpu.memory_space<hbm>> -> memref<1000000x64xf32, #tpu.memory_space<hbm>>
    tpu.enqueue_indirect_dma source(%dma_start3A_77 : memref<1000000x64xf32, #tpu.memory_space<hbm>>) target(%dma_start3A_71 : memref<80x64xf32, #tpu.memory_space<vmem>>) offsets(%dma_start3A_74 : memref<80xi32, #tpu.memory_space<vmem>>) semaphore(%arg8 : memref<!tpu.dma_semaphore, #tpu.memory_space<semaphore_mem>>)
    %dma_start3A_78 = arith.constant 0 : i32
    %dma_start3A_79 = arith.constant 0 : i32
    %dma_start3A_80 = arith.constant 400 : i32
    %dma_start3A_81 = arith.constant 0 : i32
    %dma_start3A_82 = tpu.memref_slice %arg6[%dma_start3A_79, %dma_start3A_80, %dma_start3A_81] : memref<2x800x64xf32, #tpu.memory_space<vmem>> -> memref<1x80x64xf32, #tpu.memory_space<vmem>>
    %dma_start3A_83 = tpu.memref_squeeze %dma_start3A_82 : memref<1x80x64xf32, #tpu.memory_space<vmem>> -> memref<80x64xf32, #tpu.memory_space<vmem>>
    %dma_start3A_84 = arith.constant 400 : i32
    %dma_start3A_85 = tpu.memref_slice %arg5[%dma_start3A_78, %dma_start3A_84] : memref<2x800xi32, #tpu.memory_space<vmem>> -> memref<1x80xi32, #tpu.memory_space<vmem>>
    %dma_start3A_86 = tpu.memref_squeeze %dma_start3A_85 : memref<1x80xi32, #tpu.memory_space<vmem>> -> memref<80xi32, #tpu.memory_space<vmem>>
    %dma_start3A_87 = arith.constant 0 : i32
    %dma_start3A_88 = arith.constant 0 : i32
    %dma_start3A_89 = tpu.memref_slice %arg2[%dma_start3A_87, %dma_start3A_88] : memref<1000000x64xf32, #tpu.memory_space<hbm>> -> memref<1000000x64xf32, #tpu.memory_space<hbm>>
    tpu.enqueue_indirect_dma source(%dma_start3A_89 : memref<1000000x64xf32, #tpu.memory_space<hbm>>) target(%dma_start3A_83 : memref<80x64xf32, #tpu.memory_space<vmem>>) offsets(%dma_start3A_86 : memref<80xi32, #tpu.memory_space<vmem>>) semaphore(%arg8 : memref<!tpu.dma_semaphore, #tpu.memory_space<semaphore_mem>>)
    %dma_start3A_90 = arith.constant 0 : i32
    %dma_start3A_91 = arith.constant 0 : i32
    %dma_start3A_92 = arith.constant 480 : i32
    %dma_start3A_93 = arith.constant 0 : i32
    %dma_start3A_94 = tpu.memref_slice %arg6[%dma_start3A_91, %dma_start3A_92, %dma_start3A_93] : memref<2x800x64xf32, #tpu.memory_space<vmem>> -> memref<1x80x64xf32, #tpu.memory_space<vmem>>
    %dma_start3A_95 = tpu.memref_squeeze %dma_start3A_94 : memref<1x80x64xf32, #tpu.memory_space<vmem>> -> memref<80x64xf32, #tpu.memory_space<vmem>>
    %dma_start3A_96 = arith.constant 480 : i32
    %dma_start3A_97 = tpu.memref_slice %arg5[%dma_start3A_90, %dma_start3A_96] : memref<2x800xi32, #tpu.memory_space<vmem>> -> memref<1x80xi32, #tpu.memory_space<vmem>>
    %dma_start3A_98 = tpu.memref_squeeze %dma_start3A_97 : memref<1x80xi32, #tpu.memory_space<vmem>> -> memref<80xi32, #tpu.memory_space<vmem>>
    %dma_start3A_99 = arith.constant 0 : i32
    %dma_start3A_100 = arith.constant 0 : i32
    %dma_start3A_101 = tpu.memref_slice %arg2[%dma_start3A_99, %dma_start3A_100] : memref<1000000x64xf32, #tpu.memory_space<hbm>> -> memref<1000000x64xf32, #tpu.memory_space<hbm>>
    tpu.enqueue_indirect_dma source(%dma_start3A_101 : memref<1000000x64xf32, #tpu.memory_space<hbm>>) target(%dma_start3A_95 : memref<80x64xf32, #tpu.memory_space<vmem>>) offsets(%dma_start3A_98 : memref<80xi32, #tpu.memory_space<vmem>>) semaphore(%arg8 : memref<!tpu.dma_semaphore, #tpu.memory_space<semaphore_mem>>)
    %dma_start3A_102 = arith.constant 0 : i32
    %dma_start3A_103 = arith.constant 0 : i32
    %dma_start3A_104 = arith.constant 560 : i32
    %dma_start3A_105 = arith.constant 0 : i32
    %dma_start3A_106 = tpu.memref_slice %arg6[%dma_start3A_103, %dma_start3A_104, %dma_start3A_105] : memref<2x800x64xf32, #tpu.memory_space<vmem>> -> memref<1x80x64xf32, #tpu.memory_space<vmem>>
    %dma_start3A_107 = tpu.memref_squeeze %dma_start3A_106 : memref<1x80x64xf32, #tpu.memory_space<vmem>> -> memref<80x64xf32, #tpu.memory_space<vmem>>
    %dma_start3A_108 = arith.constant 560 : i32
    %dma_start3A_109 = tpu.memref_slice %arg5[%dma_start3A_102, %dma_start3A_108] : memref<2x800xi32, #tpu.memory_space<vmem>> -> memref<1x80xi32, #tpu.memory_space<vmem>>
    %dma_start3A_110 = tpu.memref_squeeze %dma_start3A_109 : memref<1x80xi32, #tpu.memory_space<vmem>> -> memref<80xi32, #tpu.memory_space<vmem>>
    %dma_start3A_111 = arith.constant 0 : i32
    %dma_start3A_112 = arith.constant 0 : i32
    %dma_start3A_113 = tpu.memref_slice %arg2[%dma_start3A_111, %dma_start3A_112] : memref<1000000x64xf32, #tpu.memory_space<hbm>> -> memref<1000000x64xf32, #tpu.memory_space<hbm>>
    tpu.enqueue_indirect_dma source(%dma_start3A_113 : memref<1000000x64xf32, #tpu.memory_space<hbm>>) target(%dma_start3A_107 : memref<80x64xf32, #tpu.memory_space<vmem>>) offsets(%dma_start3A_110 : memref<80xi32, #tpu.memory_space<vmem>>) semaphore(%arg8 : memref<!tpu.dma_semaphore, #tpu.memory_space<semaphore_mem>>)
    %dma_start3A_114 = arith.constant 0 : i32
    %dma_start3A_115 = arith.constant 0 : i32
    %dma_start3A_116 = arith.constant 640 : i32
    %dma_start3A_117 = arith.constant 0 : i32
    %dma_start3A_118 = tpu.memref_slice %arg6[%dma_start3A_115, %dma_start3A_116, %dma_start3A_117] : memref<2x800x64xf32, #tpu.memory_space<vmem>> -> memref<1x80x64xf32, #tpu.memory_space<vmem>>
    %dma_start3A_119 = tpu.memref_squeeze %dma_start3A_118 : memref<1x80x64xf32, #tpu.memory_space<vmem>> -> memref<80x64xf32, #tpu.memory_space<vmem>>
    %dma_start3A_120 = arith.constant 640 : i32
    %dma_start3A_121 = tpu.memref_slice %arg5[%dma_start3A_114, %dma_start3A_120] : memref<2x800xi32, #tpu.memory_space<vmem>> -> memref<1x80xi32, #tpu.memory_space<vmem>>
    %dma_start3A_122 = tpu.memref_squeeze %dma_start3A_121 : memref<1x80xi32, #tpu.memory_space<vmem>> -> memref<80xi32, #tpu.memory_space<vmem>>
    %dma_start3A_123 = arith.constant 0 : i32
    %dma_start3A_124 = arith.constant 0 : i32
    %dma_start3A_125 = tpu.memref_slice %arg2[%dma_start3A_123, %dma_start3A_124] : memref<1000000x64xf32, #tpu.memory_space<hbm>> -> memref<1000000x64xf32, #tpu.memory_space<hbm>>
    tpu.enqueue_indirect_dma source(%dma_start3A_125 : memref<1000000x64xf32, #tpu.memory_space<hbm>>) target(%dma_start3A_119 : memref<80x64xf32, #tpu.memory_space<vmem>>) offsets(%dma_start3A_122 : memref<80xi32, #tpu.memory_space<vmem>>) semaphore(%arg8 : memref<!tpu.dma_semaphore, #tpu.memory_space<semaphore_mem>>)
    %dma_start3A_126 = arith.constant 0 : i32
    %dma_start3A_127 = arith.constant 0 : i32
    %dma_start3A_128 = arith.constant 720 : i32
    %dma_start3A_129 = arith.constant 0 : i32
    %dma_start3A_130 = tpu.memref_slice %arg6[%dma_start3A_127, %dma_start3A_128, %dma_start3A_129] : memref<2x800x64xf32, #tpu.memory_space<vmem>> -> memref<1x80x64xf32, #tpu.memory_space<vmem>>
    %dma_start3A_131 = tpu.memref_squeeze %dma_start3A_130 : memref<1x80x64xf32, #tpu.memory_space<vmem>> -> memref<80x64xf32, #tpu.memory_space<vmem>>
    %dma_start3A_132 = arith.constant 720 : i32
    %dma_start3A_133 = tpu.memref_slice %arg5[%dma_start3A_126, %dma_start3A_132] : memref<2x800xi32, #tpu.memory_space<vmem>> -> memref<1x80xi32, #tpu.memory_space<vmem>>
    %dma_start3A_134 = tpu.memref_squeeze %dma_start3A_133 : memref<1x80xi32, #tpu.memory_space<vmem>> -> memref<80xi32, #tpu.memory_space<vmem>>
    %dma_start3A_135 = arith.constant 0 : i32
    %dma_start3A_136 = arith.constant 0 : i32
    %dma_start3A_137 = tpu.memref_slice %arg2[%dma_start3A_135, %dma_start3A_136] : memref<1000000x64xf32, #tpu.memory_space<hbm>> -> memref<1000000x64xf32, #tpu.memory_space<hbm>>
    tpu.enqueue_indirect_dma source(%dma_start3A_137 : memref<1000000x64xf32, #tpu.memory_space<hbm>>) target(%dma_start3A_131 : memref<80x64xf32, #tpu.memory_space<vmem>>) offsets(%dma_start3A_134 : memref<80xi32, #tpu.memory_space<vmem>>) semaphore(%arg8 : memref<!tpu.dma_semaphore, #tpu.memory_space<semaphore_mem>>)
    %scan3A_138 = arith.constant 0 : i32
    %scan3A_139 = arith.constant 0 : i32
    %scan3A_140 = arith.constant 16 : i32
    %scan3A_141 = arith.addi %scan3A_139, %scan3A_140 : i32
    %scan3A_142 = arith.constant 1 : i32
    scf.for %scan3A_169 = %scan3A_139 to %scan3A_141 step %scan3A_142  : i32 {
      %mul3A_170 = arith.constant 2 : i32
      %mul3A_171 = arith.muli %mul3A_170, %scan3A_169 : i32
      %mul3A_172 = arith.constant 2 : i32
      %mul3A_173 = arith.muli %mul3A_172, %scan3A_169 : i32
      %add3A_174 = arith.constant 1 : i32
      %add3A_175 = arith.addi %mul3A_173, %add3A_174 : i32
      %mul3A_176 = arith.constant 800 : i32
      %mul3A_177 = arith.muli %add3A_175, %mul3A_176 : i32
      %add3A_178 = arith.addi %mul3A_2, %mul3A_177 : i32
      %run_scoped3A_179 = arith.constant 1 : i32
      "tpu.region"() ({
        %run_scoped3A_597 = tpu.sem_alloc : memref<!tpu.dma_semaphore, #tpu.memory_space<semaphore_mem>>
        %dma_start3A_598 = arith.constant 0 : i32
        %dma_start3A_599 = tpu.memref_slice %arg5[%run_scoped3A_179, %dma_start3A_598] : memref<2x800xi32, #tpu.memory_space<vmem>> -> memref<1x800xi32, #tpu.memory_space<vmem>>
        %dma_start3A_600 = tpu.memref_squeeze %dma_start3A_599 : memref<1x800xi32, #tpu.memory_space<vmem>> -> memref<800xi32, #tpu.memory_space<vmem>>
        %dma_start3A_601 = tpu.memref_slice %arg3[%add3A_178] : memref<819200xi32, #tpu.memory_space<hbm>> -> memref<800xi32, #tpu.memory_space<hbm>>
        %dma_start3A_602 = arith.constant 0 : i32
        %dma_start3A_603 = tpu.memref_slice %arg5[%run_scoped3A_179, %dma_start3A_602] : memref<2x800xi32, #tpu.memory_space<vmem>> -> memref<1x800xi32, #tpu.memory_space<vmem>>
        %dma_start3A_604 = tpu.memref_squeeze %dma_start3A_603 : memref<1x800xi32, #tpu.memory_space<vmem>> -> memref<800xi32, #tpu.memory_space<vmem>>
        %dma_start3A_605 = tpu.memref_slice %arg3[%add3A_178] : memref<819200xi32, #tpu.memory_space<hbm>> -> memref<800xi32, #tpu.memory_space<hbm>>
        tpu.enqueue_dma source(%dma_start3A_605 : memref<800xi32, #tpu.memory_space<hbm>>) target(%dma_start3A_604 : memref<800xi32, #tpu.memory_space<vmem>>) target_semaphore(%run_scoped3A_597 : memref<!tpu.dma_semaphore, #tpu.memory_space<semaphore_mem>>)
        %dma_wait3A_606 = arith.constant 0 : i32
        %dma_wait3A_607 = tpu.memref_slice %arg5[%run_scoped3A_179, %dma_wait3A_606] : memref<2x800xi32, #tpu.memory_space<vmem>> -> memref<1x800xi32, #tpu.memory_space<vmem>>
        %dma_wait3A_608 = tpu.memref_squeeze %dma_wait3A_607 : memref<1x800xi32, #tpu.memory_space<vmem>> -> memref<800xi32, #tpu.memory_space<vmem>>
        %dma_wait3A_609 = tpu.memref_slice %arg3[%add3A_178] : memref<819200xi32, #tpu.memory_space<hbm>> -> memref<800xi32, #tpu.memory_space<hbm>>
        %dma_wait3A_610 = arith.constant 0 : i32
        %dma_wait3A_611 = tpu.memref_slice %arg5[%run_scoped3A_179, %dma_wait3A_610] : memref<2x800xi32, #tpu.memory_space<vmem>> -> memref<1x800xi32, #tpu.memory_space<vmem>>
        %dma_wait3A_612 = tpu.memref_squeeze %dma_wait3A_611 : memref<1x800xi32, #tpu.memory_space<vmem>> -> memref<800xi32, #tpu.memory_space<vmem>>
        %dma_wait3A_613 = tpu.memref_slice %arg3[%add3A_178] : memref<819200xi32, #tpu.memory_space<hbm>> -> memref<800xi32, #tpu.memory_space<hbm>>
        tpu.wait_dma2 semaphore(%run_scoped3A_597 : memref<!tpu.dma_semaphore, #tpu.memory_space<semaphore_mem>>) src(%dma_wait3A_613 : memref<800xi32, #tpu.memory_space<hbm>>) dst(%dma_wait3A_612 : memref<800xi32, #tpu.memory_space<vmem>>)
        tpu.yield
      }) : () -> ()
      %dma_start3A_180 = arith.constant 1 : i32
      %dma_start3A_181 = arith.constant 1 : i32
      %dma_start3A_182 = arith.constant 0 : i32
      %dma_start3A_183 = arith.constant 0 : i32
      %dma_start3A_184 = tpu.memref_slice %arg6[%dma_start3A_181, %dma_start3A_182, %dma_start3A_183] : memref<2x800x64xf32, #tpu.memory_space<vmem>> -> memref<1x80x64xf32, #tpu.memory_space<vmem>>
      %dma_start3A_185 = tpu.memref_squeeze %dma_start3A_184 : memref<1x80x64xf32, #tpu.memory_space<vmem>> -> memref<80x64xf32, #tpu.memory_space<vmem>>
      %dma_start3A_186 = arith.constant 0 : i32
      %dma_start3A_187 = tpu.memref_slice %arg5[%dma_start3A_180, %dma_start3A_186] : memref<2x800xi32, #tpu.memory_space<vmem>> -> memref<1x80xi32, #tpu.memory_space<vmem>>
      %dma_start3A_188 = tpu.memref_squeeze %dma_start3A_187 : memref<1x80xi32, #tpu.memory_space<vmem>> -> memref<80xi32, #tpu.memory_space<vmem>>
      %dma_start3A_189 = arith.constant 0 : i32
      %dma_start3A_190 = arith.constant 0 : i32
      %dma_start3A_191 = tpu.memref_slice %arg2[%dma_start3A_189, %dma_start3A_190] : memref<1000000x64xf32, #tpu.memory_space<hbm>> -> memref<1000000x64xf32, #tpu.memory_space<hbm>>
      tpu.enqueue_indirect_dma source(%dma_start3A_191 : memref<1000000x64xf32, #tpu.memory_space<hbm>>) target(%dma_start3A_185 : memref<80x64xf32, #tpu.memory_space<vmem>>) offsets(%dma_start3A_188 : memref<80xi32, #tpu.memory_space<vmem>>) semaphore(%arg9 : memref<!tpu.dma_semaphore, #tpu.memory_space<semaphore_mem>>)
      %dma_start3A_192 = arith.constant 1 : i32
      %dma_start3A_193 = arith.constant 1 : i32
      %dma_start3A_194 = arith.constant 80 : i32
      %dma_start3A_195 = arith.constant 0 : i32
      %dma_start3A_196 = tpu.memref_slice %arg6[%dma_start3A_193, %dma_start3A_194, %dma_start3A_195] : memref<2x800x64xf32, #tpu.memory_space<vmem>> -> memref<1x80x64xf32, #tpu.memory_space<vmem>>
      %dma_start3A_197 = tpu.memref_squeeze %dma_start3A_196 : memref<1x80x64xf32, #tpu.memory_space<vmem>> -> memref<80x64xf32, #tpu.memory_space<vmem>>
      %dma_start3A_198 = arith.constant 80 : i32
      %dma_start3A_199 = tpu.memref_slice %arg5[%dma_start3A_192, %dma_start3A_198] : memref<2x800xi32, #tpu.memory_space<vmem>> -> memref<1x80xi32, #tpu.memory_space<vmem>>
      %dma_start3A_200 = tpu.memref_squeeze %dma_start3A_199 : memref<1x80xi32, #tpu.memory_space<vmem>> -> memref<80xi32, #tpu.memory_space<vmem>>
      %dma_start3A_201 = arith.constant 0 : i32
      %dma_start3A_202 = arith.constant 0 : i32
      %dma_start3A_203 = tpu.memref_slice %arg2[%dma_start3A_201, %dma_start3A_202] : memref<1000000x64xf32, #tpu.memory_space<hbm>> -> memref<1000000x64xf32, #tpu.memory_space<hbm>>
      tpu.enqueue_indirect_dma source(%dma_start3A_203 : memref<1000000x64xf32, #tpu.memory_space<hbm>>) target(%dma_start3A_197 : memref<80x64xf32, #tpu.memory_space<vmem>>) offsets(%dma_start3A_200 : memref<80xi32, #tpu.memory_space<vmem>>) semaphore(%arg9 : memref<!tpu.dma_semaphore, #tpu.memory_space<semaphore_mem>>)
      %dma_start3A_204 = arith.constant 1 : i32
      %dma_start3A_205 = arith.constant 1 : i32
      %dma_start3A_206 = arith.constant 160 : i32
      %dma_start3A_207 = arith.constant 0 : i32
      %dma_start3A_208 = tpu.memref_slice %arg6[%dma_start3A_205, %dma_start3A_206, %dma_start3A_207] : memref<2x800x64xf32, #tpu.memory_space<vmem>> -> memref<1x80x64xf32, #tpu.memory_space<vmem>>
      %dma_start3A_209 = tpu.memref_squeeze %dma_start3A_208 : memref<1x80x64xf32, #tpu.memory_space<vmem>> -> memref<80x64xf32, #tpu.memory_space<vmem>>
      %dma_start3A_210 = arith.constant 160 : i32
      %dma_start3A_211 = tpu.memref_slice %arg5[%dma_start3A_204, %dma_start3A_210] : memref<2x800xi32, #tpu.memory_space<vmem>> -> memref<1x80xi32, #tpu.memory_space<vmem>>
      %dma_start3A_212 = tpu.memref_squeeze %dma_start3A_211 : memref<1x80xi32, #tpu.memory_space<vmem>> -> memref<80xi32, #tpu.memory_space<vmem>>
      %dma_start3A_213 = arith.constant 0 : i32
      %dma_start3A_214 = arith.constant 0 : i32
      %dma_start3A_215 = tpu.memref_slice %arg2[%dma_start3A_213, %dma_start3A_214] : memref<1000000x64xf32, #tpu.memory_space<hbm>> -> memref<1000000x64xf32, #tpu.memory_space<hbm>>
      tpu.enqueue_indirect_dma source(%dma_start3A_215 : memref<1000000x64xf32, #tpu.memory_space<hbm>>) target(%dma_start3A_209 : memref<80x64xf32, #tpu.memory_space<vmem>>) offsets(%dma_start3A_212 : memref<80xi32, #tpu.memory_space<vmem>>) semaphore(%arg9 : memref<!tpu.dma_semaphore, #tpu.memory_space<semaphore_mem>>)
      %dma_start3A_216 = arith.constant 1 : i32
      %dma_start3A_217 = arith.constant 1 : i32
      %dma_start3A_218 = arith.constant 240 : i32
      %dma_start3A_219 = arith.constant 0 : i32
      %dma_start3A_220 = tpu.memref_slice %arg6[%dma_start3A_217, %dma_start3A_218, %dma_start3A_219] : memref<2x800x64xf32, #tpu.memory_space<vmem>> -> memref<1x80x64xf32, #tpu.memory_space<vmem>>
      %dma_start3A_221 = tpu.memref_squeeze %dma_start3A_220 : memref<1x80x64xf32, #tpu.memory_space<vmem>> -> memref<80x64xf32, #tpu.memory_space<vmem>>
      %dma_start3A_222 = arith.constant 240 : i32
      %dma_start3A_223 = tpu.memref_slice %arg5[%dma_start3A_216, %dma_start3A_222] : memref<2x800xi32, #tpu.memory_space<vmem>> -> memref<1x80xi32, #tpu.memory_space<vmem>>
      %dma_start3A_224 = tpu.memref_squeeze %dma_start3A_223 : memref<1x80xi32, #tpu.memory_space<vmem>> -> memref<80xi32, #tpu.memory_space<vmem>>
      %dma_start3A_225 = arith.constant 0 : i32
      %dma_start3A_226 = arith.constant 0 : i32
      %dma_start3A_227 = tpu.memref_slice %arg2[%dma_start3A_225, %dma_start3A_226] : memref<1000000x64xf32, #tpu.memory_space<hbm>> -> memref<1000000x64xf32, #tpu.memory_space<hbm>>
      tpu.enqueue_indirect_dma source(%dma_start3A_227 : memref<1000000x64xf32, #tpu.memory_space<hbm>>) target(%dma_start3A_221 : memref<80x64xf32, #tpu.memory_space<vmem>>) offsets(%dma_start3A_224 : memref<80xi32, #tpu.memory_space<vmem>>) semaphore(%arg9 : memref<!tpu.dma_semaphore, #tpu.memory_space<semaphore_mem>>)
      %dma_start3A_228 = arith.constant 1 : i32
      %dma_start3A_229 = arith.constant 1 : i32
      %dma_start3A_230 = arith.constant 320 : i32
      %dma_start3A_231 = arith.constant 0 : i32
      %dma_start3A_232 = tpu.memref_slice %arg6[%dma_start3A_229, %dma_start3A_230, %dma_start3A_231] : memref<2x800x64xf32, #tpu.memory_space<vmem>> -> memref<1x80x64xf32, #tpu.memory_space<vmem>>
      %dma_start3A_233 = tpu.memref_squeeze %dma_start3A_232 : memref<1x80x64xf32, #tpu.memory_space<vmem>> -> memref<80x64xf32, #tpu.memory_space<vmem>>
      %dma_start3A_234 = arith.constant 320 : i32
      %dma_start3A_235 = tpu.memref_slice %arg5[%dma_start3A_228, %dma_start3A_234] : memref<2x800xi32, #tpu.memory_space<vmem>> -> memref<1x80xi32, #tpu.memory_space<vmem>>
      %dma_start3A_236 = tpu.memref_squeeze %dma_start3A_235 : memref<1x80xi32, #tpu.memory_space<vmem>> -> memref<80xi32, #tpu.memory_space<vmem>>
      %dma_start3A_237 = arith.constant 0 : i32
      %dma_start3A_238 = arith.constant 0 : i32
      %dma_start3A_239 = tpu.memref_slice %arg2[%dma_start3A_237, %dma_start3A_238] : memref<1000000x64xf32, #tpu.memory_space<hbm>> -> memref<1000000x64xf32, #tpu.memory_space<hbm>>
      tpu.enqueue_indirect_dma source(%dma_start3A_239 : memref<1000000x64xf32, #tpu.memory_space<hbm>>) target(%dma_start3A_233 : memref<80x64xf32, #tpu.memory_space<vmem>>) offsets(%dma_start3A_236 : memref<80xi32, #tpu.memory_space<vmem>>) semaphore(%arg9 : memref<!tpu.dma_semaphore, #tpu.memory_space<semaphore_mem>>)
      %dma_start3A_240 = arith.constant 1 : i32
      %dma_start3A_241 = arith.constant 1 : i32
      %dma_start3A_242 = arith.constant 400 : i32
      %dma_start3A_243 = arith.constant 0 : i32
      %dma_start3A_244 = tpu.memref_slice %arg6[%dma_start3A_241, %dma_start3A_242, %dma_start3A_243] : memref<2x800x64xf32, #tpu.memory_space<vmem>> -> memref<1x80x64xf32, #tpu.memory_space<vmem>>
      %dma_start3A_245 = tpu.memref_squeeze %dma_start3A_244 : memref<1x80x64xf32, #tpu.memory_space<vmem>> -> memref<80x64xf32, #tpu.memory_space<vmem>>
      %dma_start3A_246 = arith.constant 400 : i32
      %dma_start3A_247 = tpu.memref_slice %arg5[%dma_start3A_240, %dma_start3A_246] : memref<2x800xi32, #tpu.memory_space<vmem>> -> memref<1x80xi32, #tpu.memory_space<vmem>>
      %dma_start3A_248 = tpu.memref_squeeze %dma_start3A_247 : memref<1x80xi32, #tpu.memory_space<vmem>> -> memref<80xi32, #tpu.memory_space<vmem>>
      %dma_start3A_249 = arith.constant 0 : i32
      %dma_start3A_250 = arith.constant 0 : i32
      %dma_start3A_251 = tpu.memref_slice %arg2[%dma_start3A_249, %dma_start3A_250] : memref<1000000x64xf32, #tpu.memory_space<hbm>> -> memref<1000000x64xf32, #tpu.memory_space<hbm>>
      tpu.enqueue_indirect_dma source(%dma_start3A_251 : memref<1000000x64xf32, #tpu.memory_space<hbm>>) target(%dma_start3A_245 : memref<80x64xf32, #tpu.memory_space<vmem>>) offsets(%dma_start3A_248 : memref<80xi32, #tpu.memory_space<vmem>>) semaphore(%arg9 : memref<!tpu.dma_semaphore, #tpu.memory_space<semaphore_mem>>)
      %dma_start3A_252 = arith.constant 1 : i32
      %dma_start3A_253 = arith.constant 1 : i32
      %dma_start3A_254 = arith.constant 480 : i32
      %dma_start3A_255 = arith.constant 0 : i32
      %dma_start3A_256 = tpu.memref_slice %arg6[%dma_start3A_253, %dma_start3A_254, %dma_start3A_255] : memref<2x800x64xf32, #tpu.memory_space<vmem>> -> memref<1x80x64xf32, #tpu.memory_space<vmem>>
      %dma_start3A_257 = tpu.memref_squeeze %dma_start3A_256 : memref<1x80x64xf32, #tpu.memory_space<vmem>> -> memref<80x64xf32, #tpu.memory_space<vmem>>
      %dma_start3A_258 = arith.constant 480 : i32
      %dma_start3A_259 = tpu.memref_slice %arg5[%dma_start3A_252, %dma_start3A_258] : memref<2x800xi32, #tpu.memory_space<vmem>> -> memref<1x80xi32, #tpu.memory_space<vmem>>
      %dma_start3A_260 = tpu.memref_squeeze %dma_start3A_259 : memref<1x80xi32, #tpu.memory_space<vmem>> -> memref<80xi32, #tpu.memory_space<vmem>>
      %dma_start3A_261 = arith.constant 0 : i32
      %dma_start3A_262 = arith.constant 0 : i32
      %dma_start3A_263 = tpu.memref_slice %arg2[%dma_start3A_261, %dma_start3A_262] : memref<1000000x64xf32, #tpu.memory_space<hbm>> -> memref<1000000x64xf32, #tpu.memory_space<hbm>>
      tpu.enqueue_indirect_dma source(%dma_start3A_263 : memref<1000000x64xf32, #tpu.memory_space<hbm>>) target(%dma_start3A_257 : memref<80x64xf32, #tpu.memory_space<vmem>>) offsets(%dma_start3A_260 : memref<80xi32, #tpu.memory_space<vmem>>) semaphore(%arg9 : memref<!tpu.dma_semaphore, #tpu.memory_space<semaphore_mem>>)
      %dma_start3A_264 = arith.constant 1 : i32
      %dma_start3A_265 = arith.constant 1 : i32
      %dma_start3A_266 = arith.constant 560 : i32
      %dma_start3A_267 = arith.constant 0 : i32
      %dma_start3A_268 = tpu.memref_slice %arg6[%dma_start3A_265, %dma_start3A_266, %dma_start3A_267] : memref<2x800x64xf32, #tpu.memory_space<vmem>> -> memref<1x80x64xf32, #tpu.memory_space<vmem>>
      %dma_start3A_269 = tpu.memref_squeeze %dma_start3A_268 : memref<1x80x64xf32, #tpu.memory_space<vmem>> -> memref<80x64xf32, #tpu.memory_space<vmem>>
      %dma_start3A_270 = arith.constant 560 : i32
      %dma_start3A_271 = tpu.memref_slice %arg5[%dma_start3A_264, %dma_start3A_270] : memref<2x800xi32, #tpu.memory_space<vmem>> -> memref<1x80xi32, #tpu.memory_space<vmem>>
      %dma_start3A_272 = tpu.memref_squeeze %dma_start3A_271 : memref<1x80xi32, #tpu.memory_space<vmem>> -> memref<80xi32, #tpu.memory_space<vmem>>
      %dma_start3A_273 = arith.constant 0 : i32
      %dma_start3A_274 = arith.constant 0 : i32
      %dma_start3A_275 = tpu.memref_slice %arg2[%dma_start3A_273, %dma_start3A_274] : memref<1000000x64xf32, #tpu.memory_space<hbm>> -> memref<1000000x64xf32, #tpu.memory_space<hbm>>
      tpu.enqueue_indirect_dma source(%dma_start3A_275 : memref<1000000x64xf32, #tpu.memory_space<hbm>>) target(%dma_start3A_269 : memref<80x64xf32, #tpu.memory_space<vmem>>) offsets(%dma_start3A_272 : memref<80xi32, #tpu.memory_space<vmem>>) semaphore(%arg9 : memref<!tpu.dma_semaphore, #tpu.memory_space<semaphore_mem>>)
      %dma_start3A_276 = arith.constant 1 : i32
      %dma_start3A_277 = arith.constant 1 : i32
      %dma_start3A_278 = arith.constant 640 : i32
      %dma_start3A_279 = arith.constant 0 : i32
      %dma_start3A_280 = tpu.memref_slice %arg6[%dma_start3A_277, %dma_start3A_278, %dma_start3A_279] : memref<2x800x64xf32, #tpu.memory_space<vmem>> -> memref<1x80x64xf32, #tpu.memory_space<vmem>>
      %dma_start3A_281 = tpu.memref_squeeze %dma_start3A_280 : memref<1x80x64xf32, #tpu.memory_space<vmem>> -> memref<80x64xf32, #tpu.memory_space<vmem>>
      %dma_start3A_282 = arith.constant 640 : i32
      %dma_start3A_283 = tpu.memref_slice %arg5[%dma_start3A_276, %dma_start3A_282] : memref<2x800xi32, #tpu.memory_space<vmem>> -> memref<1x80xi32, #tpu.memory_space<vmem>>
      %dma_start3A_284 = tpu.memref_squeeze %dma_start3A_283 : memref<1x80xi32, #tpu.memory_space<vmem>> -> memref<80xi32, #tpu.memory_space<vmem>>
      %dma_start3A_285 = arith.constant 0 : i32
      %dma_start3A_286 = arith.constant 0 : i32
      %dma_start3A_287 = tpu.memref_slice %arg2[%dma_start3A_285, %dma_start3A_286] : memref<1000000x64xf32, #tpu.memory_space<hbm>> -> memref<1000000x64xf32, #tpu.memory_space<hbm>>
      tpu.enqueue_indirect_dma source(%dma_start3A_287 : memref<1000000x64xf32, #tpu.memory_space<hbm>>) target(%dma_start3A_281 : memref<80x64xf32, #tpu.memory_space<vmem>>) offsets(%dma_start3A_284 : memref<80xi32, #tpu.memory_space<vmem>>) semaphore(%arg9 : memref<!tpu.dma_semaphore, #tpu.memory_space<semaphore_mem>>)
      %dma_start3A_288 = arith.constant 1 : i32
      %dma_start3A_289 = arith.constant 1 : i32
      %dma_start3A_290 = arith.constant 720 : i32
      %dma_start3A_291 = arith.constant 0 : i32
      %dma_start3A_292 = tpu.memref_slice %arg6[%dma_start3A_289, %dma_start3A_290, %dma_start3A_291] : memref<2x800x64xf32, #tpu.memory_space<vmem>> -> memref<1x80x64xf32, #tpu.memory_space<vmem>>
      %dma_start3A_293 = tpu.memref_squeeze %dma_start3A_292 : memref<1x80x64xf32, #tpu.memory_space<vmem>> -> memref<80x64xf32, #tpu.memory_space<vmem>>
      %dma_start3A_294 = arith.constant 720 : i32
      %dma_start3A_295 = tpu.memref_slice %arg5[%dma_start3A_288, %dma_start3A_294] : memref<2x800xi32, #tpu.memory_space<vmem>> -> memref<1x80xi32, #tpu.memory_space<vmem>>
      %dma_start3A_296 = tpu.memref_squeeze %dma_start3A_295 : memref<1x80xi32, #tpu.memory_space<vmem>> -> memref<80xi32, #tpu.memory_space<vmem>>
      %dma_start3A_297 = arith.constant 0 : i32
      %dma_start3A_298 = arith.constant 0 : i32
      %dma_start3A_299 = tpu.memref_slice %arg2[%dma_start3A_297, %dma_start3A_298] : memref<1000000x64xf32, #tpu.memory_space<hbm>> -> memref<1000000x64xf32, #tpu.memory_space<hbm>>
      tpu.enqueue_indirect_dma source(%dma_start3A_299 : memref<1000000x64xf32, #tpu.memory_space<hbm>>) target(%dma_start3A_293 : memref<80x64xf32, #tpu.memory_space<vmem>>) offsets(%dma_start3A_296 : memref<80xi32, #tpu.memory_space<vmem>>) semaphore(%arg9 : memref<!tpu.dma_semaphore, #tpu.memory_space<semaphore_mem>>)
      %dma_wait3A_300 = arith.constant 0 : i32
      %dma_wait3A_301 = arith.constant 0 : i32
      %dma_wait3A_302 = arith.constant 0 : i32
      %dma_wait3A_303 = arith.constant 0 : i32
      %dma_wait3A_304 = tpu.memref_slice %arg6[%dma_wait3A_301, %dma_wait3A_302, %dma_wait3A_303] : memref<2x800x64xf32, #tpu.memory_space<vmem>> -> memref<1x80x64xf32, #tpu.memory_space<vmem>>
      %dma_wait3A_305 = tpu.memref_squeeze %dma_wait3A_304 : memref<1x80x64xf32, #tpu.memory_space<vmem>> -> memref<80x64xf32, #tpu.memory_space<vmem>>
      %dma_wait3A_306 = arith.constant 0 : i32
      %dma_wait3A_307 = tpu.memref_slice %arg5[%dma_wait3A_300, %dma_wait3A_306] : memref<2x800xi32, #tpu.memory_space<vmem>> -> memref<1x80xi32, #tpu.memory_space<vmem>>
      %dma_wait3A_308 = tpu.memref_squeeze %dma_wait3A_307 : memref<1x80xi32, #tpu.memory_space<vmem>> -> memref<80xi32, #tpu.memory_space<vmem>>
      %dma_wait3A_309 = arith.constant 0 : i32
      %dma_wait3A_310 = arith.constant 0 : i32
      %dma_wait3A_311 = tpu.memref_slice %arg2[%dma_wait3A_309, %dma_wait3A_310] : memref<1000000x64xf32, #tpu.memory_space<hbm>> -> memref<1000000x64xf32, #tpu.memory_space<hbm>>
      tpu.wait_indirect_dma semaphore(%arg8 : memref<!tpu.dma_semaphore, #tpu.memory_space<semaphore_mem>>) src(%dma_wait3A_311 : memref<1000000x64xf32, #tpu.memory_space<hbm>>) dst(%dma_wait3A_305 : memref<80x64xf32, #tpu.memory_space<vmem>>)
      %dma_wait3A_312 = arith.constant 0 : i32
      %dma_wait3A_313 = arith.constant 0 : i32
      %dma_wait3A_314 = arith.constant 80 : i32
      %dma_wait3A_315 = arith.constant 0 : i32
      %dma_wait3A_316 = tpu.memref_slice %arg6[%dma_wait3A_313, %dma_wait3A_314, %dma_wait3A_315] : memref<2x800x64xf32, #tpu.memory_space<vmem>> -> memref<1x80x64xf32, #tpu.memory_space<vmem>>
      %dma_wait3A_317 = tpu.memref_squeeze %dma_wait3A_316 : memref<1x80x64xf32, #tpu.memory_space<vmem>> -> memref<80x64xf32, #tpu.memory_space<vmem>>
      %dma_wait3A_318 = arith.constant 80 : i32
      %dma_wait3A_319 = tpu.memref_slice %arg5[%dma_wait3A_312, %dma_wait3A_318] : memref<2x800xi32, #tpu.memory_space<vmem>> -> memref<1x80xi32, #tpu.memory_space<vmem>>
      %dma_wait3A_320 = tpu.memref_squeeze %dma_wait3A_319 : memref<1x80xi32, #tpu.memory_space<vmem>> -> memref<80xi32, #tpu.memory_space<vmem>>
      %dma_wait3A_321 = arith.constant 0 : i32
      %dma_wait3A_322 = arith.constant 0 : i32
      %dma_wait3A_323 = tpu.memref_slice %arg2[%dma_wait3A_321, %dma_wait3A_322] : memref<1000000x64xf32, #tpu.memory_space<hbm>> -> memref<1000000x64xf32, #tpu.memory_space<hbm>>
      tpu.wait_indirect_dma semaphore(%arg8 : memref<!tpu.dma_semaphore, #tpu.memory_space<semaphore_mem>>) src(%dma_wait3A_323 : memref<1000000x64xf32, #tpu.memory_space<hbm>>) dst(%dma_wait3A_317 : memref<80x64xf32, #tpu.memory_space<vmem>>)
      %dma_wait3A_324 = arith.constant 0 : i32
      %dma_wait3A_325 = arith.constant 0 : i32
      %dma_wait3A_326 = arith.constant 160 : i32
      %dma_wait3A_327 = arith.constant 0 : i32
      %dma_wait3A_328 = tpu.memref_slice %arg6[%dma_wait3A_325, %dma_wait3A_326, %dma_wait3A_327] : memref<2x800x64xf32, #tpu.memory_space<vmem>> -> memref<1x80x64xf32, #tpu.memory_space<vmem>>
      %dma_wait3A_329 = tpu.memref_squeeze %dma_wait3A_328 : memref<1x80x64xf32, #tpu.memory_space<vmem>> -> memref<80x64xf32, #tpu.memory_space<vmem>>
      %dma_wait3A_330 = arith.constant 160 : i32
      %dma_wait3A_331 = tpu.memref_slice %arg5[%dma_wait3A_324, %dma_wait3A_330] : memref<2x800xi32, #tpu.memory_space<vmem>> -> memref<1x80xi32, #tpu.memory_space<vmem>>
      %dma_wait3A_332 = tpu.memref_squeeze %dma_wait3A_331 : memref<1x80xi32, #tpu.memory_space<vmem>> -> memref<80xi32, #tpu.memory_space<vmem>>
      %dma_wait3A_333 = arith.constant 0 : i32
      %dma_wait3A_334 = arith.constant 0 : i32
      %dma_wait3A_335 = tpu.memref_slice %arg2[%dma_wait3A_333, %dma_wait3A_334] : memref<1000000x64xf32, #tpu.memory_space<hbm>> -> memref<1000000x64xf32, #tpu.memory_space<hbm>>
      tpu.wait_indirect_dma semaphore(%arg8 : memref<!tpu.dma_semaphore, #tpu.memory_space<semaphore_mem>>) src(%dma_wait3A_335 : memref<1000000x64xf32, #tpu.memory_space<hbm>>) dst(%dma_wait3A_329 : memref<80x64xf32, #tpu.memory_space<vmem>>)
      %dma_wait3A_336 = arith.constant 0 : i32
      %dma_wait3A_337 = arith.constant 0 : i32
      %dma_wait3A_338 = arith.constant 240 : i32
      %dma_wait3A_339 = arith.constant 0 : i32
      %dma_wait3A_340 = tpu.memref_slice %arg6[%dma_wait3A_337, %dma_wait3A_338, %dma_wait3A_339] : memref<2x800x64xf32, #tpu.memory_space<vmem>> -> memref<1x80x64xf32, #tpu.memory_space<vmem>>
      %dma_wait3A_341 = tpu.memref_squeeze %dma_wait3A_340 : memref<1x80x64xf32, #tpu.memory_space<vmem>> -> memref<80x64xf32, #tpu.memory_space<vmem>>
      %dma_wait3A_342 = arith.constant 240 : i32
      %dma_wait3A_343 = tpu.memref_slice %arg5[%dma_wait3A_336, %dma_wait3A_342] : memref<2x800xi32, #tpu.memory_space<vmem>> -> memref<1x80xi32, #tpu.memory_space<vmem>>
      %dma_wait3A_344 = tpu.memref_squeeze %dma_wait3A_343 : memref<1x80xi32, #tpu.memory_space<vmem>> -> memref<80xi32, #tpu.memory_space<vmem>>
      %dma_wait3A_345 = arith.constant 0 : i32
      %dma_wait3A_346 = arith.constant 0 : i32
      %dma_wait3A_347 = tpu.memref_slice %arg2[%dma_wait3A_345, %dma_wait3A_346] : memref<1000000x64xf32, #tpu.memory_space<hbm>> -> memref<1000000x64xf32, #tpu.memory_space<hbm>>
      tpu.wait_indirect_dma semaphore(%arg8 : memref<!tpu.dma_semaphore, #tpu.memory_space<semaphore_mem>>) src(%dma_wait3A_347 : memref<1000000x64xf32, #tpu.memory_space<hbm>>) dst(%dma_wait3A_341 : memref<80x64xf32, #tpu.memory_space<vmem>>)
      %dma_wait3A_348 = arith.constant 0 : i32
      %dma_wait3A_349 = arith.constant 0 : i32
      %dma_wait3A_350 = arith.constant 320 : i32
      %dma_wait3A_351 = arith.constant 0 : i32
      %dma_wait3A_352 = tpu.memref_slice %arg6[%dma_wait3A_349, %dma_wait3A_350, %dma_wait3A_351] : memref<2x800x64xf32, #tpu.memory_space<vmem>> -> memref<1x80x64xf32, #tpu.memory_space<vmem>>
      %dma_wait3A_353 = tpu.memref_squeeze %dma_wait3A_352 : memref<1x80x64xf32, #tpu.memory_space<vmem>> -> memref<80x64xf32, #tpu.memory_space<vmem>>
      %dma_wait3A_354 = arith.constant 320 : i32
      %dma_wait3A_355 = tpu.memref_slice %arg5[%dma_wait3A_348, %dma_wait3A_354] : memref<2x800xi32, #tpu.memory_space<vmem>> -> memref<1x80xi32, #tpu.memory_space<vmem>>
      %dma_wait3A_356 = tpu.memref_squeeze %dma_wait3A_355 : memref<1x80xi32, #tpu.memory_space<vmem>> -> memref<80xi32, #tpu.memory_space<vmem>>
      %dma_wait3A_357 = arith.constant 0 : i32
      %dma_wait3A_358 = arith.constant 0 : i32
      %dma_wait3A_359 = tpu.memref_slice %arg2[%dma_wait3A_357, %dma_wait3A_358] : memref<1000000x64xf32, #tpu.memory_space<hbm>> -> memref<1000000x64xf32, #tpu.memory_space<hbm>>
      tpu.wait_indirect_dma semaphore(%arg8 : memref<!tpu.dma_semaphore, #tpu.memory_space<semaphore_mem>>) src(%dma_wait3A_359 : memref<1000000x64xf32, #tpu.memory_space<hbm>>) dst(%dma_wait3A_353 : memref<80x64xf32, #tpu.memory_space<vmem>>)
      %dma_wait3A_360 = arith.constant 0 : i32
      %dma_wait3A_361 = arith.constant 0 : i32
      %dma_wait3A_362 = arith.constant 400 : i32
      %dma_wait3A_363 = arith.constant 0 : i32
      %dma_wait3A_364 = tpu.memref_slice %arg6[%dma_wait3A_361, %dma_wait3A_362, %dma_wait3A_363] : memref<2x800x64xf32, #tpu.memory_space<vmem>> -> memref<1x80x64xf32, #tpu.memory_space<vmem>>
      %dma_wait3A_365 = tpu.memref_squeeze %dma_wait3A_364 : memref<1x80x64xf32, #tpu.memory_space<vmem>> -> memref<80x64xf32, #tpu.memory_space<vmem>>
      %dma_wait3A_366 = arith.constant 400 : i32
      %dma_wait3A_367 = tpu.memref_slice %arg5[%dma_wait3A_360, %dma_wait3A_366] : memref<2x800xi32, #tpu.memory_space<vmem>> -> memref<1x80xi32, #tpu.memory_space<vmem>>
      %dma_wait3A_368 = tpu.memref_squeeze %dma_wait3A_367 : memref<1x80xi32, #tpu.memory_space<vmem>> -> memref<80xi32, #tpu.memory_space<vmem>>
      %dma_wait3A_369 = arith.constant 0 : i32
      %dma_wait3A_370 = arith.constant 0 : i32
      %dma_wait3A_371 = tpu.memref_slice %arg2[%dma_wait3A_369, %dma_wait3A_370] : memref<1000000x64xf32, #tpu.memory_space<hbm>> -> memref<1000000x64xf32, #tpu.memory_space<hbm>>
      tpu.wait_indirect_dma semaphore(%arg8 : memref<!tpu.dma_semaphore, #tpu.memory_space<semaphore_mem>>) src(%dma_wait3A_371 : memref<1000000x64xf32, #tpu.memory_space<hbm>>) dst(%dma_wait3A_365 : memref<80x64xf32, #tpu.memory_space<vmem>>)
      %dma_wait3A_372 = arith.constant 0 : i32
      %dma_wait3A_373 = arith.constant 0 : i32
      %dma_wait3A_374 = arith.constant 480 : i32
      %dma_wait3A_375 = arith.constant 0 : i32
      %dma_wait3A_376 = tpu.memref_slice %arg6[%dma_wait3A_373, %dma_wait3A_374, %dma_wait3A_375] : memref<2x800x64xf32, #tpu.memory_space<vmem>> -> memref<1x80x64xf32, #tpu.memory_space<vmem>>
      %dma_wait3A_377 = tpu.memref_squeeze %dma_wait3A_376 : memref<1x80x64xf32, #tpu.memory_space<vmem>> -> memref<80x64xf32, #tpu.memory_space<vmem>>
      %dma_wait3A_378 = arith.constant 480 : i32
      %dma_wait3A_379 = tpu.memref_slice %arg5[%dma_wait3A_372, %dma_wait3A_378] : memref<2x800xi32, #tpu.memory_space<vmem>> -> memref<1x80xi32, #tpu.memory_space<vmem>>
      %dma_wait3A_380 = tpu.memref_squeeze %dma_wait3A_379 : memref<1x80xi32, #tpu.memory_space<vmem>> -> memref<80xi32, #tpu.memory_space<vmem>>
      %dma_wait3A_381 = arith.constant 0 : i32
      %dma_wait3A_382 = arith.constant 0 : i32
      %dma_wait3A_383 = tpu.memref_slice %arg2[%dma_wait3A_381, %dma_wait3A_382] : memref<1000000x64xf32, #tpu.memory_space<hbm>> -> memref<1000000x64xf32, #tpu.memory_space<hbm>>
      tpu.wait_indirect_dma semaphore(%arg8 : memref<!tpu.dma_semaphore, #tpu.memory_space<semaphore_mem>>) src(%dma_wait3A_383 : memref<1000000x64xf32, #tpu.memory_space<hbm>>) dst(%dma_wait3A_377 : memref<80x64xf32, #tpu.memory_space<vmem>>)
      %dma_wait3A_384 = arith.constant 0 : i32
      %dma_wait3A_385 = arith.constant 0 : i32
      %dma_wait3A_386 = arith.constant 560 : i32
      %dma_wait3A_387 = arith.constant 0 : i32
      %dma_wait3A_388 = tpu.memref_slice %arg6[%dma_wait3A_385, %dma_wait3A_386, %dma_wait3A_387] : memref<2x800x64xf32, #tpu.memory_space<vmem>> -> memref<1x80x64xf32, #tpu.memory_space<vmem>>
      %dma_wait3A_389 = tpu.memref_squeeze %dma_wait3A_388 : memref<1x80x64xf32, #tpu.memory_space<vmem>> -> memref<80x64xf32, #tpu.memory_space<vmem>>
      %dma_wait3A_390 = arith.constant 560 : i32
      %dma_wait3A_391 = tpu.memref_slice %arg5[%dma_wait3A_384, %dma_wait3A_390] : memref<2x800xi32, #tpu.memory_space<vmem>> -> memref<1x80xi32, #tpu.memory_space<vmem>>
      %dma_wait3A_392 = tpu.memref_squeeze %dma_wait3A_391 : memref<1x80xi32, #tpu.memory_space<vmem>> -> memref<80xi32, #tpu.memory_space<vmem>>
      %dma_wait3A_393 = arith.constant 0 : i32
      %dma_wait3A_394 = arith.constant 0 : i32
      %dma_wait3A_395 = tpu.memref_slice %arg2[%dma_wait3A_393, %dma_wait3A_394] : memref<1000000x64xf32, #tpu.memory_space<hbm>> -> memref<1000000x64xf32, #tpu.memory_space<hbm>>
      tpu.wait_indirect_dma semaphore(%arg8 : memref<!tpu.dma_semaphore, #tpu.memory_space<semaphore_mem>>) src(%dma_wait3A_395 : memref<1000000x64xf32, #tpu.memory_space<hbm>>) dst(%dma_wait3A_389 : memref<80x64xf32, #tpu.memory_space<vmem>>)
      %dma_wait3A_396 = arith.constant 0 : i32
      %dma_wait3A_397 = arith.constant 0 : i32
      %dma_wait3A_398 = arith.constant 640 : i32
      %dma_wait3A_399 = arith.constant 0 : i32
      %dma_wait3A_400 = tpu.memref_slice %arg6[%dma_wait3A_397, %dma_wait3A_398, %dma_wait3A_399] : memref<2x800x64xf32, #tpu.memory_space<vmem>> -> memref<1x80x64xf32, #tpu.memory_space<vmem>>
      %dma_wait3A_401 = tpu.memref_squeeze %dma_wait3A_400 : memref<1x80x64xf32, #tpu.memory_space<vmem>> -> memref<80x64xf32, #tpu.memory_space<vmem>>
      %dma_wait3A_402 = arith.constant 640 : i32
      %dma_wait3A_403 = tpu.memref_slice %arg5[%dma_wait3A_396, %dma_wait3A_402] : memref<2x800xi32, #tpu.memory_space<vmem>> -> memref<1x80xi32, #tpu.memory_space<vmem>>
      %dma_wait3A_404 = tpu.memref_squeeze %dma_wait3A_403 : memref<1x80xi32, #tpu.memory_space<vmem>> -> memref<80xi32, #tpu.memory_space<vmem>>
      %dma_wait3A_405 = arith.constant 0 : i32
      %dma_wait3A_406 = arith.constant 0 : i32
      %dma_wait3A_407 = tpu.memref_slice %arg2[%dma_wait3A_405, %dma_wait3A_406] : memref<1000000x64xf32, #tpu.memory_space<hbm>> -> memref<1000000x64xf32, #tpu.memory_space<hbm>>
      tpu.wait_indirect_dma semaphore(%arg8 : memref<!tpu.dma_semaphore, #tpu.memory_space<semaphore_mem>>) src(%dma_wait3A_407 : memref<1000000x64xf32, #tpu.memory_space<hbm>>) dst(%dma_wait3A_401 : memref<80x64xf32, #tpu.memory_space<vmem>>)
      %dma_wait3A_408 = arith.constant 0 : i32
      %dma_wait3A_409 = arith.constant 0 : i32
      %dma_wait3A_410 = arith.constant 720 : i32
      %dma_wait3A_411 = arith.constant 0 : i32
      %dma_wait3A_412 = tpu.memref_slice %arg6[%dma_wait3A_409, %dma_wait3A_410, %dma_wait3A_411] : memref<2x800x64xf32, #tpu.memory_space<vmem>> -> memref<1x80x64xf32, #tpu.memory_space<vmem>>
      %dma_wait3A_413 = tpu.memref_squeeze %dma_wait3A_412 : memref<1x80x64xf32, #tpu.memory_space<vmem>> -> memref<80x64xf32, #tpu.memory_space<vmem>>
      %dma_wait3A_414 = arith.constant 720 : i32
      %dma_wait3A_415 = tpu.memref_slice %arg5[%dma_wait3A_408, %dma_wait3A_414] : memref<2x800xi32, #tpu.memory_space<vmem>> -> memref<1x80xi32, #tpu.memory_space<vmem>>
      %dma_wait3A_416 = tpu.memref_squeeze %dma_wait3A_415 : memref<1x80xi32, #tpu.memory_space<vmem>> -> memref<80xi32, #tpu.memory_space<vmem>>
      %dma_wait3A_417 = arith.constant 0 : i32
      %dma_wait3A_418 = arith.constant 0 : i32
      %dma_wait3A_419 = tpu.memref_slice %arg2[%dma_wait3A_417, %dma_wait3A_418] : memref<1000000x64xf32, #tpu.memory_space<hbm>> -> memref<1000000x64xf32, #tpu.memory_space<hbm>>
      tpu.wait_indirect_dma semaphore(%arg8 : memref<!tpu.dma_semaphore, #tpu.memory_space<semaphore_mem>>) src(%dma_wait3A_419 : memref<1000000x64xf32, #tpu.memory_space<hbm>>) dst(%dma_wait3A_413 : memref<80x64xf32, #tpu.memory_space<vmem>>)
      %ge3A = arith.constant 1 : i32
      %ge3A_420 = arith.cmpi sge, %scan3A_169, %ge3A : i32
      %convert_element_type3A = arith.extui %ge3A_420 : i1 to i32
      %cond3A = arith.constant 0 : i32
      %cond3A_421 = arith.cmpi ne, %convert_element_type3A, %cond3A : i32
      scf.if %cond3A_421 {
        %dma_wait3A_597 = arith.constant 0 : i32
        %dma_wait3A_598 = arith.constant 0 : i32
        %dma_wait3A_599 = arith.constant 0 : i32
        %dma_wait3A_600 = tpu.memref_slice %arg7[%dma_wait3A_597, %dma_wait3A_598, %dma_wait3A_599] : memref<2x16x128xf32, #tpu.memory_space<vmem>> -> memref<1x16x128xf32, #tpu.memory_space<vmem>>
        %dma_wait3A_601 = tpu.memref_squeeze %dma_wait3A_600 : memref<1x16x128xf32, #tpu.memory_space<vmem>> -> memref<16x128xf32, #tpu.memory_space<vmem>>
        %dma_wait3A_602 = arith.constant 0 : i32
        %dma_wait3A_603 = tpu.memref_slice %arg4[%mul3A_4, %dma_wait3A_602] : memref<16384x128xf32, #tpu.memory_space<hbm>> -> memref<16x128xf32, #tpu.memory_space<hbm>>
        %dma_wait3A_604 = arith.constant 0 : i32
        %dma_wait3A_605 = tpu.memref_slice %arg4[%mul3A_4, %dma_wait3A_604] : memref<16384x128xf32, #tpu.memory_space<hbm>> -> memref<16x128xf32, #tpu.memory_space<hbm>>
        %dma_wait3A_606 = arith.constant 0 : i32
        %dma_wait3A_607 = arith.constant 0 : i32
        %dma_wait3A_608 = tpu.memref_slice %arg7[%dma_wait3A_597, %dma_wait3A_606, %dma_wait3A_607] : memref<2x16x128xf32, #tpu.memory_space<vmem>> -> memref<1x16x128xf32, #tpu.memory_space<vmem>>
        %dma_wait3A_609 = tpu.memref_squeeze %dma_wait3A_608 : memref<1x16x128xf32, #tpu.memory_space<vmem>> -> memref<16x128xf32, #tpu.memory_space<vmem>>
        tpu.wait_dma2 semaphore(%arg10 : memref<!tpu.dma_semaphore, #tpu.memory_space<semaphore_mem>>) src(%dma_wait3A_609 : memref<16x128xf32, #tpu.memory_space<vmem>>) dst(%dma_wait3A_605 : memref<16x128xf32, #tpu.memory_space<hbm>>)
      } else {
      }
      %scan3A_422 = arith.constant 0 : i32
      %scan3A_423 = arith.constant 0 : i32
      %scan3A_424 = arith.constant 16 : i32
      %scan3A_425 = arith.addi %scan3A_423, %scan3A_424 : i32
      %scan3A_426 = arith.constant 1 : i32
      scf.for %scan3A_597 = %scan3A_423 to %scan3A_425 step %scan3A_426  : i32 {
        %mul3A_598 = arith.constant 50 : i32
        %mul3A_599 = arith.muli %scan3A_597, %mul3A_598 : i32
        %get3A = arith.constant 0 : i32
        %get3A_600 = arith.index_cast %get3A : i32 to index
        %get3A_601 = arith.index_cast %mul3A_599 : i32 to index
        %get3A_602 = arith.constant 0 : index
        %get3A_603 = tpu.vector_load %arg6[%get3A_600, %get3A_601, %get3A_602] {strides = array<i32>} : memref<2x800x64xf32, #tpu.memory_space<vmem>>, vector<1x1x16xf32>,
        %get3A_604 = vector.shape_cast %get3A_603 : vector<1x1x16xf32> to vector<16xf32>
        %get3A_605 = arith.constant 0 : i32
        %get3A_606 = arith.index_cast %get3A_605 : i32 to index
        %get3A_607 = arith.index_cast %mul3A_599 : i32 to index
        %get3A_608 = arith.constant 16 : index
        %get3A_609 = tpu.vector_load %arg6[%get3A_606, %get3A_607, %get3A_608] {strides = array<i32>} : memref<2x800x64xf32, #tpu.memory_space<vmem>>, vector<1x1x16xf32>,
        %get3A_610 = vector.shape_cast %get3A_609 : vector<1x1x16xf32> to vector<16xf32>
        %get3A_611 = arith.constant 0 : i32
        %get3A_612 = arith.index_cast %get3A_611 : i32 to index
        %get3A_613 = arith.index_cast %mul3A_599 : i32 to index
        %get3A_614 = arith.constant 32 : index
        %get3A_615 = tpu.vector_load %arg6[%get3A_612, %get3A_613, %get3A_614] {strides = array<i32>} : memref<2x800x64xf32, #tpu.memory_space<vmem>>, vector<1x1x16xf32>,
        %get3A_616 = vector.shape_cast %get3A_615 : vector<1x1x16xf32> to vector<16xf32>
        %get3A_617 = arith.constant 0 : i32
        %get3A_618 = arith.index_cast %get3A_617 : i32 to index
        %get3A_619 = arith.index_cast %mul3A_599 : i32 to index
        %get3A_620 = arith.constant 48 : index
        %get3A_621 = tpu.vector_load %arg6[%get3A_618, %get3A_619, %get3A_620] {strides = array<i32>} : memref<2x800x64xf32, #tpu.memory_space<vmem>>, vector<1x1x16xf32>,
        %get3A_622 = vector.shape_cast %get3A_621 : vector<1x1x16xf32> to vector<16xf32>
        %add3A_623 = arith.constant 1 : i32
        %add3A_624 = arith.addi %mul3A_599, %add3A_623 : i32
        %get3A_625 = arith.constant 0 : i32
        %get3A_626 = arith.index_cast %get3A_625 : i32 to index
        %get3A_627 = arith.index_cast %add3A_624 : i32 to index
        %get3A_628 = arith.constant 0 : index
        %get3A_629 = tpu.vector_load %arg6[%get3A_626, %get3A_627, %get3A_628] {strides = array<i32>} : memref<2x800x64xf32, #tpu.memory_space<vmem>>, vector<1x1x16xf32>,
        %get3A_630 = vector.shape_cast %get3A_629 : vector<1x1x16xf32> to vector<16xf32>
        %add3A_631 = arith.addf %get3A_604, %get3A_630 : vector<16xf32>
        %add3A_632 = arith.constant 1 : i32
        %add3A_633 = arith.addi %mul3A_599, %add3A_632 : i32
        %get3A_634 = arith.constant 0 : i32
        %get3A_635 = arith.index_cast %get3A_634 : i32 to index
        %get3A_636 = arith.index_cast %add3A_633 : i32 to index
        %get3A_637 = arith.constant 16 : index
        %get3A_638 = tpu.vector_load %arg6[%get3A_635, %get3A_636, %get3A_637] {strides = array<i32>} : memref<2x800x64xf32, #tpu.memory_space<vmem>>, vector<1x1x16xf32>,
        %get3A_639 = vector.shape_cast %get3A_638 : vector<1x1x16xf32> to vector<16xf32>
        %add3A_640 = arith.addf %get3A_610, %get3A_639 : vector<16xf32>
        %add3A_641 = arith.constant 1 : i32
        %add3A_642 = arith.addi %mul3A_599, %add3A_641 : i32
        %get3A_643 = arith.constant 0 : i32
        %get3A_644 = arith.index_cast %get3A_643 : i32 to index
        %get3A_645 = arith.index_cast %add3A_642 : i32 to index
        %get3A_646 = arith.constant 32 : index
        %get3A_647 = tpu.vector_load %arg6[%get3A_644, %get3A_645, %get3A_646] {strides = array<i32>} : memref<2x800x64xf32, #tpu.memory_space<vmem>>, vector<1x1x16xf32>,
        %get3A_648 = vector.shape_cast %get3A_647 : vector<1x1x16xf32> to vector<16xf32>
        %add3A_649 = arith.addf %get3A_616, %get3A_648 : vector<16xf32>
        %add3A_650 = arith.constant 1 : i32
        %add3A_651 = arith.addi %mul3A_599, %add3A_650 : i32
        %get3A_652 = arith.constant 0 : i32
        %get3A_653 = arith.index_cast %get3A_652 : i32 to index
        %get3A_654 = arith.index_cast %add3A_651 : i32 to index
        %get3A_655 = arith.constant 48 : index
        %get3A_656 = tpu.vector_load %arg6[%get3A_653, %get3A_654, %get3A_655] {strides = array<i32>} : memref<2x800x64xf32, #tpu.memory_space<vmem>>, vector<1x1x16xf32>,
        %get3A_657 = vector.shape_cast %get3A_656 : vector<1x1x16xf32> to vector<16xf32>
        %add3A_658 = arith.addf %get3A_622, %get3A_657 : vector<16xf32>
        %add3A_659 = arith.constant 2 : i32
        %add3A_660 = arith.addi %mul3A_599, %add3A_659 : i32
        %get3A_661 = arith.constant 0 : i32
        %get3A_662 = arith.index_cast %get3A_661 : i32 to index
        %get3A_663 = arith.index_cast %add3A_660 : i32 to index
        %get3A_664 = arith.constant 0 : index
        %get3A_665 = tpu.vector_load %arg6[%get3A_662, %get3A_663, %get3A_664] {strides = array<i32>} : memref<2x800x64xf32, #tpu.memory_space<vmem>>, vector<1x1x16xf32>,
        %get3A_666 = vector.shape_cast %get3A_665 : vector<1x1x16xf32> to vector<16xf32>
        %add3A_667 = arith.addf %add3A_631, %get3A_666 : vector<16xf32>
        %add3A_668 = arith.constant 2 : i32
        %add3A_669 = arith.addi %mul3A_599, %add3A_668 : i32
        %get3A_670 = arith.constant 0 : i32
        %get3A_671 = arith.index_cast %get3A_670 : i32 to index
        %get3A_672 = arith.index_cast %add3A_669 : i32 to index
        %get3A_673 = arith.constant 16 : index
        %get3A_674 = tpu.vector_load %arg6[%get3A_671, %get3A_672, %get3A_673] {strides = array<i32>} : memref<2x800x64xf32, #tpu.memory_space<vmem>>, vector<1x1x16xf32>,
        %get3A_675 = vector.shape_cast %get3A_674 : vector<1x1x16xf32> to vector<16xf32>
        %add3A_676 = arith.addf %add3A_640, %get3A_675 : vector<16xf32>
        %add3A_677 = arith.constant 2 : i32
        %add3A_678 = arith.addi %mul3A_599, %add3A_677 : i32
        %get3A_679 = arith.constant 0 : i32
        %get3A_680 = arith.index_cast %get3A_679 : i32 to index
        %get3A_681 = arith.index_cast %add3A_678 : i32 to index
        %get3A_682 = arith.constant 32 : index
        %get3A_683 = tpu.vector_load %arg6[%get3A_680, %get3A_681, %get3A_682] {strides = array<i32>} : memref<2x800x64xf32, #tpu.memory_space<vmem>>, vector<1x1x16xf32>,
        %get3A_684 = vector.shape_cast %get3A_683 : vector<1x1x16xf32> to vector<16xf32>
        %add3A_685 = arith.addf %add3A_649, %get3A_684 : vector<16xf32>
        %add3A_686 = arith.constant 2 : i32
        %add3A_687 = arith.addi %mul3A_599, %add3A_686 : i32
        %get3A_688 = arith.constant 0 : i32
        %get3A_689 = arith.index_cast %get3A_688 : i32 to index
        %get3A_690 = arith.index_cast %add3A_687 : i32 to index
        %get3A_691 = arith.constant 48 : index
        %get3A_692 = tpu.vector_load %arg6[%get3A_689, %get3A_690, %get3A_691] {strides = array<i32>} : memref<2x800x64xf32, #tpu.memory_space<vmem>>, vector<1x1x16xf32>,
        %get3A_693 = vector.shape_cast %get3A_692 : vector<1x1x16xf32> to vector<16xf32>
        %add3A_694 = arith.addf %add3A_658, %get3A_693 : vector<16xf32>
        %add3A_695 = arith.constant 3 : i32
        %add3A_696 = arith.addi %mul3A_599, %add3A_695 : i32
        %get3A_697 = arith.constant 0 : i32
        %get3A_698 = arith.index_cast %get3A_697 : i32 to index
        %get3A_699 = arith.index_cast %add3A_696 : i32 to index
        %get3A_700 = arith.constant 0 : index
        %get3A_701 = tpu.vector_load %arg6[%get3A_698, %get3A_699, %get3A_700] {strides = array<i32>} : memref<2x800x64xf32, #tpu.memory_space<vmem>>, vector<1x1x16xf32>,
        %get3A_702 = vector.shape_cast %get3A_701 : vector<1x1x16xf32> to vector<16xf32>
        %add3A_703 = arith.addf %add3A_667, %get3A_702 : vector<16xf32>
        %add3A_704 = arith.constant 3 : i32
        %add3A_705 = arith.addi %mul3A_599, %add3A_704 : i32
        %get3A_706 = arith.constant 0 : i32
        %get3A_707 = arith.index_cast %get3A_706 : i32 to index
        %get3A_708 = arith.index_cast %add3A_705 : i32 to index
        %get3A_709 = arith.constant 16 : index
        %get3A_710 = tpu.vector_load %arg6[%get3A_707, %get3A_708, %get3A_709] {strides = array<i32>} : memref<2x800x64xf32, #tpu.memory_space<vmem>>, vector<1x1x16xf32>,
        %get3A_711 = vector.shape_cast %get3A_710 : vector<1x1x16xf32> to vector<16xf32>
        %add3A_712 = arith.addf %add3A_676, %get3A_711 : vector<16xf32>
        %add3A_713 = arith.constant 3 : i32
        %add3A_714 = arith.addi %mul3A_599, %add3A_713 : i32
        %get3A_715 = arith.constant 0 : i32
        %get3A_716 = arith.index_cast %get3A_715 : i32 to index
        %get3A_717 = arith.index_cast %add3A_714 : i32 to index
        %get3A_718 = arith.constant 32 : index
        %get3A_719 = tpu.vector_load %arg6[%get3A_716, %get3A_717, %get3A_718] {strides = array<i32>} : memref<2x800x64xf32, #tpu.memory_space<vmem>>, vector<1x1x16xf32>,
        %get3A_720 = vector.shape_cast %get3A_719 : vector<1x1x16xf32> to vector<16xf32>
        %add3A_721 = arith.addf %add3A_685, %get3A_720 : vector<16xf32>
        %add3A_722 = arith.constant 3 : i32
        %add3A_723 = arith.addi %mul3A_599, %add3A_722 : i32
        %get3A_724 = arith.constant 0 : i32
        %get3A_725 = arith.index_cast %get3A_724 : i32 to index
        %get3A_726 = arith.index_cast %add3A_723 : i32 to index
        %get3A_727 = arith.constant 48 : index
        %get3A_728 = tpu.vector_load %arg6[%get3A_725, %get3A_726, %get3A_727] {strides = array<i32>} : memref<2x800x64xf32, #tpu.memory_space<vmem>>, vector<1x1x16xf32>,
        %get3A_729 = vector.shape_cast %get3A_728 : vector<1x1x16xf32> to vector<16xf32>
        %add3A_730 = arith.addf %add3A_694, %get3A_729 : vector<16xf32>
        %add3A_731 = arith.constant 4 : i32
        %add3A_732 = arith.addi %mul3A_599, %add3A_731 : i32
        %get3A_733 = arith.constant 0 : i32
        %get3A_734 = arith.index_cast %get3A_733 : i32 to index
        %get3A_735 = arith.index_cast %add3A_732 : i32 to index
        %get3A_736 = arith.constant 0 : index
        %get3A_737 = tpu.vector_load %arg6[%get3A_734, %get3A_735, %get3A_736] {strides = array<i32>} : memref<2x800x64xf32, #tpu.memory_space<vmem>>, vector<1x1x16xf32>,
        %get3A_738 = vector.shape_cast %get3A_737 : vector<1x1x16xf32> to vector<16xf32>
        %add3A_739 = arith.addf %add3A_703, %get3A_738 : vector<16xf32>
        %add3A_740 = arith.constant 4 : i32
        %add3A_741 = arith.addi %mul3A_599, %add3A_740 : i32
        %get3A_742 = arith.constant 0 : i32
        %get3A_743 = arith.index_cast %get3A_742 : i32 to index
        %get3A_744 = arith.index_cast %add3A_741 : i32 to index
        %get3A_745 = arith.constant 16 : index
        %get3A_746 = tpu.vector_load %arg6[%get3A_743, %get3A_744, %get3A_745] {strides = array<i32>} : memref<2x800x64xf32, #tpu.memory_space<vmem>>, vector<1x1x16xf32>,
        %get3A_747 = vector.shape_cast %get3A_746 : vector<1x1x16xf32> to vector<16xf32>
        %add3A_748 = arith.addf %add3A_712, %get3A_747 : vector<16xf32>
        %add3A_749 = arith.constant 4 : i32
        %add3A_750 = arith.addi %mul3A_599, %add3A_749 : i32
        %get3A_751 = arith.constant 0 : i32
        %get3A_752 = arith.index_cast %get3A_751 : i32 to index
        %get3A_753 = arith.index_cast %add3A_750 : i32 to index
        %get3A_754 = arith.constant 32 : index
        %get3A_755 = tpu.vector_load %arg6[%get3A_752, %get3A_753, %get3A_754] {strides = array<i32>} : memref<2x800x64xf32, #tpu.memory_space<vmem>>, vector<1x1x16xf32>,
        %get3A_756 = vector.shape_cast %get3A_755 : vector<1x1x16xf32> to vector<16xf32>
        %add3A_757 = arith.addf %add3A_721, %get3A_756 : vector<16xf32>
        %add3A_758 = arith.constant 4 : i32
        %add3A_759 = arith.addi %mul3A_599, %add3A_758 : i32
        %get3A_760 = arith.constant 0 : i32
        %get3A_761 = arith.index_cast %get3A_760 : i32 to index
        %get3A_762 = arith.index_cast %add3A_759 : i32 to index
        %get3A_763 = arith.constant 48 : index
        %get3A_764 = tpu.vector_load %arg6[%get3A_761, %get3A_762, %get3A_763] {strides = array<i32>} : memref<2x800x64xf32, #tpu.memory_space<vmem>>, vector<1x1x16xf32>,
        %get3A_765 = vector.shape_cast %get3A_764 : vector<1x1x16xf32> to vector<16xf32>
        %add3A_766 = arith.addf %add3A_730, %get3A_765 : vector<16xf32>
        %add3A_767 = arith.constant 5 : i32
        %add3A_768 = arith.addi %mul3A_599, %add3A_767 : i32
        %get3A_769 = arith.constant 0 : i32
        %get3A_770 = arith.index_cast %get3A_769 : i32 to index
        %get3A_771 = arith.index_cast %add3A_768 : i32 to index
        %get3A_772 = arith.constant 0 : index
        %get3A_773 = tpu.vector_load %arg6[%get3A_770, %get3A_771, %get3A_772] {strides = array<i32>} : memref<2x800x64xf32, #tpu.memory_space<vmem>>, vector<1x1x16xf32>,
        %get3A_774 = vector.shape_cast %get3A_773 : vector<1x1x16xf32> to vector<16xf32>
        %add3A_775 = arith.addf %add3A_739, %get3A_774 : vector<16xf32>
        %add3A_776 = arith.constant 5 : i32
        %add3A_777 = arith.addi %mul3A_599, %add3A_776 : i32
        %get3A_778 = arith.constant 0 : i32
        %get3A_779 = arith.index_cast %get3A_778 : i32 to index
        %get3A_780 = arith.index_cast %add3A_777 : i32 to index
        %get3A_781 = arith.constant 16 : index
        %get3A_782 = tpu.vector_load %arg6[%get3A_779, %get3A_780, %get3A_781] {strides = array<i32>} : memref<2x800x64xf32, #tpu.memory_space<vmem>>, vector<1x1x16xf32>,
        %get3A_783 = vector.shape_cast %get3A_782 : vector<1x1x16xf32> to vector<16xf32>
        %add3A_784 = arith.addf %add3A_748, %get3A_783 : vector<16xf32>
        %add3A_785 = arith.constant 5 : i32
        %add3A_786 = arith.addi %mul3A_599, %add3A_785 : i32
        %get3A_787 = arith.constant 0 : i32
        %get3A_788 = arith.index_cast %get3A_787 : i32 to index
        %get3A_789 = arith.index_cast %add3A_786 : i32 to index
        %get3A_790 = arith.constant 32 : index
        %get3A_791 = tpu.vector_load %arg6[%get3A_788, %get3A_789, %get3A_790] {strides = array<i32>} : memref<2x800x64xf32, #tpu.memory_space<vmem>>, vector<1x1x16xf32>,
        %get3A_792 = vector.shape_cast %get3A_791 : vector<1x1x16xf32> to vector<16xf32>
        %add3A_793 = arith.addf %add3A_757, %get3A_792 : vector<16xf32>
        %add3A_794 = arith.constant 5 : i32
        %add3A_795 = arith.addi %mul3A_599, %add3A_794 : i32
        %get3A_796 = arith.constant 0 : i32
        %get3A_797 = arith.index_cast %get3A_796 : i32 to index
        %get3A_798 = arith.index_cast %add3A_795 : i32 to index
        %get3A_799 = arith.constant 48 : index
        %get3A_800 = tpu.vector_load %arg6[%get3A_797, %get3A_798, %get3A_799] {strides = array<i32>} : memref<2x800x64xf32, #tpu.memory_space<vmem>>, vector<1x1x16xf32>,
        %get3A_801 = vector.shape_cast %get3A_800 : vector<1x1x16xf32> to vector<16xf32>
        %add3A_802 = arith.addf %add3A_766, %get3A_801 : vector<16xf32>
        %add3A_803 = arith.constant 6 : i32
        %add3A_804 = arith.addi %mul3A_599, %add3A_803 : i32
        %get3A_805 = arith.constant 0 : i32
        %get3A_806 = arith.index_cast %get3A_805 : i32 to index
        %get3A_807 = arith.index_cast %add3A_804 : i32 to index
        %get3A_808 = arith.constant 0 : index
        %get3A_809 = tpu.vector_load %arg6[%get3A_806, %get3A_807, %get3A_808] {strides = array<i32>} : memref<2x800x64xf32, #tpu.memory_space<vmem>>, vector<1x1x16xf32>,
        %get3A_810 = vector.shape_cast %get3A_809 : vector<1x1x16xf32> to vector<16xf32>
        %add3A_811 = arith.addf %add3A_775, %get3A_810 : vector<16xf32>
        %add3A_812 = arith.constant 6 : i32
        %add3A_813 = arith.addi %mul3A_599, %add3A_812 : i32
        %get3A_814 = arith.constant 0 : i32
        %get3A_815 = arith.index_cast %get3A_814 : i32 to index
        %get3A_816 = arith.index_cast %add3A_813 : i32 to index
        %get3A_817 = arith.constant 16 : index
        %get3A_818 = tpu.vector_load %arg6[%get3A_815, %get3A_816, %get3A_817] {strides = array<i32>} : memref<2x800x64xf32, #tpu.memory_space<vmem>>, vector<1x1x16xf32>,
        %get3A_819 = vector.shape_cast %get3A_818 : vector<1x1x16xf32> to vector<16xf32>
        %add3A_820 = arith.addf %add3A_784, %get3A_819 : vector<16xf32>
        %add3A_821 = arith.constant 6 : i32
        %add3A_822 = arith.addi %mul3A_599, %add3A_821 : i32
        %get3A_823 = arith.constant 0 : i32
        %get3A_824 = arith.index_cast %get3A_823 : i32 to index
        %get3A_825 = arith.index_cast %add3A_822 : i32 to index
        %get3A_826 = arith.constant 32 : index
        %get3A_827 = tpu.vector_load %arg6[%get3A_824, %get3A_825, %get3A_826] {strides = array<i32>} : memref<2x800x64xf32, #tpu.memory_space<vmem>>, vector<1x1x16xf32>,
        %get3A_828 = vector.shape_cast %get3A_827 : vector<1x1x16xf32> to vector<16xf32>
        %add3A_829 = arith.addf %add3A_793, %get3A_828 : vector<16xf32>
        %add3A_830 = arith.constant 6 : i32
        %add3A_831 = arith.addi %mul3A_599, %add3A_830 : i32
        %get3A_832 = arith.constant 0 : i32
        %get3A_833 = arith.index_cast %get3A_832 : i32 to index
        %get3A_834 = arith.index_cast %add3A_831 : i32 to index
        %get3A_835 = arith.constant 48 : index
        %get3A_836 = tpu.vector_load %arg6[%get3A_833, %get3A_834, %get3A_835] {strides = array<i32>} : memref<2x800x64xf32, #tpu.memory_space<vmem>>, vector<1x1x16xf32>,
        %get3A_837 = vector.shape_cast %get3A_836 : vector<1x1x16xf32> to vector<16xf32>
        %add3A_838 = arith.addf %add3A_802, %get3A_837 : vector<16xf32>
        %add3A_839 = arith.constant 7 : i32
        %add3A_840 = arith.addi %mul3A_599, %add3A_839 : i32
        %get3A_841 = arith.constant 0 : i32
        %get3A_842 = arith.index_cast %get3A_841 : i32 to index
        %get3A_843 = arith.index_cast %add3A_840 : i32 to index
        %get3A_844 = arith.constant 0 : index
        %get3A_845 = tpu.vector_load %arg6[%get3A_842, %get3A_843, %get3A_844] {strides = array<i32>} : memref<2x800x64xf32, #tpu.memory_space<vmem>>, vector<1x1x16xf32>,
        %get3A_846 = vector.shape_cast %get3A_845 : vector<1x1x16xf32> to vector<16xf32>
        %add3A_847 = arith.addf %add3A_811, %get3A_846 : vector<16xf32>
        %add3A_848 = arith.constant 7 : i32
        %add3A_849 = arith.addi %mul3A_599, %add3A_848 : i32
        %get3A_850 = arith.constant 0 : i32
        %get3A_851 = arith.index_cast %get3A_850 : i32 to index
        %get3A_852 = arith.index_cast %add3A_849 : i32 to index
        %get3A_853 = arith.constant 16 : index
        %get3A_854 = tpu.vector_load %arg6[%get3A_851, %get3A_852, %get3A_853] {strides = array<i32>} : memref<2x800x64xf32, #tpu.memory_space<vmem>>, vector<1x1x16xf32>,
        %get3A_855 = vector.shape_cast %get3A_854 : vector<1x1x16xf32> to vector<16xf32>
        %add3A_856 = arith.addf %add3A_820, %get3A_855 : vector<16xf32>
        %add3A_857 = arith.constant 7 : i32
        %add3A_858 = arith.addi %mul3A_599, %add3A_857 : i32
        %get3A_859 = arith.constant 0 : i32
        %get3A_860 = arith.index_cast %get3A_859 : i32 to index
        %get3A_861 = arith.index_cast %add3A_858 : i32 to index
        %get3A_862 = arith.constant 32 : index
        %get3A_863 = tpu.vector_load %arg6[%get3A_860, %get3A_861, %get3A_862] {strides = array<i32>} : memref<2x800x64xf32, #tpu.memory_space<vmem>>, vector<1x1x16xf32>,
        %get3A_864 = vector.shape_cast %get3A_863 : vector<1x1x16xf32> to vector<16xf32>
        %add3A_865 = arith.addf %add3A_829, %get3A_864 : vector<16xf32>
        %add3A_866 = arith.constant 7 : i32
        %add3A_867 = arith.addi %mul3A_599, %add3A_866 : i32
        %get3A_868 = arith.constant 0 : i32
        %get3A_869 = arith.index_cast %get3A_868 : i32 to index
        %get3A_870 = arith.index_cast %add3A_867 : i32 to index
        %get3A_871 = arith.constant 48 : index
        %get3A_872 = tpu.vector_load %arg6[%get3A_869, %get3A_870, %get3A_871] {strides = array<i32>} : memref<2x800x64xf32, #tpu.memory_space<vmem>>, vector<1x1x16xf32>,
        %get3A_873 = vector.shape_cast %get3A_872 : vector<1x1x16xf32> to vector<16xf32>
        %add3A_874 = arith.addf %add3A_838, %get3A_873 : vector<16xf32>
        %add3A_875 = arith.constant 8 : i32
        %add3A_876 = arith.addi %mul3A_599, %add3A_875 : i32
        %get3A_877 = arith.constant 0 : i32
        %get3A_878 = arith.index_cast %get3A_877 : i32 to index
        %get3A_879 = arith.index_cast %add3A_876 : i32 to index
        %get3A_880 = arith.constant 0 : index
        %get3A_881 = tpu.vector_load %arg6[%get3A_878, %get3A_879, %get3A_880] {strides = array<i32>} : memref<2x800x64xf32, #tpu.memory_space<vmem>>, vector<1x1x16xf32>,
        %get3A_882 = vector.shape_cast %get3A_881 : vector<1x1x16xf32> to vector<16xf32>
        %add3A_883 = arith.addf %add3A_847, %get3A_882 : vector<16xf32>
        %add3A_884 = arith.constant 8 : i32
        %add3A_885 = arith.addi %mul3A_599, %add3A_884 : i32
        %get3A_886 = arith.constant 0 : i32
        %get3A_887 = arith.index_cast %get3A_886 : i32 to index
        %get3A_888 = arith.index_cast %add3A_885 : i32 to index
        %get3A_889 = arith.constant 16 : index
        %get3A_890 = tpu.vector_load %arg6[%get3A_887, %get3A_888, %get3A_889] {strides = array<i32>} : memref<2x800x64xf32, #tpu.memory_space<vmem>>, vector<1x1x16xf32>,
        %get3A_891 = vector.shape_cast %get3A_890 : vector<1x1x16xf32> to vector<16xf32>
        %add3A_892 = arith.addf %add3A_856, %get3A_891 : vector<16xf32>
        %add3A_893 = arith.constant 8 : i32
        %add3A_894 = arith.addi %mul3A_599, %add3A_893 : i32
        %get3A_895 = arith.constant 0 : i32
        %get3A_896 = arith.index_cast %get3A_895 : i32 to index
        %get3A_897 = arith.index_cast %add3A_894 : i32 to index
        %get3A_898 = arith.constant 32 : index
        %get3A_899 = tpu.vector_load %arg6[%get3A_896, %get3A_897, %get3A_898] {strides = array<i32>} : memref<2x800x64xf32, #tpu.memory_space<vmem>>, vector<1x1x16xf32>,
        %get3A_900 = vector.shape_cast %get3A_899 : vector<1x1x16xf32> to vector<16xf32>
        %add3A_901 = arith.addf %add3A_865, %get3A_900 : vector<16xf32>
        %add3A_902 = arith.constant 8 : i32
        %add3A_903 = arith.addi %mul3A_599, %add3A_902 : i32
        %get3A_904 = arith.constant 0 : i32
        %get3A_905 = arith.index_cast %get3A_904 : i32 to index
        %get3A_906 = arith.index_cast %add3A_903 : i32 to index
        %get3A_907 = arith.constant 48 : index
        %get3A_908 = tpu.vector_load %arg6[%get3A_905, %get3A_906, %get3A_907] {strides = array<i32>} : memref<2x800x64xf32, #tpu.memory_space<vmem>>, vector<1x1x16xf32>,
        %get3A_909 = vector.shape_cast %get3A_908 : vector<1x1x16xf32> to vector<16xf32>
        %add3A_910 = arith.addf %add3A_874, %get3A_909 : vector<16xf32>
        %add3A_911 = arith.constant 9 : i32
        %add3A_912 = arith.addi %mul3A_599, %add3A_911 : i32
        %get3A_913 = arith.constant 0 : i32
        %get3A_914 = arith.index_cast %get3A_913 : i32 to index
        %get3A_915 = arith.index_cast %add3A_912 : i32 to index
        %get3A_916 = arith.constant 0 : index
        %get3A_917 = tpu.vector_load %arg6[%get3A_914, %get3A_915, %get3A_916] {strides = array<i32>} : memref<2x800x64xf32, #tpu.memory_space<vmem>>, vector<1x1x16xf32>,
        %get3A_918 = vector.shape_cast %get3A_917 : vector<1x1x16xf32> to vector<16xf32>
        %add3A_919 = arith.addf %add3A_883, %get3A_918 : vector<16xf32>
        %add3A_920 = arith.constant 9 : i32
        %add3A_921 = arith.addi %mul3A_599, %add3A_920 : i32
        %get3A_922 = arith.constant 0 : i32
        %get3A_923 = arith.index_cast %get3A_922 : i32 to index
        %get3A_924 = arith.index_cast %add3A_921 : i32 to index
        %get3A_925 = arith.constant 16 : index
        %get3A_926 = tpu.vector_load %arg6[%get3A_923, %get3A_924, %get3A_925] {strides = array<i32>} : memref<2x800x64xf32, #tpu.memory_space<vmem>>, vector<1x1x16xf32>,
        %get3A_927 = vector.shape_cast %get3A_926 : vector<1x1x16xf32> to vector<16xf32>
        %add3A_928 = arith.addf %add3A_892, %get3A_927 : vector<16xf32>
        %add3A_929 = arith.constant 9 : i32
        %add3A_930 = arith.addi %mul3A_599, %add3A_929 : i32
        %get3A_931 = arith.constant 0 : i32
        %get3A_932 = arith.index_cast %get3A_931 : i32 to index
        %get3A_933 = arith.index_cast %add3A_930 : i32 to index
        %get3A_934 = arith.constant 32 : index
        %get3A_935 = tpu.vector_load %arg6[%get3A_932, %get3A_933, %get3A_934] {strides = array<i32>} : memref<2x800x64xf32, #tpu.memory_space<vmem>>, vector<1x1x16xf32>,
        %get3A_936 = vector.shape_cast %get3A_935 : vector<1x1x16xf32> to vector<16xf32>
        %add3A_937 = arith.addf %add3A_901, %get3A_936 : vector<16xf32>
        %add3A_938 = arith.constant 9 : i32
        %add3A_939 = arith.addi %mul3A_599, %add3A_938 : i32
        %get3A_940 = arith.constant 0 : i32
        %get3A_941 = arith.index_cast %get3A_940 : i32 to index
        %get3A_942 = arith.index_cast %add3A_939 : i32 to index
        %get3A_943 = arith.constant 48 : index
        %get3A_944 = tpu.vector_load %arg6[%get3A_941, %get3A_942, %get3A_943] {strides = array<i32>} : memref<2x800x64xf32, #tpu.memory_space<vmem>>, vector<1x1x16xf32>,
        %get3A_945 = vector.shape_cast %get3A_944 : vector<1x1x16xf32> to vector<16xf32>
        %add3A_946 = arith.addf %add3A_910, %get3A_945 : vector<16xf32>
        %add3A_947 = arith.constant 10 : i32
        %add3A_948 = arith.addi %mul3A_599, %add3A_947 : i32
        %get3A_949 = arith.constant 0 : i32
        %get3A_950 = arith.index_cast %get3A_949 : i32 to index
        %get3A_951 = arith.index_cast %add3A_948 : i32 to index
        %get3A_952 = arith.constant 0 : index
        %get3A_953 = tpu.vector_load %arg6[%get3A_950, %get3A_951, %get3A_952] {strides = array<i32>} : memref<2x800x64xf32, #tpu.memory_space<vmem>>, vector<1x1x16xf32>,
        %get3A_954 = vector.shape_cast %get3A_953 : vector<1x1x16xf32> to vector<16xf32>
        %add3A_955 = arith.addf %add3A_919, %get3A_954 : vector<16xf32>
        %add3A_956 = arith.constant 10 : i32
        %add3A_957 = arith.addi %mul3A_599, %add3A_956 : i32
        %get3A_958 = arith.constant 0 : i32
        %get3A_959 = arith.index_cast %get3A_958 : i32 to index
        %get3A_960 = arith.index_cast %add3A_957 : i32 to index
        %get3A_961 = arith.constant 16 : index
        %get3A_962 = tpu.vector_load %arg6[%get3A_959, %get3A_960, %get3A_961] {strides = array<i32>} : memref<2x800x64xf32, #tpu.memory_space<vmem>>, vector<1x1x16xf32>,
        %get3A_963 = vector.shape_cast %get3A_962 : vector<1x1x16xf32> to vector<16xf32>
        %add3A_964 = arith.addf %add3A_928, %get3A_963 : vector<16xf32>
        %add3A_965 = arith.constant 10 : i32
        %add3A_966 = arith.addi %mul3A_599, %add3A_965 : i32
        %get3A_967 = arith.constant 0 : i32
        %get3A_968 = arith.index_cast %get3A_967 : i32 to index
        %get3A_969 = arith.index_cast %add3A_966 : i32 to index
        %get3A_970 = arith.constant 32 : index
        %get3A_971 = tpu.vector_load %arg6[%get3A_968, %get3A_969, %get3A_970] {strides = array<i32>} : memref<2x800x64xf32, #tpu.memory_space<vmem>>, vector<1x1x16xf32>,
        %get3A_972 = vector.shape_cast %get3A_971 : vector<1x1x16xf32> to vector<16xf32>
        %add3A_973 = arith.addf %add3A_937, %get3A_972 : vector<16xf32>
        %add3A_974 = arith.constant 10 : i32
        %add3A_975 = arith.addi %mul3A_599, %add3A_974 : i32
        %get3A_976 = arith.constant 0 : i32
        %get3A_977 = arith.index_cast %get3A_976 : i32 to index
        %get3A_978 = arith.index_cast %add3A_975 : i32 to index
        %get3A_979 = arith.constant 48 : index
        %get3A_980 = tpu.vector_load %arg6[%get3A_977, %get3A_978, %get3A_979] {strides = array<i32>} : memref<2x800x64xf32, #tpu.memory_space<vmem>>, vector<1x1x16xf32>,
        %get3A_981 = vector.shape_cast %get3A_980 : vector<1x1x16xf32> to vector<16xf32>
        %add3A_982 = arith.addf %add3A_946, %get3A_981 : vector<16xf32>
        %add3A_983 = arith.constant 11 : i32
        %add3A_984 = arith.addi %mul3A_599, %add3A_983 : i32
        %get3A_985 = arith.constant 0 : i32
        %get3A_986 = arith.index_cast %get3A_985 : i32 to index
        %get3A_987 = arith.index_cast %add3A_984 : i32 to index
        %get3A_988 = arith.constant 0 : index
        %get3A_989 = tpu.vector_load %arg6[%get3A_986, %get3A_987, %get3A_988] {strides = array<i32>} : memref<2x800x64xf32, #tpu.memory_space<vmem>>, vector<1x1x16xf32>,
        %get3A_990 = vector.shape_cast %get3A_989 : vector<1x1x16xf32> to vector<16xf32>
        %add3A_991 = arith.addf %add3A_955, %get3A_990 : vector<16xf32>
        %add3A_992 = arith.constant 11 : i32
        %add3A_993 = arith.addi %mul3A_599, %add3A_992 : i32
        %get3A_994 = arith.constant 0 : i32
        %get3A_995 = arith.index_cast %get3A_994 : i32 to index
        %get3A_996 = arith.index_cast %add3A_993 : i32 to index
        %get3A_997 = arith.constant 16 : index
        %get3A_998 = tpu.vector_load %arg6[%get3A_995, %get3A_996, %get3A_997] {strides = array<i32>} : memref<2x800x64xf32, #tpu.memory_space<vmem>>, vector<1x1x16xf32>,
        %get3A_999 = vector.shape_cast %get3A_998 : vector<1x1x16xf32> to vector<16xf32>
        %add3A_1000 = arith.addf %add3A_964, %get3A_999 : vector<16xf32>
        %add3A_1001 = arith.constant 11 : i32
        %add3A_1002 = arith.addi %mul3A_599, %add3A_1001 : i32
        %get3A_1003 = arith.constant 0 : i32
        %get3A_1004 = arith.index_cast %get3A_1003 : i32 to index
        %get3A_1005 = arith.index_cast %add3A_1002 : i32 to index
        %get3A_1006 = arith.constant 32 : index
        %get3A_1007 = tpu.vector_load %arg6[%get3A_1004, %get3A_1005, %get3A_1006] {strides = array<i32>} : memref<2x800x64xf32, #tpu.memory_space<vmem>>, vector<1x1x16xf32>,
        %get3A_1008 = vector.shape_cast %get3A_1007 : vector<1x1x16xf32> to vector<16xf32>
        %add3A_1009 = arith.addf %add3A_973, %get3A_1008 : vector<16xf32>
        %add3A_1010 = arith.constant 11 : i32
        %add3A_1011 = arith.addi %mul3A_599, %add3A_1010 : i32
        %get3A_1012 = arith.constant 0 : i32
        %get3A_1013 = arith.index_cast %get3A_1012 : i32 to index
        %get3A_1014 = arith.index_cast %add3A_1011 : i32 to index
        %get3A_1015 = arith.constant 48 : index
        %get3A_1016 = tpu.vector_load %arg6[%get3A_1013, %get3A_1014, %get3A_1015] {strides = array<i32>} : memref<2x800x64xf32, #tpu.memory_space<vmem>>, vector<1x1x16xf32>,
        %get3A_1017 = vector.shape_cast %get3A_1016 : vector<1x1x16xf32> to vector<16xf32>
        %add3A_1018 = arith.addf %add3A_982, %get3A_1017 : vector<16xf32>
        %add3A_1019 = arith.constant 12 : i32
        %add3A_1020 = arith.addi %mul3A_599, %add3A_1019 : i32
        %get3A_1021 = arith.constant 0 : i32
        %get3A_1022 = arith.index_cast %get3A_1021 : i32 to index
        %get3A_1023 = arith.index_cast %add3A_1020 : i32 to index
        %get3A_1024 = arith.constant 0 : index
        %get3A_1025 = tpu.vector_load %arg6[%get3A_1022, %get3A_1023, %get3A_1024] {strides = array<i32>} : memref<2x800x64xf32, #tpu.memory_space<vmem>>, vector<1x1x16xf32>,
        %get3A_1026 = vector.shape_cast %get3A_1025 : vector<1x1x16xf32> to vector<16xf32>
        %add3A_1027 = arith.addf %add3A_991, %get3A_1026 : vector<16xf32>
        %add3A_1028 = arith.constant 12 : i32
        %add3A_1029 = arith.addi %mul3A_599, %add3A_1028 : i32
        %get3A_1030 = arith.constant 0 : i32
        %get3A_1031 = arith.index_cast %get3A_1030 : i32 to index
        %get3A_1032 = arith.index_cast %add3A_1029 : i32 to index
        %get3A_1033 = arith.constant 16 : index
        %get3A_1034 = tpu.vector_load %arg6[%get3A_1031, %get3A_1032, %get3A_1033] {strides = array<i32>} : memref<2x800x64xf32, #tpu.memory_space<vmem>>, vector<1x1x16xf32>,
        %get3A_1035 = vector.shape_cast %get3A_1034 : vector<1x1x16xf32> to vector<16xf32>
        %add3A_1036 = arith.addf %add3A_1000, %get3A_1035 : vector<16xf32>
        %add3A_1037 = arith.constant 12 : i32
        %add3A_1038 = arith.addi %mul3A_599, %add3A_1037 : i32
        %get3A_1039 = arith.constant 0 : i32
        %get3A_1040 = arith.index_cast %get3A_1039 : i32 to index
        %get3A_1041 = arith.index_cast %add3A_1038 : i32 to index
        %get3A_1042 = arith.constant 32 : index
        %get3A_1043 = tpu.vector_load %arg6[%get3A_1040, %get3A_1041, %get3A_1042] {strides = array<i32>} : memref<2x800x64xf32, #tpu.memory_space<vmem>>, vector<1x1x16xf32>,
        %get3A_1044 = vector.shape_cast %get3A_1043 : vector<1x1x16xf32> to vector<16xf32>
        %add3A_1045 = arith.addf %add3A_1009, %get3A_1044 : vector<16xf32>
        %add3A_1046 = arith.constant 12 : i32
        %add3A_1047 = arith.addi %mul3A_599, %add3A_1046 : i32
        %get3A_1048 = arith.constant 0 : i32
        %get3A_1049 = arith.index_cast %get3A_1048 : i32 to index
        %get3A_1050 = arith.index_cast %add3A_1047 : i32 to index
        %get3A_1051 = arith.constant 48 : index
        %get3A_1052 = tpu.vector_load %arg6[%get3A_1049, %get3A_1050, %get3A_1051] {strides = array<i32>} : memref<2x800x64xf32, #tpu.memory_space<vmem>>, vector<1x1x16xf32>,
        %get3A_1053 = vector.shape_cast %get3A_1052 : vector<1x1x16xf32> to vector<16xf32>
        %add3A_1054 = arith.addf %add3A_1018, %get3A_1053 : vector<16xf32>
        %add3A_1055 = arith.constant 13 : i32
        %add3A_1056 = arith.addi %mul3A_599, %add3A_1055 : i32
        %get3A_1057 = arith.constant 0 : i32
        %get3A_1058 = arith.index_cast %get3A_1057 : i32 to index
        %get3A_1059 = arith.index_cast %add3A_1056 : i32 to index
        %get3A_1060 = arith.constant 0 : index
        %get3A_1061 = tpu.vector_load %arg6[%get3A_1058, %get3A_1059, %get3A_1060] {strides = array<i32>} : memref<2x800x64xf32, #tpu.memory_space<vmem>>, vector<1x1x16xf32>,
        %get3A_1062 = vector.shape_cast %get3A_1061 : vector<1x1x16xf32> to vector<16xf32>
        %add3A_1063 = arith.addf %add3A_1027, %get3A_1062 : vector<16xf32>
        %add3A_1064 = arith.constant 13 : i32
        %add3A_1065 = arith.addi %mul3A_599, %add3A_1064 : i32
        %get3A_1066 = arith.constant 0 : i32
        %get3A_1067 = arith.index_cast %get3A_1066 : i32 to index
        %get3A_1068 = arith.index_cast %add3A_1065 : i32 to index
        %get3A_1069 = arith.constant 16 : index
        %get3A_1070 = tpu.vector_load %arg6[%get3A_1067, %get3A_1068, %get3A_1069] {strides = array<i32>} : memref<2x800x64xf32, #tpu.memory_space<vmem>>, vector<1x1x16xf32>,
        %get3A_1071 = vector.shape_cast %get3A_1070 : vector<1x1x16xf32> to vector<16xf32>
        %add3A_1072 = arith.addf %add3A_1036, %get3A_1071 : vector<16xf32>
        %add3A_1073 = arith.constant 13 : i32
        %add3A_1074 = arith.addi %mul3A_599, %add3A_1073 : i32
        %get3A_1075 = arith.constant 0 : i32
        %get3A_1076 = arith.index_cast %get3A_1075 : i32 to index
        %get3A_1077 = arith.index_cast %add3A_1074 : i32 to index
        %get3A_1078 = arith.constant 32 : index
        %get3A_1079 = tpu.vector_load %arg6[%get3A_1076, %get3A_1077, %get3A_1078] {strides = array<i32>} : memref<2x800x64xf32, #tpu.memory_space<vmem>>, vector<1x1x16xf32>,
        %get3A_1080 = vector.shape_cast %get3A_1079 : vector<1x1x16xf32> to vector<16xf32>
        %add3A_1081 = arith.addf %add3A_1045, %get3A_1080 : vector<16xf32>
        %add3A_1082 = arith.constant 13 : i32
        %add3A_1083 = arith.addi %mul3A_599, %add3A_1082 : i32
        %get3A_1084 = arith.constant 0 : i32
        %get3A_1085 = arith.index_cast %get3A_1084 : i32 to index
        %get3A_1086 = arith.index_cast %add3A_1083 : i32 to index
        %get3A_1087 = arith.constant 48 : index
        %get3A_1088 = tpu.vector_load %arg6[%get3A_1085, %get3A_1086, %get3A_1087] {strides = array<i32>} : memref<2x800x64xf32, #tpu.memory_space<vmem>>, vector<1x1x16xf32>,
        %get3A_1089 = vector.shape_cast %get3A_1088 : vector<1x1x16xf32> to vector<16xf32>
        %add3A_1090 = arith.addf %add3A_1054, %get3A_1089 : vector<16xf32>
        %add3A_1091 = arith.constant 14 : i32
        %add3A_1092 = arith.addi %mul3A_599, %add3A_1091 : i32
        %get3A_1093 = arith.constant 0 : i32
        %get3A_1094 = arith.index_cast %get3A_1093 : i32 to index
        %get3A_1095 = arith.index_cast %add3A_1092 : i32 to index
        %get3A_1096 = arith.constant 0 : index
        %get3A_1097 = tpu.vector_load %arg6[%get3A_1094, %get3A_1095, %get3A_1096] {strides = array<i32>} : memref<2x800x64xf32, #tpu.memory_space<vmem>>, vector<1x1x16xf32>,
        %get3A_1098 = vector.shape_cast %get3A_1097 : vector<1x1x16xf32> to vector<16xf32>
        %add3A_1099 = arith.addf %add3A_1063, %get3A_1098 : vector<16xf32>
        %add3A_1100 = arith.constant 14 : i32
        %add3A_1101 = arith.addi %mul3A_599, %add3A_1100 : i32
        %get3A_1102 = arith.constant 0 : i32
        %get3A_1103 = arith.index_cast %get3A_1102 : i32 to index
        %get3A_1104 = arith.index_cast %add3A_1101 : i32 to index
        %get3A_1105 = arith.constant 16 : index
        %get3A_1106 = tpu.vector_load %arg6[%get3A_1103, %get3A_1104, %get3A_1105] {strides = array<i32>} : memref<2x800x64xf32, #tpu.memory_space<vmem>>, vector<1x1x16xf32>,
        %get3A_1107 = vector.shape_cast %get3A_1106 : vector<1x1x16xf32> to vector<16xf32>
        %add3A_1108 = arith.addf %add3A_1072, %get3A_1107 : vector<16xf32>
        %add3A_1109 = arith.constant 14 : i32
        %add3A_1110 = arith.addi %mul3A_599, %add3A_1109 : i32
        %get3A_1111 = arith.constant 0 : i32
        %get3A_1112 = arith.index_cast %get3A_1111 : i32 to index
        %get3A_1113 = arith.index_cast %add3A_1110 : i32 to index
        %get3A_1114 = arith.constant 32 : index
        %get3A_1115 = tpu.vector_load %arg6[%get3A_1112, %get3A_1113, %get3A_1114] {strides = array<i32>} : memref<2x800x64xf32, #tpu.memory_space<vmem>>, vector<1x1x16xf32>,
        %get3A_1116 = vector.shape_cast %get3A_1115 : vector<1x1x16xf32> to vector<16xf32>
        %add3A_1117 = arith.addf %add3A_1081, %get3A_1116 : vector<16xf32>
        %add3A_1118 = arith.constant 14 : i32
        %add3A_1119 = arith.addi %mul3A_599, %add3A_1118 : i32
        %get3A_1120 = arith.constant 0 : i32
        %get3A_1121 = arith.index_cast %get3A_1120 : i32 to index
        %get3A_1122 = arith.index_cast %add3A_1119 : i32 to index
        %get3A_1123 = arith.constant 48 : index
        %get3A_1124 = tpu.vector_load %arg6[%get3A_1121, %get3A_1122, %get3A_1123] {strides = array<i32>} : memref<2x800x64xf32, #tpu.memory_space<vmem>>, vector<1x1x16xf32>,
        %get3A_1125 = vector.shape_cast %get3A_1124 : vector<1x1x16xf32> to vector<16xf32>
        %add3A_1126 = arith.addf %add3A_1090, %get3A_1125 : vector<16xf32>
        %add3A_1127 = arith.constant 15 : i32
        %add3A_1128 = arith.addi %mul3A_599, %add3A_1127 : i32
        %get3A_1129 = arith.constant 0 : i32
        %get3A_1130 = arith.index_cast %get3A_1129 : i32 to index
        %get3A_1131 = arith.index_cast %add3A_1128 : i32 to index
        %get3A_1132 = arith.constant 0 : index
        %get3A_1133 = tpu.vector_load %arg6[%get3A_1130, %get3A_1131, %get3A_1132] {strides = array<i32>} : memref<2x800x64xf32, #tpu.memory_space<vmem>>, vector<1x1x16xf32>,
        %get3A_1134 = vector.shape_cast %get3A_1133 : vector<1x1x16xf32> to vector<16xf32>
        %add3A_1135 = arith.addf %add3A_1099, %get3A_1134 : vector<16xf32>
        %add3A_1136 = arith.constant 15 : i32
        %add3A_1137 = arith.addi %mul3A_599, %add3A_1136 : i32
        %get3A_1138 = arith.constant 0 : i32
        %get3A_1139 = arith.index_cast %get3A_1138 : i32 to index
        %get3A_1140 = arith.index_cast %add3A_1137 : i32 to index
        %get3A_1141 = arith.constant 16 : index
        %get3A_1142 = tpu.vector_load %arg6[%get3A_1139, %get3A_1140, %get3A_1141] {strides = array<i32>} : memref<2x800x64xf32, #tpu.memory_space<vmem>>, vector<1x1x16xf32>,
        %get3A_1143 = vector.shape_cast %get3A_1142 : vector<1x1x16xf32> to vector<16xf32>
        %add3A_1144 = arith.addf %add3A_1108, %get3A_1143 : vector<16xf32>
        %add3A_1145 = arith.constant 15 : i32
        %add3A_1146 = arith.addi %mul3A_599, %add3A_1145 : i32
        %get3A_1147 = arith.constant 0 : i32
        %get3A_1148 = arith.index_cast %get3A_1147 : i32 to index
        %get3A_1149 = arith.index_cast %add3A_1146 : i32 to index
        %get3A_1150 = arith.constant 32 : index
        %get3A_1151 = tpu.vector_load %arg6[%get3A_1148, %get3A_1149, %get3A_1150] {strides = array<i32>} : memref<2x800x64xf32, #tpu.memory_space<vmem>>, vector<1x1x16xf32>,
        %get3A_1152 = vector.shape_cast %get3A_1151 : vector<1x1x16xf32> to vector<16xf32>
        %add3A_1153 = arith.addf %add3A_1117, %get3A_1152 : vector<16xf32>
        %add3A_1154 = arith.constant 15 : i32
        %add3A_1155 = arith.addi %mul3A_599, %add3A_1154 : i32
        %get3A_1156 = arith.constant 0 : i32
        %get3A_1157 = arith.index_cast %get3A_1156 : i32 to index
        %get3A_1158 = arith.index_cast %add3A_1155 : i32 to index
        %get3A_1159 = arith.constant 48 : index
        %get3A_1160 = tpu.vector_load %arg6[%get3A_1157, %get3A_1158, %get3A_1159] {strides = array<i32>} : memref<2x800x64xf32, #tpu.memory_space<vmem>>, vector<1x1x16xf32>,
        %get3A_1161 = vector.shape_cast %get3A_1160 : vector<1x1x16xf32> to vector<16xf32>
        %add3A_1162 = arith.addf %add3A_1126, %get3A_1161 : vector<16xf32>
        %add3A_1163 = arith.constant 16 : i32
        %add3A_1164 = arith.addi %mul3A_599, %add3A_1163 : i32
        %get3A_1165 = arith.constant 0 : i32
        %get3A_1166 = arith.index_cast %get3A_1165 : i32 to index
        %get3A_1167 = arith.index_cast %add3A_1164 : i32 to index
        %get3A_1168 = arith.constant 0 : index
        %get3A_1169 = tpu.vector_load %arg6[%get3A_1166, %get3A_1167, %get3A_1168] {strides = array<i32>} : memref<2x800x64xf32, #tpu.memory_space<vmem>>, vector<1x1x16xf32>,
        %get3A_1170 = vector.shape_cast %get3A_1169 : vector<1x1x16xf32> to vector<16xf32>
        %add3A_1171 = arith.addf %add3A_1135, %get3A_1170 : vector<16xf32>
        %add3A_1172 = arith.constant 16 : i32
        %add3A_1173 = arith.addi %mul3A_599, %add3A_1172 : i32
        %get3A_1174 = arith.constant 0 : i32
        %get3A_1175 = arith.index_cast %get3A_1174 : i32 to index
        %get3A_1176 = arith.index_cast %add3A_1173 : i32 to index
        %get3A_1177 = arith.constant 16 : index
        %get3A_1178 = tpu.vector_load %arg6[%get3A_1175, %get3A_1176, %get3A_1177] {strides = array<i32>} : memref<2x800x64xf32, #tpu.memory_space<vmem>>, vector<1x1x16xf32>,
        %get3A_1179 = vector.shape_cast %get3A_1178 : vector<1x1x16xf32> to vector<16xf32>
        %add3A_1180 = arith.addf %add3A_1144, %get3A_1179 : vector<16xf32>
        %add3A_1181 = arith.constant 16 : i32
        %add3A_1182 = arith.addi %mul3A_599, %add3A_1181 : i32
        %get3A_1183 = arith.constant 0 : i32
        %get3A_1184 = arith.index_cast %get3A_1183 : i32 to index
        %get3A_1185 = arith.index_cast %add3A_1182 : i32 to index
        %get3A_1186 = arith.constant 32 : index
        %get3A_1187 = tpu.vector_load %arg6[%get3A_1184, %get3A_1185, %get3A_1186] {strides = array<i32>} : memref<2x800x64xf32, #tpu.memory_space<vmem>>, vector<1x1x16xf32>,
        %get3A_1188 = vector.shape_cast %get3A_1187 : vector<1x1x16xf32> to vector<16xf32>
        %add3A_1189 = arith.addf %add3A_1153, %get3A_1188 : vector<16xf32>
        %add3A_1190 = arith.constant 16 : i32
        %add3A_1191 = arith.addi %mul3A_599, %add3A_1190 : i32
        %get3A_1192 = arith.constant 0 : i32
        %get3A_1193 = arith.index_cast %get3A_1192 : i32 to index
        %get3A_1194 = arith.index_cast %add3A_1191 : i32 to index
        %get3A_1195 = arith.constant 48 : index
        %get3A_1196 = tpu.vector_load %arg6[%get3A_1193, %get3A_1194, %get3A_1195] {strides = array<i32>} : memref<2x800x64xf32, #tpu.memory_space<vmem>>, vector<1x1x16xf32>,
        %get3A_1197 = vector.shape_cast %get3A_1196 : vector<1x1x16xf32> to vector<16xf32>
        %add3A_1198 = arith.addf %add3A_1162, %get3A_1197 : vector<16xf32>
        %add3A_1199 = arith.constant 17 : i32
        %add3A_1200 = arith.addi %mul3A_599, %add3A_1199 : i32
        %get3A_1201 = arith.constant 0 : i32
        %get3A_1202 = arith.index_cast %get3A_1201 : i32 to index
        %get3A_1203 = arith.index_cast %add3A_1200 : i32 to index
        %get3A_1204 = arith.constant 0 : index
        %get3A_1205 = tpu.vector_load %arg6[%get3A_1202, %get3A_1203, %get3A_1204] {strides = array<i32>} : memref<2x800x64xf32, #tpu.memory_space<vmem>>, vector<1x1x16xf32>,
        %get3A_1206 = vector.shape_cast %get3A_1205 : vector<1x1x16xf32> to vector<16xf32>
        %add3A_1207 = arith.addf %add3A_1171, %get3A_1206 : vector<16xf32>
        %add3A_1208 = arith.constant 17 : i32
        %add3A_1209 = arith.addi %mul3A_599, %add3A_1208 : i32
        %get3A_1210 = arith.constant 0 : i32
        %get3A_1211 = arith.index_cast %get3A_1210 : i32 to index
        %get3A_1212 = arith.index_cast %add3A_1209 : i32 to index
        %get3A_1213 = arith.constant 16 : index
        %get3A_1214 = tpu.vector_load %arg6[%get3A_1211, %get3A_1212, %get3A_1213] {strides = array<i32>} : memref<2x800x64xf32, #tpu.memory_space<vmem>>, vector<1x1x16xf32>,
        %get3A_1215 = vector.shape_cast %get3A_1214 : vector<1x1x16xf32> to vector<16xf32>
        %add3A_1216 = arith.addf %add3A_1180, %get3A_1215 : vector<16xf32>
        %add3A_1217 = arith.constant 17 : i32
        %add3A_1218 = arith.addi %mul3A_599, %add3A_1217 : i32
        %get3A_1219 = arith.constant 0 : i32
        %get3A_1220 = arith.index_cast %get3A_1219 : i32 to index
        %get3A_1221 = arith.index_cast %add3A_1218 : i32 to index
        %get3A_1222 = arith.constant 32 : index
        %get3A_1223 = tpu.vector_load %arg6[%get3A_1220, %get3A_1221, %get3A_1222] {strides = array<i32>} : memref<2x800x64xf32, #tpu.memory_space<vmem>>, vector<1x1x16xf32>,
        %get3A_1224 = vector.shape_cast %get3A_1223 : vector<1x1x16xf32> to vector<16xf32>
        %add3A_1225 = arith.addf %add3A_1189, %get3A_1224 : vector<16xf32>
        %add3A_1226 = arith.constant 17 : i32
        %add3A_1227 = arith.addi %mul3A_599, %add3A_1226 : i32
        %get3A_1228 = arith.constant 0 : i32
        %get3A_1229 = arith.index_cast %get3A_1228 : i32 to index
        %get3A_1230 = arith.index_cast %add3A_1227 : i32 to index
        %get3A_1231 = arith.constant 48 : index
        %get3A_1232 = tpu.vector_load %arg6[%get3A_1229, %get3A_1230, %get3A_1231] {strides = array<i32>} : memref<2x800x64xf32, #tpu.memory_space<vmem>>, vector<1x1x16xf32>,
        %get3A_1233 = vector.shape_cast %get3A_1232 : vector<1x1x16xf32> to vector<16xf32>
        %add3A_1234 = arith.addf %add3A_1198, %get3A_1233 : vector<16xf32>
        %add3A_1235 = arith.constant 18 : i32
        %add3A_1236 = arith.addi %mul3A_599, %add3A_1235 : i32
        %get3A_1237 = arith.constant 0 : i32
        %get3A_1238 = arith.index_cast %get3A_1237 : i32 to index
        %get3A_1239 = arith.index_cast %add3A_1236 : i32 to index
        %get3A_1240 = arith.constant 0 : index
        %get3A_1241 = tpu.vector_load %arg6[%get3A_1238, %get3A_1239, %get3A_1240] {strides = array<i32>} : memref<2x800x64xf32, #tpu.memory_space<vmem>>, vector<1x1x16xf32>,
        %get3A_1242 = vector.shape_cast %get3A_1241 : vector<1x1x16xf32> to vector<16xf32>
        %add3A_1243 = arith.addf %add3A_1207, %get3A_1242 : vector<16xf32>
        %add3A_1244 = arith.constant 18 : i32
        %add3A_1245 = arith.addi %mul3A_599, %add3A_1244 : i32
        %get3A_1246 = arith.constant 0 : i32
        %get3A_1247 = arith.index_cast %get3A_1246 : i32 to index
        %get3A_1248 = arith.index_cast %add3A_1245 : i32 to index
        %get3A_1249 = arith.constant 16 : index
        %get3A_1250 = tpu.vector_load %arg6[%get3A_1247, %get3A_1248, %get3A_1249] {strides = array<i32>} : memref<2x800x64xf32, #tpu.memory_space<vmem>>, vector<1x1x16xf32>,
        %get3A_1251 = vector.shape_cast %get3A_1250 : vector<1x1x16xf32> to vector<16xf32>
        %add3A_1252 = arith.addf %add3A_1216, %get3A_1251 : vector<16xf32>
        %add3A_1253 = arith.constant 18 : i32
        %add3A_1254 = arith.addi %mul3A_599, %add3A_1253 : i32
        %get3A_1255 = arith.constant 0 : i32
        %get3A_1256 = arith.index_cast %get3A_1255 : i32 to index
        %get3A_1257 = arith.index_cast %add3A_1254 : i32 to index
        %get3A_1258 = arith.constant 32 : index
        %get3A_1259 = tpu.vector_load %arg6[%get3A_1256, %get3A_1257, %get3A_1258] {strides = array<i32>} : memref<2x800x64xf32, #tpu.memory_space<vmem>>, vector<1x1x16xf32>,
        %get3A_1260 = vector.shape_cast %get3A_1259 : vector<1x1x16xf32> to vector<16xf32>
        %add3A_1261 = arith.addf %add3A_1225, %get3A_1260 : vector<16xf32>
        %add3A_1262 = arith.constant 18 : i32
        %add3A_1263 = arith.addi %mul3A_599, %add3A_1262 : i32
        %get3A_1264 = arith.constant 0 : i32
        %get3A_1265 = arith.index_cast %get3A_1264 : i32 to index
        %get3A_1266 = arith.index_cast %add3A_1263 : i32 to index
        %get3A_1267 = arith.constant 48 : index
        %get3A_1268 = tpu.vector_load %arg6[%get3A_1265, %get3A_1266, %get3A_1267] {strides = array<i32>} : memref<2x800x64xf32, #tpu.memory_space<vmem>>, vector<1x1x16xf32>,
        %get3A_1269 = vector.shape_cast %get3A_1268 : vector<1x1x16xf32> to vector<16xf32>
        %add3A_1270 = arith.addf %add3A_1234, %get3A_1269 : vector<16xf32>
        %add3A_1271 = arith.constant 19 : i32
        %add3A_1272 = arith.addi %mul3A_599, %add3A_1271 : i32
        %get3A_1273 = arith.constant 0 : i32
        %get3A_1274 = arith.index_cast %get3A_1273 : i32 to index
        %get3A_1275 = arith.index_cast %add3A_1272 : i32 to index
        %get3A_1276 = arith.constant 0 : index
        %get3A_1277 = tpu.vector_load %arg6[%get3A_1274, %get3A_1275, %get3A_1276] {strides = array<i32>} : memref<2x800x64xf32, #tpu.memory_space<vmem>>, vector<1x1x16xf32>,
        %get3A_1278 = vector.shape_cast %get3A_1277 : vector<1x1x16xf32> to vector<16xf32>
        %add3A_1279 = arith.addf %add3A_1243, %get3A_1278 : vector<16xf32>
        %add3A_1280 = arith.constant 19 : i32
        %add3A_1281 = arith.addi %mul3A_599, %add3A_1280 : i32
        %get3A_1282 = arith.constant 0 : i32
        %get3A_1283 = arith.index_cast %get3A_1282 : i32 to index
        %get3A_1284 = arith.index_cast %add3A_1281 : i32 to index
        %get3A_1285 = arith.constant 16 : index
        %get3A_1286 = tpu.vector_load %arg6[%get3A_1283, %get3A_1284, %get3A_1285] {strides = array<i32>} : memref<2x800x64xf32, #tpu.memory_space<vmem>>, vector<1x1x16xf32>,
        %get3A_1287 = vector.shape_cast %get3A_1286 : vector<1x1x16xf32> to vector<16xf32>
        %add3A_1288 = arith.addf %add3A_1252, %get3A_1287 : vector<16xf32>
        %add3A_1289 = arith.constant 19 : i32
        %add3A_1290 = arith.addi %mul3A_599, %add3A_1289 : i32
        %get3A_1291 = arith.constant 0 : i32
        %get3A_1292 = arith.index_cast %get3A_1291 : i32 to index
        %get3A_1293 = arith.index_cast %add3A_1290 : i32 to index
        %get3A_1294 = arith.constant 32 : index
        %get3A_1295 = tpu.vector_load %arg6[%get3A_1292, %get3A_1293, %get3A_1294] {strides = array<i32>} : memref<2x800x64xf32, #tpu.memory_space<vmem>>, vector<1x1x16xf32>,
        %get3A_1296 = vector.shape_cast %get3A_1295 : vector<1x1x16xf32> to vector<16xf32>
        %add3A_1297 = arith.addf %add3A_1261, %get3A_1296 : vector<16xf32>
        %add3A_1298 = arith.constant 19 : i32
        %add3A_1299 = arith.addi %mul3A_599, %add3A_1298 : i32
        %get3A_1300 = arith.constant 0 : i32
        %get3A_1301 = arith.index_cast %get3A_1300 : i32 to index
        %get3A_1302 = arith.index_cast %add3A_1299 : i32 to index
        %get3A_1303 = arith.constant 48 : index
        %get3A_1304 = tpu.vector_load %arg6[%get3A_1301, %get3A_1302, %get3A_1303] {strides = array<i32>} : memref<2x800x64xf32, #tpu.memory_space<vmem>>, vector<1x1x16xf32>,
        %get3A_1305 = vector.shape_cast %get3A_1304 : vector<1x1x16xf32> to vector<16xf32>
        %add3A_1306 = arith.addf %add3A_1270, %get3A_1305 : vector<16xf32>
        %add3A_1307 = arith.constant 20 : i32
        %add3A_1308 = arith.addi %mul3A_599, %add3A_1307 : i32
        %get3A_1309 = arith.constant 0 : i32
        %get3A_1310 = arith.index_cast %get3A_1309 : i32 to index
        %get3A_1311 = arith.index_cast %add3A_1308 : i32 to index
        %get3A_1312 = arith.constant 0 : index
        %get3A_1313 = tpu.vector_load %arg6[%get3A_1310, %get3A_1311, %get3A_1312] {strides = array<i32>} : memref<2x800x64xf32, #tpu.memory_space<vmem>>, vector<1x1x16xf32>,
        %get3A_1314 = vector.shape_cast %get3A_1313 : vector<1x1x16xf32> to vector<16xf32>
        %add3A_1315 = arith.addf %add3A_1279, %get3A_1314 : vector<16xf32>
        %add3A_1316 = arith.constant 20 : i32
        %add3A_1317 = arith.addi %mul3A_599, %add3A_1316 : i32
        %get3A_1318 = arith.constant 0 : i32
        %get3A_1319 = arith.index_cast %get3A_1318 : i32 to index
        %get3A_1320 = arith.index_cast %add3A_1317 : i32 to index
        %get3A_1321 = arith.constant 16 : index
        %get3A_1322 = tpu.vector_load %arg6[%get3A_1319, %get3A_1320, %get3A_1321] {strides = array<i32>} : memref<2x800x64xf32, #tpu.memory_space<vmem>>, vector<1x1x16xf32>,
        %get3A_1323 = vector.shape_cast %get3A_1322 : vector<1x1x16xf32> to vector<16xf32>
        %add3A_1324 = arith.addf %add3A_1288, %get3A_1323 : vector<16xf32>
        %add3A_1325 = arith.constant 20 : i32
        %add3A_1326 = arith.addi %mul3A_599, %add3A_1325 : i32
        %get3A_1327 = arith.constant 0 : i32
        %get3A_1328 = arith.index_cast %get3A_1327 : i32 to index
        %get3A_1329 = arith.index_cast %add3A_1326 : i32 to index
        %get3A_1330 = arith.constant 32 : index
        %get3A_1331 = tpu.vector_load %arg6[%get3A_1328, %get3A_1329, %get3A_1330] {strides = array<i32>} : memref<2x800x64xf32, #tpu.memory_space<vmem>>, vector<1x1x16xf32>,
        %get3A_1332 = vector.shape_cast %get3A_1331 : vector<1x1x16xf32> to vector<16xf32>
        %add3A_1333 = arith.addf %add3A_1297, %get3A_1332 : vector<16xf32>
        %add3A_1334 = arith.constant 20 : i32
        %add3A_1335 = arith.addi %mul3A_599, %add3A_1334 : i32
        %get3A_1336 = arith.constant 0 : i32
        %get3A_1337 = arith.index_cast %get3A_1336 : i32 to index
        %get3A_1338 = arith.index_cast %add3A_1335 : i32 to index
        %get3A_1339 = arith.constant 48 : index
        %get3A_1340 = tpu.vector_load %arg6[%get3A_1337, %get3A_1338, %get3A_1339] {strides = array<i32>} : memref<2x800x64xf32, #tpu.memory_space<vmem>>, vector<1x1x16xf32>,
        %get3A_1341 = vector.shape_cast %get3A_1340 : vector<1x1x16xf32> to vector<16xf32>
        %add3A_1342 = arith.addf %add3A_1306, %get3A_1341 : vector<16xf32>
        %add3A_1343 = arith.constant 21 : i32
        %add3A_1344 = arith.addi %mul3A_599, %add3A_1343 : i32
        %get3A_1345 = arith.constant 0 : i32
        %get3A_1346 = arith.index_cast %get3A_1345 : i32 to index
        %get3A_1347 = arith.index_cast %add3A_1344 : i32 to index
        %get3A_1348 = arith.constant 0 : index
        %get3A_1349 = tpu.vector_load %arg6[%get3A_1346, %get3A_1347, %get3A_1348] {strides = array<i32>} : memref<2x800x64xf32, #tpu.memory_space<vmem>>, vector<1x1x16xf32>,
        %get3A_1350 = vector.shape_cast %get3A_1349 : vector<1x1x16xf32> to vector<16xf32>
        %add3A_1351 = arith.addf %add3A_1315, %get3A_1350 : vector<16xf32>
        %add3A_1352 = arith.constant 21 : i32
        %add3A_1353 = arith.addi %mul3A_599, %add3A_1352 : i32
        %get3A_1354 = arith.constant 0 : i32
        %get3A_1355 = arith.index_cast %get3A_1354 : i32 to index
        %get3A_1356 = arith.index_cast %add3A_1353 : i32 to index
        %get3A_1357 = arith.constant 16 : index
        %get3A_1358 = tpu.vector_load %arg6[%get3A_1355, %get3A_1356, %get3A_1357] {strides = array<i32>} : memref<2x800x64xf32, #tpu.memory_space<vmem>>, vector<1x1x16xf32>,
        %get3A_1359 = vector.shape_cast %get3A_1358 : vector<1x1x16xf32> to vector<16xf32>
        %add3A_1360 = arith.addf %add3A_1324, %get3A_1359 : vector<16xf32>
        %add3A_1361 = arith.constant 21 : i32
        %add3A_1362 = arith.addi %mul3A_599, %add3A_1361 : i32
        %get3A_1363 = arith.constant 0 : i32
        %get3A_1364 = arith.index_cast %get3A_1363 : i32 to index
        %get3A_1365 = arith.index_cast %add3A_1362 : i32 to index
        %get3A_1366 = arith.constant 32 : index
        %get3A_1367 = tpu.vector_load %arg6[%get3A_1364, %get3A_1365, %get3A_1366] {strides = array<i32>} : memref<2x800x64xf32, #tpu.memory_space<vmem>>, vector<1x1x16xf32>,
        %get3A_1368 = vector.shape_cast %get3A_1367 : vector<1x1x16xf32> to vector<16xf32>
        %add3A_1369 = arith.addf %add3A_1333, %get3A_1368 : vector<16xf32>
        %add3A_1370 = arith.constant 21 : i32
        %add3A_1371 = arith.addi %mul3A_599, %add3A_1370 : i32
        %get3A_1372 = arith.constant 0 : i32
        %get3A_1373 = arith.index_cast %get3A_1372 : i32 to index
        %get3A_1374 = arith.index_cast %add3A_1371 : i32 to index
        %get3A_1375 = arith.constant 48 : index
        %get3A_1376 = tpu.vector_load %arg6[%get3A_1373, %get3A_1374, %get3A_1375] {strides = array<i32>} : memref<2x800x64xf32, #tpu.memory_space<vmem>>, vector<1x1x16xf32>,
        %get3A_1377 = vector.shape_cast %get3A_1376 : vector<1x1x16xf32> to vector<16xf32>
        %add3A_1378 = arith.addf %add3A_1342, %get3A_1377 : vector<16xf32>
        %add3A_1379 = arith.constant 22 : i32
        %add3A_1380 = arith.addi %mul3A_599, %add3A_1379 : i32
        %get3A_1381 = arith.constant 0 : i32
        %get3A_1382 = arith.index_cast %get3A_1381 : i32 to index
        %get3A_1383 = arith.index_cast %add3A_1380 : i32 to index
        %get3A_1384 = arith.constant 0 : index
        %get3A_1385 = tpu.vector_load %arg6[%get3A_1382, %get3A_1383, %get3A_1384] {strides = array<i32>} : memref<2x800x64xf32, #tpu.memory_space<vmem>>, vector<1x1x16xf32>,
        %get3A_1386 = vector.shape_cast %get3A_1385 : vector<1x1x16xf32> to vector<16xf32>
        %add3A_1387 = arith.addf %add3A_1351, %get3A_1386 : vector<16xf32>
        %add3A_1388 = arith.constant 22 : i32
        %add3A_1389 = arith.addi %mul3A_599, %add3A_1388 : i32
        %get3A_1390 = arith.constant 0 : i32
        %get3A_1391 = arith.index_cast %get3A_1390 : i32 to index
        %get3A_1392 = arith.index_cast %add3A_1389 : i32 to index
        %get3A_1393 = arith.constant 16 : index
        %get3A_1394 = tpu.vector_load %arg6[%get3A_1391, %get3A_1392, %get3A_1393] {strides = array<i32>} : memref<2x800x64xf32, #tpu.memory_space<vmem>>, vector<1x1x16xf32>,
        %get3A_1395 = vector.shape_cast %get3A_1394 : vector<1x1x16xf32> to vector<16xf32>
        %add3A_1396 = arith.addf %add3A_1360, %get3A_1395 : vector<16xf32>
        %add3A_1397 = arith.constant 22 : i32
        %add3A_1398 = arith.addi %mul3A_599, %add3A_1397 : i32
        %get3A_1399 = arith.constant 0 : i32
        %get3A_1400 = arith.index_cast %get3A_1399 : i32 to index
        %get3A_1401 = arith.index_cast %add3A_1398 : i32 to index
        %get3A_1402 = arith.constant 32 : index
        %get3A_1403 = tpu.vector_load %arg6[%get3A_1400, %get3A_1401, %get3A_1402] {strides = array<i32>} : memref<2x800x64xf32, #tpu.memory_space<vmem>>, vector<1x1x16xf32>,
        %get3A_1404 = vector.shape_cast %get3A_1403 : vector<1x1x16xf32> to vector<16xf32>
        %add3A_1405 = arith.addf %add3A_1369, %get3A_1404 : vector<16xf32>
        %add3A_1406 = arith.constant 22 : i32
        %add3A_1407 = arith.addi %mul3A_599, %add3A_1406 : i32
        %get3A_1408 = arith.constant 0 : i32
        %get3A_1409 = arith.index_cast %get3A_1408 : i32 to index
        %get3A_1410 = arith.index_cast %add3A_1407 : i32 to index
        %get3A_1411 = arith.constant 48 : index
        %get3A_1412 = tpu.vector_load %arg6[%get3A_1409, %get3A_1410, %get3A_1411] {strides = array<i32>} : memref<2x800x64xf32, #tpu.memory_space<vmem>>, vector<1x1x16xf32>,
        %get3A_1413 = vector.shape_cast %get3A_1412 : vector<1x1x16xf32> to vector<16xf32>
        %add3A_1414 = arith.addf %add3A_1378, %get3A_1413 : vector<16xf32>
        %add3A_1415 = arith.constant 23 : i32
        %add3A_1416 = arith.addi %mul3A_599, %add3A_1415 : i32
        %get3A_1417 = arith.constant 0 : i32
        %get3A_1418 = arith.index_cast %get3A_1417 : i32 to index
        %get3A_1419 = arith.index_cast %add3A_1416 : i32 to index
        %get3A_1420 = arith.constant 0 : index
        %get3A_1421 = tpu.vector_load %arg6[%get3A_1418, %get3A_1419, %get3A_1420] {strides = array<i32>} : memref<2x800x64xf32, #tpu.memory_space<vmem>>, vector<1x1x16xf32>,
        %get3A_1422 = vector.shape_cast %get3A_1421 : vector<1x1x16xf32> to vector<16xf32>
        %add3A_1423 = arith.addf %add3A_1387, %get3A_1422 : vector<16xf32>
        %add3A_1424 = arith.constant 23 : i32
        %add3A_1425 = arith.addi %mul3A_599, %add3A_1424 : i32
        %get3A_1426 = arith.constant 0 : i32
        %get3A_1427 = arith.index_cast %get3A_1426 : i32 to index
        %get3A_1428 = arith.index_cast %add3A_1425 : i32 to index
        %get3A_1429 = arith.constant 16 : index
        %get3A_1430 = tpu.vector_load %arg6[%get3A_1427, %get3A_1428, %get3A_1429] {strides = array<i32>} : memref<2x800x64xf32, #tpu.memory_space<vmem>>, vector<1x1x16xf32>,
        %get3A_1431 = vector.shape_cast %get3A_1430 : vector<1x1x16xf32> to vector<16xf32>
        %add3A_1432 = arith.addf %add3A_1396, %get3A_1431 : vector<16xf32>
        %add3A_1433 = arith.constant 23 : i32
        %add3A_1434 = arith.addi %mul3A_599, %add3A_1433 : i32
        %get3A_1435 = arith.constant 0 : i32
        %get3A_1436 = arith.index_cast %get3A_1435 : i32 to index
        %get3A_1437 = arith.index_cast %add3A_1434 : i32 to index
        %get3A_1438 = arith.constant 32 : index
        %get3A_1439 = tpu.vector_load %arg6[%get3A_1436, %get3A_1437, %get3A_1438] {strides = array<i32>} : memref<2x800x64xf32, #tpu.memory_space<vmem>>, vector<1x1x16xf32>,
        %get3A_1440 = vector.shape_cast %get3A_1439 : vector<1x1x16xf32> to vector<16xf32>
        %add3A_1441 = arith.addf %add3A_1405, %get3A_1440 : vector<16xf32>
        %add3A_1442 = arith.constant 23 : i32
        %add3A_1443 = arith.addi %mul3A_599, %add3A_1442 : i32
        %get3A_1444 = arith.constant 0 : i32
        %get3A_1445 = arith.index_cast %get3A_1444 : i32 to index
        %get3A_1446 = arith.index_cast %add3A_1443 : i32 to index
        %get3A_1447 = arith.constant 48 : index
        %get3A_1448 = tpu.vector_load %arg6[%get3A_1445, %get3A_1446, %get3A_1447] {strides = array<i32>} : memref<2x800x64xf32, #tpu.memory_space<vmem>>, vector<1x1x16xf32>,
        %get3A_1449 = vector.shape_cast %get3A_1448 : vector<1x1x16xf32> to vector<16xf32>
        %add3A_1450 = arith.addf %add3A_1414, %get3A_1449 : vector<16xf32>
        %add3A_1451 = arith.constant 24 : i32
        %add3A_1452 = arith.addi %mul3A_599, %add3A_1451 : i32
        %get3A_1453 = arith.constant 0 : i32
        %get3A_1454 = arith.index_cast %get3A_1453 : i32 to index
        %get3A_1455 = arith.index_cast %add3A_1452 : i32 to index
        %get3A_1456 = arith.constant 0 : index
        %get3A_1457 = tpu.vector_load %arg6[%get3A_1454, %get3A_1455, %get3A_1456] {strides = array<i32>} : memref<2x800x64xf32, #tpu.memory_space<vmem>>, vector<1x1x16xf32>,
        %get3A_1458 = vector.shape_cast %get3A_1457 : vector<1x1x16xf32> to vector<16xf32>
        %add3A_1459 = arith.addf %add3A_1423, %get3A_1458 : vector<16xf32>
        %add3A_1460 = arith.constant 24 : i32
        %add3A_1461 = arith.addi %mul3A_599, %add3A_1460 : i32
        %get3A_1462 = arith.constant 0 : i32
        %get3A_1463 = arith.index_cast %get3A_1462 : i32 to index
        %get3A_1464 = arith.index_cast %add3A_1461 : i32 to index
        %get3A_1465 = arith.constant 16 : index
        %get3A_1466 = tpu.vector_load %arg6[%get3A_1463, %get3A_1464, %get3A_1465] {strides = array<i32>} : memref<2x800x64xf32, #tpu.memory_space<vmem>>, vector<1x1x16xf32>,
        %get3A_1467 = vector.shape_cast %get3A_1466 : vector<1x1x16xf32> to vector<16xf32>
        %add3A_1468 = arith.addf %add3A_1432, %get3A_1467 : vector<16xf32>
        %add3A_1469 = arith.constant 24 : i32
        %add3A_1470 = arith.addi %mul3A_599, %add3A_1469 : i32
        %get3A_1471 = arith.constant 0 : i32
        %get3A_1472 = arith.index_cast %get3A_1471 : i32 to index
        %get3A_1473 = arith.index_cast %add3A_1470 : i32 to index
        %get3A_1474 = arith.constant 32 : index
        %get3A_1475 = tpu.vector_load %arg6[%get3A_1472, %get3A_1473, %get3A_1474] {strides = array<i32>} : memref<2x800x64xf32, #tpu.memory_space<vmem>>, vector<1x1x16xf32>,
        %get3A_1476 = vector.shape_cast %get3A_1475 : vector<1x1x16xf32> to vector<16xf32>
        %add3A_1477 = arith.addf %add3A_1441, %get3A_1476 : vector<16xf32>
        %add3A_1478 = arith.constant 24 : i32
        %add3A_1479 = arith.addi %mul3A_599, %add3A_1478 : i32
        %get3A_1480 = arith.constant 0 : i32
        %get3A_1481 = arith.index_cast %get3A_1480 : i32 to index
        %get3A_1482 = arith.index_cast %add3A_1479 : i32 to index
        %get3A_1483 = arith.constant 48 : index
        %get3A_1484 = tpu.vector_load %arg6[%get3A_1481, %get3A_1482, %get3A_1483] {strides = array<i32>} : memref<2x800x64xf32, #tpu.memory_space<vmem>>, vector<1x1x16xf32>,
        %get3A_1485 = vector.shape_cast %get3A_1484 : vector<1x1x16xf32> to vector<16xf32>
        %add3A_1486 = arith.addf %add3A_1450, %get3A_1485 : vector<16xf32>
        %add3A_1487 = arith.constant 25 : i32
        %add3A_1488 = arith.addi %mul3A_599, %add3A_1487 : i32
        %get3A_1489 = arith.constant 0 : i32
        %get3A_1490 = arith.index_cast %get3A_1489 : i32 to index
        %get3A_1491 = arith.index_cast %add3A_1488 : i32 to index
        %get3A_1492 = arith.constant 0 : index
        %get3A_1493 = tpu.vector_load %arg6[%get3A_1490, %get3A_1491, %get3A_1492] {strides = array<i32>} : memref<2x800x64xf32, #tpu.memory_space<vmem>>, vector<1x1x16xf32>,
        %get3A_1494 = vector.shape_cast %get3A_1493 : vector<1x1x16xf32> to vector<16xf32>
        %add3A_1495 = arith.addf %add3A_1459, %get3A_1494 : vector<16xf32>
        %add3A_1496 = arith.constant 25 : i32
        %add3A_1497 = arith.addi %mul3A_599, %add3A_1496 : i32
        %get3A_1498 = arith.constant 0 : i32
        %get3A_1499 = arith.index_cast %get3A_1498 : i32 to index
        %get3A_1500 = arith.index_cast %add3A_1497 : i32 to index
        %get3A_1501 = arith.constant 16 : index
        %get3A_1502 = tpu.vector_load %arg6[%get3A_1499, %get3A_1500, %get3A_1501] {strides = array<i32>} : memref<2x800x64xf32, #tpu.memory_space<vmem>>, vector<1x1x16xf32>,
        %get3A_1503 = vector.shape_cast %get3A_1502 : vector<1x1x16xf32> to vector<16xf32>
        %add3A_1504 = arith.addf %add3A_1468, %get3A_1503 : vector<16xf32>
        %add3A_1505 = arith.constant 25 : i32
        %add3A_1506 = arith.addi %mul3A_599, %add3A_1505 : i32
        %get3A_1507 = arith.constant 0 : i32
        %get3A_1508 = arith.index_cast %get3A_1507 : i32 to index
        %get3A_1509 = arith.index_cast %add3A_1506 : i32 to index
        %get3A_1510 = arith.constant 32 : index
        %get3A_1511 = tpu.vector_load %arg6[%get3A_1508, %get3A_1509, %get3A_1510] {strides = array<i32>} : memref<2x800x64xf32, #tpu.memory_space<vmem>>, vector<1x1x16xf32>,
        %get3A_1512 = vector.shape_cast %get3A_1511 : vector<1x1x16xf32> to vector<16xf32>
        %add3A_1513 = arith.addf %add3A_1477, %get3A_1512 : vector<16xf32>
        %add3A_1514 = arith.constant 25 : i32
        %add3A_1515 = arith.addi %mul3A_599, %add3A_1514 : i32
        %get3A_1516 = arith.constant 0 : i32
        %get3A_1517 = arith.index_cast %get3A_1516 : i32 to index
        %get3A_1518 = arith.index_cast %add3A_1515 : i32 to index
        %get3A_1519 = arith.constant 48 : index
        %get3A_1520 = tpu.vector_load %arg6[%get3A_1517, %get3A_1518, %get3A_1519] {strides = array<i32>} : memref<2x800x64xf32, #tpu.memory_space<vmem>>, vector<1x1x16xf32>,
        %get3A_1521 = vector.shape_cast %get3A_1520 : vector<1x1x16xf32> to vector<16xf32>
        %add3A_1522 = arith.addf %add3A_1486, %get3A_1521 : vector<16xf32>
        %add3A_1523 = arith.constant 26 : i32
        %add3A_1524 = arith.addi %mul3A_599, %add3A_1523 : i32
        %get3A_1525 = arith.constant 0 : i32
        %get3A_1526 = arith.index_cast %get3A_1525 : i32 to index
        %get3A_1527 = arith.index_cast %add3A_1524 : i32 to index
        %get3A_1528 = arith.constant 0 : index
        %get3A_1529 = tpu.vector_load %arg6[%get3A_1526, %get3A_1527, %get3A_1528] {strides = array<i32>} : memref<2x800x64xf32, #tpu.memory_space<vmem>>, vector<1x1x16xf32>,
        %get3A_1530 = vector.shape_cast %get3A_1529 : vector<1x1x16xf32> to vector<16xf32>
        %add3A_1531 = arith.addf %add3A_1495, %get3A_1530 : vector<16xf32>
        %add3A_1532 = arith.constant 26 : i32
        %add3A_1533 = arith.addi %mul3A_599, %add3A_1532 : i32
        %get3A_1534 = arith.constant 0 : i32
        %get3A_1535 = arith.index_cast %get3A_1534 : i32 to index
        %get3A_1536 = arith.index_cast %add3A_1533 : i32 to index
        %get3A_1537 = arith.constant 16 : index
        %get3A_1538 = tpu.vector_load %arg6[%get3A_1535, %get3A_1536, %get3A_1537] {strides = array<i32>} : memref<2x800x64xf32, #tpu.memory_space<vmem>>, vector<1x1x16xf32>,
        %get3A_1539 = vector.shape_cast %get3A_1538 : vector<1x1x16xf32> to vector<16xf32>
        %add3A_1540 = arith.addf %add3A_1504, %get3A_1539 : vector<16xf32>
        %add3A_1541 = arith.constant 26 : i32
        %add3A_1542 = arith.addi %mul3A_599, %add3A_1541 : i32
        %get3A_1543 = arith.constant 0 : i32
        %get3A_1544 = arith.index_cast %get3A_1543 : i32 to index
        %get3A_1545 = arith.index_cast %add3A_1542 : i32 to index
        %get3A_1546 = arith.constant 32 : index
        %get3A_1547 = tpu.vector_load %arg6[%get3A_1544, %get3A_1545, %get3A_1546] {strides = array<i32>} : memref<2x800x64xf32, #tpu.memory_space<vmem>>, vector<1x1x16xf32>,
        %get3A_1548 = vector.shape_cast %get3A_1547 : vector<1x1x16xf32> to vector<16xf32>
        %add3A_1549 = arith.addf %add3A_1513, %get3A_1548 : vector<16xf32>
        %add3A_1550 = arith.constant 26 : i32
        %add3A_1551 = arith.addi %mul3A_599, %add3A_1550 : i32
        %get3A_1552 = arith.constant 0 : i32
        %get3A_1553 = arith.index_cast %get3A_1552 : i32 to index
        %get3A_1554 = arith.index_cast %add3A_1551 : i32 to index
        %get3A_1555 = arith.constant 48 : index
        %get3A_1556 = tpu.vector_load %arg6[%get3A_1553, %get3A_1554, %get3A_1555] {strides = array<i32>} : memref<2x800x64xf32, #tpu.memory_space<vmem>>, vector<1x1x16xf32>,
        %get3A_1557 = vector.shape_cast %get3A_1556 : vector<1x1x16xf32> to vector<16xf32>
        %add3A_1558 = arith.addf %add3A_1522, %get3A_1557 : vector<16xf32>
        %add3A_1559 = arith.constant 27 : i32
        %add3A_1560 = arith.addi %mul3A_599, %add3A_1559 : i32
        %get3A_1561 = arith.constant 0 : i32
        %get3A_1562 = arith.index_cast %get3A_1561 : i32 to index
        %get3A_1563 = arith.index_cast %add3A_1560 : i32 to index
        %get3A_1564 = arith.constant 0 : index
        %get3A_1565 = tpu.vector_load %arg6[%get3A_1562, %get3A_1563, %get3A_1564] {strides = array<i32>} : memref<2x800x64xf32, #tpu.memory_space<vmem>>, vector<1x1x16xf32>,
        %get3A_1566 = vector.shape_cast %get3A_1565 : vector<1x1x16xf32> to vector<16xf32>
        %add3A_1567 = arith.addf %add3A_1531, %get3A_1566 : vector<16xf32>
        %add3A_1568 = arith.constant 27 : i32
        %add3A_1569 = arith.addi %mul3A_599, %add3A_1568 : i32
        %get3A_1570 = arith.constant 0 : i32
        %get3A_1571 = arith.index_cast %get3A_1570 : i32 to index
        %get3A_1572 = arith.index_cast %add3A_1569 : i32 to index
        %get3A_1573 = arith.constant 16 : index
        %get3A_1574 = tpu.vector_load %arg6[%get3A_1571, %get3A_1572, %get3A_1573] {strides = array<i32>} : memref<2x800x64xf32, #tpu.memory_space<vmem>>, vector<1x1x16xf32>,
        %get3A_1575 = vector.shape_cast %get3A_1574 : vector<1x1x16xf32> to vector<16xf32>
        %add3A_1576 = arith.addf %add3A_1540, %get3A_1575 : vector<16xf32>
        %add3A_1577 = arith.constant 27 : i32
        %add3A_1578 = arith.addi %mul3A_599, %add3A_1577 : i32
        %get3A_1579 = arith.constant 0 : i32
        %get3A_1580 = arith.index_cast %get3A_1579 : i32 to index
        %get3A_1581 = arith.index_cast %add3A_1578 : i32 to index
        %get3A_1582 = arith.constant 32 : index
        %get3A_1583 = tpu.vector_load %arg6[%get3A_1580, %get3A_1581, %get3A_1582] {strides = array<i32>} : memref<2x800x64xf32, #tpu.memory_space<vmem>>, vector<1x1x16xf32>,
        %get3A_1584 = vector.shape_cast %get3A_1583 : vector<1x1x16xf32> to vector<16xf32>
        %add3A_1585 = arith.addf %add3A_1549, %get3A_1584 : vector<16xf32>
        %add3A_1586 = arith.constant 27 : i32
        %add3A_1587 = arith.addi %mul3A_599, %add3A_1586 : i32
        %get3A_1588 = arith.constant 0 : i32
        %get3A_1589 = arith.index_cast %get3A_1588 : i32 to index
        %get3A_1590 = arith.index_cast %add3A_1587 : i32 to index
        %get3A_1591 = arith.constant 48 : index
        %get3A_1592 = tpu.vector_load %arg6[%get3A_1589, %get3A_1590, %get3A_1591] {strides = array<i32>} : memref<2x800x64xf32, #tpu.memory_space<vmem>>, vector<1x1x16xf32>,
        %get3A_1593 = vector.shape_cast %get3A_1592 : vector<1x1x16xf32> to vector<16xf32>
        %add3A_1594 = arith.addf %add3A_1558, %get3A_1593 : vector<16xf32>
        %add3A_1595 = arith.constant 28 : i32
        %add3A_1596 = arith.addi %mul3A_599, %add3A_1595 : i32
        %get3A_1597 = arith.constant 0 : i32
        %get3A_1598 = arith.index_cast %get3A_1597 : i32 to index
        %get3A_1599 = arith.index_cast %add3A_1596 : i32 to index
        %get3A_1600 = arith.constant 0 : index
        %get3A_1601 = tpu.vector_load %arg6[%get3A_1598, %get3A_1599, %get3A_1600] {strides = array<i32>} : memref<2x800x64xf32, #tpu.memory_space<vmem>>, vector<1x1x16xf32>,
        %get3A_1602 = vector.shape_cast %get3A_1601 : vector<1x1x16xf32> to vector<16xf32>
        %add3A_1603 = arith.addf %add3A_1567, %get3A_1602 : vector<16xf32>
        %add3A_1604 = arith.constant 28 : i32
        %add3A_1605 = arith.addi %mul3A_599, %add3A_1604 : i32
        %get3A_1606 = arith.constant 0 : i32
        %get3A_1607 = arith.index_cast %get3A_1606 : i32 to index
        %get3A_1608 = arith.index_cast %add3A_1605 : i32 to index
        %get3A_1609 = arith.constant 16 : index
        %get3A_1610 = tpu.vector_load %arg6[%get3A_1607, %get3A_1608, %get3A_1609] {strides = array<i32>} : memref<2x800x64xf32, #tpu.memory_space<vmem>>, vector<1x1x16xf32>,
        %get3A_1611 = vector.shape_cast %get3A_1610 : vector<1x1x16xf32> to vector<16xf32>
        %add3A_1612 = arith.addf %add3A_1576, %get3A_1611 : vector<16xf32>
        %add3A_1613 = arith.constant 28 : i32
        %add3A_1614 = arith.addi %mul3A_599, %add3A_1613 : i32
        %get3A_1615 = arith.constant 0 : i32
        %get3A_1616 = arith.index_cast %get3A_1615 : i32 to index
        %get3A_1617 = arith.index_cast %add3A_1614 : i32 to index
        %get3A_1618 = arith.constant 32 : index
        %get3A_1619 = tpu.vector_load %arg6[%get3A_1616, %get3A_1617, %get3A_1618] {strides = array<i32>} : memref<2x800x64xf32, #tpu.memory_space<vmem>>, vector<1x1x16xf32>,
        %get3A_1620 = vector.shape_cast %get3A_1619 : vector<1x1x16xf32> to vector<16xf32>
        %add3A_1621 = arith.addf %add3A_1585, %get3A_1620 : vector<16xf32>
        %add3A_1622 = arith.constant 28 : i32
        %add3A_1623 = arith.addi %mul3A_599, %add3A_1622 : i32
        %get3A_1624 = arith.constant 0 : i32
        %get3A_1625 = arith.index_cast %get3A_1624 : i32 to index
        %get3A_1626 = arith.index_cast %add3A_1623 : i32 to index
        %get3A_1627 = arith.constant 48 : index
        %get3A_1628 = tpu.vector_load %arg6[%get3A_1625, %get3A_1626, %get3A_1627] {strides = array<i32>} : memref<2x800x64xf32, #tpu.memory_space<vmem>>, vector<1x1x16xf32>,
        %get3A_1629 = vector.shape_cast %get3A_1628 : vector<1x1x16xf32> to vector<16xf32>
        %add3A_1630 = arith.addf %add3A_1594, %get3A_1629 : vector<16xf32>
        %add3A_1631 = arith.constant 29 : i32
        %add3A_1632 = arith.addi %mul3A_599, %add3A_1631 : i32
        %get3A_1633 = arith.constant 0 : i32
        %get3A_1634 = arith.index_cast %get3A_1633 : i32 to index
        %get3A_1635 = arith.index_cast %add3A_1632 : i32 to index
        %get3A_1636 = arith.constant 0 : index
        %get3A_1637 = tpu.vector_load %arg6[%get3A_1634, %get3A_1635, %get3A_1636] {strides = array<i32>} : memref<2x800x64xf32, #tpu.memory_space<vmem>>, vector<1x1x16xf32>,
        %get3A_1638 = vector.shape_cast %get3A_1637 : vector<1x1x16xf32> to vector<16xf32>
        %add3A_1639 = arith.addf %add3A_1603, %get3A_1638 : vector<16xf32>
        %add3A_1640 = arith.constant 29 : i32
        %add3A_1641 = arith.addi %mul3A_599, %add3A_1640 : i32
        %get3A_1642 = arith.constant 0 : i32
        %get3A_1643 = arith.index_cast %get3A_1642 : i32 to index
        %get3A_1644 = arith.index_cast %add3A_1641 : i32 to index
        %get3A_1645 = arith.constant 16 : index
        %get3A_1646 = tpu.vector_load %arg6[%get3A_1643, %get3A_1644, %get3A_1645] {strides = array<i32>} : memref<2x800x64xf32, #tpu.memory_space<vmem>>, vector<1x1x16xf32>,
        %get3A_1647 = vector.shape_cast %get3A_1646 : vector<1x1x16xf32> to vector<16xf32>
        %add3A_1648 = arith.addf %add3A_1612, %get3A_1647 : vector<16xf32>
        %add3A_1649 = arith.constant 29 : i32
        %add3A_1650 = arith.addi %mul3A_599, %add3A_1649 : i32
        %get3A_1651 = arith.constant 0 : i32
        %get3A_1652 = arith.index_cast %get3A_1651 : i32 to index
        %get3A_1653 = arith.index_cast %add3A_1650 : i32 to index
        %get3A_1654 = arith.constant 32 : index
        %get3A_1655 = tpu.vector_load %arg6[%get3A_1652, %get3A_1653, %get3A_1654] {strides = array<i32>} : memref<2x800x64xf32, #tpu.memory_space<vmem>>, vector<1x1x16xf32>,
        %get3A_1656 = vector.shape_cast %get3A_1655 : vector<1x1x16xf32> to vector<16xf32>
        %add3A_1657 = arith.addf %add3A_1621, %get3A_1656 : vector<16xf32>
        %add3A_1658 = arith.constant 29 : i32
        %add3A_1659 = arith.addi %mul3A_599, %add3A_1658 : i32
        %get3A_1660 = arith.constant 0 : i32
        %get3A_1661 = arith.index_cast %get3A_1660 : i32 to index
        %get3A_1662 = arith.index_cast %add3A_1659 : i32 to index
        %get3A_1663 = arith.constant 48 : index
        %get3A_1664 = tpu.vector_load %arg6[%get3A_1661, %get3A_1662, %get3A_1663] {strides = array<i32>} : memref<2x800x64xf32, #tpu.memory_space<vmem>>, vector<1x1x16xf32>,
        %get3A_1665 = vector.shape_cast %get3A_1664 : vector<1x1x16xf32> to vector<16xf32>
        %add3A_1666 = arith.addf %add3A_1630, %get3A_1665 : vector<16xf32>
        %add3A_1667 = arith.constant 30 : i32
        %add3A_1668 = arith.addi %mul3A_599, %add3A_1667 : i32
        %get3A_1669 = arith.constant 0 : i32
        %get3A_1670 = arith.index_cast %get3A_1669 : i32 to index
        %get3A_1671 = arith.index_cast %add3A_1668 : i32 to index
        %get3A_1672 = arith.constant 0 : index
        %get3A_1673 = tpu.vector_load %arg6[%get3A_1670, %get3A_1671, %get3A_1672] {strides = array<i32>} : memref<2x800x64xf32, #tpu.memory_space<vmem>>, vector<1x1x16xf32>,
        %get3A_1674 = vector.shape_cast %get3A_1673 : vector<1x1x16xf32> to vector<16xf32>
        %add3A_1675 = arith.addf %add3A_1639, %get3A_1674 : vector<16xf32>
        %add3A_1676 = arith.constant 30 : i32
        %add3A_1677 = arith.addi %mul3A_599, %add3A_1676 : i32
        %get3A_1678 = arith.constant 0 : i32
        %get3A_1679 = arith.index_cast %get3A_1678 : i32 to index
        %get3A_1680 = arith.index_cast %add3A_1677 : i32 to index
        %get3A_1681 = arith.constant 16 : index
        %get3A_1682 = tpu.vector_load %arg6[%get3A_1679, %get3A_1680, %get3A_1681] {strides = array<i32>} : memref<2x800x64xf32, #tpu.memory_space<vmem>>, vector<1x1x16xf32>,
        %get3A_1683 = vector.shape_cast %get3A_1682 : vector<1x1x16xf32> to vector<16xf32>
        %add3A_1684 = arith.addf %add3A_1648, %get3A_1683 : vector<16xf32>
        %add3A_1685 = arith.constant 30 : i32
        %add3A_1686 = arith.addi %mul3A_599, %add3A_1685 : i32
        %get3A_1687 = arith.constant 0 : i32
        %get3A_1688 = arith.index_cast %get3A_1687 : i32 to index
        %get3A_1689 = arith.index_cast %add3A_1686 : i32 to index
        %get3A_1690 = arith.constant 32 : index
        %get3A_1691 = tpu.vector_load %arg6[%get3A_1688, %get3A_1689, %get3A_1690] {strides = array<i32>} : memref<2x800x64xf32, #tpu.memory_space<vmem>>, vector<1x1x16xf32>,
        %get3A_1692 = vector.shape_cast %get3A_1691 : vector<1x1x16xf32> to vector<16xf32>
        %add3A_1693 = arith.addf %add3A_1657, %get3A_1692 : vector<16xf32>
        %add3A_1694 = arith.constant 30 : i32
        %add3A_1695 = arith.addi %mul3A_599, %add3A_1694 : i32
        %get3A_1696 = arith.constant 0 : i32
        %get3A_1697 = arith.index_cast %get3A_1696 : i32 to index
        %get3A_1698 = arith.index_cast %add3A_1695 : i32 to index
        %get3A_1699 = arith.constant 48 : index
        %get3A_1700 = tpu.vector_load %arg6[%get3A_1697, %get3A_1698, %get3A_1699] {strides = array<i32>} : memref<2x800x64xf32, #tpu.memory_space<vmem>>, vector<1x1x16xf32>,
        %get3A_1701 = vector.shape_cast %get3A_1700 : vector<1x1x16xf32> to vector<16xf32>
        %add3A_1702 = arith.addf %add3A_1666, %get3A_1701 : vector<16xf32>
        %add3A_1703 = arith.constant 31 : i32
        %add3A_1704 = arith.addi %mul3A_599, %add3A_1703 : i32
        %get3A_1705 = arith.constant 0 : i32
        %get3A_1706 = arith.index_cast %get3A_1705 : i32 to index
        %get3A_1707 = arith.index_cast %add3A_1704 : i32 to index
        %get3A_1708 = arith.constant 0 : index
        %get3A_1709 = tpu.vector_load %arg6[%get3A_1706, %get3A_1707, %get3A_1708] {strides = array<i32>} : memref<2x800x64xf32, #tpu.memory_space<vmem>>, vector<1x1x16xf32>,
        %get3A_1710 = vector.shape_cast %get3A_1709 : vector<1x1x16xf32> to vector<16xf32>
        %add3A_1711 = arith.addf %add3A_1675, %get3A_1710 : vector<16xf32>
        %add3A_1712 = arith.constant 31 : i32
        %add3A_1713 = arith.addi %mul3A_599, %add3A_1712 : i32
        %get3A_1714 = arith.constant 0 : i32
        %get3A_1715 = arith.index_cast %get3A_1714 : i32 to index
        %get3A_1716 = arith.index_cast %add3A_1713 : i32 to index
        %get3A_1717 = arith.constant 16 : index
        %get3A_1718 = tpu.vector_load %arg6[%get3A_1715, %get3A_1716, %get3A_1717] {strides = array<i32>} : memref<2x800x64xf32, #tpu.memory_space<vmem>>, vector<1x1x16xf32>,
        %get3A_1719 = vector.shape_cast %get3A_1718 : vector<1x1x16xf32> to vector<16xf32>
        %add3A_1720 = arith.addf %add3A_1684, %get3A_1719 : vector<16xf32>
        %add3A_1721 = arith.constant 31 : i32
        %add3A_1722 = arith.addi %mul3A_599, %add3A_1721 : i32
        %get3A_1723 = arith.constant 0 : i32
        %get3A_1724 = arith.index_cast %get3A_1723 : i32 to index
        %get3A_1725 = arith.index_cast %add3A_1722 : i32 to index
        %get3A_1726 = arith.constant 32 : index
        %get3A_1727 = tpu.vector_load %arg6[%get3A_1724, %get3A_1725, %get3A_1726] {strides = array<i32>} : memref<2x800x64xf32, #tpu.memory_space<vmem>>, vector<1x1x16xf32>,
        %get3A_1728 = vector.shape_cast %get3A_1727 : vector<1x1x16xf32> to vector<16xf32>
        %add3A_1729 = arith.addf %add3A_1693, %get3A_1728 : vector<16xf32>
        %add3A_1730 = arith.constant 31 : i32
        %add3A_1731 = arith.addi %mul3A_599, %add3A_1730 : i32
        %get3A_1732 = arith.constant 0 : i32
        %get3A_1733 = arith.index_cast %get3A_1732 : i32 to index
        %get3A_1734 = arith.index_cast %add3A_1731 : i32 to index
        %get3A_1735 = arith.constant 48 : index
        %get3A_1736 = tpu.vector_load %arg6[%get3A_1733, %get3A_1734, %get3A_1735] {strides = array<i32>} : memref<2x800x64xf32, #tpu.memory_space<vmem>>, vector<1x1x16xf32>,
        %get3A_1737 = vector.shape_cast %get3A_1736 : vector<1x1x16xf32> to vector<16xf32>
        %add3A_1738 = arith.addf %add3A_1702, %get3A_1737 : vector<16xf32>
        %add3A_1739 = arith.constant 32 : i32
        %add3A_1740 = arith.addi %mul3A_599, %add3A_1739 : i32
        %get3A_1741 = arith.constant 0 : i32
        %get3A_1742 = arith.index_cast %get3A_1741 : i32 to index
        %get3A_1743 = arith.index_cast %add3A_1740 : i32 to index
        %get3A_1744 = arith.constant 0 : index
        %get3A_1745 = tpu.vector_load %arg6[%get3A_1742, %get3A_1743, %get3A_1744] {strides = array<i32>} : memref<2x800x64xf32, #tpu.memory_space<vmem>>, vector<1x1x16xf32>,
        %get3A_1746 = vector.shape_cast %get3A_1745 : vector<1x1x16xf32> to vector<16xf32>
        %add3A_1747 = arith.addf %add3A_1711, %get3A_1746 : vector<16xf32>
        %add3A_1748 = arith.constant 32 : i32
        %add3A_1749 = arith.addi %mul3A_599, %add3A_1748 : i32
        %get3A_1750 = arith.constant 0 : i32
        %get3A_1751 = arith.index_cast %get3A_1750 : i32 to index
        %get3A_1752 = arith.index_cast %add3A_1749 : i32 to index
        %get3A_1753 = arith.constant 16 : index
        %get3A_1754 = tpu.vector_load %arg6[%get3A_1751, %get3A_1752, %get3A_1753] {strides = array<i32>} : memref<2x800x64xf32, #tpu.memory_space<vmem>>, vector<1x1x16xf32>,
        %get3A_1755 = vector.shape_cast %get3A_1754 : vector<1x1x16xf32> to vector<16xf32>
        %add3A_1756 = arith.addf %add3A_1720, %get3A_1755 : vector<16xf32>
        %add3A_1757 = arith.constant 32 : i32
        %add3A_1758 = arith.addi %mul3A_599, %add3A_1757 : i32
        %get3A_1759 = arith.constant 0 : i32
        %get3A_1760 = arith.index_cast %get3A_1759 : i32 to index
        %get3A_1761 = arith.index_cast %add3A_1758 : i32 to index
        %get3A_1762 = arith.constant 32 : index
        %get3A_1763 = tpu.vector_load %arg6[%get3A_1760, %get3A_1761, %get3A_1762] {strides = array<i32>} : memref<2x800x64xf32, #tpu.memory_space<vmem>>, vector<1x1x16xf32>,
        %get3A_1764 = vector.shape_cast %get3A_1763 : vector<1x1x16xf32> to vector<16xf32>
        %add3A_1765 = arith.addf %add3A_1729, %get3A_1764 : vector<16xf32>
        %add3A_1766 = arith.constant 32 : i32
        %add3A_1767 = arith.addi %mul3A_599, %add3A_1766 : i32
        %get3A_1768 = arith.constant 0 : i32
        %get3A_1769 = arith.index_cast %get3A_1768 : i32 to index
        %get3A_1770 = arith.index_cast %add3A_1767 : i32 to index
        %get3A_1771 = arith.constant 48 : index
        %get3A_1772 = tpu.vector_load %arg6[%get3A_1769, %get3A_1770, %get3A_1771] {strides = array<i32>} : memref<2x800x64xf32, #tpu.memory_space<vmem>>, vector<1x1x16xf32>,
        %get3A_1773 = vector.shape_cast %get3A_1772 : vector<1x1x16xf32> to vector<16xf32>
        %add3A_1774 = arith.addf %add3A_1738, %get3A_1773 : vector<16xf32>
        %add3A_1775 = arith.constant 33 : i32
        %add3A_1776 = arith.addi %mul3A_599, %add3A_1775 : i32
        %get3A_1777 = arith.constant 0 : i32
        %get3A_1778 = arith.index_cast %get3A_1777 : i32 to index
        %get3A_1779 = arith.index_cast %add3A_1776 : i32 to index
        %get3A_1780 = arith.constant 0 : index
        %get3A_1781 = tpu.vector_load %arg6[%get3A_1778, %get3A_1779, %get3A_1780] {strides = array<i32>} : memref<2x800x64xf32, #tpu.memory_space<vmem>>, vector<1x1x16xf32>,
        %get3A_1782 = vector.shape_cast %get3A_1781 : vector<1x1x16xf32> to vector<16xf32>
        %add3A_1783 = arith.addf %add3A_1747, %get3A_1782 : vector<16xf32>
        %add3A_1784 = arith.constant 33 : i32
        %add3A_1785 = arith.addi %mul3A_599, %add3A_1784 : i32
        %get3A_1786 = arith.constant 0 : i32
        %get3A_1787 = arith.index_cast %get3A_1786 : i32 to index
        %get3A_1788 = arith.index_cast %add3A_1785 : i32 to index
        %get3A_1789 = arith.constant 16 : index
        %get3A_1790 = tpu.vector_load %arg6[%get3A_1787, %get3A_1788, %get3A_1789] {strides = array<i32>} : memref<2x800x64xf32, #tpu.memory_space<vmem>>, vector<1x1x16xf32>,
        %get3A_1791 = vector.shape_cast %get3A_1790 : vector<1x1x16xf32> to vector<16xf32>
        %add3A_1792 = arith.addf %add3A_1756, %get3A_1791 : vector<16xf32>
        %add3A_1793 = arith.constant 33 : i32
        %add3A_1794 = arith.addi %mul3A_599, %add3A_1793 : i32
        %get3A_1795 = arith.constant 0 : i32
        %get3A_1796 = arith.index_cast %get3A_1795 : i32 to index
        %get3A_1797 = arith.index_cast %add3A_1794 : i32 to index
        %get3A_1798 = arith.constant 32 : index
        %get3A_1799 = tpu.vector_load %arg6[%get3A_1796, %get3A_1797, %get3A_1798] {strides = array<i32>} : memref<2x800x64xf32, #tpu.memory_space<vmem>>, vector<1x1x16xf32>,
        %get3A_1800 = vector.shape_cast %get3A_1799 : vector<1x1x16xf32> to vector<16xf32>
        %add3A_1801 = arith.addf %add3A_1765, %get3A_1800 : vector<16xf32>
        %add3A_1802 = arith.constant 33 : i32
        %add3A_1803 = arith.addi %mul3A_599, %add3A_1802 : i32
        %get3A_1804 = arith.constant 0 : i32
        %get3A_1805 = arith.index_cast %get3A_1804 : i32 to index
        %get3A_1806 = arith.index_cast %add3A_1803 : i32 to index
        %get3A_1807 = arith.constant 48 : index
        %get3A_1808 = tpu.vector_load %arg6[%get3A_1805, %get3A_1806, %get3A_1807] {strides = array<i32>} : memref<2x800x64xf32, #tpu.memory_space<vmem>>, vector<1x1x16xf32>,
        %get3A_1809 = vector.shape_cast %get3A_1808 : vector<1x1x16xf32> to vector<16xf32>
        %add3A_1810 = arith.addf %add3A_1774, %get3A_1809 : vector<16xf32>
        %add3A_1811 = arith.constant 34 : i32
        %add3A_1812 = arith.addi %mul3A_599, %add3A_1811 : i32
        %get3A_1813 = arith.constant 0 : i32
        %get3A_1814 = arith.index_cast %get3A_1813 : i32 to index
        %get3A_1815 = arith.index_cast %add3A_1812 : i32 to index
        %get3A_1816 = arith.constant 0 : index
        %get3A_1817 = tpu.vector_load %arg6[%get3A_1814, %get3A_1815, %get3A_1816] {strides = array<i32>} : memref<2x800x64xf32, #tpu.memory_space<vmem>>, vector<1x1x16xf32>,
        %get3A_1818 = vector.shape_cast %get3A_1817 : vector<1x1x16xf32> to vector<16xf32>
        %add3A_1819 = arith.addf %add3A_1783, %get3A_1818 : vector<16xf32>
        %add3A_1820 = arith.constant 34 : i32
        %add3A_1821 = arith.addi %mul3A_599, %add3A_1820 : i32
        %get3A_1822 = arith.constant 0 : i32
        %get3A_1823 = arith.index_cast %get3A_1822 : i32 to index
        %get3A_1824 = arith.index_cast %add3A_1821 : i32 to index
        %get3A_1825 = arith.constant 16 : index
        %get3A_1826 = tpu.vector_load %arg6[%get3A_1823, %get3A_1824, %get3A_1825] {strides = array<i32>} : memref<2x800x64xf32, #tpu.memory_space<vmem>>, vector<1x1x16xf32>,
        %get3A_1827 = vector.shape_cast %get3A_1826 : vector<1x1x16xf32> to vector<16xf32>
        %add3A_1828 = arith.addf %add3A_1792, %get3A_1827 : vector<16xf32>
        %add3A_1829 = arith.constant 34 : i32
        %add3A_1830 = arith.addi %mul3A_599, %add3A_1829 : i32
        %get3A_1831 = arith.constant 0 : i32
        %get3A_1832 = arith.index_cast %get3A_1831 : i32 to index
        %get3A_1833 = arith.index_cast %add3A_1830 : i32 to index
        %get3A_1834 = arith.constant 32 : index
        %get3A_1835 = tpu.vector_load %arg6[%get3A_1832, %get3A_1833, %get3A_1834] {strides = array<i32>} : memref<2x800x64xf32, #tpu.memory_space<vmem>>, vector<1x1x16xf32>,
        %get3A_1836 = vector.shape_cast %get3A_1835 : vector<1x1x16xf32> to vector<16xf32>
        %add3A_1837 = arith.addf %add3A_1801, %get3A_1836 : vector<16xf32>
        %add3A_1838 = arith.constant 34 : i32
        %add3A_1839 = arith.addi %mul3A_599, %add3A_1838 : i32
        %get3A_1840 = arith.constant 0 : i32
        %get3A_1841 = arith.index_cast %get3A_1840 : i32 to index
        %get3A_1842 = arith.index_cast %add3A_1839 : i32 to index
        %get3A_1843 = arith.constant 48 : index
        %get3A_1844 = tpu.vector_load %arg6[%get3A_1841, %get3A_1842, %get3A_1843] {strides = array<i32>} : memref<2x800x64xf32, #tpu.memory_space<vmem>>, vector<1x1x16xf32>,
        %get3A_1845 = vector.shape_cast %get3A_1844 : vector<1x1x16xf32> to vector<16xf32>
        %add3A_1846 = arith.addf %add3A_1810, %get3A_1845 : vector<16xf32>
        %add3A_1847 = arith.constant 35 : i32
        %add3A_1848 = arith.addi %mul3A_599, %add3A_1847 : i32
        %get3A_1849 = arith.constant 0 : i32
        %get3A_1850 = arith.index_cast %get3A_1849 : i32 to index
        %get3A_1851 = arith.index_cast %add3A_1848 : i32 to index
        %get3A_1852 = arith.constant 0 : index
        %get3A_1853 = tpu.vector_load %arg6[%get3A_1850, %get3A_1851, %get3A_1852] {strides = array<i32>} : memref<2x800x64xf32, #tpu.memory_space<vmem>>, vector<1x1x16xf32>,
        %get3A_1854 = vector.shape_cast %get3A_1853 : vector<1x1x16xf32> to vector<16xf32>
        %add3A_1855 = arith.addf %add3A_1819, %get3A_1854 : vector<16xf32>
        %add3A_1856 = arith.constant 35 : i32
        %add3A_1857 = arith.addi %mul3A_599, %add3A_1856 : i32
        %get3A_1858 = arith.constant 0 : i32
        %get3A_1859 = arith.index_cast %get3A_1858 : i32 to index
        %get3A_1860 = arith.index_cast %add3A_1857 : i32 to index
        %get3A_1861 = arith.constant 16 : index
        %get3A_1862 = tpu.vector_load %arg6[%get3A_1859, %get3A_1860, %get3A_1861] {strides = array<i32>} : memref<2x800x64xf32, #tpu.memory_space<vmem>>, vector<1x1x16xf32>,
        %get3A_1863 = vector.shape_cast %get3A_1862 : vector<1x1x16xf32> to vector<16xf32>
        %add3A_1864 = arith.addf %add3A_1828, %get3A_1863 : vector<16xf32>
        %add3A_1865 = arith.constant 35 : i32
        %add3A_1866 = arith.addi %mul3A_599, %add3A_1865 : i32
        %get3A_1867 = arith.constant 0 : i32
        %get3A_1868 = arith.index_cast %get3A_1867 : i32 to index
        %get3A_1869 = arith.index_cast %add3A_1866 : i32 to index
        %get3A_1870 = arith.constant 32 : index
        %get3A_1871 = tpu.vector_load %arg6[%get3A_1868, %get3A_1869, %get3A_1870] {strides = array<i32>} : memref<2x800x64xf32, #tpu.memory_space<vmem>>, vector<1x1x16xf32>,
        %get3A_1872 = vector.shape_cast %get3A_1871 : vector<1x1x16xf32> to vector<16xf32>
        %add3A_1873 = arith.addf %add3A_1837, %get3A_1872 : vector<16xf32>
        %add3A_1874 = arith.constant 35 : i32
        %add3A_1875 = arith.addi %mul3A_599, %add3A_1874 : i32
        %get3A_1876 = arith.constant 0 : i32
        %get3A_1877 = arith.index_cast %get3A_1876 : i32 to index
        %get3A_1878 = arith.index_cast %add3A_1875 : i32 to index
        %get3A_1879 = arith.constant 48 : index
        %get3A_1880 = tpu.vector_load %arg6[%get3A_1877, %get3A_1878, %get3A_1879] {strides = array<i32>} : memref<2x800x64xf32, #tpu.memory_space<vmem>>, vector<1x1x16xf32>,
        %get3A_1881 = vector.shape_cast %get3A_1880 : vector<1x1x16xf32> to vector<16xf32>
        %add3A_1882 = arith.addf %add3A_1846, %get3A_1881 : vector<16xf32>
        %add3A_1883 = arith.constant 36 : i32
        %add3A_1884 = arith.addi %mul3A_599, %add3A_1883 : i32
        %get3A_1885 = arith.constant 0 : i32
        %get3A_1886 = arith.index_cast %get3A_1885 : i32 to index
        %get3A_1887 = arith.index_cast %add3A_1884 : i32 to index
        %get3A_1888 = arith.constant 0 : index
        %get3A_1889 = tpu.vector_load %arg6[%get3A_1886, %get3A_1887, %get3A_1888] {strides = array<i32>} : memref<2x800x64xf32, #tpu.memory_space<vmem>>, vector<1x1x16xf32>,
        %get3A_1890 = vector.shape_cast %get3A_1889 : vector<1x1x16xf32> to vector<16xf32>
        %add3A_1891 = arith.addf %add3A_1855, %get3A_1890 : vector<16xf32>
        %add3A_1892 = arith.constant 36 : i32
        %add3A_1893 = arith.addi %mul3A_599, %add3A_1892 : i32
        %get3A_1894 = arith.constant 0 : i32
        %get3A_1895 = arith.index_cast %get3A_1894 : i32 to index
        %get3A_1896 = arith.index_cast %add3A_1893 : i32 to index
        %get3A_1897 = arith.constant 16 : index
        %get3A_1898 = tpu.vector_load %arg6[%get3A_1895, %get3A_1896, %get3A_1897] {strides = array<i32>} : memref<2x800x64xf32, #tpu.memory_space<vmem>>, vector<1x1x16xf32>,
        %get3A_1899 = vector.shape_cast %get3A_1898 : vector<1x1x16xf32> to vector<16xf32>
        %add3A_1900 = arith.addf %add3A_1864, %get3A_1899 : vector<16xf32>
        %add3A_1901 = arith.constant 36 : i32
        %add3A_1902 = arith.addi %mul3A_599, %add3A_1901 : i32
        %get3A_1903 = arith.constant 0 : i32
        %get3A_1904 = arith.index_cast %get3A_1903 : i32 to index
        %get3A_1905 = arith.index_cast %add3A_1902 : i32 to index
        %get3A_1906 = arith.constant 32 : index
        %get3A_1907 = tpu.vector_load %arg6[%get3A_1904, %get3A_1905, %get3A_1906] {strides = array<i32>} : memref<2x800x64xf32, #tpu.memory_space<vmem>>, vector<1x1x16xf32>,
        %get3A_1908 = vector.shape_cast %get3A_1907 : vector<1x1x16xf32> to vector<16xf32>
        %add3A_1909 = arith.addf %add3A_1873, %get3A_1908 : vector<16xf32>
        %add3A_1910 = arith.constant 36 : i32
        %add3A_1911 = arith.addi %mul3A_599, %add3A_1910 : i32
        %get3A_1912 = arith.constant 0 : i32
        %get3A_1913 = arith.index_cast %get3A_1912 : i32 to index
        %get3A_1914 = arith.index_cast %add3A_1911 : i32 to index
        %get3A_1915 = arith.constant 48 : index
        %get3A_1916 = tpu.vector_load %arg6[%get3A_1913, %get3A_1914, %get3A_1915] {strides = array<i32>} : memref<2x800x64xf32, #tpu.memory_space<vmem>>, vector<1x1x16xf32>,
        %get3A_1917 = vector.shape_cast %get3A_1916 : vector<1x1x16xf32> to vector<16xf32>
        %add3A_1918 = arith.addf %add3A_1882, %get3A_1917 : vector<16xf32>
        %add3A_1919 = arith.constant 37 : i32
        %add3A_1920 = arith.addi %mul3A_599, %add3A_1919 : i32
        %get3A_1921 = arith.constant 0 : i32
        %get3A_1922 = arith.index_cast %get3A_1921 : i32 to index
        %get3A_1923 = arith.index_cast %add3A_1920 : i32 to index
        %get3A_1924 = arith.constant 0 : index
        %get3A_1925 = tpu.vector_load %arg6[%get3A_1922, %get3A_1923, %get3A_1924] {strides = array<i32>} : memref<2x800x64xf32, #tpu.memory_space<vmem>>, vector<1x1x16xf32>,
        %get3A_1926 = vector.shape_cast %get3A_1925 : vector<1x1x16xf32> to vector<16xf32>
        %add3A_1927 = arith.addf %add3A_1891, %get3A_1926 : vector<16xf32>
        %add3A_1928 = arith.constant 37 : i32
        %add3A_1929 = arith.addi %mul3A_599, %add3A_1928 : i32
        %get3A_1930 = arith.constant 0 : i32
        %get3A_1931 = arith.index_cast %get3A_1930 : i32 to index
        %get3A_1932 = arith.index_cast %add3A_1929 : i32 to index
        %get3A_1933 = arith.constant 16 : index
        %get3A_1934 = tpu.vector_load %arg6[%get3A_1931, %get3A_1932, %get3A_1933] {strides = array<i32>} : memref<2x800x64xf32, #tpu.memory_space<vmem>>, vector<1x1x16xf32>,
        %get3A_1935 = vector.shape_cast %get3A_1934 : vector<1x1x16xf32> to vector<16xf32>
        %add3A_1936 = arith.addf %add3A_1900, %get3A_1935 : vector<16xf32>
        %add3A_1937 = arith.constant 37 : i32
        %add3A_1938 = arith.addi %mul3A_599, %add3A_1937 : i32
        %get3A_1939 = arith.constant 0 : i32
        %get3A_1940 = arith.index_cast %get3A_1939 : i32 to index
        %get3A_1941 = arith.index_cast %add3A_1938 : i32 to index
        %get3A_1942 = arith.constant 32 : index
        %get3A_1943 = tpu.vector_load %arg6[%get3A_1940, %get3A_1941, %get3A_1942] {strides = array<i32>} : memref<2x800x64xf32, #tpu.memory_space<vmem>>, vector<1x1x16xf32>,
        %get3A_1944 = vector.shape_cast %get3A_1943 : vector<1x1x16xf32> to vector<16xf32>
        %add3A_1945 = arith.addf %add3A_1909, %get3A_1944 : vector<16xf32>
        %add3A_1946 = arith.constant 37 : i32
        %add3A_1947 = arith.addi %mul3A_599, %add3A_1946 : i32
        %get3A_1948 = arith.constant 0 : i32
        %get3A_1949 = arith.index_cast %get3A_1948 : i32 to index
        %get3A_1950 = arith.index_cast %add3A_1947 : i32 to index
        %get3A_1951 = arith.constant 48 : index
        %get3A_1952 = tpu.vector_load %arg6[%get3A_1949, %get3A_1950, %get3A_1951] {strides = array<i32>} : memref<2x800x64xf32, #tpu.memory_space<vmem>>, vector<1x1x16xf32>,
        %get3A_1953 = vector.shape_cast %get3A_1952 : vector<1x1x16xf32> to vector<16xf32>
        %add3A_1954 = arith.addf %add3A_1918, %get3A_1953 : vector<16xf32>
        %add3A_1955 = arith.constant 38 : i32
        %add3A_1956 = arith.addi %mul3A_599, %add3A_1955 : i32
        %get3A_1957 = arith.constant 0 : i32
        %get3A_1958 = arith.index_cast %get3A_1957 : i32 to index
        %get3A_1959 = arith.index_cast %add3A_1956 : i32 to index
        %get3A_1960 = arith.constant 0 : index
        %get3A_1961 = tpu.vector_load %arg6[%get3A_1958, %get3A_1959, %get3A_1960] {strides = array<i32>} : memref<2x800x64xf32, #tpu.memory_space<vmem>>, vector<1x1x16xf32>,
        %get3A_1962 = vector.shape_cast %get3A_1961 : vector<1x1x16xf32> to vector<16xf32>
        %add3A_1963 = arith.addf %add3A_1927, %get3A_1962 : vector<16xf32>
        %add3A_1964 = arith.constant 38 : i32
        %add3A_1965 = arith.addi %mul3A_599, %add3A_1964 : i32
        %get3A_1966 = arith.constant 0 : i32
        %get3A_1967 = arith.index_cast %get3A_1966 : i32 to index
        %get3A_1968 = arith.index_cast %add3A_1965 : i32 to index
        %get3A_1969 = arith.constant 16 : index
        %get3A_1970 = tpu.vector_load %arg6[%get3A_1967, %get3A_1968, %get3A_1969] {strides = array<i32>} : memref<2x800x64xf32, #tpu.memory_space<vmem>>, vector<1x1x16xf32>,
        %get3A_1971 = vector.shape_cast %get3A_1970 : vector<1x1x16xf32> to vector<16xf32>
        %add3A_1972 = arith.addf %add3A_1936, %get3A_1971 : vector<16xf32>
        %add3A_1973 = arith.constant 38 : i32
        %add3A_1974 = arith.addi %mul3A_599, %add3A_1973 : i32
        %get3A_1975 = arith.constant 0 : i32
        %get3A_1976 = arith.index_cast %get3A_1975 : i32 to index
        %get3A_1977 = arith.index_cast %add3A_1974 : i32 to index
        %get3A_1978 = arith.constant 32 : index
        %get3A_1979 = tpu.vector_load %arg6[%get3A_1976, %get3A_1977, %get3A_1978] {strides = array<i32>} : memref<2x800x64xf32, #tpu.memory_space<vmem>>, vector<1x1x16xf32>,
        %get3A_1980 = vector.shape_cast %get3A_1979 : vector<1x1x16xf32> to vector<16xf32>
        %add3A_1981 = arith.addf %add3A_1945, %get3A_1980 : vector<16xf32>
        %add3A_1982 = arith.constant 38 : i32
        %add3A_1983 = arith.addi %mul3A_599, %add3A_1982 : i32
        %get3A_1984 = arith.constant 0 : i32
        %get3A_1985 = arith.index_cast %get3A_1984 : i32 to index
        %get3A_1986 = arith.index_cast %add3A_1983 : i32 to index
        %get3A_1987 = arith.constant 48 : index
        %get3A_1988 = tpu.vector_load %arg6[%get3A_1985, %get3A_1986, %get3A_1987] {strides = array<i32>} : memref<2x800x64xf32, #tpu.memory_space<vmem>>, vector<1x1x16xf32>,
        %get3A_1989 = vector.shape_cast %get3A_1988 : vector<1x1x16xf32> to vector<16xf32>
        %add3A_1990 = arith.addf %add3A_1954, %get3A_1989 : vector<16xf32>
        %add3A_1991 = arith.constant 39 : i32
        %add3A_1992 = arith.addi %mul3A_599, %add3A_1991 : i32
        %get3A_1993 = arith.constant 0 : i32
        %get3A_1994 = arith.index_cast %get3A_1993 : i32 to index
        %get3A_1995 = arith.index_cast %add3A_1992 : i32 to index
        %get3A_1996 = arith.constant 0 : index
        %get3A_1997 = tpu.vector_load %arg6[%get3A_1994, %get3A_1995, %get3A_1996] {strides = array<i32>} : memref<2x800x64xf32, #tpu.memory_space<vmem>>, vector<1x1x16xf32>,
        %get3A_1998 = vector.shape_cast %get3A_1997 : vector<1x1x16xf32> to vector<16xf32>
        %add3A_1999 = arith.addf %add3A_1963, %get3A_1998 : vector<16xf32>
        %add3A_2000 = arith.constant 39 : i32
        %add3A_2001 = arith.addi %mul3A_599, %add3A_2000 : i32
        %get3A_2002 = arith.constant 0 : i32
        %get3A_2003 = arith.index_cast %get3A_2002 : i32 to index
        %get3A_2004 = arith.index_cast %add3A_2001 : i32 to index
        %get3A_2005 = arith.constant 16 : index
        %get3A_2006 = tpu.vector_load %arg6[%get3A_2003, %get3A_2004, %get3A_2005] {strides = array<i32>} : memref<2x800x64xf32, #tpu.memory_space<vmem>>, vector<1x1x16xf32>,
        %get3A_2007 = vector.shape_cast %get3A_2006 : vector<1x1x16xf32> to vector<16xf32>
        %add3A_2008 = arith.addf %add3A_1972, %get3A_2007 : vector<16xf32>
        %add3A_2009 = arith.constant 39 : i32
        %add3A_2010 = arith.addi %mul3A_599, %add3A_2009 : i32
        %get3A_2011 = arith.constant 0 : i32
        %get3A_2012 = arith.index_cast %get3A_2011 : i32 to index
        %get3A_2013 = arith.index_cast %add3A_2010 : i32 to index
        %get3A_2014 = arith.constant 32 : index
        %get3A_2015 = tpu.vector_load %arg6[%get3A_2012, %get3A_2013, %get3A_2014] {strides = array<i32>} : memref<2x800x64xf32, #tpu.memory_space<vmem>>, vector<1x1x16xf32>,
        %get3A_2016 = vector.shape_cast %get3A_2015 : vector<1x1x16xf32> to vector<16xf32>
        %add3A_2017 = arith.addf %add3A_1981, %get3A_2016 : vector<16xf32>
        %add3A_2018 = arith.constant 39 : i32
        %add3A_2019 = arith.addi %mul3A_599, %add3A_2018 : i32
        %get3A_2020 = arith.constant 0 : i32
        %get3A_2021 = arith.index_cast %get3A_2020 : i32 to index
        %get3A_2022 = arith.index_cast %add3A_2019 : i32 to index
        %get3A_2023 = arith.constant 48 : index
        %get3A_2024 = tpu.vector_load %arg6[%get3A_2021, %get3A_2022, %get3A_2023] {strides = array<i32>} : memref<2x800x64xf32, #tpu.memory_space<vmem>>, vector<1x1x16xf32>,
        %get3A_2025 = vector.shape_cast %get3A_2024 : vector<1x1x16xf32> to vector<16xf32>
        %add3A_2026 = arith.addf %add3A_1990, %get3A_2025 : vector<16xf32>
        %add3A_2027 = arith.constant 40 : i32
        %add3A_2028 = arith.addi %mul3A_599, %add3A_2027 : i32
        %get3A_2029 = arith.constant 0 : i32
        %get3A_2030 = arith.index_cast %get3A_2029 : i32 to index
        %get3A_2031 = arith.index_cast %add3A_2028 : i32 to index
        %get3A_2032 = arith.constant 0 : index
        %get3A_2033 = tpu.vector_load %arg6[%get3A_2030, %get3A_2031, %get3A_2032] {strides = array<i32>} : memref<2x800x64xf32, #tpu.memory_space<vmem>>, vector<1x1x16xf32>,
        %get3A_2034 = vector.shape_cast %get3A_2033 : vector<1x1x16xf32> to vector<16xf32>
        %add3A_2035 = arith.addf %add3A_1999, %get3A_2034 : vector<16xf32>
        %add3A_2036 = arith.constant 40 : i32
        %add3A_2037 = arith.addi %mul3A_599, %add3A_2036 : i32
        %get3A_2038 = arith.constant 0 : i32
        %get3A_2039 = arith.index_cast %get3A_2038 : i32 to index
        %get3A_2040 = arith.index_cast %add3A_2037 : i32 to index
        %get3A_2041 = arith.constant 16 : index
        %get3A_2042 = tpu.vector_load %arg6[%get3A_2039, %get3A_2040, %get3A_2041] {strides = array<i32>} : memref<2x800x64xf32, #tpu.memory_space<vmem>>, vector<1x1x16xf32>,
        %get3A_2043 = vector.shape_cast %get3A_2042 : vector<1x1x16xf32> to vector<16xf32>
        %add3A_2044 = arith.addf %add3A_2008, %get3A_2043 : vector<16xf32>
        %add3A_2045 = arith.constant 40 : i32
        %add3A_2046 = arith.addi %mul3A_599, %add3A_2045 : i32
        %get3A_2047 = arith.constant 0 : i32
        %get3A_2048 = arith.index_cast %get3A_2047 : i32 to index
        %get3A_2049 = arith.index_cast %add3A_2046 : i32 to index
        %get3A_2050 = arith.constant 32 : index
        %get3A_2051 = tpu.vector_load %arg6[%get3A_2048, %get3A_2049, %get3A_2050] {strides = array<i32>} : memref<2x800x64xf32, #tpu.memory_space<vmem>>, vector<1x1x16xf32>,
        %get3A_2052 = vector.shape_cast %get3A_2051 : vector<1x1x16xf32> to vector<16xf32>
        %add3A_2053 = arith.addf %add3A_2017, %get3A_2052 : vector<16xf32>
        %add3A_2054 = arith.constant 40 : i32
        %add3A_2055 = arith.addi %mul3A_599, %add3A_2054 : i32
        %get3A_2056 = arith.constant 0 : i32
        %get3A_2057 = arith.index_cast %get3A_2056 : i32 to index
        %get3A_2058 = arith.index_cast %add3A_2055 : i32 to index
        %get3A_2059 = arith.constant 48 : index
        %get3A_2060 = tpu.vector_load %arg6[%get3A_2057, %get3A_2058, %get3A_2059] {strides = array<i32>} : memref<2x800x64xf32, #tpu.memory_space<vmem>>, vector<1x1x16xf32>,
        %get3A_2061 = vector.shape_cast %get3A_2060 : vector<1x1x16xf32> to vector<16xf32>
        %add3A_2062 = arith.addf %add3A_2026, %get3A_2061 : vector<16xf32>
        %add3A_2063 = arith.constant 41 : i32
        %add3A_2064 = arith.addi %mul3A_599, %add3A_2063 : i32
        %get3A_2065 = arith.constant 0 : i32
        %get3A_2066 = arith.index_cast %get3A_2065 : i32 to index
        %get3A_2067 = arith.index_cast %add3A_2064 : i32 to index
        %get3A_2068 = arith.constant 0 : index
        %get3A_2069 = tpu.vector_load %arg6[%get3A_2066, %get3A_2067, %get3A_2068] {strides = array<i32>} : memref<2x800x64xf32, #tpu.memory_space<vmem>>, vector<1x1x16xf32>,
        %get3A_2070 = vector.shape_cast %get3A_2069 : vector<1x1x16xf32> to vector<16xf32>
        %add3A_2071 = arith.addf %add3A_2035, %get3A_2070 : vector<16xf32>
        %add3A_2072 = arith.constant 41 : i32
        %add3A_2073 = arith.addi %mul3A_599, %add3A_2072 : i32
        %get3A_2074 = arith.constant 0 : i32
        %get3A_2075 = arith.index_cast %get3A_2074 : i32 to index
        %get3A_2076 = arith.index_cast %add3A_2073 : i32 to index
        %get3A_2077 = arith.constant 16 : index
        %get3A_2078 = tpu.vector_load %arg6[%get3A_2075, %get3A_2076, %get3A_2077] {strides = array<i32>} : memref<2x800x64xf32, #tpu.memory_space<vmem>>, vector<1x1x16xf32>,
        %get3A_2079 = vector.shape_cast %get3A_2078 : vector<1x1x16xf32> to vector<16xf32>
        %add3A_2080 = arith.addf %add3A_2044, %get3A_2079 : vector<16xf32>
        %add3A_2081 = arith.constant 41 : i32
        %add3A_2082 = arith.addi %mul3A_599, %add3A_2081 : i32
        %get3A_2083 = arith.constant 0 : i32
        %get3A_2084 = arith.index_cast %get3A_2083 : i32 to index
        %get3A_2085 = arith.index_cast %add3A_2082 : i32 to index
        %get3A_2086 = arith.constant 32 : index
        %get3A_2087 = tpu.vector_load %arg6[%get3A_2084, %get3A_2085, %get3A_2086] {strides = array<i32>} : memref<2x800x64xf32, #tpu.memory_space<vmem>>, vector<1x1x16xf32>,
        %get3A_2088 = vector.shape_cast %get3A_2087 : vector<1x1x16xf32> to vector<16xf32>
        %add3A_2089 = arith.addf %add3A_2053, %get3A_2088 : vector<16xf32>
        %add3A_2090 = arith.constant 41 : i32
        %add3A_2091 = arith.addi %mul3A_599, %add3A_2090 : i32
        %get3A_2092 = arith.constant 0 : i32
        %get3A_2093 = arith.index_cast %get3A_2092 : i32 to index
        %get3A_2094 = arith.index_cast %add3A_2091 : i32 to index
        %get3A_2095 = arith.constant 48 : index
        %get3A_2096 = tpu.vector_load %arg6[%get3A_2093, %get3A_2094, %get3A_2095] {strides = array<i32>} : memref<2x800x64xf32, #tpu.memory_space<vmem>>, vector<1x1x16xf32>,
        %get3A_2097 = vector.shape_cast %get3A_2096 : vector<1x1x16xf32> to vector<16xf32>
        %add3A_2098 = arith.addf %add3A_2062, %get3A_2097 : vector<16xf32>
        %add3A_2099 = arith.constant 42 : i32
        %add3A_2100 = arith.addi %mul3A_599, %add3A_2099 : i32
        %get3A_2101 = arith.constant 0 : i32
        %get3A_2102 = arith.index_cast %get3A_2101 : i32 to index
        %get3A_2103 = arith.index_cast %add3A_2100 : i32 to index
        %get3A_2104 = arith.constant 0 : index
        %get3A_2105 = tpu.vector_load %arg6[%get3A_2102, %get3A_2103, %get3A_2104] {strides = array<i32>} : memref<2x800x64xf32, #tpu.memory_space<vmem>>, vector<1x1x16xf32>,
        %get3A_2106 = vector.shape_cast %get3A_2105 : vector<1x1x16xf32> to vector<16xf32>
        %add3A_2107 = arith.addf %add3A_2071, %get3A_2106 : vector<16xf32>
        %add3A_2108 = arith.constant 42 : i32
        %add3A_2109 = arith.addi %mul3A_599, %add3A_2108 : i32
        %get3A_2110 = arith.constant 0 : i32
        %get3A_2111 = arith.index_cast %get3A_2110 : i32 to index
        %get3A_2112 = arith.index_cast %add3A_2109 : i32 to index
        %get3A_2113 = arith.constant 16 : index
        %get3A_2114 = tpu.vector_load %arg6[%get3A_2111, %get3A_2112, %get3A_2113] {strides = array<i32>} : memref<2x800x64xf32, #tpu.memory_space<vmem>>, vector<1x1x16xf32>,
        %get3A_2115 = vector.shape_cast %get3A_2114 : vector<1x1x16xf32> to vector<16xf32>
        %add3A_2116 = arith.addf %add3A_2080, %get3A_2115 : vector<16xf32>
        %add3A_2117 = arith.constant 42 : i32
        %add3A_2118 = arith.addi %mul3A_599, %add3A_2117 : i32
        %get3A_2119 = arith.constant 0 : i32
        %get3A_2120 = arith.index_cast %get3A_2119 : i32 to index
        %get3A_2121 = arith.index_cast %add3A_2118 : i32 to index
        %get3A_2122 = arith.constant 32 : index
        %get3A_2123 = tpu.vector_load %arg6[%get3A_2120, %get3A_2121, %get3A_2122] {strides = array<i32>} : memref<2x800x64xf32, #tpu.memory_space<vmem>>, vector<1x1x16xf32>,
        %get3A_2124 = vector.shape_cast %get3A_2123 : vector<1x1x16xf32> to vector<16xf32>
        %add3A_2125 = arith.addf %add3A_2089, %get3A_2124 : vector<16xf32>
        %add3A_2126 = arith.constant 42 : i32
        %add3A_2127 = arith.addi %mul3A_599, %add3A_2126 : i32
        %get3A_2128 = arith.constant 0 : i32
        %get3A_2129 = arith.index_cast %get3A_2128 : i32 to index
        %get3A_2130 = arith.index_cast %add3A_2127 : i32 to index
        %get3A_2131 = arith.constant 48 : index
        %get3A_2132 = tpu.vector_load %arg6[%get3A_2129, %get3A_2130, %get3A_2131] {strides = array<i32>} : memref<2x800x64xf32, #tpu.memory_space<vmem>>, vector<1x1x16xf32>,
        %get3A_2133 = vector.shape_cast %get3A_2132 : vector<1x1x16xf32> to vector<16xf32>
        %add3A_2134 = arith.addf %add3A_2098, %get3A_2133 : vector<16xf32>
        %add3A_2135 = arith.constant 43 : i32
        %add3A_2136 = arith.addi %mul3A_599, %add3A_2135 : i32
        %get3A_2137 = arith.constant 0 : i32
        %get3A_2138 = arith.index_cast %get3A_2137 : i32 to index
        %get3A_2139 = arith.index_cast %add3A_2136 : i32 to index
        %get3A_2140 = arith.constant 0 : index
        %get3A_2141 = tpu.vector_load %arg6[%get3A_2138, %get3A_2139, %get3A_2140] {strides = array<i32>} : memref<2x800x64xf32, #tpu.memory_space<vmem>>, vector<1x1x16xf32>,
        %get3A_2142 = vector.shape_cast %get3A_2141 : vector<1x1x16xf32> to vector<16xf32>
        %add3A_2143 = arith.addf %add3A_2107, %get3A_2142 : vector<16xf32>
        %add3A_2144 = arith.constant 43 : i32
        %add3A_2145 = arith.addi %mul3A_599, %add3A_2144 : i32
        %get3A_2146 = arith.constant 0 : i32
        %get3A_2147 = arith.index_cast %get3A_2146 : i32 to index
        %get3A_2148 = arith.index_cast %add3A_2145 : i32 to index
        %get3A_2149 = arith.constant 16 : index
        %get3A_2150 = tpu.vector_load %arg6[%get3A_2147, %get3A_2148, %get3A_2149] {strides = array<i32>} : memref<2x800x64xf32, #tpu.memory_space<vmem>>, vector<1x1x16xf32>,
        %get3A_2151 = vector.shape_cast %get3A_2150 : vector<1x1x16xf32> to vector<16xf32>
        %add3A_2152 = arith.addf %add3A_2116, %get3A_2151 : vector<16xf32>
        %add3A_2153 = arith.constant 43 : i32
        %add3A_2154 = arith.addi %mul3A_599, %add3A_2153 : i32
        %get3A_2155 = arith.constant 0 : i32
        %get3A_2156 = arith.index_cast %get3A_2155 : i32 to index
        %get3A_2157 = arith.index_cast %add3A_2154 : i32 to index
        %get3A_2158 = arith.constant 32 : index
        %get3A_2159 = tpu.vector_load %arg6[%get3A_2156, %get3A_2157, %get3A_2158] {strides = array<i32>} : memref<2x800x64xf32, #tpu.memory_space<vmem>>, vector<1x1x16xf32>,
        %get3A_2160 = vector.shape_cast %get3A_2159 : vector<1x1x16xf32> to vector<16xf32>
        %add3A_2161 = arith.addf %add3A_2125, %get3A_2160 : vector<16xf32>
        %add3A_2162 = arith.constant 43 : i32
        %add3A_2163 = arith.addi %mul3A_599, %add3A_2162 : i32
        %get3A_2164 = arith.constant 0 : i32
        %get3A_2165 = arith.index_cast %get3A_2164 : i32 to index
        %get3A_2166 = arith.index_cast %add3A_2163 : i32 to index
        %get3A_2167 = arith.constant 48 : index
        %get3A_2168 = tpu.vector_load %arg6[%get3A_2165, %get3A_2166, %get3A_2167] {strides = array<i32>} : memref<2x800x64xf32, #tpu.memory_space<vmem>>, vector<1x1x16xf32>,
        %get3A_2169 = vector.shape_cast %get3A_2168 : vector<1x1x16xf32> to vector<16xf32>
        %add3A_2170 = arith.addf %add3A_2134, %get3A_2169 : vector<16xf32>
        %add3A_2171 = arith.constant 44 : i32
        %add3A_2172 = arith.addi %mul3A_599, %add3A_2171 : i32
        %get3A_2173 = arith.constant 0 : i32
        %get3A_2174 = arith.index_cast %get3A_2173 : i32 to index
        %get3A_2175 = arith.index_cast %add3A_2172 : i32 to index
        %get3A_2176 = arith.constant 0 : index
        %get3A_2177 = tpu.vector_load %arg6[%get3A_2174, %get3A_2175, %get3A_2176] {strides = array<i32>} : memref<2x800x64xf32, #tpu.memory_space<vmem>>, vector<1x1x16xf32>,
        %get3A_2178 = vector.shape_cast %get3A_2177 : vector<1x1x16xf32> to vector<16xf32>
        %add3A_2179 = arith.addf %add3A_2143, %get3A_2178 : vector<16xf32>
        %add3A_2180 = arith.constant 44 : i32
        %add3A_2181 = arith.addi %mul3A_599, %add3A_2180 : i32
        %get3A_2182 = arith.constant 0 : i32
        %get3A_2183 = arith.index_cast %get3A_2182 : i32 to index
        %get3A_2184 = arith.index_cast %add3A_2181 : i32 to index
        %get3A_2185 = arith.constant 16 : index
        %get3A_2186 = tpu.vector_load %arg6[%get3A_2183, %get3A_2184, %get3A_2185] {strides = array<i32>} : memref<2x800x64xf32, #tpu.memory_space<vmem>>, vector<1x1x16xf32>,
        %get3A_2187 = vector.shape_cast %get3A_2186 : vector<1x1x16xf32> to vector<16xf32>
        %add3A_2188 = arith.addf %add3A_2152, %get3A_2187 : vector<16xf32>
        %add3A_2189 = arith.constant 44 : i32
        %add3A_2190 = arith.addi %mul3A_599, %add3A_2189 : i32
        %get3A_2191 = arith.constant 0 : i32
        %get3A_2192 = arith.index_cast %get3A_2191 : i32 to index
        %get3A_2193 = arith.index_cast %add3A_2190 : i32 to index
        %get3A_2194 = arith.constant 32 : index
        %get3A_2195 = tpu.vector_load %arg6[%get3A_2192, %get3A_2193, %get3A_2194] {strides = array<i32>} : memref<2x800x64xf32, #tpu.memory_space<vmem>>, vector<1x1x16xf32>,
        %get3A_2196 = vector.shape_cast %get3A_2195 : vector<1x1x16xf32> to vector<16xf32>
        %add3A_2197 = arith.addf %add3A_2161, %get3A_2196 : vector<16xf32>
        %add3A_2198 = arith.constant 44 : i32
        %add3A_2199 = arith.addi %mul3A_599, %add3A_2198 : i32
        %get3A_2200 = arith.constant 0 : i32
        %get3A_2201 = arith.index_cast %get3A_2200 : i32 to index
        %get3A_2202 = arith.index_cast %add3A_2199 : i32 to index
        %get3A_2203 = arith.constant 48 : index
        %get3A_2204 = tpu.vector_load %arg6[%get3A_2201, %get3A_2202, %get3A_2203] {strides = array<i32>} : memref<2x800x64xf32, #tpu.memory_space<vmem>>, vector<1x1x16xf32>,
        %get3A_2205 = vector.shape_cast %get3A_2204 : vector<1x1x16xf32> to vector<16xf32>
        %add3A_2206 = arith.addf %add3A_2170, %get3A_2205 : vector<16xf32>
        %add3A_2207 = arith.constant 45 : i32
        %add3A_2208 = arith.addi %mul3A_599, %add3A_2207 : i32
        %get3A_2209 = arith.constant 0 : i32
        %get3A_2210 = arith.index_cast %get3A_2209 : i32 to index
        %get3A_2211 = arith.index_cast %add3A_2208 : i32 to index
        %get3A_2212 = arith.constant 0 : index
        %get3A_2213 = tpu.vector_load %arg6[%get3A_2210, %get3A_2211, %get3A_2212] {strides = array<i32>} : memref<2x800x64xf32, #tpu.memory_space<vmem>>, vector<1x1x16xf32>,
        %get3A_2214 = vector.shape_cast %get3A_2213 : vector<1x1x16xf32> to vector<16xf32>
        %add3A_2215 = arith.addf %add3A_2179, %get3A_2214 : vector<16xf32>
        %add3A_2216 = arith.constant 45 : i32
        %add3A_2217 = arith.addi %mul3A_599, %add3A_2216 : i32
        %get3A_2218 = arith.constant 0 : i32
        %get3A_2219 = arith.index_cast %get3A_2218 : i32 to index
        %get3A_2220 = arith.index_cast %add3A_2217 : i32 to index
        %get3A_2221 = arith.constant 16 : index
        %get3A_2222 = tpu.vector_load %arg6[%get3A_2219, %get3A_2220, %get3A_2221] {strides = array<i32>} : memref<2x800x64xf32, #tpu.memory_space<vmem>>, vector<1x1x16xf32>,
        %get3A_2223 = vector.shape_cast %get3A_2222 : vector<1x1x16xf32> to vector<16xf32>
        %add3A_2224 = arith.addf %add3A_2188, %get3A_2223 : vector<16xf32>
        %add3A_2225 = arith.constant 45 : i32
        %add3A_2226 = arith.addi %mul3A_599, %add3A_2225 : i32
        %get3A_2227 = arith.constant 0 : i32
        %get3A_2228 = arith.index_cast %get3A_2227 : i32 to index
        %get3A_2229 = arith.index_cast %add3A_2226 : i32 to index
        %get3A_2230 = arith.constant 32 : index
        %get3A_2231 = tpu.vector_load %arg6[%get3A_2228, %get3A_2229, %get3A_2230] {strides = array<i32>} : memref<2x800x64xf32, #tpu.memory_space<vmem>>, vector<1x1x16xf32>,
        %get3A_2232 = vector.shape_cast %get3A_2231 : vector<1x1x16xf32> to vector<16xf32>
        %add3A_2233 = arith.addf %add3A_2197, %get3A_2232 : vector<16xf32>
        %add3A_2234 = arith.constant 45 : i32
        %add3A_2235 = arith.addi %mul3A_599, %add3A_2234 : i32
        %get3A_2236 = arith.constant 0 : i32
        %get3A_2237 = arith.index_cast %get3A_2236 : i32 to index
        %get3A_2238 = arith.index_cast %add3A_2235 : i32 to index
        %get3A_2239 = arith.constant 48 : index
        %get3A_2240 = tpu.vector_load %arg6[%get3A_2237, %get3A_2238, %get3A_2239] {strides = array<i32>} : memref<2x800x64xf32, #tpu.memory_space<vmem>>, vector<1x1x16xf32>,
        %get3A_2241 = vector.shape_cast %get3A_2240 : vector<1x1x16xf32> to vector<16xf32>
        %add3A_2242 = arith.addf %add3A_2206, %get3A_2241 : vector<16xf32>
        %add3A_2243 = arith.constant 46 : i32
        %add3A_2244 = arith.addi %mul3A_599, %add3A_2243 : i32
        %get3A_2245 = arith.constant 0 : i32
        %get3A_2246 = arith.index_cast %get3A_2245 : i32 to index
        %get3A_2247 = arith.index_cast %add3A_2244 : i32 to index
        %get3A_2248 = arith.constant 0 : index
        %get3A_2249 = tpu.vector_load %arg6[%get3A_2246, %get3A_2247, %get3A_2248] {strides = array<i32>} : memref<2x800x64xf32, #tpu.memory_space<vmem>>, vector<1x1x16xf32>,
        %get3A_2250 = vector.shape_cast %get3A_2249 : vector<1x1x16xf32> to vector<16xf32>
        %add3A_2251 = arith.addf %add3A_2215, %get3A_2250 : vector<16xf32>
        %add3A_2252 = arith.constant 46 : i32
        %add3A_2253 = arith.addi %mul3A_599, %add3A_2252 : i32
        %get3A_2254 = arith.constant 0 : i32
        %get3A_2255 = arith.index_cast %get3A_2254 : i32 to index
        %get3A_2256 = arith.index_cast %add3A_2253 : i32 to index
        %get3A_2257 = arith.constant 16 : index
        %get3A_2258 = tpu.vector_load %arg6[%get3A_2255, %get3A_2256, %get3A_2257] {strides = array<i32>} : memref<2x800x64xf32, #tpu.memory_space<vmem>>, vector<1x1x16xf32>,
        %get3A_2259 = vector.shape_cast %get3A_2258 : vector<1x1x16xf32> to vector<16xf32>
        %add3A_2260 = arith.addf %add3A_2224, %get3A_2259 : vector<16xf32>
        %add3A_2261 = arith.constant 46 : i32
        %add3A_2262 = arith.addi %mul3A_599, %add3A_2261 : i32
        %get3A_2263 = arith.constant 0 : i32
        %get3A_2264 = arith.index_cast %get3A_2263 : i32 to index
        %get3A_2265 = arith.index_cast %add3A_2262 : i32 to index
        %get3A_2266 = arith.constant 32 : index
        %get3A_2267 = tpu.vector_load %arg6[%get3A_2264, %get3A_2265, %get3A_2266] {strides = array<i32>} : memref<2x800x64xf32, #tpu.memory_space<vmem>>, vector<1x1x16xf32>,
        %get3A_2268 = vector.shape_cast %get3A_2267 : vector<1x1x16xf32> to vector<16xf32>
        %add3A_2269 = arith.addf %add3A_2233, %get3A_2268 : vector<16xf32>
        %add3A_2270 = arith.constant 46 : i32
        %add3A_2271 = arith.addi %mul3A_599, %add3A_2270 : i32
        %get3A_2272 = arith.constant 0 : i32
        %get3A_2273 = arith.index_cast %get3A_2272 : i32 to index
        %get3A_2274 = arith.index_cast %add3A_2271 : i32 to index
        %get3A_2275 = arith.constant 48 : index
        %get3A_2276 = tpu.vector_load %arg6[%get3A_2273, %get3A_2274, %get3A_2275] {strides = array<i32>} : memref<2x800x64xf32, #tpu.memory_space<vmem>>, vector<1x1x16xf32>,
        %get3A_2277 = vector.shape_cast %get3A_2276 : vector<1x1x16xf32> to vector<16xf32>
        %add3A_2278 = arith.addf %add3A_2242, %get3A_2277 : vector<16xf32>
        %add3A_2279 = arith.constant 47 : i32
        %add3A_2280 = arith.addi %mul3A_599, %add3A_2279 : i32
        %get3A_2281 = arith.constant 0 : i32
        %get3A_2282 = arith.index_cast %get3A_2281 : i32 to index
        %get3A_2283 = arith.index_cast %add3A_2280 : i32 to index
        %get3A_2284 = arith.constant 0 : index
        %get3A_2285 = tpu.vector_load %arg6[%get3A_2282, %get3A_2283, %get3A_2284] {strides = array<i32>} : memref<2x800x64xf32, #tpu.memory_space<vmem>>, vector<1x1x16xf32>,
        %get3A_2286 = vector.shape_cast %get3A_2285 : vector<1x1x16xf32> to vector<16xf32>
        %add3A_2287 = arith.addf %add3A_2251, %get3A_2286 : vector<16xf32>
        %add3A_2288 = arith.constant 47 : i32
        %add3A_2289 = arith.addi %mul3A_599, %add3A_2288 : i32
        %get3A_2290 = arith.constant 0 : i32
        %get3A_2291 = arith.index_cast %get3A_2290 : i32 to index
        %get3A_2292 = arith.index_cast %add3A_2289 : i32 to index
        %get3A_2293 = arith.constant 16 : index
        %get3A_2294 = tpu.vector_load %arg6[%get3A_2291, %get3A_2292, %get3A_2293] {strides = array<i32>} : memref<2x800x64xf32, #tpu.memory_space<vmem>>, vector<1x1x16xf32>,
        %get3A_2295 = vector.shape_cast %get3A_2294 : vector<1x1x16xf32> to vector<16xf32>
        %add3A_2296 = arith.addf %add3A_2260, %get3A_2295 : vector<16xf32>
        %add3A_2297 = arith.constant 47 : i32
        %add3A_2298 = arith.addi %mul3A_599, %add3A_2297 : i32
        %get3A_2299 = arith.constant 0 : i32
        %get3A_2300 = arith.index_cast %get3A_2299 : i32 to index
        %get3A_2301 = arith.index_cast %add3A_2298 : i32 to index
        %get3A_2302 = arith.constant 32 : index
        %get3A_2303 = tpu.vector_load %arg6[%get3A_2300, %get3A_2301, %get3A_2302] {strides = array<i32>} : memref<2x800x64xf32, #tpu.memory_space<vmem>>, vector<1x1x16xf32>,
        %get3A_2304 = vector.shape_cast %get3A_2303 : vector<1x1x16xf32> to vector<16xf32>
        %add3A_2305 = arith.addf %add3A_2269, %get3A_2304 : vector<16xf32>
        %add3A_2306 = arith.constant 47 : i32
        %add3A_2307 = arith.addi %mul3A_599, %add3A_2306 : i32
        %get3A_2308 = arith.constant 0 : i32
        %get3A_2309 = arith.index_cast %get3A_2308 : i32 to index
        %get3A_2310 = arith.index_cast %add3A_2307 : i32 to index
        %get3A_2311 = arith.constant 48 : index
        %get3A_2312 = tpu.vector_load %arg6[%get3A_2309, %get3A_2310, %get3A_2311] {strides = array<i32>} : memref<2x800x64xf32, #tpu.memory_space<vmem>>, vector<1x1x16xf32>,
        %get3A_2313 = vector.shape_cast %get3A_2312 : vector<1x1x16xf32> to vector<16xf32>
        %add3A_2314 = arith.addf %add3A_2278, %get3A_2313 : vector<16xf32>
        %add3A_2315 = arith.constant 48 : i32
        %add3A_2316 = arith.addi %mul3A_599, %add3A_2315 : i32
        %get3A_2317 = arith.constant 0 : i32
        %get3A_2318 = arith.index_cast %get3A_2317 : i32 to index
        %get3A_2319 = arith.index_cast %add3A_2316 : i32 to index
        %get3A_2320 = arith.constant 0 : index
        %get3A_2321 = tpu.vector_load %arg6[%get3A_2318, %get3A_2319, %get3A_2320] {strides = array<i32>} : memref<2x800x64xf32, #tpu.memory_space<vmem>>, vector<1x1x16xf32>,
        %get3A_2322 = vector.shape_cast %get3A_2321 : vector<1x1x16xf32> to vector<16xf32>
        %add3A_2323 = arith.addf %add3A_2287, %get3A_2322 : vector<16xf32>
        %add3A_2324 = arith.constant 48 : i32
        %add3A_2325 = arith.addi %mul3A_599, %add3A_2324 : i32
        %get3A_2326 = arith.constant 0 : i32
        %get3A_2327 = arith.index_cast %get3A_2326 : i32 to index
        %get3A_2328 = arith.index_cast %add3A_2325 : i32 to index
        %get3A_2329 = arith.constant 16 : index
        %get3A_2330 = tpu.vector_load %arg6[%get3A_2327, %get3A_2328, %get3A_2329] {strides = array<i32>} : memref<2x800x64xf32, #tpu.memory_space<vmem>>, vector<1x1x16xf32>,
        %get3A_2331 = vector.shape_cast %get3A_2330 : vector<1x1x16xf32> to vector<16xf32>
        %add3A_2332 = arith.addf %add3A_2296, %get3A_2331 : vector<16xf32>
        %add3A_2333 = arith.constant 48 : i32
        %add3A_2334 = arith.addi %mul3A_599, %add3A_2333 : i32
        %get3A_2335 = arith.constant 0 : i32
        %get3A_2336 = arith.index_cast %get3A_2335 : i32 to index
        %get3A_2337 = arith.index_cast %add3A_2334 : i32 to index
        %get3A_2338 = arith.constant 32 : index
        %get3A_2339 = tpu.vector_load %arg6[%get3A_2336, %get3A_2337, %get3A_2338] {strides = array<i32>} : memref<2x800x64xf32, #tpu.memory_space<vmem>>, vector<1x1x16xf32>,
        %get3A_2340 = vector.shape_cast %get3A_2339 : vector<1x1x16xf32> to vector<16xf32>
        %add3A_2341 = arith.addf %add3A_2305, %get3A_2340 : vector<16xf32>
        %add3A_2342 = arith.constant 48 : i32
        %add3A_2343 = arith.addi %mul3A_599, %add3A_2342 : i32
        %get3A_2344 = arith.constant 0 : i32
        %get3A_2345 = arith.index_cast %get3A_2344 : i32 to index
        %get3A_2346 = arith.index_cast %add3A_2343 : i32 to index
        %get3A_2347 = arith.constant 48 : index
        %get3A_2348 = tpu.vector_load %arg6[%get3A_2345, %get3A_2346, %get3A_2347] {strides = array<i32>} : memref<2x800x64xf32, #tpu.memory_space<vmem>>, vector<1x1x16xf32>,
        %get3A_2349 = vector.shape_cast %get3A_2348 : vector<1x1x16xf32> to vector<16xf32>
        %add3A_2350 = arith.addf %add3A_2314, %get3A_2349 : vector<16xf32>
        %add3A_2351 = arith.constant 49 : i32
        %add3A_2352 = arith.addi %mul3A_599, %add3A_2351 : i32
        %get3A_2353 = arith.constant 0 : i32
        %get3A_2354 = arith.index_cast %get3A_2353 : i32 to index
        %get3A_2355 = arith.index_cast %add3A_2352 : i32 to index
        %get3A_2356 = arith.constant 0 : index
        %get3A_2357 = tpu.vector_load %arg6[%get3A_2354, %get3A_2355, %get3A_2356] {strides = array<i32>} : memref<2x800x64xf32, #tpu.memory_space<vmem>>, vector<1x1x16xf32>,
        %get3A_2358 = vector.shape_cast %get3A_2357 : vector<1x1x16xf32> to vector<16xf32>
        %add3A_2359 = arith.addf %add3A_2323, %get3A_2358 : vector<16xf32>
        %add3A_2360 = arith.constant 49 : i32
        %add3A_2361 = arith.addi %mul3A_599, %add3A_2360 : i32
        %get3A_2362 = arith.constant 0 : i32
        %get3A_2363 = arith.index_cast %get3A_2362 : i32 to index
        %get3A_2364 = arith.index_cast %add3A_2361 : i32 to index
        %get3A_2365 = arith.constant 16 : index
        %get3A_2366 = tpu.vector_load %arg6[%get3A_2363, %get3A_2364, %get3A_2365] {strides = array<i32>} : memref<2x800x64xf32, #tpu.memory_space<vmem>>, vector<1x1x16xf32>,
        %get3A_2367 = vector.shape_cast %get3A_2366 : vector<1x1x16xf32> to vector<16xf32>
        %add3A_2368 = arith.addf %add3A_2332, %get3A_2367 : vector<16xf32>
        %add3A_2369 = arith.constant 49 : i32
        %add3A_2370 = arith.addi %mul3A_599, %add3A_2369 : i32
        %get3A_2371 = arith.constant 0 : i32
        %get3A_2372 = arith.index_cast %get3A_2371 : i32 to index
        %get3A_2373 = arith.index_cast %add3A_2370 : i32 to index
        %get3A_2374 = arith.constant 32 : index
        %get3A_2375 = tpu.vector_load %arg6[%get3A_2372, %get3A_2373, %get3A_2374] {strides = array<i32>} : memref<2x800x64xf32, #tpu.memory_space<vmem>>, vector<1x1x16xf32>,
        %get3A_2376 = vector.shape_cast %get3A_2375 : vector<1x1x16xf32> to vector<16xf32>
        %add3A_2377 = arith.addf %add3A_2341, %get3A_2376 : vector<16xf32>
        %add3A_2378 = arith.constant 49 : i32
        %add3A_2379 = arith.addi %mul3A_599, %add3A_2378 : i32
        %get3A_2380 = arith.constant 0 : i32
        %get3A_2381 = arith.index_cast %get3A_2380 : i32 to index
        %get3A_2382 = arith.index_cast %add3A_2379 : i32 to index
        %get3A_2383 = arith.constant 48 : index
        %get3A_2384 = tpu.vector_load %arg6[%get3A_2381, %get3A_2382, %get3A_2383] {strides = array<i32>} : memref<2x800x64xf32, #tpu.memory_space<vmem>>, vector<1x1x16xf32>,
        %get3A_2385 = vector.shape_cast %get3A_2384 : vector<1x1x16xf32> to vector<16xf32>
        %add3A_2386 = arith.addf %add3A_2350, %get3A_2385 : vector<16xf32>
        %mul3A_2387 = arith.constant 2.000000e-02 : f32
        %mul3A_2388 = vector.broadcast %mul3A_2387 : f32 to vector<16xf32>
        %mul3A_2389 = arith.mulf %add3A_2359, %mul3A_2388 : vector<16xf32>
        %swap3A = arith.constant 0 : i32
        %swap3A_2390 = arith.index_cast %swap3A : i32 to index
        %swap3A_2391 = arith.index_cast %scan3A_597 : i32 to index
        %swap3A_2392 = arith.constant 0 : index
        %swap3A_2393 = tpu.vector_load %arg7[%swap3A_2390, %swap3A_2391, %swap3A_2392] {strides = array<i32>} : memref<2x16x128xf32, #tpu.memory_space<vmem>>, vector<1x1x16xf32>,
        %swap3A_2394 = vector.shape_cast %swap3A_2393 : vector<1x1x16xf32> to vector<16xf32>
        %swap3A_2395 = vector.shape_cast %mul3A_2389 : vector<16xf32> to vector<1x1x16xf32>
        tpu.vector_store %arg7[%swap3A_2390, %swap3A_2391, %swap3A_2392], %swap3A_2395 {strides = array<i32>} : memref<2x16x128xf32, #tpu.memory_space<vmem>>, vector<1x1x16xf32>,
        %mul3A_2396 = arith.constant 2.000000e-02 : f32
        %mul3A_2397 = vector.broadcast %mul3A_2396 : f32 to vector<16xf32>
        %mul3A_2398 = arith.mulf %add3A_2368, %mul3A_2397 : vector<16xf32>
        %swap3A_2399 = arith.constant 0 : i32
        %swap3A_2400 = arith.index_cast %swap3A_2399 : i32 to index
        %swap3A_2401 = arith.index_cast %scan3A_597 : i32 to index
        %swap3A_2402 = arith.constant 16 : index
        %swap3A_2403 = tpu.vector_load %arg7[%swap3A_2400, %swap3A_2401, %swap3A_2402] {strides = array<i32>} : memref<2x16x128xf32, #tpu.memory_space<vmem>>, vector<1x1x16xf32>,
        %swap3A_2404 = vector.shape_cast %swap3A_2403 : vector<1x1x16xf32> to vector<16xf32>
        %swap3A_2405 = vector.shape_cast %mul3A_2398 : vector<16xf32> to vector<1x1x16xf32>
        tpu.vector_store %arg7[%swap3A_2400, %swap3A_2401, %swap3A_2402], %swap3A_2405 {strides = array<i32>} : memref<2x16x128xf32, #tpu.memory_space<vmem>>, vector<1x1x16xf32>,
        %mul3A_2406 = arith.constant 2.000000e-02 : f32
        %mul3A_2407 = vector.broadcast %mul3A_2406 : f32 to vector<16xf32>
        %mul3A_2408 = arith.mulf %add3A_2377, %mul3A_2407 : vector<16xf32>
        %swap3A_2409 = arith.constant 0 : i32
        %swap3A_2410 = arith.index_cast %swap3A_2409 : i32 to index
        %swap3A_2411 = arith.index_cast %scan3A_597 : i32 to index
        %swap3A_2412 = arith.constant 32 : index
        %swap3A_2413 = tpu.vector_load %arg7[%swap3A_2410, %swap3A_2411, %swap3A_2412] {strides = array<i32>} : memref<2x16x128xf32, #tpu.memory_space<vmem>>, vector<1x1x16xf32>,
        %swap3A_2414 = vector.shape_cast %swap3A_2413 : vector<1x1x16xf32> to vector<16xf32>
        %swap3A_2415 = vector.shape_cast %mul3A_2408 : vector<16xf32> to vector<1x1x16xf32>
        tpu.vector_store %arg7[%swap3A_2410, %swap3A_2411, %swap3A_2412], %swap3A_2415 {strides = array<i32>} : memref<2x16x128xf32, #tpu.memory_space<vmem>>, vector<1x1x16xf32>,
        %mul3A_2416 = arith.constant 2.000000e-02 : f32
        %mul3A_2417 = vector.broadcast %mul3A_2416 : f32 to vector<16xf32>
        %mul3A_2418 = arith.mulf %add3A_2386, %mul3A_2417 : vector<16xf32>
        %swap3A_2419 = arith.constant 0 : i32
        %swap3A_2420 = arith.index_cast %swap3A_2419 : i32 to index
        %swap3A_2421 = arith.index_cast %scan3A_597 : i32 to index
        %swap3A_2422 = arith.constant 48 : index
        %swap3A_2423 = tpu.vector_load %arg7[%swap3A_2420, %swap3A_2421, %swap3A_2422] {strides = array<i32>} : memref<2x16x128xf32, #tpu.memory_space<vmem>>, vector<1x1x16xf32>,
        %swap3A_2424 = vector.shape_cast %swap3A_2423 : vector<1x1x16xf32> to vector<16xf32>
        %swap3A_2425 = vector.shape_cast %mul3A_2418 : vector<16xf32> to vector<1x1x16xf32>
        tpu.vector_store %arg7[%swap3A_2420, %swap3A_2421, %swap3A_2422], %swap3A_2425 {strides = array<i32>} : memref<2x16x128xf32, #tpu.memory_space<vmem>>, vector<1x1x16xf32>,
      }
      %scan3A_427 = arith.constant 16 : i32
      %mul3A_428 = arith.constant 16 : i32
      %mul3A_429 = arith.muli %mul3A_171, %mul3A_428 : i32
      %add3A_430 = arith.addi %mul3A_4, %mul3A_429 : i32
      %dma_start3A_431 = arith.constant 0 : i32
      %dma_start3A_432 = arith.constant 0 : i32
      %dma_start3A_433 = arith.constant 0 : i32
      %dma_start3A_434 = tpu.memref_slice %arg7[%dma_start3A_431, %dma_start3A_432, %dma_start3A_433] : memref<2x16x128xf32, #tpu.memory_space<vmem>> -> memref<1x16x128xf32, #tpu.memory_space<vmem>>
      %dma_start3A_435 = tpu.memref_squeeze %dma_start3A_434 : memref<1x16x128xf32, #tpu.memory_space<vmem>> -> memref<16x128xf32, #tpu.memory_space<vmem>>
      %dma_start3A_436 = arith.constant 0 : i32
      %dma_start3A_437 = tpu.memref_slice %arg4[%add3A_430, %dma_start3A_436] : memref<16384x128xf32, #tpu.memory_space<hbm>> -> memref<16x128xf32, #tpu.memory_space<hbm>>
      %dma_start3A_438 = arith.constant 0 : i32
      %dma_start3A_439 = tpu.memref_slice %arg4[%add3A_430, %dma_start3A_438] : memref<16384x128xf32, #tpu.memory_space<hbm>> -> memref<16x128xf32, #tpu.memory_space<hbm>>
      %dma_start3A_440 = arith.constant 0 : i32
      %dma_start3A_441 = arith.constant 0 : i32
      %dma_start3A_442 = tpu.memref_slice %arg7[%dma_start3A_431, %dma_start3A_440, %dma_start3A_441] : memref<2x16x128xf32, #tpu.memory_space<vmem>> -> memref<1x16x128xf32, #tpu.memory_space<vmem>>
      %dma_start3A_443 = tpu.memref_squeeze %dma_start3A_442 : memref<1x16x128xf32, #tpu.memory_space<vmem>> -> memref<16x128xf32, #tpu.memory_space<vmem>>
      tpu.enqueue_dma source(%dma_start3A_443 : memref<16x128xf32, #tpu.memory_space<vmem>>) target(%dma_start3A_439 : memref<16x128xf32, #tpu.memory_space<hbm>>) target_semaphore(%arg10 : memref<!tpu.dma_semaphore, #tpu.memory_space<semaphore_mem>>)
      %add3A_444 = arith.constant 2 : i32
      %add3A_445 = arith.addi %mul3A_171, %add3A_444 : i32
      %lt3A = arith.constant 32 : i32
      %lt3A_446 = arith.cmpi slt, %add3A_445, %lt3A : i32
      %convert_element_type3A_447 = arith.extui %lt3A_446 : i1 to i32
      %cond3A_448 = arith.constant 0 : i32
      %cond3A_449 = arith.cmpi ne, %convert_element_type3A_447, %cond3A_448 : i32
      scf.if %cond3A_449 {
        %add3A_597 = arith.constant 2 : i32
        %add3A_598 = arith.addi %mul3A_171, %add3A_597 : i32
        %mul3A_599 = arith.constant 800 : i32
        %mul3A_600 = arith.muli %add3A_598, %mul3A_599 : i32
        %add3A_601 = arith.addi %mul3A_2, %mul3A_600 : i32
        %run_scoped3A_602 = arith.constant 0 : i32
        "tpu.region"() ({
          %run_scoped3A_723 = tpu.sem_alloc : memref<!tpu.dma_semaphore, #tpu.memory_space<semaphore_mem>>
          %dma_start3A_724 = arith.constant 0 : i32
          %dma_start3A_725 = tpu.memref_slice %arg5[%run_scoped3A_602, %dma_start3A_724] : memref<2x800xi32, #tpu.memory_space<vmem>> -> memref<1x800xi32, #tpu.memory_space<vmem>>
          %dma_start3A_726 = tpu.memref_squeeze %dma_start3A_725 : memref<1x800xi32, #tpu.memory_space<vmem>> -> memref<800xi32, #tpu.memory_space<vmem>>
          %dma_start3A_727 = tpu.memref_slice %arg3[%add3A_601] : memref<819200xi32, #tpu.memory_space<hbm>> -> memref<800xi32, #tpu.memory_space<hbm>>
          %dma_start3A_728 = arith.constant 0 : i32
          %dma_start3A_729 = tpu.memref_slice %arg5[%run_scoped3A_602, %dma_start3A_728] : memref<2x800xi32, #tpu.memory_space<vmem>> -> memref<1x800xi32, #tpu.memory_space<vmem>>
          %dma_start3A_730 = tpu.memref_squeeze %dma_start3A_729 : memref<1x800xi32, #tpu.memory_space<vmem>> -> memref<800xi32, #tpu.memory_space<vmem>>
          %dma_start3A_731 = tpu.memref_slice %arg3[%add3A_601] : memref<819200xi32, #tpu.memory_space<hbm>> -> memref<800xi32, #tpu.memory_space<hbm>>
          tpu.enqueue_dma source(%dma_start3A_731 : memref<800xi32, #tpu.memory_space<hbm>>) target(%dma_start3A_730 : memref<800xi32, #tpu.memory_space<vmem>>) target_semaphore(%run_scoped3A_723 : memref<!tpu.dma_semaphore, #tpu.memory_space<semaphore_mem>>)
          %dma_wait3A_732 = arith.constant 0 : i32
          %dma_wait3A_733 = tpu.memref_slice %arg5[%run_scoped3A_602, %dma_wait3A_732] : memref<2x800xi32, #tpu.memory_space<vmem>> -> memref<1x800xi32, #tpu.memory_space<vmem>>
          %dma_wait3A_734 = tpu.memref_squeeze %dma_wait3A_733 : memref<1x800xi32, #tpu.memory_space<vmem>> -> memref<800xi32, #tpu.memory_space<vmem>>
          %dma_wait3A_735 = tpu.memref_slice %arg3[%add3A_601] : memref<819200xi32, #tpu.memory_space<hbm>> -> memref<800xi32, #tpu.memory_space<hbm>>
          %dma_wait3A_736 = arith.constant 0 : i32
          %dma_wait3A_737 = tpu.memref_slice %arg5[%run_scoped3A_602, %dma_wait3A_736] : memref<2x800xi32, #tpu.memory_space<vmem>> -> memref<1x800xi32, #tpu.memory_space<vmem>>
          %dma_wait3A_738 = tpu.memref_squeeze %dma_wait3A_737 : memref<1x800xi32, #tpu.memory_space<vmem>> -> memref<800xi32, #tpu.memory_space<vmem>>
          %dma_wait3A_739 = tpu.memref_slice %arg3[%add3A_601] : memref<819200xi32, #tpu.memory_space<hbm>> -> memref<800xi32, #tpu.memory_space<hbm>>
          tpu.wait_dma2 semaphore(%run_scoped3A_723 : memref<!tpu.dma_semaphore, #tpu.memory_space<semaphore_mem>>) src(%dma_wait3A_739 : memref<800xi32, #tpu.memory_space<hbm>>) dst(%dma_wait3A_738 : memref<800xi32, #tpu.memory_space<vmem>>)
          tpu.yield
        }) : () -> ()
        %dma_start3A_603 = arith.constant 0 : i32
        %dma_start3A_604 = arith.constant 0 : i32
        %dma_start3A_605 = arith.constant 0 : i32
        %dma_start3A_606 = arith.constant 0 : i32
        %dma_start3A_607 = tpu.memref_slice %arg6[%dma_start3A_604, %dma_start3A_605, %dma_start3A_606] : memref<2x800x64xf32, #tpu.memory_space<vmem>> -> memref<1x80x64xf32, #tpu.memory_space<vmem>>
        %dma_start3A_608 = tpu.memref_squeeze %dma_start3A_607 : memref<1x80x64xf32, #tpu.memory_space<vmem>> -> memref<80x64xf32, #tpu.memory_space<vmem>>
        %dma_start3A_609 = arith.constant 0 : i32
        %dma_start3A_610 = tpu.memref_slice %arg5[%dma_start3A_603, %dma_start3A_609] : memref<2x800xi32, #tpu.memory_space<vmem>> -> memref<1x80xi32, #tpu.memory_space<vmem>>
        %dma_start3A_611 = tpu.memref_squeeze %dma_start3A_610 : memref<1x80xi32, #tpu.memory_space<vmem>> -> memref<80xi32, #tpu.memory_space<vmem>>
        %dma_start3A_612 = arith.constant 0 : i32
        %dma_start3A_613 = arith.constant 0 : i32
        %dma_start3A_614 = tpu.memref_slice %arg2[%dma_start3A_612, %dma_start3A_613] : memref<1000000x64xf32, #tpu.memory_space<hbm>> -> memref<1000000x64xf32, #tpu.memory_space<hbm>>
        tpu.enqueue_indirect_dma source(%dma_start3A_614 : memref<1000000x64xf32, #tpu.memory_space<hbm>>) target(%dma_start3A_608 : memref<80x64xf32, #tpu.memory_space<vmem>>) offsets(%dma_start3A_611 : memref<80xi32, #tpu.memory_space<vmem>>) semaphore(%arg8 : memref<!tpu.dma_semaphore, #tpu.memory_space<semaphore_mem>>)
        %dma_start3A_615 = arith.constant 0 : i32
        %dma_start3A_616 = arith.constant 0 : i32
        %dma_start3A_617 = arith.constant 80 : i32
        %dma_start3A_618 = arith.constant 0 : i32
        %dma_start3A_619 = tpu.memref_slice %arg6[%dma_start3A_616, %dma_start3A_617, %dma_start3A_618] : memref<2x800x64xf32, #tpu.memory_space<vmem>> -> memref<1x80x64xf32, #tpu.memory_space<vmem>>
        %dma_start3A_620 = tpu.memref_squeeze %dma_start3A_619 : memref<1x80x64xf32, #tpu.memory_space<vmem>> -> memref<80x64xf32, #tpu.memory_space<vmem>>
        %dma_start3A_621 = arith.constant 80 : i32
        %dma_start3A_622 = tpu.memref_slice %arg5[%dma_start3A_615, %dma_start3A_621] : memref<2x800xi32, #tpu.memory_space<vmem>> -> memref<1x80xi32, #tpu.memory_space<vmem>>
        %dma_start3A_623 = tpu.memref_squeeze %dma_start3A_622 : memref<1x80xi32, #tpu.memory_space<vmem>> -> memref<80xi32, #tpu.memory_space<vmem>>
        %dma_start3A_624 = arith.constant 0 : i32
        %dma_start3A_625 = arith.constant 0 : i32
        %dma_start3A_626 = tpu.memref_slice %arg2[%dma_start3A_624, %dma_start3A_625] : memref<1000000x64xf32, #tpu.memory_space<hbm>> -> memref<1000000x64xf32, #tpu.memory_space<hbm>>
        tpu.enqueue_indirect_dma source(%dma_start3A_626 : memref<1000000x64xf32, #tpu.memory_space<hbm>>) target(%dma_start3A_620 : memref<80x64xf32, #tpu.memory_space<vmem>>) offsets(%dma_start3A_623 : memref<80xi32, #tpu.memory_space<vmem>>) semaphore(%arg8 : memref<!tpu.dma_semaphore, #tpu.memory_space<semaphore_mem>>)
        %dma_start3A_627 = arith.constant 0 : i32
        %dma_start3A_628 = arith.constant 0 : i32
        %dma_start3A_629 = arith.constant 160 : i32
        %dma_start3A_630 = arith.constant 0 : i32
        %dma_start3A_631 = tpu.memref_slice %arg6[%dma_start3A_628, %dma_start3A_629, %dma_start3A_630] : memref<2x800x64xf32, #tpu.memory_space<vmem>> -> memref<1x80x64xf32, #tpu.memory_space<vmem>>
        %dma_start3A_632 = tpu.memref_squeeze %dma_start3A_631 : memref<1x80x64xf32, #tpu.memory_space<vmem>> -> memref<80x64xf32, #tpu.memory_space<vmem>>
        %dma_start3A_633 = arith.constant 160 : i32
        %dma_start3A_634 = tpu.memref_slice %arg5[%dma_start3A_627, %dma_start3A_633] : memref<2x800xi32, #tpu.memory_space<vmem>> -> memref<1x80xi32, #tpu.memory_space<vmem>>
        %dma_start3A_635 = tpu.memref_squeeze %dma_start3A_634 : memref<1x80xi32, #tpu.memory_space<vmem>> -> memref<80xi32, #tpu.memory_space<vmem>>
        %dma_start3A_636 = arith.constant 0 : i32
        %dma_start3A_637 = arith.constant 0 : i32
        %dma_start3A_638 = tpu.memref_slice %arg2[%dma_start3A_636, %dma_start3A_637] : memref<1000000x64xf32, #tpu.memory_space<hbm>> -> memref<1000000x64xf32, #tpu.memory_space<hbm>>
        tpu.enqueue_indirect_dma source(%dma_start3A_638 : memref<1000000x64xf32, #tpu.memory_space<hbm>>) target(%dma_start3A_632 : memref<80x64xf32, #tpu.memory_space<vmem>>) offsets(%dma_start3A_635 : memref<80xi32, #tpu.memory_space<vmem>>) semaphore(%arg8 : memref<!tpu.dma_semaphore, #tpu.memory_space<semaphore_mem>>)
        %dma_start3A_639 = arith.constant 0 : i32
        %dma_start3A_640 = arith.constant 0 : i32
        %dma_start3A_641 = arith.constant 240 : i32
        %dma_start3A_642 = arith.constant 0 : i32
        %dma_start3A_643 = tpu.memref_slice %arg6[%dma_start3A_640, %dma_start3A_641, %dma_start3A_642] : memref<2x800x64xf32, #tpu.memory_space<vmem>> -> memref<1x80x64xf32, #tpu.memory_space<vmem>>
        %dma_start3A_644 = tpu.memref_squeeze %dma_start3A_643 : memref<1x80x64xf32, #tpu.memory_space<vmem>> -> memref<80x64xf32, #tpu.memory_space<vmem>>
        %dma_start3A_645 = arith.constant 240 : i32
        %dma_start3A_646 = tpu.memref_slice %arg5[%dma_start3A_639, %dma_start3A_645] : memref<2x800xi32, #tpu.memory_space<vmem>> -> memref<1x80xi32, #tpu.memory_space<vmem>>
        %dma_start3A_647 = tpu.memref_squeeze %dma_start3A_646 : memref<1x80xi32, #tpu.memory_space<vmem>> -> memref<80xi32, #tpu.memory_space<vmem>>
        %dma_start3A_648 = arith.constant 0 : i32
        %dma_start3A_649 = arith.constant 0 : i32
        %dma_start3A_650 = tpu.memref_slice %arg2[%dma_start3A_648, %dma_start3A_649] : memref<1000000x64xf32, #tpu.memory_space<hbm>> -> memref<1000000x64xf32, #tpu.memory_space<hbm>>
        tpu.enqueue_indirect_dma source(%dma_start3A_650 : memref<1000000x64xf32, #tpu.memory_space<hbm>>) target(%dma_start3A_644 : memref<80x64xf32, #tpu.memory_space<vmem>>) offsets(%dma_start3A_647 : memref<80xi32, #tpu.memory_space<vmem>>) semaphore(%arg8 : memref<!tpu.dma_semaphore, #tpu.memory_space<semaphore_mem>>)
        %dma_start3A_651 = arith.constant 0 : i32
        %dma_start3A_652 = arith.constant 0 : i32
        %dma_start3A_653 = arith.constant 320 : i32
        %dma_start3A_654 = arith.constant 0 : i32
        %dma_start3A_655 = tpu.memref_slice %arg6[%dma_start3A_652, %dma_start3A_653, %dma_start3A_654] : memref<2x800x64xf32, #tpu.memory_space<vmem>> -> memref<1x80x64xf32, #tpu.memory_space<vmem>>
        %dma_start3A_656 = tpu.memref_squeeze %dma_start3A_655 : memref<1x80x64xf32, #tpu.memory_space<vmem>> -> memref<80x64xf32, #tpu.memory_space<vmem>>
        %dma_start3A_657 = arith.constant 320 : i32
        %dma_start3A_658 = tpu.memref_slice %arg5[%dma_start3A_651, %dma_start3A_657] : memref<2x800xi32, #tpu.memory_space<vmem>> -> memref<1x80xi32, #tpu.memory_space<vmem>>
        %dma_start3A_659 = tpu.memref_squeeze %dma_start3A_658 : memref<1x80xi32, #tpu.memory_space<vmem>> -> memref<80xi32, #tpu.memory_space<vmem>>
        %dma_start3A_660 = arith.constant 0 : i32
        %dma_start3A_661 = arith.constant 0 : i32
        %dma_start3A_662 = tpu.memref_slice %arg2[%dma_start3A_660, %dma_start3A_661] : memref<1000000x64xf32, #tpu.memory_space<hbm>> -> memref<1000000x64xf32, #tpu.memory_space<hbm>>
        tpu.enqueue_indirect_dma source(%dma_start3A_662 : memref<1000000x64xf32, #tpu.memory_space<hbm>>) target(%dma_start3A_656 : memref<80x64xf32, #tpu.memory_space<vmem>>) offsets(%dma_start3A_659 : memref<80xi32, #tpu.memory_space<vmem>>) semaphore(%arg8 : memref<!tpu.dma_semaphore, #tpu.memory_space<semaphore_mem>>)
        %dma_start3A_663 = arith.constant 0 : i32
        %dma_start3A_664 = arith.constant 0 : i32
        %dma_start3A_665 = arith.constant 400 : i32
        %dma_start3A_666 = arith.constant 0 : i32
        %dma_start3A_667 = tpu.memref_slice %arg6[%dma_start3A_664, %dma_start3A_665, %dma_start3A_666] : memref<2x800x64xf32, #tpu.memory_space<vmem>> -> memref<1x80x64xf32, #tpu.memory_space<vmem>>
        %dma_start3A_668 = tpu.memref_squeeze %dma_start3A_667 : memref<1x80x64xf32, #tpu.memory_space<vmem>> -> memref<80x64xf32, #tpu.memory_space<vmem>>
        %dma_start3A_669 = arith.constant 400 : i32
        %dma_start3A_670 = tpu.memref_slice %arg5[%dma_start3A_663, %dma_start3A_669] : memref<2x800xi32, #tpu.memory_space<vmem>> -> memref<1x80xi32, #tpu.memory_space<vmem>>
        %dma_start3A_671 = tpu.memref_squeeze %dma_start3A_670 : memref<1x80xi32, #tpu.memory_space<vmem>> -> memref<80xi32, #tpu.memory_space<vmem>>
        %dma_start3A_672 = arith.constant 0 : i32
        %dma_start3A_673 = arith.constant 0 : i32
        %dma_start3A_674 = tpu.memref_slice %arg2[%dma_start3A_672, %dma_start3A_673] : memref<1000000x64xf32, #tpu.memory_space<hbm>> -> memref<1000000x64xf32, #tpu.memory_space<hbm>>
        tpu.enqueue_indirect_dma source(%dma_start3A_674 : memref<1000000x64xf32, #tpu.memory_space<hbm>>) target(%dma_start3A_668 : memref<80x64xf32, #tpu.memory_space<vmem>>) offsets(%dma_start3A_671 : memref<80xi32, #tpu.memory_space<vmem>>) semaphore(%arg8 : memref<!tpu.dma_semaphore, #tpu.memory_space<semaphore_mem>>)
        %dma_start3A_675 = arith.constant 0 : i32
        %dma_start3A_676 = arith.constant 0 : i32
        %dma_start3A_677 = arith.constant 480 : i32
        %dma_start3A_678 = arith.constant 0 : i32
        %dma_start3A_679 = tpu.memref_slice %arg6[%dma_start3A_676, %dma_start3A_677, %dma_start3A_678] : memref<2x800x64xf32, #tpu.memory_space<vmem>> -> memref<1x80x64xf32, #tpu.memory_space<vmem>>
        %dma_start3A_680 = tpu.memref_squeeze %dma_start3A_679 : memref<1x80x64xf32, #tpu.memory_space<vmem>> -> memref<80x64xf32, #tpu.memory_space<vmem>>
        %dma_start3A_681 = arith.constant 480 : i32
        %dma_start3A_682 = tpu.memref_slice %arg5[%dma_start3A_675, %dma_start3A_681] : memref<2x800xi32, #tpu.memory_space<vmem>> -> memref<1x80xi32, #tpu.memory_space<vmem>>
        %dma_start3A_683 = tpu.memref_squeeze %dma_start3A_682 : memref<1x80xi32, #tpu.memory_space<vmem>> -> memref<80xi32, #tpu.memory_space<vmem>>
        %dma_start3A_684 = arith.constant 0 : i32
        %dma_start3A_685 = arith.constant 0 : i32
        %dma_start3A_686 = tpu.memref_slice %arg2[%dma_start3A_684, %dma_start3A_685] : memref<1000000x64xf32, #tpu.memory_space<hbm>> -> memref<1000000x64xf32, #tpu.memory_space<hbm>>
        tpu.enqueue_indirect_dma source(%dma_start3A_686 : memref<1000000x64xf32, #tpu.memory_space<hbm>>) target(%dma_start3A_680 : memref<80x64xf32, #tpu.memory_space<vmem>>) offsets(%dma_start3A_683 : memref<80xi32, #tpu.memory_space<vmem>>) semaphore(%arg8 : memref<!tpu.dma_semaphore, #tpu.memory_space<semaphore_mem>>)
        %dma_start3A_687 = arith.constant 0 : i32
        %dma_start3A_688 = arith.constant 0 : i32
        %dma_start3A_689 = arith.constant 560 : i32
        %dma_start3A_690 = arith.constant 0 : i32
        %dma_start3A_691 = tpu.memref_slice %arg6[%dma_start3A_688, %dma_start3A_689, %dma_start3A_690] : memref<2x800x64xf32, #tpu.memory_space<vmem>> -> memref<1x80x64xf32, #tpu.memory_space<vmem>>
        %dma_start3A_692 = tpu.memref_squeeze %dma_start3A_691 : memref<1x80x64xf32, #tpu.memory_space<vmem>> -> memref<80x64xf32, #tpu.memory_space<vmem>>
        %dma_start3A_693 = arith.constant 560 : i32
        %dma_start3A_694 = tpu.memref_slice %arg5[%dma_start3A_687, %dma_start3A_693] : memref<2x800xi32, #tpu.memory_space<vmem>> -> memref<1x80xi32, #tpu.memory_space<vmem>>
        %dma_start3A_695 = tpu.memref_squeeze %dma_start3A_694 : memref<1x80xi32, #tpu.memory_space<vmem>> -> memref<80xi32, #tpu.memory_space<vmem>>
        %dma_start3A_696 = arith.constant 0 : i32
        %dma_start3A_697 = arith.constant 0 : i32
        %dma_start3A_698 = tpu.memref_slice %arg2[%dma_start3A_696, %dma_start3A_697] : memref<1000000x64xf32, #tpu.memory_space<hbm>> -> memref<1000000x64xf32, #tpu.memory_space<hbm>>
        tpu.enqueue_indirect_dma source(%dma_start3A_698 : memref<1000000x64xf32, #tpu.memory_space<hbm>>) target(%dma_start3A_692 : memref<80x64xf32, #tpu.memory_space<vmem>>) offsets(%dma_start3A_695 : memref<80xi32, #tpu.memory_space<vmem>>) semaphore(%arg8 : memref<!tpu.dma_semaphore, #tpu.memory_space<semaphore_mem>>)
        %dma_start3A_699 = arith.constant 0 : i32
        %dma_start3A_700 = arith.constant 0 : i32
        %dma_start3A_701 = arith.constant 640 : i32
        %dma_start3A_702 = arith.constant 0 : i32
        %dma_start3A_703 = tpu.memref_slice %arg6[%dma_start3A_700, %dma_start3A_701, %dma_start3A_702] : memref<2x800x64xf32, #tpu.memory_space<vmem>> -> memref<1x80x64xf32, #tpu.memory_space<vmem>>
        %dma_start3A_704 = tpu.memref_squeeze %dma_start3A_703 : memref<1x80x64xf32, #tpu.memory_space<vmem>> -> memref<80x64xf32, #tpu.memory_space<vmem>>
        %dma_start3A_705 = arith.constant 640 : i32
        %dma_start3A_706 = tpu.memref_slice %arg5[%dma_start3A_699, %dma_start3A_705] : memref<2x800xi32, #tpu.memory_space<vmem>> -> memref<1x80xi32, #tpu.memory_space<vmem>>
        %dma_start3A_707 = tpu.memref_squeeze %dma_start3A_706 : memref<1x80xi32, #tpu.memory_space<vmem>> -> memref<80xi32, #tpu.memory_space<vmem>>
        %dma_start3A_708 = arith.constant 0 : i32
        %dma_start3A_709 = arith.constant 0 : i32
        %dma_start3A_710 = tpu.memref_slice %arg2[%dma_start3A_708, %dma_start3A_709] : memref<1000000x64xf32, #tpu.memory_space<hbm>> -> memref<1000000x64xf32, #tpu.memory_space<hbm>>
        tpu.enqueue_indirect_dma source(%dma_start3A_710 : memref<1000000x64xf32, #tpu.memory_space<hbm>>) target(%dma_start3A_704 : memref<80x64xf32, #tpu.memory_space<vmem>>) offsets(%dma_start3A_707 : memref<80xi32, #tpu.memory_space<vmem>>) semaphore(%arg8 : memref<!tpu.dma_semaphore, #tpu.memory_space<semaphore_mem>>)
        %dma_start3A_711 = arith.constant 0 : i32
        %dma_start3A_712 = arith.constant 0 : i32
        %dma_start3A_713 = arith.constant 720 : i32
        %dma_start3A_714 = arith.constant 0 : i32
        %dma_start3A_715 = tpu.memref_slice %arg6[%dma_start3A_712, %dma_start3A_713, %dma_start3A_714] : memref<2x800x64xf32, #tpu.memory_space<vmem>> -> memref<1x80x64xf32, #tpu.memory_space<vmem>>
        %dma_start3A_716 = tpu.memref_squeeze %dma_start3A_715 : memref<1x80x64xf32, #tpu.memory_space<vmem>> -> memref<80x64xf32, #tpu.memory_space<vmem>>
        %dma_start3A_717 = arith.constant 720 : i32
        %dma_start3A_718 = tpu.memref_slice %arg5[%dma_start3A_711, %dma_start3A_717] : memref<2x800xi32, #tpu.memory_space<vmem>> -> memref<1x80xi32, #tpu.memory_space<vmem>>
        %dma_start3A_719 = tpu.memref_squeeze %dma_start3A_718 : memref<1x80xi32, #tpu.memory_space<vmem>> -> memref<80xi32, #tpu.memory_space<vmem>>
        %dma_start3A_720 = arith.constant 0 : i32
        %dma_start3A_721 = arith.constant 0 : i32
        %dma_start3A_722 = tpu.memref_slice %arg2[%dma_start3A_720, %dma_start3A_721] : memref<1000000x64xf32, #tpu.memory_space<hbm>> -> memref<1000000x64xf32, #tpu.memory_space<hbm>>
        tpu.enqueue_indirect_dma source(%dma_start3A_722 : memref<1000000x64xf32, #tpu.memory_space<hbm>>) target(%dma_start3A_716 : memref<80x64xf32, #tpu.memory_space<vmem>>) offsets(%dma_start3A_719 : memref<80xi32, #tpu.memory_space<vmem>>) semaphore(%arg8 : memref<!tpu.dma_semaphore, #tpu.memory_space<semaphore_mem>>)
      } else {
      }
      %dma_wait3A_450 = arith.constant 1 : i32
      %dma_wait3A_451 = arith.constant 1 : i32
      %dma_wait3A_452 = arith.constant 0 : i32
      %dma_wait3A_453 = arith.constant 0 : i32
      %dma_wait3A_454 = tpu.memref_slice %arg6[%dma_wait3A_451, %dma_wait3A_452, %dma_wait3A_453] : memref<2x800x64xf32, #tpu.memory_space<vmem>> -> memref<1x80x64xf32, #tpu.memory_space<vmem>>
      %dma_wait3A_455 = tpu.memref_squeeze %dma_wait3A_454 : memref<1x80x64xf32, #tpu.memory_space<vmem>> -> memref<80x64xf32, #tpu.memory_space<vmem>>
      %dma_wait3A_456 = arith.constant 0 : i32
      %dma_wait3A_457 = tpu.memref_slice %arg5[%dma_wait3A_450, %dma_wait3A_456] : memref<2x800xi32, #tpu.memory_space<vmem>> -> memref<1x80xi32, #tpu.memory_space<vmem>>
      %dma_wait3A_458 = tpu.memref_squeeze %dma_wait3A_457 : memref<1x80xi32, #tpu.memory_space<vmem>> -> memref<80xi32, #tpu.memory_space<vmem>>
      %dma_wait3A_459 = arith.constant 0 : i32
      %dma_wait3A_460 = arith.constant 0 : i32
      %dma_wait3A_461 = tpu.memref_slice %arg2[%dma_wait3A_459, %dma_wait3A_460] : memref<1000000x64xf32, #tpu.memory_space<hbm>> -> memref<1000000x64xf32, #tpu.memory_space<hbm>>
      tpu.wait_indirect_dma semaphore(%arg9 : memref<!tpu.dma_semaphore, #tpu.memory_space<semaphore_mem>>) src(%dma_wait3A_461 : memref<1000000x64xf32, #tpu.memory_space<hbm>>) dst(%dma_wait3A_455 : memref<80x64xf32, #tpu.memory_space<vmem>>)
      %dma_wait3A_462 = arith.constant 1 : i32
      %dma_wait3A_463 = arith.constant 1 : i32
      %dma_wait3A_464 = arith.constant 80 : i32
      %dma_wait3A_465 = arith.constant 0 : i32
      %dma_wait3A_466 = tpu.memref_slice %arg6[%dma_wait3A_463, %dma_wait3A_464, %dma_wait3A_465] : memref<2x800x64xf32, #tpu.memory_space<vmem>> -> memref<1x80x64xf32, #tpu.memory_space<vmem>>
      %dma_wait3A_467 = tpu.memref_squeeze %dma_wait3A_466 : memref<1x80x64xf32, #tpu.memory_space<vmem>> -> memref<80x64xf32, #tpu.memory_space<vmem>>
      %dma_wait3A_468 = arith.constant 80 : i32
      %dma_wait3A_469 = tpu.memref_slice %arg5[%dma_wait3A_462, %dma_wait3A_468] : memref<2x800xi32, #tpu.memory_space<vmem>> -> memref<1x80xi32, #tpu.memory_space<vmem>>
      %dma_wait3A_470 = tpu.memref_squeeze %dma_wait3A_469 : memref<1x80xi32, #tpu.memory_space<vmem>> -> memref<80xi32, #tpu.memory_space<vmem>>
      %dma_wait3A_471 = arith.constant 0 : i32
      %dma_wait3A_472 = arith.constant 0 : i32
      %dma_wait3A_473 = tpu.memref_slice %arg2[%dma_wait3A_471, %dma_wait3A_472] : memref<1000000x64xf32, #tpu.memory_space<hbm>> -> memref<1000000x64xf32, #tpu.memory_space<hbm>>
      tpu.wait_indirect_dma semaphore(%arg9 : memref<!tpu.dma_semaphore, #tpu.memory_space<semaphore_mem>>) src(%dma_wait3A_473 : memref<1000000x64xf32, #tpu.memory_space<hbm>>) dst(%dma_wait3A_467 : memref<80x64xf32, #tpu.memory_space<vmem>>)
      %dma_wait3A_474 = arith.constant 1 : i32
      %dma_wait3A_475 = arith.constant 1 : i32
      %dma_wait3A_476 = arith.constant 160 : i32
      %dma_wait3A_477 = arith.constant 0 : i32
      %dma_wait3A_478 = tpu.memref_slice %arg6[%dma_wait3A_475, %dma_wait3A_476, %dma_wait3A_477] : memref<2x800x64xf32, #tpu.memory_space<vmem>> -> memref<1x80x64xf32, #tpu.memory_space<vmem>>
      %dma_wait3A_479 = tpu.memref_squeeze %dma_wait3A_478 : memref<1x80x64xf32, #tpu.memory_space<vmem>> -> memref<80x64xf32, #tpu.memory_space<vmem>>
      %dma_wait3A_480 = arith.constant 160 : i32
      %dma_wait3A_481 = tpu.memref_slice %arg5[%dma_wait3A_474, %dma_wait3A_480] : memref<2x800xi32, #tpu.memory_space<vmem>> -> memref<1x80xi32, #tpu.memory_space<vmem>>
      %dma_wait3A_482 = tpu.memref_squeeze %dma_wait3A_481 : memref<1x80xi32, #tpu.memory_space<vmem>> -> memref<80xi32, #tpu.memory_space<vmem>>
      %dma_wait3A_483 = arith.constant 0 : i32
      %dma_wait3A_484 = arith.constant 0 : i32
      %dma_wait3A_485 = tpu.memref_slice %arg2[%dma_wait3A_483, %dma_wait3A_484] : memref<1000000x64xf32, #tpu.memory_space<hbm>> -> memref<1000000x64xf32, #tpu.memory_space<hbm>>
      tpu.wait_indirect_dma semaphore(%arg9 : memref<!tpu.dma_semaphore, #tpu.memory_space<semaphore_mem>>) src(%dma_wait3A_485 : memref<1000000x64xf32, #tpu.memory_space<hbm>>) dst(%dma_wait3A_479 : memref<80x64xf32, #tpu.memory_space<vmem>>)
      %dma_wait3A_486 = arith.constant 1 : i32
      %dma_wait3A_487 = arith.constant 1 : i32
      %dma_wait3A_488 = arith.constant 240 : i32
      %dma_wait3A_489 = arith.constant 0 : i32
      %dma_wait3A_490 = tpu.memref_slice %arg6[%dma_wait3A_487, %dma_wait3A_488, %dma_wait3A_489] : memref<2x800x64xf32, #tpu.memory_space<vmem>> -> memref<1x80x64xf32, #tpu.memory_space<vmem>>
      %dma_wait3A_491 = tpu.memref_squeeze %dma_wait3A_490 : memref<1x80x64xf32, #tpu.memory_space<vmem>> -> memref<80x64xf32, #tpu.memory_space<vmem>>
      %dma_wait3A_492 = arith.constant 240 : i32
      %dma_wait3A_493 = tpu.memref_slice %arg5[%dma_wait3A_486, %dma_wait3A_492] : memref<2x800xi32, #tpu.memory_space<vmem>> -> memref<1x80xi32, #tpu.memory_space<vmem>>
      %dma_wait3A_494 = tpu.memref_squeeze %dma_wait3A_493 : memref<1x80xi32, #tpu.memory_space<vmem>> -> memref<80xi32, #tpu.memory_space<vmem>>
      %dma_wait3A_495 = arith.constant 0 : i32
      %dma_wait3A_496 = arith.constant 0 : i32
      %dma_wait3A_497 = tpu.memref_slice %arg2[%dma_wait3A_495, %dma_wait3A_496] : memref<1000000x64xf32, #tpu.memory_space<hbm>> -> memref<1000000x64xf32, #tpu.memory_space<hbm>>
      tpu.wait_indirect_dma semaphore(%arg9 : memref<!tpu.dma_semaphore, #tpu.memory_space<semaphore_mem>>) src(%dma_wait3A_497 : memref<1000000x64xf32, #tpu.memory_space<hbm>>) dst(%dma_wait3A_491 : memref<80x64xf32, #tpu.memory_space<vmem>>)
      %dma_wait3A_498 = arith.constant 1 : i32
      %dma_wait3A_499 = arith.constant 1 : i32
      %dma_wait3A_500 = arith.constant 320 : i32
      %dma_wait3A_501 = arith.constant 0 : i32
      %dma_wait3A_502 = tpu.memref_slice %arg6[%dma_wait3A_499, %dma_wait3A_500, %dma_wait3A_501] : memref<2x800x64xf32, #tpu.memory_space<vmem>> -> memref<1x80x64xf32, #tpu.memory_space<vmem>>
      %dma_wait3A_503 = tpu.memref_squeeze %dma_wait3A_502 : memref<1x80x64xf32, #tpu.memory_space<vmem>> -> memref<80x64xf32, #tpu.memory_space<vmem>>
      %dma_wait3A_504 = arith.constant 320 : i32
      %dma_wait3A_505 = tpu.memref_slice %arg5[%dma_wait3A_498, %dma_wait3A_504] : memref<2x800xi32, #tpu.memory_space<vmem>> -> memref<1x80xi32, #tpu.memory_space<vmem>>
      %dma_wait3A_506 = tpu.memref_squeeze %dma_wait3A_505 : memref<1x80xi32, #tpu.memory_space<vmem>> -> memref<80xi32, #tpu.memory_space<vmem>>
      %dma_wait3A_507 = arith.constant 0 : i32
      %dma_wait3A_508 = arith.constant 0 : i32
      %dma_wait3A_509 = tpu.memref_slice %arg2[%dma_wait3A_507, %dma_wait3A_508] : memref<1000000x64xf32, #tpu.memory_space<hbm>> -> memref<1000000x64xf32, #tpu.memory_space<hbm>>
      tpu.wait_indirect_dma semaphore(%arg9 : memref<!tpu.dma_semaphore, #tpu.memory_space<semaphore_mem>>) src(%dma_wait3A_509 : memref<1000000x64xf32, #tpu.memory_space<hbm>>) dst(%dma_wait3A_503 : memref<80x64xf32, #tpu.memory_space<vmem>>)
      %dma_wait3A_510 = arith.constant 1 : i32
      %dma_wait3A_511 = arith.constant 1 : i32
      %dma_wait3A_512 = arith.constant 400 : i32
      %dma_wait3A_513 = arith.constant 0 : i32
      %dma_wait3A_514 = tpu.memref_slice %arg6[%dma_wait3A_511, %dma_wait3A_512, %dma_wait3A_513] : memref<2x800x64xf32, #tpu.memory_space<vmem>> -> memref<1x80x64xf32, #tpu.memory_space<vmem>>
      %dma_wait3A_515 = tpu.memref_squeeze %dma_wait3A_514 : memref<1x80x64xf32, #tpu.memory_space<vmem>> -> memref<80x64xf32, #tpu.memory_space<vmem>>
      %dma_wait3A_516 = arith.constant 400 : i32
      %dma_wait3A_517 = tpu.memref_slice %arg5[%dma_wait3A_510, %dma_wait3A_516] : memref<2x800xi32, #tpu.memory_space<vmem>> -> memref<1x80xi32, #tpu.memory_space<vmem>>
      %dma_wait3A_518 = tpu.memref_squeeze %dma_wait3A_517 : memref<1x80xi32, #tpu.memory_space<vmem>> -> memref<80xi32, #tpu.memory_space<vmem>>
      %dma_wait3A_519 = arith.constant 0 : i32
      %dma_wait3A_520 = arith.constant 0 : i32
      %dma_wait3A_521 = tpu.memref_slice %arg2[%dma_wait3A_519, %dma_wait3A_520] : memref<1000000x64xf32, #tpu.memory_space<hbm>> -> memref<1000000x64xf32, #tpu.memory_space<hbm>>
      tpu.wait_indirect_dma semaphore(%arg9 : memref<!tpu.dma_semaphore, #tpu.memory_space<semaphore_mem>>) src(%dma_wait3A_521 : memref<1000000x64xf32, #tpu.memory_space<hbm>>) dst(%dma_wait3A_515 : memref<80x64xf32, #tpu.memory_space<vmem>>)
      %dma_wait3A_522 = arith.constant 1 : i32
      %dma_wait3A_523 = arith.constant 1 : i32
      %dma_wait3A_524 = arith.constant 480 : i32
      %dma_wait3A_525 = arith.constant 0 : i32
      %dma_wait3A_526 = tpu.memref_slice %arg6[%dma_wait3A_523, %dma_wait3A_524, %dma_wait3A_525] : memref<2x800x64xf32, #tpu.memory_space<vmem>> -> memref<1x80x64xf32, #tpu.memory_space<vmem>>
      %dma_wait3A_527 = tpu.memref_squeeze %dma_wait3A_526 : memref<1x80x64xf32, #tpu.memory_space<vmem>> -> memref<80x64xf32, #tpu.memory_space<vmem>>
      %dma_wait3A_528 = arith.constant 480 : i32
      %dma_wait3A_529 = tpu.memref_slice %arg5[%dma_wait3A_522, %dma_wait3A_528] : memref<2x800xi32, #tpu.memory_space<vmem>> -> memref<1x80xi32, #tpu.memory_space<vmem>>
      %dma_wait3A_530 = tpu.memref_squeeze %dma_wait3A_529 : memref<1x80xi32, #tpu.memory_space<vmem>> -> memref<80xi32, #tpu.memory_space<vmem>>
      %dma_wait3A_531 = arith.constant 0 : i32
      %dma_wait3A_532 = arith.constant 0 : i32
      %dma_wait3A_533 = tpu.memref_slice %arg2[%dma_wait3A_531, %dma_wait3A_532] : memref<1000000x64xf32, #tpu.memory_space<hbm>> -> memref<1000000x64xf32, #tpu.memory_space<hbm>>
      tpu.wait_indirect_dma semaphore(%arg9 : memref<!tpu.dma_semaphore, #tpu.memory_space<semaphore_mem>>) src(%dma_wait3A_533 : memref<1000000x64xf32, #tpu.memory_space<hbm>>) dst(%dma_wait3A_527 : memref<80x64xf32, #tpu.memory_space<vmem>>)
      %dma_wait3A_534 = arith.constant 1 : i32
      %dma_wait3A_535 = arith.constant 1 : i32
      %dma_wait3A_536 = arith.constant 560 : i32
      %dma_wait3A_537 = arith.constant 0 : i32
      %dma_wait3A_538 = tpu.memref_slice %arg6[%dma_wait3A_535, %dma_wait3A_536, %dma_wait3A_537] : memref<2x800x64xf32, #tpu.memory_space<vmem>> -> memref<1x80x64xf32, #tpu.memory_space<vmem>>
      %dma_wait3A_539 = tpu.memref_squeeze %dma_wait3A_538 : memref<1x80x64xf32, #tpu.memory_space<vmem>> -> memref<80x64xf32, #tpu.memory_space<vmem>>
      %dma_wait3A_540 = arith.constant 560 : i32
      %dma_wait3A_541 = tpu.memref_slice %arg5[%dma_wait3A_534, %dma_wait3A_540] : memref<2x800xi32, #tpu.memory_space<vmem>> -> memref<1x80xi32, #tpu.memory_space<vmem>>
      %dma_wait3A_542 = tpu.memref_squeeze %dma_wait3A_541 : memref<1x80xi32, #tpu.memory_space<vmem>> -> memref<80xi32, #tpu.memory_space<vmem>>
      %dma_wait3A_543 = arith.constant 0 : i32
      %dma_wait3A_544 = arith.constant 0 : i32
      %dma_wait3A_545 = tpu.memref_slice %arg2[%dma_wait3A_543, %dma_wait3A_544] : memref<1000000x64xf32, #tpu.memory_space<hbm>> -> memref<1000000x64xf32, #tpu.memory_space<hbm>>
      tpu.wait_indirect_dma semaphore(%arg9 : memref<!tpu.dma_semaphore, #tpu.memory_space<semaphore_mem>>) src(%dma_wait3A_545 : memref<1000000x64xf32, #tpu.memory_space<hbm>>) dst(%dma_wait3A_539 : memref<80x64xf32, #tpu.memory_space<vmem>>)
      %dma_wait3A_546 = arith.constant 1 : i32
      %dma_wait3A_547 = arith.constant 1 : i32
      %dma_wait3A_548 = arith.constant 640 : i32
      %dma_wait3A_549 = arith.constant 0 : i32
      %dma_wait3A_550 = tpu.memref_slice %arg6[%dma_wait3A_547, %dma_wait3A_548, %dma_wait3A_549] : memref<2x800x64xf32, #tpu.memory_space<vmem>> -> memref<1x80x64xf32, #tpu.memory_space<vmem>>
      %dma_wait3A_551 = tpu.memref_squeeze %dma_wait3A_550 : memref<1x80x64xf32, #tpu.memory_space<vmem>> -> memref<80x64xf32, #tpu.memory_space<vmem>>
      %dma_wait3A_552 = arith.constant 640 : i32
      %dma_wait3A_553 = tpu.memref_slice %arg5[%dma_wait3A_546, %dma_wait3A_552] : memref<2x800xi32, #tpu.memory_space<vmem>> -> memref<1x80xi32, #tpu.memory_space<vmem>>
      %dma_wait3A_554 = tpu.memref_squeeze %dma_wait3A_553 : memref<1x80xi32, #tpu.memory_space<vmem>> -> memref<80xi32, #tpu.memory_space<vmem>>
      %dma_wait3A_555 = arith.constant 0 : i32
      %dma_wait3A_556 = arith.constant 0 : i32
      %dma_wait3A_557 = tpu.memref_slice %arg2[%dma_wait3A_555, %dma_wait3A_556] : memref<1000000x64xf32, #tpu.memory_space<hbm>> -> memref<1000000x64xf32, #tpu.memory_space<hbm>>
      tpu.wait_indirect_dma semaphore(%arg9 : memref<!tpu.dma_semaphore, #tpu.memory_space<semaphore_mem>>) src(%dma_wait3A_557 : memref<1000000x64xf32, #tpu.memory_space<hbm>>) dst(%dma_wait3A_551 : memref<80x64xf32, #tpu.memory_space<vmem>>)
      %dma_wait3A_558 = arith.constant 1 : i32
      %dma_wait3A_559 = arith.constant 1 : i32
      %dma_wait3A_560 = arith.constant 720 : i32
      %dma_wait3A_561 = arith.constant 0 : i32
      %dma_wait3A_562 = tpu.memref_slice %arg6[%dma_wait3A_559, %dma_wait3A_560, %dma_wait3A_561] : memref<2x800x64xf32, #tpu.memory_space<vmem>> -> memref<1x80x64xf32, #tpu.memory_space<vmem>>
      %dma_wait3A_563 = tpu.memref_squeeze %dma_wait3A_562 : memref<1x80x64xf32, #tpu.memory_space<vmem>> -> memref<80x64xf32, #tpu.memory_space<vmem>>
      %dma_wait3A_564 = arith.constant 720 : i32
      %dma_wait3A_565 = tpu.memref_slice %arg5[%dma_wait3A_558, %dma_wait3A_564] : memref<2x800xi32, #tpu.memory_space<vmem>> -> memref<1x80xi32, #tpu.memory_space<vmem>>
      %dma_wait3A_566 = tpu.memref_squeeze %dma_wait3A_565 : memref<1x80xi32, #tpu.memory_space<vmem>> -> memref<80xi32, #tpu.memory_space<vmem>>
      %dma_wait3A_567 = arith.constant 0 : i32
      %dma_wait3A_568 = arith.constant 0 : i32
      %dma_wait3A_569 = tpu.memref_slice %arg2[%dma_wait3A_567, %dma_wait3A_568] : memref<1000000x64xf32, #tpu.memory_space<hbm>> -> memref<1000000x64xf32, #tpu.memory_space<hbm>>
      tpu.wait_indirect_dma semaphore(%arg9 : memref<!tpu.dma_semaphore, #tpu.memory_space<semaphore_mem>>) src(%dma_wait3A_569 : memref<1000000x64xf32, #tpu.memory_space<hbm>>) dst(%dma_wait3A_563 : memref<80x64xf32, #tpu.memory_space<vmem>>)
      %ge3A_570 = arith.constant 1 : i32
      %ge3A_571 = arith.cmpi sge, %scan3A_169, %ge3A_570 : i32
      %convert_element_type3A_572 = arith.extui %ge3A_571 : i1 to i32
      %cond3A_573 = arith.constant 0 : i32
      %cond3A_574 = arith.cmpi ne, %convert_element_type3A_572, %cond3A_573 : i32
      scf.if %cond3A_574 {
        %dma_wait3A_597 = arith.constant 1 : i32
        %dma_wait3A_598 = arith.constant 0 : i32
        %dma_wait3A_599 = arith.constant 0 : i32
        %dma_wait3A_600 = tpu.memref_slice %arg7[%dma_wait3A_597, %dma_wait3A_598, %dma_wait3A_599] : memref<2x16x128xf32, #tpu.memory_space<vmem>> -> memref<1x16x128xf32, #tpu.memory_space<vmem>>
        %dma_wait3A_601 = tpu.memref_squeeze %dma_wait3A_600 : memref<1x16x128xf32, #tpu.memory_space<vmem>> -> memref<16x128xf32, #tpu.memory_space<vmem>>
        %dma_wait3A_602 = arith.constant 0 : i32
        %dma_wait3A_603 = tpu.memref_slice %arg4[%mul3A_4, %dma_wait3A_602] : memref<16384x128xf32, #tpu.memory_space<hbm>> -> memref<16x128xf32, #tpu.memory_space<hbm>>
        %dma_wait3A_604 = arith.constant 0 : i32
        %dma_wait3A_605 = tpu.memref_slice %arg4[%mul3A_4, %dma_wait3A_604] : memref<16384x128xf32, #tpu.memory_space<hbm>> -> memref<16x128xf32, #tpu.memory_space<hbm>>
        %dma_wait3A_606 = arith.constant 0 : i32
        %dma_wait3A_607 = arith.constant 0 : i32
        %dma_wait3A_608 = tpu.memref_slice %arg7[%dma_wait3A_597, %dma_wait3A_606, %dma_wait3A_607] : memref<2x16x128xf32, #tpu.memory_space<vmem>> -> memref<1x16x128xf32, #tpu.memory_space<vmem>>
        %dma_wait3A_609 = tpu.memref_squeeze %dma_wait3A_608 : memref<1x16x128xf32, #tpu.memory_space<vmem>> -> memref<16x128xf32, #tpu.memory_space<vmem>>
        tpu.wait_dma2 semaphore(%arg11 : memref<!tpu.dma_semaphore, #tpu.memory_space<semaphore_mem>>) src(%dma_wait3A_609 : memref<16x128xf32, #tpu.memory_space<vmem>>) dst(%dma_wait3A_605 : memref<16x128xf32, #tpu.memory_space<hbm>>)
      } else {
      }
      %scan3A_575 = arith.constant 0 : i32
      %scan3A_576 = arith.constant 0 : i32
      %scan3A_577 = arith.constant 16 : i32
      %scan3A_578 = arith.addi %scan3A_576, %scan3A_577 : i32
      %scan3A_579 = arith.constant 1 : i32
      scf.for %scan3A_597 = %scan3A_576 to %scan3A_578 step %scan3A_579  : i32 {
        %mul3A_598 = arith.constant 50 : i32
        %mul3A_599 = arith.muli %scan3A_597, %mul3A_598 : i32
        %get3A = arith.constant 1 : i32
        %get3A_600 = arith.index_cast %get3A : i32 to index
        %get3A_601 = arith.index_cast %mul3A_599 : i32 to index
        %get3A_602 = arith.constant 0 : index
        %get3A_603 = tpu.vector_load %arg6[%get3A_600, %get3A_601, %get3A_602] {strides = array<i32>} : memref<2x800x64xf32, #tpu.memory_space<vmem>>, vector<1x1x16xf32>,
        %get3A_604 = vector.shape_cast %get3A_603 : vector<1x1x16xf32> to vector<16xf32>
        %get3A_605 = arith.constant 1 : i32
        %get3A_606 = arith.index_cast %get3A_605 : i32 to index
        %get3A_607 = arith.index_cast %mul3A_599 : i32 to index
        %get3A_608 = arith.constant 16 : index
        %get3A_609 = tpu.vector_load %arg6[%get3A_606, %get3A_607, %get3A_608] {strides = array<i32>} : memref<2x800x64xf32, #tpu.memory_space<vmem>>, vector<1x1x16xf32>,
        %get3A_610 = vector.shape_cast %get3A_609 : vector<1x1x16xf32> to vector<16xf32>
        %get3A_611 = arith.constant 1 : i32
        %get3A_612 = arith.index_cast %get3A_611 : i32 to index
        %get3A_613 = arith.index_cast %mul3A_599 : i32 to index
        %get3A_614 = arith.constant 32 : index
        %get3A_615 = tpu.vector_load %arg6[%get3A_612, %get3A_613, %get3A_614] {strides = array<i32>} : memref<2x800x64xf32, #tpu.memory_space<vmem>>, vector<1x1x16xf32>,
        %get3A_616 = vector.shape_cast %get3A_615 : vector<1x1x16xf32> to vector<16xf32>
        %get3A_617 = arith.constant 1 : i32
        %get3A_618 = arith.index_cast %get3A_617 : i32 to index
        %get3A_619 = arith.index_cast %mul3A_599 : i32 to index
        %get3A_620 = arith.constant 48 : index
        %get3A_621 = tpu.vector_load %arg6[%get3A_618, %get3A_619, %get3A_620] {strides = array<i32>} : memref<2x800x64xf32, #tpu.memory_space<vmem>>, vector<1x1x16xf32>,
        %get3A_622 = vector.shape_cast %get3A_621 : vector<1x1x16xf32> to vector<16xf32>
        %add3A_623 = arith.constant 1 : i32
        %add3A_624 = arith.addi %mul3A_599, %add3A_623 : i32
        %get3A_625 = arith.constant 1 : i32
        %get3A_626 = arith.index_cast %get3A_625 : i32 to index
        %get3A_627 = arith.index_cast %add3A_624 : i32 to index
        %get3A_628 = arith.constant 0 : index
        %get3A_629 = tpu.vector_load %arg6[%get3A_626, %get3A_627, %get3A_628] {strides = array<i32>} : memref<2x800x64xf32, #tpu.memory_space<vmem>>, vector<1x1x16xf32>,
        %get3A_630 = vector.shape_cast %get3A_629 : vector<1x1x16xf32> to vector<16xf32>
        %add3A_631 = arith.addf %get3A_604, %get3A_630 : vector<16xf32>
        %add3A_632 = arith.constant 1 : i32
        %add3A_633 = arith.addi %mul3A_599, %add3A_632 : i32
        %get3A_634 = arith.constant 1 : i32
        %get3A_635 = arith.index_cast %get3A_634 : i32 to index
        %get3A_636 = arith.index_cast %add3A_633 : i32 to index
        %get3A_637 = arith.constant 16 : index
        %get3A_638 = tpu.vector_load %arg6[%get3A_635, %get3A_636, %get3A_637] {strides = array<i32>} : memref<2x800x64xf32, #tpu.memory_space<vmem>>, vector<1x1x16xf32>,
        %get3A_639 = vector.shape_cast %get3A_638 : vector<1x1x16xf32> to vector<16xf32>
        %add3A_640 = arith.addf %get3A_610, %get3A_639 : vector<16xf32>
        %add3A_641 = arith.constant 1 : i32
        %add3A_642 = arith.addi %mul3A_599, %add3A_641 : i32
        %get3A_643 = arith.constant 1 : i32
        %get3A_644 = arith.index_cast %get3A_643 : i32 to index
        %get3A_645 = arith.index_cast %add3A_642 : i32 to index
        %get3A_646 = arith.constant 32 : index
        %get3A_647 = tpu.vector_load %arg6[%get3A_644, %get3A_645, %get3A_646] {strides = array<i32>} : memref<2x800x64xf32, #tpu.memory_space<vmem>>, vector<1x1x16xf32>,
        %get3A_648 = vector.shape_cast %get3A_647 : vector<1x1x16xf32> to vector<16xf32>
        %add3A_649 = arith.addf %get3A_616, %get3A_648 : vector<16xf32>
        %add3A_650 = arith.constant 1 : i32
        %add3A_651 = arith.addi %mul3A_599, %add3A_650 : i32
        %get3A_652 = arith.constant 1 : i32
        %get3A_653 = arith.index_cast %get3A_652 : i32 to index
        %get3A_654 = arith.index_cast %add3A_651 : i32 to index
        %get3A_655 = arith.constant 48 : index
        %get3A_656 = tpu.vector_load %arg6[%get3A_653, %get3A_654, %get3A_655] {strides = array<i32>} : memref<2x800x64xf32, #tpu.memory_space<vmem>>, vector<1x1x16xf32>,
        %get3A_657 = vector.shape_cast %get3A_656 : vector<1x1x16xf32> to vector<16xf32>
        %add3A_658 = arith.addf %get3A_622, %get3A_657 : vector<16xf32>
        %add3A_659 = arith.constant 2 : i32
        %add3A_660 = arith.addi %mul3A_599, %add3A_659 : i32
        %get3A_661 = arith.constant 1 : i32
        %get3A_662 = arith.index_cast %get3A_661 : i32 to index
        %get3A_663 = arith.index_cast %add3A_660 : i32 to index
        %get3A_664 = arith.constant 0 : index
        %get3A_665 = tpu.vector_load %arg6[%get3A_662, %get3A_663, %get3A_664] {strides = array<i32>} : memref<2x800x64xf32, #tpu.memory_space<vmem>>, vector<1x1x16xf32>,
        %get3A_666 = vector.shape_cast %get3A_665 : vector<1x1x16xf32> to vector<16xf32>
        %add3A_667 = arith.addf %add3A_631, %get3A_666 : vector<16xf32>
        %add3A_668 = arith.constant 2 : i32
        %add3A_669 = arith.addi %mul3A_599, %add3A_668 : i32
        %get3A_670 = arith.constant 1 : i32
        %get3A_671 = arith.index_cast %get3A_670 : i32 to index
        %get3A_672 = arith.index_cast %add3A_669 : i32 to index
        %get3A_673 = arith.constant 16 : index
        %get3A_674 = tpu.vector_load %arg6[%get3A_671, %get3A_672, %get3A_673] {strides = array<i32>} : memref<2x800x64xf32, #tpu.memory_space<vmem>>, vector<1x1x16xf32>,
        %get3A_675 = vector.shape_cast %get3A_674 : vector<1x1x16xf32> to vector<16xf32>
        %add3A_676 = arith.addf %add3A_640, %get3A_675 : vector<16xf32>
        %add3A_677 = arith.constant 2 : i32
        %add3A_678 = arith.addi %mul3A_599, %add3A_677 : i32
        %get3A_679 = arith.constant 1 : i32
        %get3A_680 = arith.index_cast %get3A_679 : i32 to index
        %get3A_681 = arith.index_cast %add3A_678 : i32 to index
        %get3A_682 = arith.constant 32 : index
        %get3A_683 = tpu.vector_load %arg6[%get3A_680, %get3A_681, %get3A_682] {strides = array<i32>} : memref<2x800x64xf32, #tpu.memory_space<vmem>>, vector<1x1x16xf32>,
        %get3A_684 = vector.shape_cast %get3A_683 : vector<1x1x16xf32> to vector<16xf32>
        %add3A_685 = arith.addf %add3A_649, %get3A_684 : vector<16xf32>
        %add3A_686 = arith.constant 2 : i32
        %add3A_687 = arith.addi %mul3A_599, %add3A_686 : i32
        %get3A_688 = arith.constant 1 : i32
        %get3A_689 = arith.index_cast %get3A_688 : i32 to index
        %get3A_690 = arith.index_cast %add3A_687 : i32 to index
        %get3A_691 = arith.constant 48 : index
        %get3A_692 = tpu.vector_load %arg6[%get3A_689, %get3A_690, %get3A_691] {strides = array<i32>} : memref<2x800x64xf32, #tpu.memory_space<vmem>>, vector<1x1x16xf32>,
        %get3A_693 = vector.shape_cast %get3A_692 : vector<1x1x16xf32> to vector<16xf32>
        %add3A_694 = arith.addf %add3A_658, %get3A_693 : vector<16xf32>
        %add3A_695 = arith.constant 3 : i32
        %add3A_696 = arith.addi %mul3A_599, %add3A_695 : i32
        %get3A_697 = arith.constant 1 : i32
        %get3A_698 = arith.index_cast %get3A_697 : i32 to index
        %get3A_699 = arith.index_cast %add3A_696 : i32 to index
        %get3A_700 = arith.constant 0 : index
        %get3A_701 = tpu.vector_load %arg6[%get3A_698, %get3A_699, %get3A_700] {strides = array<i32>} : memref<2x800x64xf32, #tpu.memory_space<vmem>>, vector<1x1x16xf32>,
        %get3A_702 = vector.shape_cast %get3A_701 : vector<1x1x16xf32> to vector<16xf32>
        %add3A_703 = arith.addf %add3A_667, %get3A_702 : vector<16xf32>
        %add3A_704 = arith.constant 3 : i32
        %add3A_705 = arith.addi %mul3A_599, %add3A_704 : i32
        %get3A_706 = arith.constant 1 : i32
        %get3A_707 = arith.index_cast %get3A_706 : i32 to index
        %get3A_708 = arith.index_cast %add3A_705 : i32 to index
        %get3A_709 = arith.constant 16 : index
        %get3A_710 = tpu.vector_load %arg6[%get3A_707, %get3A_708, %get3A_709] {strides = array<i32>} : memref<2x800x64xf32, #tpu.memory_space<vmem>>, vector<1x1x16xf32>,
        %get3A_711 = vector.shape_cast %get3A_710 : vector<1x1x16xf32> to vector<16xf32>
        %add3A_712 = arith.addf %add3A_676, %get3A_711 : vector<16xf32>
        %add3A_713 = arith.constant 3 : i32
        %add3A_714 = arith.addi %mul3A_599, %add3A_713 : i32
        %get3A_715 = arith.constant 1 : i32
        %get3A_716 = arith.index_cast %get3A_715 : i32 to index
        %get3A_717 = arith.index_cast %add3A_714 : i32 to index
        %get3A_718 = arith.constant 32 : index
        %get3A_719 = tpu.vector_load %arg6[%get3A_716, %get3A_717, %get3A_718] {strides = array<i32>} : memref<2x800x64xf32, #tpu.memory_space<vmem>>, vector<1x1x16xf32>,
        %get3A_720 = vector.shape_cast %get3A_719 : vector<1x1x16xf32> to vector<16xf32>
        %add3A_721 = arith.addf %add3A_685, %get3A_720 : vector<16xf32>
        %add3A_722 = arith.constant 3 : i32
        %add3A_723 = arith.addi %mul3A_599, %add3A_722 : i32
        %get3A_724 = arith.constant 1 : i32
        %get3A_725 = arith.index_cast %get3A_724 : i32 to index
        %get3A_726 = arith.index_cast %add3A_723 : i32 to index
        %get3A_727 = arith.constant 48 : index
        %get3A_728 = tpu.vector_load %arg6[%get3A_725, %get3A_726, %get3A_727] {strides = array<i32>} : memref<2x800x64xf32, #tpu.memory_space<vmem>>, vector<1x1x16xf32>,
        %get3A_729 = vector.shape_cast %get3A_728 : vector<1x1x16xf32> to vector<16xf32>
        %add3A_730 = arith.addf %add3A_694, %get3A_729 : vector<16xf32>
        %add3A_731 = arith.constant 4 : i32
        %add3A_732 = arith.addi %mul3A_599, %add3A_731 : i32
        %get3A_733 = arith.constant 1 : i32
        %get3A_734 = arith.index_cast %get3A_733 : i32 to index
        %get3A_735 = arith.index_cast %add3A_732 : i32 to index
        %get3A_736 = arith.constant 0 : index
        %get3A_737 = tpu.vector_load %arg6[%get3A_734, %get3A_735, %get3A_736] {strides = array<i32>} : memref<2x800x64xf32, #tpu.memory_space<vmem>>, vector<1x1x16xf32>,
        %get3A_738 = vector.shape_cast %get3A_737 : vector<1x1x16xf32> to vector<16xf32>
        %add3A_739 = arith.addf %add3A_703, %get3A_738 : vector<16xf32>
        %add3A_740 = arith.constant 4 : i32
        %add3A_741 = arith.addi %mul3A_599, %add3A_740 : i32
        %get3A_742 = arith.constant 1 : i32
        %get3A_743 = arith.index_cast %get3A_742 : i32 to index
        %get3A_744 = arith.index_cast %add3A_741 : i32 to index
        %get3A_745 = arith.constant 16 : index
        %get3A_746 = tpu.vector_load %arg6[%get3A_743, %get3A_744, %get3A_745] {strides = array<i32>} : memref<2x800x64xf32, #tpu.memory_space<vmem>>, vector<1x1x16xf32>,
        %get3A_747 = vector.shape_cast %get3A_746 : vector<1x1x16xf32> to vector<16xf32>
        %add3A_748 = arith.addf %add3A_712, %get3A_747 : vector<16xf32>
        %add3A_749 = arith.constant 4 : i32
        %add3A_750 = arith.addi %mul3A_599, %add3A_749 : i32
        %get3A_751 = arith.constant 1 : i32
        %get3A_752 = arith.index_cast %get3A_751 : i32 to index
        %get3A_753 = arith.index_cast %add3A_750 : i32 to index
        %get3A_754 = arith.constant 32 : index
        %get3A_755 = tpu.vector_load %arg6[%get3A_752, %get3A_753, %get3A_754] {strides = array<i32>} : memref<2x800x64xf32, #tpu.memory_space<vmem>>, vector<1x1x16xf32>,
        %get3A_756 = vector.shape_cast %get3A_755 : vector<1x1x16xf32> to vector<16xf32>
        %add3A_757 = arith.addf %add3A_721, %get3A_756 : vector<16xf32>
        %add3A_758 = arith.constant 4 : i32
        %add3A_759 = arith.addi %mul3A_599, %add3A_758 : i32
        %get3A_760 = arith.constant 1 : i32
        %get3A_761 = arith.index_cast %get3A_760 : i32 to index
        %get3A_762 = arith.index_cast %add3A_759 : i32 to index
        %get3A_763 = arith.constant 48 : index
        %get3A_764 = tpu.vector_load %arg6[%get3A_761, %get3A_762, %get3A_763] {strides = array<i32>} : memref<2x800x64xf32, #tpu.memory_space<vmem>>, vector<1x1x16xf32>,
        %get3A_765 = vector.shape_cast %get3A_764 : vector<1x1x16xf32> to vector<16xf32>
        %add3A_766 = arith.addf %add3A_730, %get3A_765 : vector<16xf32>
        %add3A_767 = arith.constant 5 : i32
        %add3A_768 = arith.addi %mul3A_599, %add3A_767 : i32
        %get3A_769 = arith.constant 1 : i32
        %get3A_770 = arith.index_cast %get3A_769 : i32 to index
        %get3A_771 = arith.index_cast %add3A_768 : i32 to index
        %get3A_772 = arith.constant 0 : index
        %get3A_773 = tpu.vector_load %arg6[%get3A_770, %get3A_771, %get3A_772] {strides = array<i32>} : memref<2x800x64xf32, #tpu.memory_space<vmem>>, vector<1x1x16xf32>,
        %get3A_774 = vector.shape_cast %get3A_773 : vector<1x1x16xf32> to vector<16xf32>
        %add3A_775 = arith.addf %add3A_739, %get3A_774 : vector<16xf32>
        %add3A_776 = arith.constant 5 : i32
        %add3A_777 = arith.addi %mul3A_599, %add3A_776 : i32
        %get3A_778 = arith.constant 1 : i32
        %get3A_779 = arith.index_cast %get3A_778 : i32 to index
        %get3A_780 = arith.index_cast %add3A_777 : i32 to index
        %get3A_781 = arith.constant 16 : index
        %get3A_782 = tpu.vector_load %arg6[%get3A_779, %get3A_780, %get3A_781] {strides = array<i32>} : memref<2x800x64xf32, #tpu.memory_space<vmem>>, vector<1x1x16xf32>,
        %get3A_783 = vector.shape_cast %get3A_782 : vector<1x1x16xf32> to vector<16xf32>
        %add3A_784 = arith.addf %add3A_748, %get3A_783 : vector<16xf32>
        %add3A_785 = arith.constant 5 : i32
        %add3A_786 = arith.addi %mul3A_599, %add3A_785 : i32
        %get3A_787 = arith.constant 1 : i32
        %get3A_788 = arith.index_cast %get3A_787 : i32 to index
        %get3A_789 = arith.index_cast %add3A_786 : i32 to index
        %get3A_790 = arith.constant 32 : index
        %get3A_791 = tpu.vector_load %arg6[%get3A_788, %get3A_789, %get3A_790] {strides = array<i32>} : memref<2x800x64xf32, #tpu.memory_space<vmem>>, vector<1x1x16xf32>,
        %get3A_792 = vector.shape_cast %get3A_791 : vector<1x1x16xf32> to vector<16xf32>
        %add3A_793 = arith.addf %add3A_757, %get3A_792 : vector<16xf32>
        %add3A_794 = arith.constant 5 : i32
        %add3A_795 = arith.addi %mul3A_599, %add3A_794 : i32
        %get3A_796 = arith.constant 1 : i32
        %get3A_797 = arith.index_cast %get3A_796 : i32 to index
        %get3A_798 = arith.index_cast %add3A_795 : i32 to index
        %get3A_799 = arith.constant 48 : index
        %get3A_800 = tpu.vector_load %arg6[%get3A_797, %get3A_798, %get3A_799] {strides = array<i32>} : memref<2x800x64xf32, #tpu.memory_space<vmem>>, vector<1x1x16xf32>,
        %get3A_801 = vector.shape_cast %get3A_800 : vector<1x1x16xf32> to vector<16xf32>
        %add3A_802 = arith.addf %add3A_766, %get3A_801 : vector<16xf32>
        %add3A_803 = arith.constant 6 : i32
        %add3A_804 = arith.addi %mul3A_599, %add3A_803 : i32
        %get3A_805 = arith.constant 1 : i32
        %get3A_806 = arith.index_cast %get3A_805 : i32 to index
        %get3A_807 = arith.index_cast %add3A_804 : i32 to index
        %get3A_808 = arith.constant 0 : index
        %get3A_809 = tpu.vector_load %arg6[%get3A_806, %get3A_807, %get3A_808] {strides = array<i32>} : memref<2x800x64xf32, #tpu.memory_space<vmem>>, vector<1x1x16xf32>,
        %get3A_810 = vector.shape_cast %get3A_809 : vector<1x1x16xf32> to vector<16xf32>
        %add3A_811 = arith.addf %add3A_775, %get3A_810 : vector<16xf32>
        %add3A_812 = arith.constant 6 : i32
        %add3A_813 = arith.addi %mul3A_599, %add3A_812 : i32
        %get3A_814 = arith.constant 1 : i32
        %get3A_815 = arith.index_cast %get3A_814 : i32 to index
        %get3A_816 = arith.index_cast %add3A_813 : i32 to index
        %get3A_817 = arith.constant 16 : index
        %get3A_818 = tpu.vector_load %arg6[%get3A_815, %get3A_816, %get3A_817] {strides = array<i32>} : memref<2x800x64xf32, #tpu.memory_space<vmem>>, vector<1x1x16xf32>,
        %get3A_819 = vector.shape_cast %get3A_818 : vector<1x1x16xf32> to vector<16xf32>
        %add3A_820 = arith.addf %add3A_784, %get3A_819 : vector<16xf32>
        %add3A_821 = arith.constant 6 : i32
        %add3A_822 = arith.addi %mul3A_599, %add3A_821 : i32
        %get3A_823 = arith.constant 1 : i32
        %get3A_824 = arith.index_cast %get3A_823 : i32 to index
        %get3A_825 = arith.index_cast %add3A_822 : i32 to index
        %get3A_826 = arith.constant 32 : index
        %get3A_827 = tpu.vector_load %arg6[%get3A_824, %get3A_825, %get3A_826] {strides = array<i32>} : memref<2x800x64xf32, #tpu.memory_space<vmem>>, vector<1x1x16xf32>,
        %get3A_828 = vector.shape_cast %get3A_827 : vector<1x1x16xf32> to vector<16xf32>
        %add3A_829 = arith.addf %add3A_793, %get3A_828 : vector<16xf32>
        %add3A_830 = arith.constant 6 : i32
        %add3A_831 = arith.addi %mul3A_599, %add3A_830 : i32
        %get3A_832 = arith.constant 1 : i32
        %get3A_833 = arith.index_cast %get3A_832 : i32 to index
        %get3A_834 = arith.index_cast %add3A_831 : i32 to index
        %get3A_835 = arith.constant 48 : index
        %get3A_836 = tpu.vector_load %arg6[%get3A_833, %get3A_834, %get3A_835] {strides = array<i32>} : memref<2x800x64xf32, #tpu.memory_space<vmem>>, vector<1x1x16xf32>,
        %get3A_837 = vector.shape_cast %get3A_836 : vector<1x1x16xf32> to vector<16xf32>
        %add3A_838 = arith.addf %add3A_802, %get3A_837 : vector<16xf32>
        %add3A_839 = arith.constant 7 : i32
        %add3A_840 = arith.addi %mul3A_599, %add3A_839 : i32
        %get3A_841 = arith.constant 1 : i32
        %get3A_842 = arith.index_cast %get3A_841 : i32 to index
        %get3A_843 = arith.index_cast %add3A_840 : i32 to index
        %get3A_844 = arith.constant 0 : index
        %get3A_845 = tpu.vector_load %arg6[%get3A_842, %get3A_843, %get3A_844] {strides = array<i32>} : memref<2x800x64xf32, #tpu.memory_space<vmem>>, vector<1x1x16xf32>,
        %get3A_846 = vector.shape_cast %get3A_845 : vector<1x1x16xf32> to vector<16xf32>
        %add3A_847 = arith.addf %add3A_811, %get3A_846 : vector<16xf32>
        %add3A_848 = arith.constant 7 : i32
        %add3A_849 = arith.addi %mul3A_599, %add3A_848 : i32
        %get3A_850 = arith.constant 1 : i32
        %get3A_851 = arith.index_cast %get3A_850 : i32 to index
        %get3A_852 = arith.index_cast %add3A_849 : i32 to index
        %get3A_853 = arith.constant 16 : index
        %get3A_854 = tpu.vector_load %arg6[%get3A_851, %get3A_852, %get3A_853] {strides = array<i32>} : memref<2x800x64xf32, #tpu.memory_space<vmem>>, vector<1x1x16xf32>,
        %get3A_855 = vector.shape_cast %get3A_854 : vector<1x1x16xf32> to vector<16xf32>
        %add3A_856 = arith.addf %add3A_820, %get3A_855 : vector<16xf32>
        %add3A_857 = arith.constant 7 : i32
        %add3A_858 = arith.addi %mul3A_599, %add3A_857 : i32
        %get3A_859 = arith.constant 1 : i32
        %get3A_860 = arith.index_cast %get3A_859 : i32 to index
        %get3A_861 = arith.index_cast %add3A_858 : i32 to index
        %get3A_862 = arith.constant 32 : index
        %get3A_863 = tpu.vector_load %arg6[%get3A_860, %get3A_861, %get3A_862] {strides = array<i32>} : memref<2x800x64xf32, #tpu.memory_space<vmem>>, vector<1x1x16xf32>,
        %get3A_864 = vector.shape_cast %get3A_863 : vector<1x1x16xf32> to vector<16xf32>
        %add3A_865 = arith.addf %add3A_829, %get3A_864 : vector<16xf32>
        %add3A_866 = arith.constant 7 : i32
        %add3A_867 = arith.addi %mul3A_599, %add3A_866 : i32
        %get3A_868 = arith.constant 1 : i32
        %get3A_869 = arith.index_cast %get3A_868 : i32 to index
        %get3A_870 = arith.index_cast %add3A_867 : i32 to index
        %get3A_871 = arith.constant 48 : index
        %get3A_872 = tpu.vector_load %arg6[%get3A_869, %get3A_870, %get3A_871] {strides = array<i32>} : memref<2x800x64xf32, #tpu.memory_space<vmem>>, vector<1x1x16xf32>,
        %get3A_873 = vector.shape_cast %get3A_872 : vector<1x1x16xf32> to vector<16xf32>
        %add3A_874 = arith.addf %add3A_838, %get3A_873 : vector<16xf32>
        %add3A_875 = arith.constant 8 : i32
        %add3A_876 = arith.addi %mul3A_599, %add3A_875 : i32
        %get3A_877 = arith.constant 1 : i32
        %get3A_878 = arith.index_cast %get3A_877 : i32 to index
        %get3A_879 = arith.index_cast %add3A_876 : i32 to index
        %get3A_880 = arith.constant 0 : index
        %get3A_881 = tpu.vector_load %arg6[%get3A_878, %get3A_879, %get3A_880] {strides = array<i32>} : memref<2x800x64xf32, #tpu.memory_space<vmem>>, vector<1x1x16xf32>,
        %get3A_882 = vector.shape_cast %get3A_881 : vector<1x1x16xf32> to vector<16xf32>
        %add3A_883 = arith.addf %add3A_847, %get3A_882 : vector<16xf32>
        %add3A_884 = arith.constant 8 : i32
        %add3A_885 = arith.addi %mul3A_599, %add3A_884 : i32
        %get3A_886 = arith.constant 1 : i32
        %get3A_887 = arith.index_cast %get3A_886 : i32 to index
        %get3A_888 = arith.index_cast %add3A_885 : i32 to index
        %get3A_889 = arith.constant 16 : index
        %get3A_890 = tpu.vector_load %arg6[%get3A_887, %get3A_888, %get3A_889] {strides = array<i32>} : memref<2x800x64xf32, #tpu.memory_space<vmem>>, vector<1x1x16xf32>,
        %get3A_891 = vector.shape_cast %get3A_890 : vector<1x1x16xf32> to vector<16xf32>
        %add3A_892 = arith.addf %add3A_856, %get3A_891 : vector<16xf32>
        %add3A_893 = arith.constant 8 : i32
        %add3A_894 = arith.addi %mul3A_599, %add3A_893 : i32
        %get3A_895 = arith.constant 1 : i32
        %get3A_896 = arith.index_cast %get3A_895 : i32 to index
        %get3A_897 = arith.index_cast %add3A_894 : i32 to index
        %get3A_898 = arith.constant 32 : index
        %get3A_899 = tpu.vector_load %arg6[%get3A_896, %get3A_897, %get3A_898] {strides = array<i32>} : memref<2x800x64xf32, #tpu.memory_space<vmem>>, vector<1x1x16xf32>,
        %get3A_900 = vector.shape_cast %get3A_899 : vector<1x1x16xf32> to vector<16xf32>
        %add3A_901 = arith.addf %add3A_865, %get3A_900 : vector<16xf32>
        %add3A_902 = arith.constant 8 : i32
        %add3A_903 = arith.addi %mul3A_599, %add3A_902 : i32
        %get3A_904 = arith.constant 1 : i32
        %get3A_905 = arith.index_cast %get3A_904 : i32 to index
        %get3A_906 = arith.index_cast %add3A_903 : i32 to index
        %get3A_907 = arith.constant 48 : index
        %get3A_908 = tpu.vector_load %arg6[%get3A_905, %get3A_906, %get3A_907] {strides = array<i32>} : memref<2x800x64xf32, #tpu.memory_space<vmem>>, vector<1x1x16xf32>,
        %get3A_909 = vector.shape_cast %get3A_908 : vector<1x1x16xf32> to vector<16xf32>
        %add3A_910 = arith.addf %add3A_874, %get3A_909 : vector<16xf32>
        %add3A_911 = arith.constant 9 : i32
        %add3A_912 = arith.addi %mul3A_599, %add3A_911 : i32
        %get3A_913 = arith.constant 1 : i32
        %get3A_914 = arith.index_cast %get3A_913 : i32 to index
        %get3A_915 = arith.index_cast %add3A_912 : i32 to index
        %get3A_916 = arith.constant 0 : index
        %get3A_917 = tpu.vector_load %arg6[%get3A_914, %get3A_915, %get3A_916] {strides = array<i32>} : memref<2x800x64xf32, #tpu.memory_space<vmem>>, vector<1x1x16xf32>,
        %get3A_918 = vector.shape_cast %get3A_917 : vector<1x1x16xf32> to vector<16xf32>
        %add3A_919 = arith.addf %add3A_883, %get3A_918 : vector<16xf32>
        %add3A_920 = arith.constant 9 : i32
        %add3A_921 = arith.addi %mul3A_599, %add3A_920 : i32
        %get3A_922 = arith.constant 1 : i32
        %get3A_923 = arith.index_cast %get3A_922 : i32 to index
        %get3A_924 = arith.index_cast %add3A_921 : i32 to index
        %get3A_925 = arith.constant 16 : index
        %get3A_926 = tpu.vector_load %arg6[%get3A_923, %get3A_924, %get3A_925] {strides = array<i32>} : memref<2x800x64xf32, #tpu.memory_space<vmem>>, vector<1x1x16xf32>,
        %get3A_927 = vector.shape_cast %get3A_926 : vector<1x1x16xf32> to vector<16xf32>
        %add3A_928 = arith.addf %add3A_892, %get3A_927 : vector<16xf32>
        %add3A_929 = arith.constant 9 : i32
        %add3A_930 = arith.addi %mul3A_599, %add3A_929 : i32
        %get3A_931 = arith.constant 1 : i32
        %get3A_932 = arith.index_cast %get3A_931 : i32 to index
        %get3A_933 = arith.index_cast %add3A_930 : i32 to index
        %get3A_934 = arith.constant 32 : index
        %get3A_935 = tpu.vector_load %arg6[%get3A_932, %get3A_933, %get3A_934] {strides = array<i32>} : memref<2x800x64xf32, #tpu.memory_space<vmem>>, vector<1x1x16xf32>,
        %get3A_936 = vector.shape_cast %get3A_935 : vector<1x1x16xf32> to vector<16xf32>
        %add3A_937 = arith.addf %add3A_901, %get3A_936 : vector<16xf32>
        %add3A_938 = arith.constant 9 : i32
        %add3A_939 = arith.addi %mul3A_599, %add3A_938 : i32
        %get3A_940 = arith.constant 1 : i32
        %get3A_941 = arith.index_cast %get3A_940 : i32 to index
        %get3A_942 = arith.index_cast %add3A_939 : i32 to index
        %get3A_943 = arith.constant 48 : index
        %get3A_944 = tpu.vector_load %arg6[%get3A_941, %get3A_942, %get3A_943] {strides = array<i32>} : memref<2x800x64xf32, #tpu.memory_space<vmem>>, vector<1x1x16xf32>,
        %get3A_945 = vector.shape_cast %get3A_944 : vector<1x1x16xf32> to vector<16xf32>
        %add3A_946 = arith.addf %add3A_910, %get3A_945 : vector<16xf32>
        %add3A_947 = arith.constant 10 : i32
        %add3A_948 = arith.addi %mul3A_599, %add3A_947 : i32
        %get3A_949 = arith.constant 1 : i32
        %get3A_950 = arith.index_cast %get3A_949 : i32 to index
        %get3A_951 = arith.index_cast %add3A_948 : i32 to index
        %get3A_952 = arith.constant 0 : index
        %get3A_953 = tpu.vector_load %arg6[%get3A_950, %get3A_951, %get3A_952] {strides = array<i32>} : memref<2x800x64xf32, #tpu.memory_space<vmem>>, vector<1x1x16xf32>,
        %get3A_954 = vector.shape_cast %get3A_953 : vector<1x1x16xf32> to vector<16xf32>
        %add3A_955 = arith.addf %add3A_919, %get3A_954 : vector<16xf32>
        %add3A_956 = arith.constant 10 : i32
        %add3A_957 = arith.addi %mul3A_599, %add3A_956 : i32
        %get3A_958 = arith.constant 1 : i32
        %get3A_959 = arith.index_cast %get3A_958 : i32 to index
        %get3A_960 = arith.index_cast %add3A_957 : i32 to index
        %get3A_961 = arith.constant 16 : index
        %get3A_962 = tpu.vector_load %arg6[%get3A_959, %get3A_960, %get3A_961] {strides = array<i32>} : memref<2x800x64xf32, #tpu.memory_space<vmem>>, vector<1x1x16xf32>,
        %get3A_963 = vector.shape_cast %get3A_962 : vector<1x1x16xf32> to vector<16xf32>
        %add3A_964 = arith.addf %add3A_928, %get3A_963 : vector<16xf32>
        %add3A_965 = arith.constant 10 : i32
        %add3A_966 = arith.addi %mul3A_599, %add3A_965 : i32
        %get3A_967 = arith.constant 1 : i32
        %get3A_968 = arith.index_cast %get3A_967 : i32 to index
        %get3A_969 = arith.index_cast %add3A_966 : i32 to index
        %get3A_970 = arith.constant 32 : index
        %get3A_971 = tpu.vector_load %arg6[%get3A_968, %get3A_969, %get3A_970] {strides = array<i32>} : memref<2x800x64xf32, #tpu.memory_space<vmem>>, vector<1x1x16xf32>,
        %get3A_972 = vector.shape_cast %get3A_971 : vector<1x1x16xf32> to vector<16xf32>
        %add3A_973 = arith.addf %add3A_937, %get3A_972 : vector<16xf32>
        %add3A_974 = arith.constant 10 : i32
        %add3A_975 = arith.addi %mul3A_599, %add3A_974 : i32
        %get3A_976 = arith.constant 1 : i32
        %get3A_977 = arith.index_cast %get3A_976 : i32 to index
        %get3A_978 = arith.index_cast %add3A_975 : i32 to index
        %get3A_979 = arith.constant 48 : index
        %get3A_980 = tpu.vector_load %arg6[%get3A_977, %get3A_978, %get3A_979] {strides = array<i32>} : memref<2x800x64xf32, #tpu.memory_space<vmem>>, vector<1x1x16xf32>,
        %get3A_981 = vector.shape_cast %get3A_980 : vector<1x1x16xf32> to vector<16xf32>
        %add3A_982 = arith.addf %add3A_946, %get3A_981 : vector<16xf32>
        %add3A_983 = arith.constant 11 : i32
        %add3A_984 = arith.addi %mul3A_599, %add3A_983 : i32
        %get3A_985 = arith.constant 1 : i32
        %get3A_986 = arith.index_cast %get3A_985 : i32 to index
        %get3A_987 = arith.index_cast %add3A_984 : i32 to index
        %get3A_988 = arith.constant 0 : index
        %get3A_989 = tpu.vector_load %arg6[%get3A_986, %get3A_987, %get3A_988] {strides = array<i32>} : memref<2x800x64xf32, #tpu.memory_space<vmem>>, vector<1x1x16xf32>,
        %get3A_990 = vector.shape_cast %get3A_989 : vector<1x1x16xf32> to vector<16xf32>
        %add3A_991 = arith.addf %add3A_955, %get3A_990 : vector<16xf32>
        %add3A_992 = arith.constant 11 : i32
        %add3A_993 = arith.addi %mul3A_599, %add3A_992 : i32
        %get3A_994 = arith.constant 1 : i32
        %get3A_995 = arith.index_cast %get3A_994 : i32 to index
        %get3A_996 = arith.index_cast %add3A_993 : i32 to index
        %get3A_997 = arith.constant 16 : index
        %get3A_998 = tpu.vector_load %arg6[%get3A_995, %get3A_996, %get3A_997] {strides = array<i32>} : memref<2x800x64xf32, #tpu.memory_space<vmem>>, vector<1x1x16xf32>,
        %get3A_999 = vector.shape_cast %get3A_998 : vector<1x1x16xf32> to vector<16xf32>
        %add3A_1000 = arith.addf %add3A_964, %get3A_999 : vector<16xf32>
        %add3A_1001 = arith.constant 11 : i32
        %add3A_1002 = arith.addi %mul3A_599, %add3A_1001 : i32
        %get3A_1003 = arith.constant 1 : i32
        %get3A_1004 = arith.index_cast %get3A_1003 : i32 to index
        %get3A_1005 = arith.index_cast %add3A_1002 : i32 to index
        %get3A_1006 = arith.constant 32 : index
        %get3A_1007 = tpu.vector_load %arg6[%get3A_1004, %get3A_1005, %get3A_1006] {strides = array<i32>} : memref<2x800x64xf32, #tpu.memory_space<vmem>>, vector<1x1x16xf32>,
        %get3A_1008 = vector.shape_cast %get3A_1007 : vector<1x1x16xf32> to vector<16xf32>
        %add3A_1009 = arith.addf %add3A_973, %get3A_1008 : vector<16xf32>
        %add3A_1010 = arith.constant 11 : i32
        %add3A_1011 = arith.addi %mul3A_599, %add3A_1010 : i32
        %get3A_1012 = arith.constant 1 : i32
        %get3A_1013 = arith.index_cast %get3A_1012 : i32 to index
        %get3A_1014 = arith.index_cast %add3A_1011 : i32 to index
        %get3A_1015 = arith.constant 48 : index
        %get3A_1016 = tpu.vector_load %arg6[%get3A_1013, %get3A_1014, %get3A_1015] {strides = array<i32>} : memref<2x800x64xf32, #tpu.memory_space<vmem>>, vector<1x1x16xf32>,
        %get3A_1017 = vector.shape_cast %get3A_1016 : vector<1x1x16xf32> to vector<16xf32>
        %add3A_1018 = arith.addf %add3A_982, %get3A_1017 : vector<16xf32>
        %add3A_1019 = arith.constant 12 : i32
        %add3A_1020 = arith.addi %mul3A_599, %add3A_1019 : i32
        %get3A_1021 = arith.constant 1 : i32
        %get3A_1022 = arith.index_cast %get3A_1021 : i32 to index
        %get3A_1023 = arith.index_cast %add3A_1020 : i32 to index
        %get3A_1024 = arith.constant 0 : index
        %get3A_1025 = tpu.vector_load %arg6[%get3A_1022, %get3A_1023, %get3A_1024] {strides = array<i32>} : memref<2x800x64xf32, #tpu.memory_space<vmem>>, vector<1x1x16xf32>,
        %get3A_1026 = vector.shape_cast %get3A_1025 : vector<1x1x16xf32> to vector<16xf32>
        %add3A_1027 = arith.addf %add3A_991, %get3A_1026 : vector<16xf32>
        %add3A_1028 = arith.constant 12 : i32
        %add3A_1029 = arith.addi %mul3A_599, %add3A_1028 : i32
        %get3A_1030 = arith.constant 1 : i32
        %get3A_1031 = arith.index_cast %get3A_1030 : i32 to index
        %get3A_1032 = arith.index_cast %add3A_1029 : i32 to index
        %get3A_1033 = arith.constant 16 : index
        %get3A_1034 = tpu.vector_load %arg6[%get3A_1031, %get3A_1032, %get3A_1033] {strides = array<i32>} : memref<2x800x64xf32, #tpu.memory_space<vmem>>, vector<1x1x16xf32>,
        %get3A_1035 = vector.shape_cast %get3A_1034 : vector<1x1x16xf32> to vector<16xf32>
        %add3A_1036 = arith.addf %add3A_1000, %get3A_1035 : vector<16xf32>
        %add3A_1037 = arith.constant 12 : i32
        %add3A_1038 = arith.addi %mul3A_599, %add3A_1037 : i32
        %get3A_1039 = arith.constant 1 : i32
        %get3A_1040 = arith.index_cast %get3A_1039 : i32 to index
        %get3A_1041 = arith.index_cast %add3A_1038 : i32 to index
        %get3A_1042 = arith.constant 32 : index
        %get3A_1043 = tpu.vector_load %arg6[%get3A_1040, %get3A_1041, %get3A_1042] {strides = array<i32>} : memref<2x800x64xf32, #tpu.memory_space<vmem>>, vector<1x1x16xf32>,
        %get3A_1044 = vector.shape_cast %get3A_1043 : vector<1x1x16xf32> to vector<16xf32>
        %add3A_1045 = arith.addf %add3A_1009, %get3A_1044 : vector<16xf32>
        %add3A_1046 = arith.constant 12 : i32
        %add3A_1047 = arith.addi %mul3A_599, %add3A_1046 : i32
        %get3A_1048 = arith.constant 1 : i32
        %get3A_1049 = arith.index_cast %get3A_1048 : i32 to index
        %get3A_1050 = arith.index_cast %add3A_1047 : i32 to index
        %get3A_1051 = arith.constant 48 : index
        %get3A_1052 = tpu.vector_load %arg6[%get3A_1049, %get3A_1050, %get3A_1051] {strides = array<i32>} : memref<2x800x64xf32, #tpu.memory_space<vmem>>, vector<1x1x16xf32>,
        %get3A_1053 = vector.shape_cast %get3A_1052 : vector<1x1x16xf32> to vector<16xf32>
        %add3A_1054 = arith.addf %add3A_1018, %get3A_1053 : vector<16xf32>
        %add3A_1055 = arith.constant 13 : i32
        %add3A_1056 = arith.addi %mul3A_599, %add3A_1055 : i32
        %get3A_1057 = arith.constant 1 : i32
        %get3A_1058 = arith.index_cast %get3A_1057 : i32 to index
        %get3A_1059 = arith.index_cast %add3A_1056 : i32 to index
        %get3A_1060 = arith.constant 0 : index
        %get3A_1061 = tpu.vector_load %arg6[%get3A_1058, %get3A_1059, %get3A_1060] {strides = array<i32>} : memref<2x800x64xf32, #tpu.memory_space<vmem>>, vector<1x1x16xf32>,
        %get3A_1062 = vector.shape_cast %get3A_1061 : vector<1x1x16xf32> to vector<16xf32>
        %add3A_1063 = arith.addf %add3A_1027, %get3A_1062 : vector<16xf32>
        %add3A_1064 = arith.constant 13 : i32
        %add3A_1065 = arith.addi %mul3A_599, %add3A_1064 : i32
        %get3A_1066 = arith.constant 1 : i32
        %get3A_1067 = arith.index_cast %get3A_1066 : i32 to index
        %get3A_1068 = arith.index_cast %add3A_1065 : i32 to index
        %get3A_1069 = arith.constant 16 : index
        %get3A_1070 = tpu.vector_load %arg6[%get3A_1067, %get3A_1068, %get3A_1069] {strides = array<i32>} : memref<2x800x64xf32, #tpu.memory_space<vmem>>, vector<1x1x16xf32>,
        %get3A_1071 = vector.shape_cast %get3A_1070 : vector<1x1x16xf32> to vector<16xf32>
        %add3A_1072 = arith.addf %add3A_1036, %get3A_1071 : vector<16xf32>
        %add3A_1073 = arith.constant 13 : i32
        %add3A_1074 = arith.addi %mul3A_599, %add3A_1073 : i32
        %get3A_1075 = arith.constant 1 : i32
        %get3A_1076 = arith.index_cast %get3A_1075 : i32 to index
        %get3A_1077 = arith.index_cast %add3A_1074 : i32 to index
        %get3A_1078 = arith.constant 32 : index
        %get3A_1079 = tpu.vector_load %arg6[%get3A_1076, %get3A_1077, %get3A_1078] {strides = array<i32>} : memref<2x800x64xf32, #tpu.memory_space<vmem>>, vector<1x1x16xf32>,
        %get3A_1080 = vector.shape_cast %get3A_1079 : vector<1x1x16xf32> to vector<16xf32>
        %add3A_1081 = arith.addf %add3A_1045, %get3A_1080 : vector<16xf32>
        %add3A_1082 = arith.constant 13 : i32
        %add3A_1083 = arith.addi %mul3A_599, %add3A_1082 : i32
        %get3A_1084 = arith.constant 1 : i32
        %get3A_1085 = arith.index_cast %get3A_1084 : i32 to index
        %get3A_1086 = arith.index_cast %add3A_1083 : i32 to index
        %get3A_1087 = arith.constant 48 : index
        %get3A_1088 = tpu.vector_load %arg6[%get3A_1085, %get3A_1086, %get3A_1087] {strides = array<i32>} : memref<2x800x64xf32, #tpu.memory_space<vmem>>, vector<1x1x16xf32>,
        %get3A_1089 = vector.shape_cast %get3A_1088 : vector<1x1x16xf32> to vector<16xf32>
        %add3A_1090 = arith.addf %add3A_1054, %get3A_1089 : vector<16xf32>
        %add3A_1091 = arith.constant 14 : i32
        %add3A_1092 = arith.addi %mul3A_599, %add3A_1091 : i32
        %get3A_1093 = arith.constant 1 : i32
        %get3A_1094 = arith.index_cast %get3A_1093 : i32 to index
        %get3A_1095 = arith.index_cast %add3A_1092 : i32 to index
        %get3A_1096 = arith.constant 0 : index
        %get3A_1097 = tpu.vector_load %arg6[%get3A_1094, %get3A_1095, %get3A_1096] {strides = array<i32>} : memref<2x800x64xf32, #tpu.memory_space<vmem>>, vector<1x1x16xf32>,
        %get3A_1098 = vector.shape_cast %get3A_1097 : vector<1x1x16xf32> to vector<16xf32>
        %add3A_1099 = arith.addf %add3A_1063, %get3A_1098 : vector<16xf32>
        %add3A_1100 = arith.constant 14 : i32
        %add3A_1101 = arith.addi %mul3A_599, %add3A_1100 : i32
        %get3A_1102 = arith.constant 1 : i32
        %get3A_1103 = arith.index_cast %get3A_1102 : i32 to index
        %get3A_1104 = arith.index_cast %add3A_1101 : i32 to index
        %get3A_1105 = arith.constant 16 : index
        %get3A_1106 = tpu.vector_load %arg6[%get3A_1103, %get3A_1104, %get3A_1105] {strides = array<i32>} : memref<2x800x64xf32, #tpu.memory_space<vmem>>, vector<1x1x16xf32>,
        %get3A_1107 = vector.shape_cast %get3A_1106 : vector<1x1x16xf32> to vector<16xf32>
        %add3A_1108 = arith.addf %add3A_1072, %get3A_1107 : vector<16xf32>
        %add3A_1109 = arith.constant 14 : i32
        %add3A_1110 = arith.addi %mul3A_599, %add3A_1109 : i32
        %get3A_1111 = arith.constant 1 : i32
        %get3A_1112 = arith.index_cast %get3A_1111 : i32 to index
        %get3A_1113 = arith.index_cast %add3A_1110 : i32 to index
        %get3A_1114 = arith.constant 32 : index
        %get3A_1115 = tpu.vector_load %arg6[%get3A_1112, %get3A_1113, %get3A_1114] {strides = array<i32>} : memref<2x800x64xf32, #tpu.memory_space<vmem>>, vector<1x1x16xf32>,
        %get3A_1116 = vector.shape_cast %get3A_1115 : vector<1x1x16xf32> to vector<16xf32>
        %add3A_1117 = arith.addf %add3A_1081, %get3A_1116 : vector<16xf32>
        %add3A_1118 = arith.constant 14 : i32
        %add3A_1119 = arith.addi %mul3A_599, %add3A_1118 : i32
        %get3A_1120 = arith.constant 1 : i32
        %get3A_1121 = arith.index_cast %get3A_1120 : i32 to index
        %get3A_1122 = arith.index_cast %add3A_1119 : i32 to index
        %get3A_1123 = arith.constant 48 : index
        %get3A_1124 = tpu.vector_load %arg6[%get3A_1121, %get3A_1122, %get3A_1123] {strides = array<i32>} : memref<2x800x64xf32, #tpu.memory_space<vmem>>, vector<1x1x16xf32>,
        %get3A_1125 = vector.shape_cast %get3A_1124 : vector<1x1x16xf32> to vector<16xf32>
        %add3A_1126 = arith.addf %add3A_1090, %get3A_1125 : vector<16xf32>
        %add3A_1127 = arith.constant 15 : i32
        %add3A_1128 = arith.addi %mul3A_599, %add3A_1127 : i32
        %get3A_1129 = arith.constant 1 : i32
        %get3A_1130 = arith.index_cast %get3A_1129 : i32 to index
        %get3A_1131 = arith.index_cast %add3A_1128 : i32 to index
        %get3A_1132 = arith.constant 0 : index
        %get3A_1133 = tpu.vector_load %arg6[%get3A_1130, %get3A_1131, %get3A_1132] {strides = array<i32>} : memref<2x800x64xf32, #tpu.memory_space<vmem>>, vector<1x1x16xf32>,
        %get3A_1134 = vector.shape_cast %get3A_1133 : vector<1x1x16xf32> to vector<16xf32>
        %add3A_1135 = arith.addf %add3A_1099, %get3A_1134 : vector<16xf32>
        %add3A_1136 = arith.constant 15 : i32
        %add3A_1137 = arith.addi %mul3A_599, %add3A_1136 : i32
        %get3A_1138 = arith.constant 1 : i32
        %get3A_1139 = arith.index_cast %get3A_1138 : i32 to index
        %get3A_1140 = arith.index_cast %add3A_1137 : i32 to index
        %get3A_1141 = arith.constant 16 : index
        %get3A_1142 = tpu.vector_load %arg6[%get3A_1139, %get3A_1140, %get3A_1141] {strides = array<i32>} : memref<2x800x64xf32, #tpu.memory_space<vmem>>, vector<1x1x16xf32>,
        %get3A_1143 = vector.shape_cast %get3A_1142 : vector<1x1x16xf32> to vector<16xf32>
        %add3A_1144 = arith.addf %add3A_1108, %get3A_1143 : vector<16xf32>
        %add3A_1145 = arith.constant 15 : i32
        %add3A_1146 = arith.addi %mul3A_599, %add3A_1145 : i32
        %get3A_1147 = arith.constant 1 : i32
        %get3A_1148 = arith.index_cast %get3A_1147 : i32 to index
        %get3A_1149 = arith.index_cast %add3A_1146 : i32 to index
        %get3A_1150 = arith.constant 32 : index
        %get3A_1151 = tpu.vector_load %arg6[%get3A_1148, %get3A_1149, %get3A_1150] {strides = array<i32>} : memref<2x800x64xf32, #tpu.memory_space<vmem>>, vector<1x1x16xf32>,
        %get3A_1152 = vector.shape_cast %get3A_1151 : vector<1x1x16xf32> to vector<16xf32>
        %add3A_1153 = arith.addf %add3A_1117, %get3A_1152 : vector<16xf32>
        %add3A_1154 = arith.constant 15 : i32
        %add3A_1155 = arith.addi %mul3A_599, %add3A_1154 : i32
        %get3A_1156 = arith.constant 1 : i32
        %get3A_1157 = arith.index_cast %get3A_1156 : i32 to index
        %get3A_1158 = arith.index_cast %add3A_1155 : i32 to index
        %get3A_1159 = arith.constant 48 : index
        %get3A_1160 = tpu.vector_load %arg6[%get3A_1157, %get3A_1158, %get3A_1159] {strides = array<i32>} : memref<2x800x64xf32, #tpu.memory_space<vmem>>, vector<1x1x16xf32>,
        %get3A_1161 = vector.shape_cast %get3A_1160 : vector<1x1x16xf32> to vector<16xf32>
        %add3A_1162 = arith.addf %add3A_1126, %get3A_1161 : vector<16xf32>
        %add3A_1163 = arith.constant 16 : i32
        %add3A_1164 = arith.addi %mul3A_599, %add3A_1163 : i32
        %get3A_1165 = arith.constant 1 : i32
        %get3A_1166 = arith.index_cast %get3A_1165 : i32 to index
        %get3A_1167 = arith.index_cast %add3A_1164 : i32 to index
        %get3A_1168 = arith.constant 0 : index
        %get3A_1169 = tpu.vector_load %arg6[%get3A_1166, %get3A_1167, %get3A_1168] {strides = array<i32>} : memref<2x800x64xf32, #tpu.memory_space<vmem>>, vector<1x1x16xf32>,
        %get3A_1170 = vector.shape_cast %get3A_1169 : vector<1x1x16xf32> to vector<16xf32>
        %add3A_1171 = arith.addf %add3A_1135, %get3A_1170 : vector<16xf32>
        %add3A_1172 = arith.constant 16 : i32
        %add3A_1173 = arith.addi %mul3A_599, %add3A_1172 : i32
        %get3A_1174 = arith.constant 1 : i32
        %get3A_1175 = arith.index_cast %get3A_1174 : i32 to index
        %get3A_1176 = arith.index_cast %add3A_1173 : i32 to index
        %get3A_1177 = arith.constant 16 : index
        %get3A_1178 = tpu.vector_load %arg6[%get3A_1175, %get3A_1176, %get3A_1177] {strides = array<i32>} : memref<2x800x64xf32, #tpu.memory_space<vmem>>, vector<1x1x16xf32>,
        %get3A_1179 = vector.shape_cast %get3A_1178 : vector<1x1x16xf32> to vector<16xf32>
        %add3A_1180 = arith.addf %add3A_1144, %get3A_1179 : vector<16xf32>
        %add3A_1181 = arith.constant 16 : i32
        %add3A_1182 = arith.addi %mul3A_599, %add3A_1181 : i32
        %get3A_1183 = arith.constant 1 : i32
        %get3A_1184 = arith.index_cast %get3A_1183 : i32 to index
        %get3A_1185 = arith.index_cast %add3A_1182 : i32 to index
        %get3A_1186 = arith.constant 32 : index
        %get3A_1187 = tpu.vector_load %arg6[%get3A_1184, %get3A_1185, %get3A_1186] {strides = array<i32>} : memref<2x800x64xf32, #tpu.memory_space<vmem>>, vector<1x1x16xf32>,
        %get3A_1188 = vector.shape_cast %get3A_1187 : vector<1x1x16xf32> to vector<16xf32>
        %add3A_1189 = arith.addf %add3A_1153, %get3A_1188 : vector<16xf32>
        %add3A_1190 = arith.constant 16 : i32
        %add3A_1191 = arith.addi %mul3A_599, %add3A_1190 : i32
        %get3A_1192 = arith.constant 1 : i32
        %get3A_1193 = arith.index_cast %get3A_1192 : i32 to index
        %get3A_1194 = arith.index_cast %add3A_1191 : i32 to index
        %get3A_1195 = arith.constant 48 : index
        %get3A_1196 = tpu.vector_load %arg6[%get3A_1193, %get3A_1194, %get3A_1195] {strides = array<i32>} : memref<2x800x64xf32, #tpu.memory_space<vmem>>, vector<1x1x16xf32>,
        %get3A_1197 = vector.shape_cast %get3A_1196 : vector<1x1x16xf32> to vector<16xf32>
        %add3A_1198 = arith.addf %add3A_1162, %get3A_1197 : vector<16xf32>
        %add3A_1199 = arith.constant 17 : i32
        %add3A_1200 = arith.addi %mul3A_599, %add3A_1199 : i32
        %get3A_1201 = arith.constant 1 : i32
        %get3A_1202 = arith.index_cast %get3A_1201 : i32 to index
        %get3A_1203 = arith.index_cast %add3A_1200 : i32 to index
        %get3A_1204 = arith.constant 0 : index
        %get3A_1205 = tpu.vector_load %arg6[%get3A_1202, %get3A_1203, %get3A_1204] {strides = array<i32>} : memref<2x800x64xf32, #tpu.memory_space<vmem>>, vector<1x1x16xf32>,
        %get3A_1206 = vector.shape_cast %get3A_1205 : vector<1x1x16xf32> to vector<16xf32>
        %add3A_1207 = arith.addf %add3A_1171, %get3A_1206 : vector<16xf32>
        %add3A_1208 = arith.constant 17 : i32
        %add3A_1209 = arith.addi %mul3A_599, %add3A_1208 : i32
        %get3A_1210 = arith.constant 1 : i32
        %get3A_1211 = arith.index_cast %get3A_1210 : i32 to index
        %get3A_1212 = arith.index_cast %add3A_1209 : i32 to index
        %get3A_1213 = arith.constant 16 : index
        %get3A_1214 = tpu.vector_load %arg6[%get3A_1211, %get3A_1212, %get3A_1213] {strides = array<i32>} : memref<2x800x64xf32, #tpu.memory_space<vmem>>, vector<1x1x16xf32>,
        %get3A_1215 = vector.shape_cast %get3A_1214 : vector<1x1x16xf32> to vector<16xf32>
        %add3A_1216 = arith.addf %add3A_1180, %get3A_1215 : vector<16xf32>
        %add3A_1217 = arith.constant 17 : i32
        %add3A_1218 = arith.addi %mul3A_599, %add3A_1217 : i32
        %get3A_1219 = arith.constant 1 : i32
        %get3A_1220 = arith.index_cast %get3A_1219 : i32 to index
        %get3A_1221 = arith.index_cast %add3A_1218 : i32 to index
        %get3A_1222 = arith.constant 32 : index
        %get3A_1223 = tpu.vector_load %arg6[%get3A_1220, %get3A_1221, %get3A_1222] {strides = array<i32>} : memref<2x800x64xf32, #tpu.memory_space<vmem>>, vector<1x1x16xf32>,
        %get3A_1224 = vector.shape_cast %get3A_1223 : vector<1x1x16xf32> to vector<16xf32>
        %add3A_1225 = arith.addf %add3A_1189, %get3A_1224 : vector<16xf32>
        %add3A_1226 = arith.constant 17 : i32
        %add3A_1227 = arith.addi %mul3A_599, %add3A_1226 : i32
        %get3A_1228 = arith.constant 1 : i32
        %get3A_1229 = arith.index_cast %get3A_1228 : i32 to index
        %get3A_1230 = arith.index_cast %add3A_1227 : i32 to index
        %get3A_1231 = arith.constant 48 : index
        %get3A_1232 = tpu.vector_load %arg6[%get3A_1229, %get3A_1230, %get3A_1231] {strides = array<i32>} : memref<2x800x64xf32, #tpu.memory_space<vmem>>, vector<1x1x16xf32>,
        %get3A_1233 = vector.shape_cast %get3A_1232 : vector<1x1x16xf32> to vector<16xf32>
        %add3A_1234 = arith.addf %add3A_1198, %get3A_1233 : vector<16xf32>
        %add3A_1235 = arith.constant 18 : i32
        %add3A_1236 = arith.addi %mul3A_599, %add3A_1235 : i32
        %get3A_1237 = arith.constant 1 : i32
        %get3A_1238 = arith.index_cast %get3A_1237 : i32 to index
        %get3A_1239 = arith.index_cast %add3A_1236 : i32 to index
        %get3A_1240 = arith.constant 0 : index
        %get3A_1241 = tpu.vector_load %arg6[%get3A_1238, %get3A_1239, %get3A_1240] {strides = array<i32>} : memref<2x800x64xf32, #tpu.memory_space<vmem>>, vector<1x1x16xf32>,
        %get3A_1242 = vector.shape_cast %get3A_1241 : vector<1x1x16xf32> to vector<16xf32>
        %add3A_1243 = arith.addf %add3A_1207, %get3A_1242 : vector<16xf32>
        %add3A_1244 = arith.constant 18 : i32
        %add3A_1245 = arith.addi %mul3A_599, %add3A_1244 : i32
        %get3A_1246 = arith.constant 1 : i32
        %get3A_1247 = arith.index_cast %get3A_1246 : i32 to index
        %get3A_1248 = arith.index_cast %add3A_1245 : i32 to index
        %get3A_1249 = arith.constant 16 : index
        %get3A_1250 = tpu.vector_load %arg6[%get3A_1247, %get3A_1248, %get3A_1249] {strides = array<i32>} : memref<2x800x64xf32, #tpu.memory_space<vmem>>, vector<1x1x16xf32>,
        %get3A_1251 = vector.shape_cast %get3A_1250 : vector<1x1x16xf32> to vector<16xf32>
        %add3A_1252 = arith.addf %add3A_1216, %get3A_1251 : vector<16xf32>
        %add3A_1253 = arith.constant 18 : i32
        %add3A_1254 = arith.addi %mul3A_599, %add3A_1253 : i32
        %get3A_1255 = arith.constant 1 : i32
        %get3A_1256 = arith.index_cast %get3A_1255 : i32 to index
        %get3A_1257 = arith.index_cast %add3A_1254 : i32 to index
        %get3A_1258 = arith.constant 32 : index
        %get3A_1259 = tpu.vector_load %arg6[%get3A_1256, %get3A_1257, %get3A_1258] {strides = array<i32>} : memref<2x800x64xf32, #tpu.memory_space<vmem>>, vector<1x1x16xf32>,
        %get3A_1260 = vector.shape_cast %get3A_1259 : vector<1x1x16xf32> to vector<16xf32>
        %add3A_1261 = arith.addf %add3A_1225, %get3A_1260 : vector<16xf32>
        %add3A_1262 = arith.constant 18 : i32
        %add3A_1263 = arith.addi %mul3A_599, %add3A_1262 : i32
        %get3A_1264 = arith.constant 1 : i32
        %get3A_1265 = arith.index_cast %get3A_1264 : i32 to index
        %get3A_1266 = arith.index_cast %add3A_1263 : i32 to index
        %get3A_1267 = arith.constant 48 : index
        %get3A_1268 = tpu.vector_load %arg6[%get3A_1265, %get3A_1266, %get3A_1267] {strides = array<i32>} : memref<2x800x64xf32, #tpu.memory_space<vmem>>, vector<1x1x16xf32>,
        %get3A_1269 = vector.shape_cast %get3A_1268 : vector<1x1x16xf32> to vector<16xf32>
        %add3A_1270 = arith.addf %add3A_1234, %get3A_1269 : vector<16xf32>
        %add3A_1271 = arith.constant 19 : i32
        %add3A_1272 = arith.addi %mul3A_599, %add3A_1271 : i32
        %get3A_1273 = arith.constant 1 : i32
        %get3A_1274 = arith.index_cast %get3A_1273 : i32 to index
        %get3A_1275 = arith.index_cast %add3A_1272 : i32 to index
        %get3A_1276 = arith.constant 0 : index
        %get3A_1277 = tpu.vector_load %arg6[%get3A_1274, %get3A_1275, %get3A_1276] {strides = array<i32>} : memref<2x800x64xf32, #tpu.memory_space<vmem>>, vector<1x1x16xf32>,
        %get3A_1278 = vector.shape_cast %get3A_1277 : vector<1x1x16xf32> to vector<16xf32>
        %add3A_1279 = arith.addf %add3A_1243, %get3A_1278 : vector<16xf32>
        %add3A_1280 = arith.constant 19 : i32
        %add3A_1281 = arith.addi %mul3A_599, %add3A_1280 : i32
        %get3A_1282 = arith.constant 1 : i32
        %get3A_1283 = arith.index_cast %get3A_1282 : i32 to index
        %get3A_1284 = arith.index_cast %add3A_1281 : i32 to index
        %get3A_1285 = arith.constant 16 : index
        %get3A_1286 = tpu.vector_load %arg6[%get3A_1283, %get3A_1284, %get3A_1285] {strides = array<i32>} : memref<2x800x64xf32, #tpu.memory_space<vmem>>, vector<1x1x16xf32>,
        %get3A_1287 = vector.shape_cast %get3A_1286 : vector<1x1x16xf32> to vector<16xf32>
        %add3A_1288 = arith.addf %add3A_1252, %get3A_1287 : vector<16xf32>
        %add3A_1289 = arith.constant 19 : i32
        %add3A_1290 = arith.addi %mul3A_599, %add3A_1289 : i32
        %get3A_1291 = arith.constant 1 : i32
        %get3A_1292 = arith.index_cast %get3A_1291 : i32 to index
        %get3A_1293 = arith.index_cast %add3A_1290 : i32 to index
        %get3A_1294 = arith.constant 32 : index
        %get3A_1295 = tpu.vector_load %arg6[%get3A_1292, %get3A_1293, %get3A_1294] {strides = array<i32>} : memref<2x800x64xf32, #tpu.memory_space<vmem>>, vector<1x1x16xf32>,
        %get3A_1296 = vector.shape_cast %get3A_1295 : vector<1x1x16xf32> to vector<16xf32>
        %add3A_1297 = arith.addf %add3A_1261, %get3A_1296 : vector<16xf32>
        %add3A_1298 = arith.constant 19 : i32
        %add3A_1299 = arith.addi %mul3A_599, %add3A_1298 : i32
        %get3A_1300 = arith.constant 1 : i32
        %get3A_1301 = arith.index_cast %get3A_1300 : i32 to index
        %get3A_1302 = arith.index_cast %add3A_1299 : i32 to index
        %get3A_1303 = arith.constant 48 : index
        %get3A_1304 = tpu.vector_load %arg6[%get3A_1301, %get3A_1302, %get3A_1303] {strides = array<i32>} : memref<2x800x64xf32, #tpu.memory_space<vmem>>, vector<1x1x16xf32>,
        %get3A_1305 = vector.shape_cast %get3A_1304 : vector<1x1x16xf32> to vector<16xf32>
        %add3A_1306 = arith.addf %add3A_1270, %get3A_1305 : vector<16xf32>
        %add3A_1307 = arith.constant 20 : i32
        %add3A_1308 = arith.addi %mul3A_599, %add3A_1307 : i32
        %get3A_1309 = arith.constant 1 : i32
        %get3A_1310 = arith.index_cast %get3A_1309 : i32 to index
        %get3A_1311 = arith.index_cast %add3A_1308 : i32 to index
        %get3A_1312 = arith.constant 0 : index
        %get3A_1313 = tpu.vector_load %arg6[%get3A_1310, %get3A_1311, %get3A_1312] {strides = array<i32>} : memref<2x800x64xf32, #tpu.memory_space<vmem>>, vector<1x1x16xf32>,
        %get3A_1314 = vector.shape_cast %get3A_1313 : vector<1x1x16xf32> to vector<16xf32>
        %add3A_1315 = arith.addf %add3A_1279, %get3A_1314 : vector<16xf32>
        %add3A_1316 = arith.constant 20 : i32
        %add3A_1317 = arith.addi %mul3A_599, %add3A_1316 : i32
        %get3A_1318 = arith.constant 1 : i32
        %get3A_1319 = arith.index_cast %get3A_1318 : i32 to index
        %get3A_1320 = arith.index_cast %add3A_1317 : i32 to index
        %get3A_1321 = arith.constant 16 : index
        %get3A_1322 = tpu.vector_load %arg6[%get3A_1319, %get3A_1320, %get3A_1321] {strides = array<i32>} : memref<2x800x64xf32, #tpu.memory_space<vmem>>, vector<1x1x16xf32>,
        %get3A_1323 = vector.shape_cast %get3A_1322 : vector<1x1x16xf32> to vector<16xf32>
        %add3A_1324 = arith.addf %add3A_1288, %get3A_1323 : vector<16xf32>
        %add3A_1325 = arith.constant 20 : i32
        %add3A_1326 = arith.addi %mul3A_599, %add3A_1325 : i32
        %get3A_1327 = arith.constant 1 : i32
        %get3A_1328 = arith.index_cast %get3A_1327 : i32 to index
        %get3A_1329 = arith.index_cast %add3A_1326 : i32 to index
        %get3A_1330 = arith.constant 32 : index
        %get3A_1331 = tpu.vector_load %arg6[%get3A_1328, %get3A_1329, %get3A_1330] {strides = array<i32>} : memref<2x800x64xf32, #tpu.memory_space<vmem>>, vector<1x1x16xf32>,
        %get3A_1332 = vector.shape_cast %get3A_1331 : vector<1x1x16xf32> to vector<16xf32>
        %add3A_1333 = arith.addf %add3A_1297, %get3A_1332 : vector<16xf32>
        %add3A_1334 = arith.constant 20 : i32
        %add3A_1335 = arith.addi %mul3A_599, %add3A_1334 : i32
        %get3A_1336 = arith.constant 1 : i32
        %get3A_1337 = arith.index_cast %get3A_1336 : i32 to index
        %get3A_1338 = arith.index_cast %add3A_1335 : i32 to index
        %get3A_1339 = arith.constant 48 : index
        %get3A_1340 = tpu.vector_load %arg6[%get3A_1337, %get3A_1338, %get3A_1339] {strides = array<i32>} : memref<2x800x64xf32, #tpu.memory_space<vmem>>, vector<1x1x16xf32>,
        %get3A_1341 = vector.shape_cast %get3A_1340 : vector<1x1x16xf32> to vector<16xf32>
        %add3A_1342 = arith.addf %add3A_1306, %get3A_1341 : vector<16xf32>
        %add3A_1343 = arith.constant 21 : i32
        %add3A_1344 = arith.addi %mul3A_599, %add3A_1343 : i32
        %get3A_1345 = arith.constant 1 : i32
        %get3A_1346 = arith.index_cast %get3A_1345 : i32 to index
        %get3A_1347 = arith.index_cast %add3A_1344 : i32 to index
        %get3A_1348 = arith.constant 0 : index
        %get3A_1349 = tpu.vector_load %arg6[%get3A_1346, %get3A_1347, %get3A_1348] {strides = array<i32>} : memref<2x800x64xf32, #tpu.memory_space<vmem>>, vector<1x1x16xf32>,
        %get3A_1350 = vector.shape_cast %get3A_1349 : vector<1x1x16xf32> to vector<16xf32>
        %add3A_1351 = arith.addf %add3A_1315, %get3A_1350 : vector<16xf32>
        %add3A_1352 = arith.constant 21 : i32
        %add3A_1353 = arith.addi %mul3A_599, %add3A_1352 : i32
        %get3A_1354 = arith.constant 1 : i32
        %get3A_1355 = arith.index_cast %get3A_1354 : i32 to index
        %get3A_1356 = arith.index_cast %add3A_1353 : i32 to index
        %get3A_1357 = arith.constant 16 : index
        %get3A_1358 = tpu.vector_load %arg6[%get3A_1355, %get3A_1356, %get3A_1357] {strides = array<i32>} : memref<2x800x64xf32, #tpu.memory_space<vmem>>, vector<1x1x16xf32>,
        %get3A_1359 = vector.shape_cast %get3A_1358 : vector<1x1x16xf32> to vector<16xf32>
        %add3A_1360 = arith.addf %add3A_1324, %get3A_1359 : vector<16xf32>
        %add3A_1361 = arith.constant 21 : i32
        %add3A_1362 = arith.addi %mul3A_599, %add3A_1361 : i32
        %get3A_1363 = arith.constant 1 : i32
        %get3A_1364 = arith.index_cast %get3A_1363 : i32 to index
        %get3A_1365 = arith.index_cast %add3A_1362 : i32 to index
        %get3A_1366 = arith.constant 32 : index
        %get3A_1367 = tpu.vector_load %arg6[%get3A_1364, %get3A_1365, %get3A_1366] {strides = array<i32>} : memref<2x800x64xf32, #tpu.memory_space<vmem>>, vector<1x1x16xf32>,
        %get3A_1368 = vector.shape_cast %get3A_1367 : vector<1x1x16xf32> to vector<16xf32>
        %add3A_1369 = arith.addf %add3A_1333, %get3A_1368 : vector<16xf32>
        %add3A_1370 = arith.constant 21 : i32
        %add3A_1371 = arith.addi %mul3A_599, %add3A_1370 : i32
        %get3A_1372 = arith.constant 1 : i32
        %get3A_1373 = arith.index_cast %get3A_1372 : i32 to index
        %get3A_1374 = arith.index_cast %add3A_1371 : i32 to index
        %get3A_1375 = arith.constant 48 : index
        %get3A_1376 = tpu.vector_load %arg6[%get3A_1373, %get3A_1374, %get3A_1375] {strides = array<i32>} : memref<2x800x64xf32, #tpu.memory_space<vmem>>, vector<1x1x16xf32>,
        %get3A_1377 = vector.shape_cast %get3A_1376 : vector<1x1x16xf32> to vector<16xf32>
        %add3A_1378 = arith.addf %add3A_1342, %get3A_1377 : vector<16xf32>
        %add3A_1379 = arith.constant 22 : i32
        %add3A_1380 = arith.addi %mul3A_599, %add3A_1379 : i32
        %get3A_1381 = arith.constant 1 : i32
        %get3A_1382 = arith.index_cast %get3A_1381 : i32 to index
        %get3A_1383 = arith.index_cast %add3A_1380 : i32 to index
        %get3A_1384 = arith.constant 0 : index
        %get3A_1385 = tpu.vector_load %arg6[%get3A_1382, %get3A_1383, %get3A_1384] {strides = array<i32>} : memref<2x800x64xf32, #tpu.memory_space<vmem>>, vector<1x1x16xf32>,
        %get3A_1386 = vector.shape_cast %get3A_1385 : vector<1x1x16xf32> to vector<16xf32>
        %add3A_1387 = arith.addf %add3A_1351, %get3A_1386 : vector<16xf32>
        %add3A_1388 = arith.constant 22 : i32
        %add3A_1389 = arith.addi %mul3A_599, %add3A_1388 : i32
        %get3A_1390 = arith.constant 1 : i32
        %get3A_1391 = arith.index_cast %get3A_1390 : i32 to index
        %get3A_1392 = arith.index_cast %add3A_1389 : i32 to index
        %get3A_1393 = arith.constant 16 : index
        %get3A_1394 = tpu.vector_load %arg6[%get3A_1391, %get3A_1392, %get3A_1393] {strides = array<i32>} : memref<2x800x64xf32, #tpu.memory_space<vmem>>, vector<1x1x16xf32>,
        %get3A_1395 = vector.shape_cast %get3A_1394 : vector<1x1x16xf32> to vector<16xf32>
        %add3A_1396 = arith.addf %add3A_1360, %get3A_1395 : vector<16xf32>
        %add3A_1397 = arith.constant 22 : i32
        %add3A_1398 = arith.addi %mul3A_599, %add3A_1397 : i32
        %get3A_1399 = arith.constant 1 : i32
        %get3A_1400 = arith.index_cast %get3A_1399 : i32 to index
        %get3A_1401 = arith.index_cast %add3A_1398 : i32 to index
        %get3A_1402 = arith.constant 32 : index
        %get3A_1403 = tpu.vector_load %arg6[%get3A_1400, %get3A_1401, %get3A_1402] {strides = array<i32>} : memref<2x800x64xf32, #tpu.memory_space<vmem>>, vector<1x1x16xf32>,
        %get3A_1404 = vector.shape_cast %get3A_1403 : vector<1x1x16xf32> to vector<16xf32>
        %add3A_1405 = arith.addf %add3A_1369, %get3A_1404 : vector<16xf32>
        %add3A_1406 = arith.constant 22 : i32
        %add3A_1407 = arith.addi %mul3A_599, %add3A_1406 : i32
        %get3A_1408 = arith.constant 1 : i32
        %get3A_1409 = arith.index_cast %get3A_1408 : i32 to index
        %get3A_1410 = arith.index_cast %add3A_1407 : i32 to index
        %get3A_1411 = arith.constant 48 : index
        %get3A_1412 = tpu.vector_load %arg6[%get3A_1409, %get3A_1410, %get3A_1411] {strides = array<i32>} : memref<2x800x64xf32, #tpu.memory_space<vmem>>, vector<1x1x16xf32>,
        %get3A_1413 = vector.shape_cast %get3A_1412 : vector<1x1x16xf32> to vector<16xf32>
        %add3A_1414 = arith.addf %add3A_1378, %get3A_1413 : vector<16xf32>
        %add3A_1415 = arith.constant 23 : i32
        %add3A_1416 = arith.addi %mul3A_599, %add3A_1415 : i32
        %get3A_1417 = arith.constant 1 : i32
        %get3A_1418 = arith.index_cast %get3A_1417 : i32 to index
        %get3A_1419 = arith.index_cast %add3A_1416 : i32 to index
        %get3A_1420 = arith.constant 0 : index
        %get3A_1421 = tpu.vector_load %arg6[%get3A_1418, %get3A_1419, %get3A_1420] {strides = array<i32>} : memref<2x800x64xf32, #tpu.memory_space<vmem>>, vector<1x1x16xf32>,
        %get3A_1422 = vector.shape_cast %get3A_1421 : vector<1x1x16xf32> to vector<16xf32>
        %add3A_1423 = arith.addf %add3A_1387, %get3A_1422 : vector<16xf32>
        %add3A_1424 = arith.constant 23 : i32
        %add3A_1425 = arith.addi %mul3A_599, %add3A_1424 : i32
        %get3A_1426 = arith.constant 1 : i32
        %get3A_1427 = arith.index_cast %get3A_1426 : i32 to index
        %get3A_1428 = arith.index_cast %add3A_1425 : i32 to index
        %get3A_1429 = arith.constant 16 : index
        %get3A_1430 = tpu.vector_load %arg6[%get3A_1427, %get3A_1428, %get3A_1429] {strides = array<i32>} : memref<2x800x64xf32, #tpu.memory_space<vmem>>, vector<1x1x16xf32>,
        %get3A_1431 = vector.shape_cast %get3A_1430 : vector<1x1x16xf32> to vector<16xf32>
        %add3A_1432 = arith.addf %add3A_1396, %get3A_1431 : vector<16xf32>
        %add3A_1433 = arith.constant 23 : i32
        %add3A_1434 = arith.addi %mul3A_599, %add3A_1433 : i32
        %get3A_1435 = arith.constant 1 : i32
        %get3A_1436 = arith.index_cast %get3A_1435 : i32 to index
        %get3A_1437 = arith.index_cast %add3A_1434 : i32 to index
        %get3A_1438 = arith.constant 32 : index
        %get3A_1439 = tpu.vector_load %arg6[%get3A_1436, %get3A_1437, %get3A_1438] {strides = array<i32>} : memref<2x800x64xf32, #tpu.memory_space<vmem>>, vector<1x1x16xf32>,
        %get3A_1440 = vector.shape_cast %get3A_1439 : vector<1x1x16xf32> to vector<16xf32>
        %add3A_1441 = arith.addf %add3A_1405, %get3A_1440 : vector<16xf32>
        %add3A_1442 = arith.constant 23 : i32
        %add3A_1443 = arith.addi %mul3A_599, %add3A_1442 : i32
        %get3A_1444 = arith.constant 1 : i32
        %get3A_1445 = arith.index_cast %get3A_1444 : i32 to index
        %get3A_1446 = arith.index_cast %add3A_1443 : i32 to index
        %get3A_1447 = arith.constant 48 : index
        %get3A_1448 = tpu.vector_load %arg6[%get3A_1445, %get3A_1446, %get3A_1447] {strides = array<i32>} : memref<2x800x64xf32, #tpu.memory_space<vmem>>, vector<1x1x16xf32>,
        %get3A_1449 = vector.shape_cast %get3A_1448 : vector<1x1x16xf32> to vector<16xf32>
        %add3A_1450 = arith.addf %add3A_1414, %get3A_1449 : vector<16xf32>
        %add3A_1451 = arith.constant 24 : i32
        %add3A_1452 = arith.addi %mul3A_599, %add3A_1451 : i32
        %get3A_1453 = arith.constant 1 : i32
        %get3A_1454 = arith.index_cast %get3A_1453 : i32 to index
        %get3A_1455 = arith.index_cast %add3A_1452 : i32 to index
        %get3A_1456 = arith.constant 0 : index
        %get3A_1457 = tpu.vector_load %arg6[%get3A_1454, %get3A_1455, %get3A_1456] {strides = array<i32>} : memref<2x800x64xf32, #tpu.memory_space<vmem>>, vector<1x1x16xf32>,
        %get3A_1458 = vector.shape_cast %get3A_1457 : vector<1x1x16xf32> to vector<16xf32>
        %add3A_1459 = arith.addf %add3A_1423, %get3A_1458 : vector<16xf32>
        %add3A_1460 = arith.constant 24 : i32
        %add3A_1461 = arith.addi %mul3A_599, %add3A_1460 : i32
        %get3A_1462 = arith.constant 1 : i32
        %get3A_1463 = arith.index_cast %get3A_1462 : i32 to index
        %get3A_1464 = arith.index_cast %add3A_1461 : i32 to index
        %get3A_1465 = arith.constant 16 : index
        %get3A_1466 = tpu.vector_load %arg6[%get3A_1463, %get3A_1464, %get3A_1465] {strides = array<i32>} : memref<2x800x64xf32, #tpu.memory_space<vmem>>, vector<1x1x16xf32>,
        %get3A_1467 = vector.shape_cast %get3A_1466 : vector<1x1x16xf32> to vector<16xf32>
        %add3A_1468 = arith.addf %add3A_1432, %get3A_1467 : vector<16xf32>
        %add3A_1469 = arith.constant 24 : i32
        %add3A_1470 = arith.addi %mul3A_599, %add3A_1469 : i32
        %get3A_1471 = arith.constant 1 : i32
        %get3A_1472 = arith.index_cast %get3A_1471 : i32 to index
        %get3A_1473 = arith.index_cast %add3A_1470 : i32 to index
        %get3A_1474 = arith.constant 32 : index
        %get3A_1475 = tpu.vector_load %arg6[%get3A_1472, %get3A_1473, %get3A_1474] {strides = array<i32>} : memref<2x800x64xf32, #tpu.memory_space<vmem>>, vector<1x1x16xf32>,
        %get3A_1476 = vector.shape_cast %get3A_1475 : vector<1x1x16xf32> to vector<16xf32>
        %add3A_1477 = arith.addf %add3A_1441, %get3A_1476 : vector<16xf32>
        %add3A_1478 = arith.constant 24 : i32
        %add3A_1479 = arith.addi %mul3A_599, %add3A_1478 : i32
        %get3A_1480 = arith.constant 1 : i32
        %get3A_1481 = arith.index_cast %get3A_1480 : i32 to index
        %get3A_1482 = arith.index_cast %add3A_1479 : i32 to index
        %get3A_1483 = arith.constant 48 : index
        %get3A_1484 = tpu.vector_load %arg6[%get3A_1481, %get3A_1482, %get3A_1483] {strides = array<i32>} : memref<2x800x64xf32, #tpu.memory_space<vmem>>, vector<1x1x16xf32>,
        %get3A_1485 = vector.shape_cast %get3A_1484 : vector<1x1x16xf32> to vector<16xf32>
        %add3A_1486 = arith.addf %add3A_1450, %get3A_1485 : vector<16xf32>
        %add3A_1487 = arith.constant 25 : i32
        %add3A_1488 = arith.addi %mul3A_599, %add3A_1487 : i32
        %get3A_1489 = arith.constant 1 : i32
        %get3A_1490 = arith.index_cast %get3A_1489 : i32 to index
        %get3A_1491 = arith.index_cast %add3A_1488 : i32 to index
        %get3A_1492 = arith.constant 0 : index
        %get3A_1493 = tpu.vector_load %arg6[%get3A_1490, %get3A_1491, %get3A_1492] {strides = array<i32>} : memref<2x800x64xf32, #tpu.memory_space<vmem>>, vector<1x1x16xf32>,
        %get3A_1494 = vector.shape_cast %get3A_1493 : vector<1x1x16xf32> to vector<16xf32>
        %add3A_1495 = arith.addf %add3A_1459, %get3A_1494 : vector<16xf32>
        %add3A_1496 = arith.constant 25 : i32
        %add3A_1497 = arith.addi %mul3A_599, %add3A_1496 : i32
        %get3A_1498 = arith.constant 1 : i32
        %get3A_1499 = arith.index_cast %get3A_1498 : i32 to index
        %get3A_1500 = arith.index_cast %add3A_1497 : i32 to index
        %get3A_1501 = arith.constant 16 : index
        %get3A_1502 = tpu.vector_load %arg6[%get3A_1499, %get3A_1500, %get3A_1501] {strides = array<i32>} : memref<2x800x64xf32, #tpu.memory_space<vmem>>, vector<1x1x16xf32>,
        %get3A_1503 = vector.shape_cast %get3A_1502 : vector<1x1x16xf32> to vector<16xf32>
        %add3A_1504 = arith.addf %add3A_1468, %get3A_1503 : vector<16xf32>
        %add3A_1505 = arith.constant 25 : i32
        %add3A_1506 = arith.addi %mul3A_599, %add3A_1505 : i32
        %get3A_1507 = arith.constant 1 : i32
        %get3A_1508 = arith.index_cast %get3A_1507 : i32 to index
        %get3A_1509 = arith.index_cast %add3A_1506 : i32 to index
        %get3A_1510 = arith.constant 32 : index
        %get3A_1511 = tpu.vector_load %arg6[%get3A_1508, %get3A_1509, %get3A_1510] {strides = array<i32>} : memref<2x800x64xf32, #tpu.memory_space<vmem>>, vector<1x1x16xf32>,
        %get3A_1512 = vector.shape_cast %get3A_1511 : vector<1x1x16xf32> to vector<16xf32>
        %add3A_1513 = arith.addf %add3A_1477, %get3A_1512 : vector<16xf32>
        %add3A_1514 = arith.constant 25 : i32
        %add3A_1515 = arith.addi %mul3A_599, %add3A_1514 : i32
        %get3A_1516 = arith.constant 1 : i32
        %get3A_1517 = arith.index_cast %get3A_1516 : i32 to index
        %get3A_1518 = arith.index_cast %add3A_1515 : i32 to index
        %get3A_1519 = arith.constant 48 : index
        %get3A_1520 = tpu.vector_load %arg6[%get3A_1517, %get3A_1518, %get3A_1519] {strides = array<i32>} : memref<2x800x64xf32, #tpu.memory_space<vmem>>, vector<1x1x16xf32>,
        %get3A_1521 = vector.shape_cast %get3A_1520 : vector<1x1x16xf32> to vector<16xf32>
        %add3A_1522 = arith.addf %add3A_1486, %get3A_1521 : vector<16xf32>
        %add3A_1523 = arith.constant 26 : i32
        %add3A_1524 = arith.addi %mul3A_599, %add3A_1523 : i32
        %get3A_1525 = arith.constant 1 : i32
        %get3A_1526 = arith.index_cast %get3A_1525 : i32 to index
        %get3A_1527 = arith.index_cast %add3A_1524 : i32 to index
        %get3A_1528 = arith.constant 0 : index
        %get3A_1529 = tpu.vector_load %arg6[%get3A_1526, %get3A_1527, %get3A_1528] {strides = array<i32>} : memref<2x800x64xf32, #tpu.memory_space<vmem>>, vector<1x1x16xf32>,
        %get3A_1530 = vector.shape_cast %get3A_1529 : vector<1x1x16xf32> to vector<16xf32>
        %add3A_1531 = arith.addf %add3A_1495, %get3A_1530 : vector<16xf32>
        %add3A_1532 = arith.constant 26 : i32
        %add3A_1533 = arith.addi %mul3A_599, %add3A_1532 : i32
        %get3A_1534 = arith.constant 1 : i32
        %get3A_1535 = arith.index_cast %get3A_1534 : i32 to index
        %get3A_1536 = arith.index_cast %add3A_1533 : i32 to index
        %get3A_1537 = arith.constant 16 : index
        %get3A_1538 = tpu.vector_load %arg6[%get3A_1535, %get3A_1536, %get3A_1537] {strides = array<i32>} : memref<2x800x64xf32, #tpu.memory_space<vmem>>, vector<1x1x16xf32>,
        %get3A_1539 = vector.shape_cast %get3A_1538 : vector<1x1x16xf32> to vector<16xf32>
        %add3A_1540 = arith.addf %add3A_1504, %get3A_1539 : vector<16xf32>
        %add3A_1541 = arith.constant 26 : i32
        %add3A_1542 = arith.addi %mul3A_599, %add3A_1541 : i32
        %get3A_1543 = arith.constant 1 : i32
        %get3A_1544 = arith.index_cast %get3A_1543 : i32 to index
        %get3A_1545 = arith.index_cast %add3A_1542 : i32 to index
        %get3A_1546 = arith.constant 32 : index
        %get3A_1547 = tpu.vector_load %arg6[%get3A_1544, %get3A_1545, %get3A_1546] {strides = array<i32>} : memref<2x800x64xf32, #tpu.memory_space<vmem>>, vector<1x1x16xf32>,
        %get3A_1548 = vector.shape_cast %get3A_1547 : vector<1x1x16xf32> to vector<16xf32>
        %add3A_1549 = arith.addf %add3A_1513, %get3A_1548 : vector<16xf32>
        %add3A_1550 = arith.constant 26 : i32
        %add3A_1551 = arith.addi %mul3A_599, %add3A_1550 : i32
        %get3A_1552 = arith.constant 1 : i32
        %get3A_1553 = arith.index_cast %get3A_1552 : i32 to index
        %get3A_1554 = arith.index_cast %add3A_1551 : i32 to index
        %get3A_1555 = arith.constant 48 : index
        %get3A_1556 = tpu.vector_load %arg6[%get3A_1553, %get3A_1554, %get3A_1555] {strides = array<i32>} : memref<2x800x64xf32, #tpu.memory_space<vmem>>, vector<1x1x16xf32>,
        %get3A_1557 = vector.shape_cast %get3A_1556 : vector<1x1x16xf32> to vector<16xf32>
        %add3A_1558 = arith.addf %add3A_1522, %get3A_1557 : vector<16xf32>
        %add3A_1559 = arith.constant 27 : i32
        %add3A_1560 = arith.addi %mul3A_599, %add3A_1559 : i32
        %get3A_1561 = arith.constant 1 : i32
        %get3A_1562 = arith.index_cast %get3A_1561 : i32 to index
        %get3A_1563 = arith.index_cast %add3A_1560 : i32 to index
        %get3A_1564 = arith.constant 0 : index
        %get3A_1565 = tpu.vector_load %arg6[%get3A_1562, %get3A_1563, %get3A_1564] {strides = array<i32>} : memref<2x800x64xf32, #tpu.memory_space<vmem>>, vector<1x1x16xf32>,
        %get3A_1566 = vector.shape_cast %get3A_1565 : vector<1x1x16xf32> to vector<16xf32>
        %add3A_1567 = arith.addf %add3A_1531, %get3A_1566 : vector<16xf32>
        %add3A_1568 = arith.constant 27 : i32
        %add3A_1569 = arith.addi %mul3A_599, %add3A_1568 : i32
        %get3A_1570 = arith.constant 1 : i32
        %get3A_1571 = arith.index_cast %get3A_1570 : i32 to index
        %get3A_1572 = arith.index_cast %add3A_1569 : i32 to index
        %get3A_1573 = arith.constant 16 : index
        %get3A_1574 = tpu.vector_load %arg6[%get3A_1571, %get3A_1572, %get3A_1573] {strides = array<i32>} : memref<2x800x64xf32, #tpu.memory_space<vmem>>, vector<1x1x16xf32>,
        %get3A_1575 = vector.shape_cast %get3A_1574 : vector<1x1x16xf32> to vector<16xf32>
        %add3A_1576 = arith.addf %add3A_1540, %get3A_1575 : vector<16xf32>
        %add3A_1577 = arith.constant 27 : i32
        %add3A_1578 = arith.addi %mul3A_599, %add3A_1577 : i32
        %get3A_1579 = arith.constant 1 : i32
        %get3A_1580 = arith.index_cast %get3A_1579 : i32 to index
        %get3A_1581 = arith.index_cast %add3A_1578 : i32 to index
        %get3A_1582 = arith.constant 32 : index
        %get3A_1583 = tpu.vector_load %arg6[%get3A_1580, %get3A_1581, %get3A_1582] {strides = array<i32>} : memref<2x800x64xf32, #tpu.memory_space<vmem>>, vector<1x1x16xf32>,
        %get3A_1584 = vector.shape_cast %get3A_1583 : vector<1x1x16xf32> to vector<16xf32>
        %add3A_1585 = arith.addf %add3A_1549, %get3A_1584 : vector<16xf32>
        %add3A_1586 = arith.constant 27 : i32
        %add3A_1587 = arith.addi %mul3A_599, %add3A_1586 : i32
        %get3A_1588 = arith.constant 1 : i32
        %get3A_1589 = arith.index_cast %get3A_1588 : i32 to index
        %get3A_1590 = arith.index_cast %add3A_1587 : i32 to index
        %get3A_1591 = arith.constant 48 : index
        %get3A_1592 = tpu.vector_load %arg6[%get3A_1589, %get3A_1590, %get3A_1591] {strides = array<i32>} : memref<2x800x64xf32, #tpu.memory_space<vmem>>, vector<1x1x16xf32>,
        %get3A_1593 = vector.shape_cast %get3A_1592 : vector<1x1x16xf32> to vector<16xf32>
        %add3A_1594 = arith.addf %add3A_1558, %get3A_1593 : vector<16xf32>
        %add3A_1595 = arith.constant 28 : i32
        %add3A_1596 = arith.addi %mul3A_599, %add3A_1595 : i32
        %get3A_1597 = arith.constant 1 : i32
        %get3A_1598 = arith.index_cast %get3A_1597 : i32 to index
        %get3A_1599 = arith.index_cast %add3A_1596 : i32 to index
        %get3A_1600 = arith.constant 0 : index
        %get3A_1601 = tpu.vector_load %arg6[%get3A_1598, %get3A_1599, %get3A_1600] {strides = array<i32>} : memref<2x800x64xf32, #tpu.memory_space<vmem>>, vector<1x1x16xf32>,
        %get3A_1602 = vector.shape_cast %get3A_1601 : vector<1x1x16xf32> to vector<16xf32>
        %add3A_1603 = arith.addf %add3A_1567, %get3A_1602 : vector<16xf32>
        %add3A_1604 = arith.constant 28 : i32
        %add3A_1605 = arith.addi %mul3A_599, %add3A_1604 : i32
        %get3A_1606 = arith.constant 1 : i32
        %get3A_1607 = arith.index_cast %get3A_1606 : i32 to index
        %get3A_1608 = arith.index_cast %add3A_1605 : i32 to index
        %get3A_1609 = arith.constant 16 : index
        %get3A_1610 = tpu.vector_load %arg6[%get3A_1607, %get3A_1608, %get3A_1609] {strides = array<i32>} : memref<2x800x64xf32, #tpu.memory_space<vmem>>, vector<1x1x16xf32>,
        %get3A_1611 = vector.shape_cast %get3A_1610 : vector<1x1x16xf32> to vector<16xf32>
        %add3A_1612 = arith.addf %add3A_1576, %get3A_1611 : vector<16xf32>
        %add3A_1613 = arith.constant 28 : i32
        %add3A_1614 = arith.addi %mul3A_599, %add3A_1613 : i32
        %get3A_1615 = arith.constant 1 : i32
        %get3A_1616 = arith.index_cast %get3A_1615 : i32 to index
        %get3A_1617 = arith.index_cast %add3A_1614 : i32 to index
        %get3A_1618 = arith.constant 32 : index
        %get3A_1619 = tpu.vector_load %arg6[%get3A_1616, %get3A_1617, %get3A_1618] {strides = array<i32>} : memref<2x800x64xf32, #tpu.memory_space<vmem>>, vector<1x1x16xf32>,
        %get3A_1620 = vector.shape_cast %get3A_1619 : vector<1x1x16xf32> to vector<16xf32>
        %add3A_1621 = arith.addf %add3A_1585, %get3A_1620 : vector<16xf32>
        %add3A_1622 = arith.constant 28 : i32
        %add3A_1623 = arith.addi %mul3A_599, %add3A_1622 : i32
        %get3A_1624 = arith.constant 1 : i32
        %get3A_1625 = arith.index_cast %get3A_1624 : i32 to index
        %get3A_1626 = arith.index_cast %add3A_1623 : i32 to index
        %get3A_1627 = arith.constant 48 : index
        %get3A_1628 = tpu.vector_load %arg6[%get3A_1625, %get3A_1626, %get3A_1627] {strides = array<i32>} : memref<2x800x64xf32, #tpu.memory_space<vmem>>, vector<1x1x16xf32>,
        %get3A_1629 = vector.shape_cast %get3A_1628 : vector<1x1x16xf32> to vector<16xf32>
        %add3A_1630 = arith.addf %add3A_1594, %get3A_1629 : vector<16xf32>
        %add3A_1631 = arith.constant 29 : i32
        %add3A_1632 = arith.addi %mul3A_599, %add3A_1631 : i32
        %get3A_1633 = arith.constant 1 : i32
        %get3A_1634 = arith.index_cast %get3A_1633 : i32 to index
        %get3A_1635 = arith.index_cast %add3A_1632 : i32 to index
        %get3A_1636 = arith.constant 0 : index
        %get3A_1637 = tpu.vector_load %arg6[%get3A_1634, %get3A_1635, %get3A_1636] {strides = array<i32>} : memref<2x800x64xf32, #tpu.memory_space<vmem>>, vector<1x1x16xf32>,
        %get3A_1638 = vector.shape_cast %get3A_1637 : vector<1x1x16xf32> to vector<16xf32>
        %add3A_1639 = arith.addf %add3A_1603, %get3A_1638 : vector<16xf32>
        %add3A_1640 = arith.constant 29 : i32
        %add3A_1641 = arith.addi %mul3A_599, %add3A_1640 : i32
        %get3A_1642 = arith.constant 1 : i32
        %get3A_1643 = arith.index_cast %get3A_1642 : i32 to index
        %get3A_1644 = arith.index_cast %add3A_1641 : i32 to index
        %get3A_1645 = arith.constant 16 : index
        %get3A_1646 = tpu.vector_load %arg6[%get3A_1643, %get3A_1644, %get3A_1645] {strides = array<i32>} : memref<2x800x64xf32, #tpu.memory_space<vmem>>, vector<1x1x16xf32>,
        %get3A_1647 = vector.shape_cast %get3A_1646 : vector<1x1x16xf32> to vector<16xf32>
        %add3A_1648 = arith.addf %add3A_1612, %get3A_1647 : vector<16xf32>
        %add3A_1649 = arith.constant 29 : i32
        %add3A_1650 = arith.addi %mul3A_599, %add3A_1649 : i32
        %get3A_1651 = arith.constant 1 : i32
        %get3A_1652 = arith.index_cast %get3A_1651 : i32 to index
        %get3A_1653 = arith.index_cast %add3A_1650 : i32 to index
        %get3A_1654 = arith.constant 32 : index
        %get3A_1655 = tpu.vector_load %arg6[%get3A_1652, %get3A_1653, %get3A_1654] {strides = array<i32>} : memref<2x800x64xf32, #tpu.memory_space<vmem>>, vector<1x1x16xf32>,
        %get3A_1656 = vector.shape_cast %get3A_1655 : vector<1x1x16xf32> to vector<16xf32>
        %add3A_1657 = arith.addf %add3A_1621, %get3A_1656 : vector<16xf32>
        %add3A_1658 = arith.constant 29 : i32
        %add3A_1659 = arith.addi %mul3A_599, %add3A_1658 : i32
        %get3A_1660 = arith.constant 1 : i32
        %get3A_1661 = arith.index_cast %get3A_1660 : i32 to index
        %get3A_1662 = arith.index_cast %add3A_1659 : i32 to index
        %get3A_1663 = arith.constant 48 : index
        %get3A_1664 = tpu.vector_load %arg6[%get3A_1661, %get3A_1662, %get3A_1663] {strides = array<i32>} : memref<2x800x64xf32, #tpu.memory_space<vmem>>, vector<1x1x16xf32>,
        %get3A_1665 = vector.shape_cast %get3A_1664 : vector<1x1x16xf32> to vector<16xf32>
        %add3A_1666 = arith.addf %add3A_1630, %get3A_1665 : vector<16xf32>
        %add3A_1667 = arith.constant 30 : i32
        %add3A_1668 = arith.addi %mul3A_599, %add3A_1667 : i32
        %get3A_1669 = arith.constant 1 : i32
        %get3A_1670 = arith.index_cast %get3A_1669 : i32 to index
        %get3A_1671 = arith.index_cast %add3A_1668 : i32 to index
        %get3A_1672 = arith.constant 0 : index
        %get3A_1673 = tpu.vector_load %arg6[%get3A_1670, %get3A_1671, %get3A_1672] {strides = array<i32>} : memref<2x800x64xf32, #tpu.memory_space<vmem>>, vector<1x1x16xf32>,
        %get3A_1674 = vector.shape_cast %get3A_1673 : vector<1x1x16xf32> to vector<16xf32>
        %add3A_1675 = arith.addf %add3A_1639, %get3A_1674 : vector<16xf32>
        %add3A_1676 = arith.constant 30 : i32
        %add3A_1677 = arith.addi %mul3A_599, %add3A_1676 : i32
        %get3A_1678 = arith.constant 1 : i32
        %get3A_1679 = arith.index_cast %get3A_1678 : i32 to index
        %get3A_1680 = arith.index_cast %add3A_1677 : i32 to index
        %get3A_1681 = arith.constant 16 : index
        %get3A_1682 = tpu.vector_load %arg6[%get3A_1679, %get3A_1680, %get3A_1681] {strides = array<i32>} : memref<2x800x64xf32, #tpu.memory_space<vmem>>, vector<1x1x16xf32>,
        %get3A_1683 = vector.shape_cast %get3A_1682 : vector<1x1x16xf32> to vector<16xf32>
        %add3A_1684 = arith.addf %add3A_1648, %get3A_1683 : vector<16xf32>
        %add3A_1685 = arith.constant 30 : i32
        %add3A_1686 = arith.addi %mul3A_599, %add3A_1685 : i32
        %get3A_1687 = arith.constant 1 : i32
        %get3A_1688 = arith.index_cast %get3A_1687 : i32 to index
        %get3A_1689 = arith.index_cast %add3A_1686 : i32 to index
        %get3A_1690 = arith.constant 32 : index
        %get3A_1691 = tpu.vector_load %arg6[%get3A_1688, %get3A_1689, %get3A_1690] {strides = array<i32>} : memref<2x800x64xf32, #tpu.memory_space<vmem>>, vector<1x1x16xf32>,
        %get3A_1692 = vector.shape_cast %get3A_1691 : vector<1x1x16xf32> to vector<16xf32>
        %add3A_1693 = arith.addf %add3A_1657, %get3A_1692 : vector<16xf32>
        %add3A_1694 = arith.constant 30 : i32
        %add3A_1695 = arith.addi %mul3A_599, %add3A_1694 : i32
        %get3A_1696 = arith.constant 1 : i32
        %get3A_1697 = arith.index_cast %get3A_1696 : i32 to index
        %get3A_1698 = arith.index_cast %add3A_1695 : i32 to index
        %get3A_1699 = arith.constant 48 : index
        %get3A_1700 = tpu.vector_load %arg6[%get3A_1697, %get3A_1698, %get3A_1699] {strides = array<i32>} : memref<2x800x64xf32, #tpu.memory_space<vmem>>, vector<1x1x16xf32>,
        %get3A_1701 = vector.shape_cast %get3A_1700 : vector<1x1x16xf32> to vector<16xf32>
        %add3A_1702 = arith.addf %add3A_1666, %get3A_1701 : vector<16xf32>
        %add3A_1703 = arith.constant 31 : i32
        %add3A_1704 = arith.addi %mul3A_599, %add3A_1703 : i32
        %get3A_1705 = arith.constant 1 : i32
        %get3A_1706 = arith.index_cast %get3A_1705 : i32 to index
        %get3A_1707 = arith.index_cast %add3A_1704 : i32 to index
        %get3A_1708 = arith.constant 0 : index
        %get3A_1709 = tpu.vector_load %arg6[%get3A_1706, %get3A_1707, %get3A_1708] {strides = array<i32>} : memref<2x800x64xf32, #tpu.memory_space<vmem>>, vector<1x1x16xf32>,
        %get3A_1710 = vector.shape_cast %get3A_1709 : vector<1x1x16xf32> to vector<16xf32>
        %add3A_1711 = arith.addf %add3A_1675, %get3A_1710 : vector<16xf32>
        %add3A_1712 = arith.constant 31 : i32
        %add3A_1713 = arith.addi %mul3A_599, %add3A_1712 : i32
        %get3A_1714 = arith.constant 1 : i32
        %get3A_1715 = arith.index_cast %get3A_1714 : i32 to index
        %get3A_1716 = arith.index_cast %add3A_1713 : i32 to index
        %get3A_1717 = arith.constant 16 : index
        %get3A_1718 = tpu.vector_load %arg6[%get3A_1715, %get3A_1716, %get3A_1717] {strides = array<i32>} : memref<2x800x64xf32, #tpu.memory_space<vmem>>, vector<1x1x16xf32>,
        %get3A_1719 = vector.shape_cast %get3A_1718 : vector<1x1x16xf32> to vector<16xf32>
        %add3A_1720 = arith.addf %add3A_1684, %get3A_1719 : vector<16xf32>
        %add3A_1721 = arith.constant 31 : i32
        %add3A_1722 = arith.addi %mul3A_599, %add3A_1721 : i32
        %get3A_1723 = arith.constant 1 : i32
        %get3A_1724 = arith.index_cast %get3A_1723 : i32 to index
        %get3A_1725 = arith.index_cast %add3A_1722 : i32 to index
        %get3A_1726 = arith.constant 32 : index
        %get3A_1727 = tpu.vector_load %arg6[%get3A_1724, %get3A_1725, %get3A_1726] {strides = array<i32>} : memref<2x800x64xf32, #tpu.memory_space<vmem>>, vector<1x1x16xf32>,
        %get3A_1728 = vector.shape_cast %get3A_1727 : vector<1x1x16xf32> to vector<16xf32>
        %add3A_1729 = arith.addf %add3A_1693, %get3A_1728 : vector<16xf32>
        %add3A_1730 = arith.constant 31 : i32
        %add3A_1731 = arith.addi %mul3A_599, %add3A_1730 : i32
        %get3A_1732 = arith.constant 1 : i32
        %get3A_1733 = arith.index_cast %get3A_1732 : i32 to index
        %get3A_1734 = arith.index_cast %add3A_1731 : i32 to index
        %get3A_1735 = arith.constant 48 : index
        %get3A_1736 = tpu.vector_load %arg6[%get3A_1733, %get3A_1734, %get3A_1735] {strides = array<i32>} : memref<2x800x64xf32, #tpu.memory_space<vmem>>, vector<1x1x16xf32>,
        %get3A_1737 = vector.shape_cast %get3A_1736 : vector<1x1x16xf32> to vector<16xf32>
        %add3A_1738 = arith.addf %add3A_1702, %get3A_1737 : vector<16xf32>
        %add3A_1739 = arith.constant 32 : i32
        %add3A_1740 = arith.addi %mul3A_599, %add3A_1739 : i32
        %get3A_1741 = arith.constant 1 : i32
        %get3A_1742 = arith.index_cast %get3A_1741 : i32 to index
        %get3A_1743 = arith.index_cast %add3A_1740 : i32 to index
        %get3A_1744 = arith.constant 0 : index
        %get3A_1745 = tpu.vector_load %arg6[%get3A_1742, %get3A_1743, %get3A_1744] {strides = array<i32>} : memref<2x800x64xf32, #tpu.memory_space<vmem>>, vector<1x1x16xf32>,
        %get3A_1746 = vector.shape_cast %get3A_1745 : vector<1x1x16xf32> to vector<16xf32>
        %add3A_1747 = arith.addf %add3A_1711, %get3A_1746 : vector<16xf32>
        %add3A_1748 = arith.constant 32 : i32
        %add3A_1749 = arith.addi %mul3A_599, %add3A_1748 : i32
        %get3A_1750 = arith.constant 1 : i32
        %get3A_1751 = arith.index_cast %get3A_1750 : i32 to index
        %get3A_1752 = arith.index_cast %add3A_1749 : i32 to index
        %get3A_1753 = arith.constant 16 : index
        %get3A_1754 = tpu.vector_load %arg6[%get3A_1751, %get3A_1752, %get3A_1753] {strides = array<i32>} : memref<2x800x64xf32, #tpu.memory_space<vmem>>, vector<1x1x16xf32>,
        %get3A_1755 = vector.shape_cast %get3A_1754 : vector<1x1x16xf32> to vector<16xf32>
        %add3A_1756 = arith.addf %add3A_1720, %get3A_1755 : vector<16xf32>
        %add3A_1757 = arith.constant 32 : i32
        %add3A_1758 = arith.addi %mul3A_599, %add3A_1757 : i32
        %get3A_1759 = arith.constant 1 : i32
        %get3A_1760 = arith.index_cast %get3A_1759 : i32 to index
        %get3A_1761 = arith.index_cast %add3A_1758 : i32 to index
        %get3A_1762 = arith.constant 32 : index
        %get3A_1763 = tpu.vector_load %arg6[%get3A_1760, %get3A_1761, %get3A_1762] {strides = array<i32>} : memref<2x800x64xf32, #tpu.memory_space<vmem>>, vector<1x1x16xf32>,
        %get3A_1764 = vector.shape_cast %get3A_1763 : vector<1x1x16xf32> to vector<16xf32>
        %add3A_1765 = arith.addf %add3A_1729, %get3A_1764 : vector<16xf32>
        %add3A_1766 = arith.constant 32 : i32
        %add3A_1767 = arith.addi %mul3A_599, %add3A_1766 : i32
        %get3A_1768 = arith.constant 1 : i32
        %get3A_1769 = arith.index_cast %get3A_1768 : i32 to index
        %get3A_1770 = arith.index_cast %add3A_1767 : i32 to index
        %get3A_1771 = arith.constant 48 : index
        %get3A_1772 = tpu.vector_load %arg6[%get3A_1769, %get3A_1770, %get3A_1771] {strides = array<i32>} : memref<2x800x64xf32, #tpu.memory_space<vmem>>, vector<1x1x16xf32>,
        %get3A_1773 = vector.shape_cast %get3A_1772 : vector<1x1x16xf32> to vector<16xf32>
        %add3A_1774 = arith.addf %add3A_1738, %get3A_1773 : vector<16xf32>
        %add3A_1775 = arith.constant 33 : i32
        %add3A_1776 = arith.addi %mul3A_599, %add3A_1775 : i32
        %get3A_1777 = arith.constant 1 : i32
        %get3A_1778 = arith.index_cast %get3A_1777 : i32 to index
        %get3A_1779 = arith.index_cast %add3A_1776 : i32 to index
        %get3A_1780 = arith.constant 0 : index
        %get3A_1781 = tpu.vector_load %arg6[%get3A_1778, %get3A_1779, %get3A_1780] {strides = array<i32>} : memref<2x800x64xf32, #tpu.memory_space<vmem>>, vector<1x1x16xf32>,
        %get3A_1782 = vector.shape_cast %get3A_1781 : vector<1x1x16xf32> to vector<16xf32>
        %add3A_1783 = arith.addf %add3A_1747, %get3A_1782 : vector<16xf32>
        %add3A_1784 = arith.constant 33 : i32
        %add3A_1785 = arith.addi %mul3A_599, %add3A_1784 : i32
        %get3A_1786 = arith.constant 1 : i32
        %get3A_1787 = arith.index_cast %get3A_1786 : i32 to index
        %get3A_1788 = arith.index_cast %add3A_1785 : i32 to index
        %get3A_1789 = arith.constant 16 : index
        %get3A_1790 = tpu.vector_load %arg6[%get3A_1787, %get3A_1788, %get3A_1789] {strides = array<i32>} : memref<2x800x64xf32, #tpu.memory_space<vmem>>, vector<1x1x16xf32>,
        %get3A_1791 = vector.shape_cast %get3A_1790 : vector<1x1x16xf32> to vector<16xf32>
        %add3A_1792 = arith.addf %add3A_1756, %get3A_1791 : vector<16xf32>
        %add3A_1793 = arith.constant 33 : i32
        %add3A_1794 = arith.addi %mul3A_599, %add3A_1793 : i32
        %get3A_1795 = arith.constant 1 : i32
        %get3A_1796 = arith.index_cast %get3A_1795 : i32 to index
        %get3A_1797 = arith.index_cast %add3A_1794 : i32 to index
        %get3A_1798 = arith.constant 32 : index
        %get3A_1799 = tpu.vector_load %arg6[%get3A_1796, %get3A_1797, %get3A_1798] {strides = array<i32>} : memref<2x800x64xf32, #tpu.memory_space<vmem>>, vector<1x1x16xf32>,
        %get3A_1800 = vector.shape_cast %get3A_1799 : vector<1x1x16xf32> to vector<16xf32>
        %add3A_1801 = arith.addf %add3A_1765, %get3A_1800 : vector<16xf32>
        %add3A_1802 = arith.constant 33 : i32
        %add3A_1803 = arith.addi %mul3A_599, %add3A_1802 : i32
        %get3A_1804 = arith.constant 1 : i32
        %get3A_1805 = arith.index_cast %get3A_1804 : i32 to index
        %get3A_1806 = arith.index_cast %add3A_1803 : i32 to index
        %get3A_1807 = arith.constant 48 : index
        %get3A_1808 = tpu.vector_load %arg6[%get3A_1805, %get3A_1806, %get3A_1807] {strides = array<i32>} : memref<2x800x64xf32, #tpu.memory_space<vmem>>, vector<1x1x16xf32>,
        %get3A_1809 = vector.shape_cast %get3A_1808 : vector<1x1x16xf32> to vector<16xf32>
        %add3A_1810 = arith.addf %add3A_1774, %get3A_1809 : vector<16xf32>
        %add3A_1811 = arith.constant 34 : i32
        %add3A_1812 = arith.addi %mul3A_599, %add3A_1811 : i32
        %get3A_1813 = arith.constant 1 : i32
        %get3A_1814 = arith.index_cast %get3A_1813 : i32 to index
        %get3A_1815 = arith.index_cast %add3A_1812 : i32 to index
        %get3A_1816 = arith.constant 0 : index
        %get3A_1817 = tpu.vector_load %arg6[%get3A_1814, %get3A_1815, %get3A_1816] {strides = array<i32>} : memref<2x800x64xf32, #tpu.memory_space<vmem>>, vector<1x1x16xf32>,
        %get3A_1818 = vector.shape_cast %get3A_1817 : vector<1x1x16xf32> to vector<16xf32>
        %add3A_1819 = arith.addf %add3A_1783, %get3A_1818 : vector<16xf32>
        %add3A_1820 = arith.constant 34 : i32
        %add3A_1821 = arith.addi %mul3A_599, %add3A_1820 : i32
        %get3A_1822 = arith.constant 1 : i32
        %get3A_1823 = arith.index_cast %get3A_1822 : i32 to index
        %get3A_1824 = arith.index_cast %add3A_1821 : i32 to index
        %get3A_1825 = arith.constant 16 : index
        %get3A_1826 = tpu.vector_load %arg6[%get3A_1823, %get3A_1824, %get3A_1825] {strides = array<i32>} : memref<2x800x64xf32, #tpu.memory_space<vmem>>, vector<1x1x16xf32>,
        %get3A_1827 = vector.shape_cast %get3A_1826 : vector<1x1x16xf32> to vector<16xf32>
        %add3A_1828 = arith.addf %add3A_1792, %get3A_1827 : vector<16xf32>
        %add3A_1829 = arith.constant 34 : i32
        %add3A_1830 = arith.addi %mul3A_599, %add3A_1829 : i32
        %get3A_1831 = arith.constant 1 : i32
        %get3A_1832 = arith.index_cast %get3A_1831 : i32 to index
        %get3A_1833 = arith.index_cast %add3A_1830 : i32 to index
        %get3A_1834 = arith.constant 32 : index
        %get3A_1835 = tpu.vector_load %arg6[%get3A_1832, %get3A_1833, %get3A_1834] {strides = array<i32>} : memref<2x800x64xf32, #tpu.memory_space<vmem>>, vector<1x1x16xf32>,
        %get3A_1836 = vector.shape_cast %get3A_1835 : vector<1x1x16xf32> to vector<16xf32>
        %add3A_1837 = arith.addf %add3A_1801, %get3A_1836 : vector<16xf32>
        %add3A_1838 = arith.constant 34 : i32
        %add3A_1839 = arith.addi %mul3A_599, %add3A_1838 : i32
        %get3A_1840 = arith.constant 1 : i32
        %get3A_1841 = arith.index_cast %get3A_1840 : i32 to index
        %get3A_1842 = arith.index_cast %add3A_1839 : i32 to index
        %get3A_1843 = arith.constant 48 : index
        %get3A_1844 = tpu.vector_load %arg6[%get3A_1841, %get3A_1842, %get3A_1843] {strides = array<i32>} : memref<2x800x64xf32, #tpu.memory_space<vmem>>, vector<1x1x16xf32>,
        %get3A_1845 = vector.shape_cast %get3A_1844 : vector<1x1x16xf32> to vector<16xf32>
        %add3A_1846 = arith.addf %add3A_1810, %get3A_1845 : vector<16xf32>
        %add3A_1847 = arith.constant 35 : i32
        %add3A_1848 = arith.addi %mul3A_599, %add3A_1847 : i32
        %get3A_1849 = arith.constant 1 : i32
        %get3A_1850 = arith.index_cast %get3A_1849 : i32 to index
        %get3A_1851 = arith.index_cast %add3A_1848 : i32 to index
        %get3A_1852 = arith.constant 0 : index
        %get3A_1853 = tpu.vector_load %arg6[%get3A_1850, %get3A_1851, %get3A_1852] {strides = array<i32>} : memref<2x800x64xf32, #tpu.memory_space<vmem>>, vector<1x1x16xf32>,
        %get3A_1854 = vector.shape_cast %get3A_1853 : vector<1x1x16xf32> to vector<16xf32>
        %add3A_1855 = arith.addf %add3A_1819, %get3A_1854 : vector<16xf32>
        %add3A_1856 = arith.constant 35 : i32
        %add3A_1857 = arith.addi %mul3A_599, %add3A_1856 : i32
        %get3A_1858 = arith.constant 1 : i32
        %get3A_1859 = arith.index_cast %get3A_1858 : i32 to index
        %get3A_1860 = arith.index_cast %add3A_1857 : i32 to index
        %get3A_1861 = arith.constant 16 : index
        %get3A_1862 = tpu.vector_load %arg6[%get3A_1859, %get3A_1860, %get3A_1861] {strides = array<i32>} : memref<2x800x64xf32, #tpu.memory_space<vmem>>, vector<1x1x16xf32>,
        %get3A_1863 = vector.shape_cast %get3A_1862 : vector<1x1x16xf32> to vector<16xf32>
        %add3A_1864 = arith.addf %add3A_1828, %get3A_1863 : vector<16xf32>
        %add3A_1865 = arith.constant 35 : i32
        %add3A_1866 = arith.addi %mul3A_599, %add3A_1865 : i32
        %get3A_1867 = arith.constant 1 : i32
        %get3A_1868 = arith.index_cast %get3A_1867 : i32 to index
        %get3A_1869 = arith.index_cast %add3A_1866 : i32 to index
        %get3A_1870 = arith.constant 32 : index
        %get3A_1871 = tpu.vector_load %arg6[%get3A_1868, %get3A_1869, %get3A_1870] {strides = array<i32>} : memref<2x800x64xf32, #tpu.memory_space<vmem>>, vector<1x1x16xf32>,
        %get3A_1872 = vector.shape_cast %get3A_1871 : vector<1x1x16xf32> to vector<16xf32>
        %add3A_1873 = arith.addf %add3A_1837, %get3A_1872 : vector<16xf32>
        %add3A_1874 = arith.constant 35 : i32
        %add3A_1875 = arith.addi %mul3A_599, %add3A_1874 : i32
        %get3A_1876 = arith.constant 1 : i32
        %get3A_1877 = arith.index_cast %get3A_1876 : i32 to index
        %get3A_1878 = arith.index_cast %add3A_1875 : i32 to index
        %get3A_1879 = arith.constant 48 : index
        %get3A_1880 = tpu.vector_load %arg6[%get3A_1877, %get3A_1878, %get3A_1879] {strides = array<i32>} : memref<2x800x64xf32, #tpu.memory_space<vmem>>, vector<1x1x16xf32>,
        %get3A_1881 = vector.shape_cast %get3A_1880 : vector<1x1x16xf32> to vector<16xf32>
        %add3A_1882 = arith.addf %add3A_1846, %get3A_1881 : vector<16xf32>
        %add3A_1883 = arith.constant 36 : i32
        %add3A_1884 = arith.addi %mul3A_599, %add3A_1883 : i32
        %get3A_1885 = arith.constant 1 : i32
        %get3A_1886 = arith.index_cast %get3A_1885 : i32 to index
        %get3A_1887 = arith.index_cast %add3A_1884 : i32 to index
        %get3A_1888 = arith.constant 0 : index
        %get3A_1889 = tpu.vector_load %arg6[%get3A_1886, %get3A_1887, %get3A_1888] {strides = array<i32>} : memref<2x800x64xf32, #tpu.memory_space<vmem>>, vector<1x1x16xf32>,
        %get3A_1890 = vector.shape_cast %get3A_1889 : vector<1x1x16xf32> to vector<16xf32>
        %add3A_1891 = arith.addf %add3A_1855, %get3A_1890 : vector<16xf32>
        %add3A_1892 = arith.constant 36 : i32
        %add3A_1893 = arith.addi %mul3A_599, %add3A_1892 : i32
        %get3A_1894 = arith.constant 1 : i32
        %get3A_1895 = arith.index_cast %get3A_1894 : i32 to index
        %get3A_1896 = arith.index_cast %add3A_1893 : i32 to index
        %get3A_1897 = arith.constant 16 : index
        %get3A_1898 = tpu.vector_load %arg6[%get3A_1895, %get3A_1896, %get3A_1897] {strides = array<i32>} : memref<2x800x64xf32, #tpu.memory_space<vmem>>, vector<1x1x16xf32>,
        %get3A_1899 = vector.shape_cast %get3A_1898 : vector<1x1x16xf32> to vector<16xf32>
        %add3A_1900 = arith.addf %add3A_1864, %get3A_1899 : vector<16xf32>
        %add3A_1901 = arith.constant 36 : i32
        %add3A_1902 = arith.addi %mul3A_599, %add3A_1901 : i32
        %get3A_1903 = arith.constant 1 : i32
        %get3A_1904 = arith.index_cast %get3A_1903 : i32 to index
        %get3A_1905 = arith.index_cast %add3A_1902 : i32 to index
        %get3A_1906 = arith.constant 32 : index
        %get3A_1907 = tpu.vector_load %arg6[%get3A_1904, %get3A_1905, %get3A_1906] {strides = array<i32>} : memref<2x800x64xf32, #tpu.memory_space<vmem>>, vector<1x1x16xf32>,
        %get3A_1908 = vector.shape_cast %get3A_1907 : vector<1x1x16xf32> to vector<16xf32>
        %add3A_1909 = arith.addf %add3A_1873, %get3A_1908 : vector<16xf32>
        %add3A_1910 = arith.constant 36 : i32
        %add3A_1911 = arith.addi %mul3A_599, %add3A_1910 : i32
        %get3A_1912 = arith.constant 1 : i32
        %get3A_1913 = arith.index_cast %get3A_1912 : i32 to index
        %get3A_1914 = arith.index_cast %add3A_1911 : i32 to index
        %get3A_1915 = arith.constant 48 : index
        %get3A_1916 = tpu.vector_load %arg6[%get3A_1913, %get3A_1914, %get3A_1915] {strides = array<i32>} : memref<2x800x64xf32, #tpu.memory_space<vmem>>, vector<1x1x16xf32>,
        %get3A_1917 = vector.shape_cast %get3A_1916 : vector<1x1x16xf32> to vector<16xf32>
        %add3A_1918 = arith.addf %add3A_1882, %get3A_1917 : vector<16xf32>
        %add3A_1919 = arith.constant 37 : i32
        %add3A_1920 = arith.addi %mul3A_599, %add3A_1919 : i32
        %get3A_1921 = arith.constant 1 : i32
        %get3A_1922 = arith.index_cast %get3A_1921 : i32 to index
        %get3A_1923 = arith.index_cast %add3A_1920 : i32 to index
        %get3A_1924 = arith.constant 0 : index
        %get3A_1925 = tpu.vector_load %arg6[%get3A_1922, %get3A_1923, %get3A_1924] {strides = array<i32>} : memref<2x800x64xf32, #tpu.memory_space<vmem>>, vector<1x1x16xf32>,
        %get3A_1926 = vector.shape_cast %get3A_1925 : vector<1x1x16xf32> to vector<16xf32>
        %add3A_1927 = arith.addf %add3A_1891, %get3A_1926 : vector<16xf32>
        %add3A_1928 = arith.constant 37 : i32
        %add3A_1929 = arith.addi %mul3A_599, %add3A_1928 : i32
        %get3A_1930 = arith.constant 1 : i32
        %get3A_1931 = arith.index_cast %get3A_1930 : i32 to index
        %get3A_1932 = arith.index_cast %add3A_1929 : i32 to index
        %get3A_1933 = arith.constant 16 : index
        %get3A_1934 = tpu.vector_load %arg6[%get3A_1931, %get3A_1932, %get3A_1933] {strides = array<i32>} : memref<2x800x64xf32, #tpu.memory_space<vmem>>, vector<1x1x16xf32>,
        %get3A_1935 = vector.shape_cast %get3A_1934 : vector<1x1x16xf32> to vector<16xf32>
        %add3A_1936 = arith.addf %add3A_1900, %get3A_1935 : vector<16xf32>
        %add3A_1937 = arith.constant 37 : i32
        %add3A_1938 = arith.addi %mul3A_599, %add3A_1937 : i32
        %get3A_1939 = arith.constant 1 : i32
        %get3A_1940 = arith.index_cast %get3A_1939 : i32 to index
        %get3A_1941 = arith.index_cast %add3A_1938 : i32 to index
        %get3A_1942 = arith.constant 32 : index
        %get3A_1943 = tpu.vector_load %arg6[%get3A_1940, %get3A_1941, %get3A_1942] {strides = array<i32>} : memref<2x800x64xf32, #tpu.memory_space<vmem>>, vector<1x1x16xf32>,
        %get3A_1944 = vector.shape_cast %get3A_1943 : vector<1x1x16xf32> to vector<16xf32>
        %add3A_1945 = arith.addf %add3A_1909, %get3A_1944 : vector<16xf32>
        %add3A_1946 = arith.constant 37 : i32
        %add3A_1947 = arith.addi %mul3A_599, %add3A_1946 : i32
        %get3A_1948 = arith.constant 1 : i32
        %get3A_1949 = arith.index_cast %get3A_1948 : i32 to index
        %get3A_1950 = arith.index_cast %add3A_1947 : i32 to index
        %get3A_1951 = arith.constant 48 : index
        %get3A_1952 = tpu.vector_load %arg6[%get3A_1949, %get3A_1950, %get3A_1951] {strides = array<i32>} : memref<2x800x64xf32, #tpu.memory_space<vmem>>, vector<1x1x16xf32>,
        %get3A_1953 = vector.shape_cast %get3A_1952 : vector<1x1x16xf32> to vector<16xf32>
        %add3A_1954 = arith.addf %add3A_1918, %get3A_1953 : vector<16xf32>
        %add3A_1955 = arith.constant 38 : i32
        %add3A_1956 = arith.addi %mul3A_599, %add3A_1955 : i32
        %get3A_1957 = arith.constant 1 : i32
        %get3A_1958 = arith.index_cast %get3A_1957 : i32 to index
        %get3A_1959 = arith.index_cast %add3A_1956 : i32 to index
        %get3A_1960 = arith.constant 0 : index
        %get3A_1961 = tpu.vector_load %arg6[%get3A_1958, %get3A_1959, %get3A_1960] {strides = array<i32>} : memref<2x800x64xf32, #tpu.memory_space<vmem>>, vector<1x1x16xf32>,
        %get3A_1962 = vector.shape_cast %get3A_1961 : vector<1x1x16xf32> to vector<16xf32>
        %add3A_1963 = arith.addf %add3A_1927, %get3A_1962 : vector<16xf32>
        %add3A_1964 = arith.constant 38 : i32
        %add3A_1965 = arith.addi %mul3A_599, %add3A_1964 : i32
        %get3A_1966 = arith.constant 1 : i32
        %get3A_1967 = arith.index_cast %get3A_1966 : i32 to index
        %get3A_1968 = arith.index_cast %add3A_1965 : i32 to index
        %get3A_1969 = arith.constant 16 : index
        %get3A_1970 = tpu.vector_load %arg6[%get3A_1967, %get3A_1968, %get3A_1969] {strides = array<i32>} : memref<2x800x64xf32, #tpu.memory_space<vmem>>, vector<1x1x16xf32>,
        %get3A_1971 = vector.shape_cast %get3A_1970 : vector<1x1x16xf32> to vector<16xf32>
        %add3A_1972 = arith.addf %add3A_1936, %get3A_1971 : vector<16xf32>
        %add3A_1973 = arith.constant 38 : i32
        %add3A_1974 = arith.addi %mul3A_599, %add3A_1973 : i32
        %get3A_1975 = arith.constant 1 : i32
        %get3A_1976 = arith.index_cast %get3A_1975 : i32 to index
        %get3A_1977 = arith.index_cast %add3A_1974 : i32 to index
        %get3A_1978 = arith.constant 32 : index
        %get3A_1979 = tpu.vector_load %arg6[%get3A_1976, %get3A_1977, %get3A_1978] {strides = array<i32>} : memref<2x800x64xf32, #tpu.memory_space<vmem>>, vector<1x1x16xf32>,
        %get3A_1980 = vector.shape_cast %get3A_1979 : vector<1x1x16xf32> to vector<16xf32>
        %add3A_1981 = arith.addf %add3A_1945, %get3A_1980 : vector<16xf32>
        %add3A_1982 = arith.constant 38 : i32
        %add3A_1983 = arith.addi %mul3A_599, %add3A_1982 : i32
        %get3A_1984 = arith.constant 1 : i32
        %get3A_1985 = arith.index_cast %get3A_1984 : i32 to index
        %get3A_1986 = arith.index_cast %add3A_1983 : i32 to index
        %get3A_1987 = arith.constant 48 : index
        %get3A_1988 = tpu.vector_load %arg6[%get3A_1985, %get3A_1986, %get3A_1987] {strides = array<i32>} : memref<2x800x64xf32, #tpu.memory_space<vmem>>, vector<1x1x16xf32>,
        %get3A_1989 = vector.shape_cast %get3A_1988 : vector<1x1x16xf32> to vector<16xf32>
        %add3A_1990 = arith.addf %add3A_1954, %get3A_1989 : vector<16xf32>
        %add3A_1991 = arith.constant 39 : i32
        %add3A_1992 = arith.addi %mul3A_599, %add3A_1991 : i32
        %get3A_1993 = arith.constant 1 : i32
        %get3A_1994 = arith.index_cast %get3A_1993 : i32 to index
        %get3A_1995 = arith.index_cast %add3A_1992 : i32 to index
        %get3A_1996 = arith.constant 0 : index
        %get3A_1997 = tpu.vector_load %arg6[%get3A_1994, %get3A_1995, %get3A_1996] {strides = array<i32>} : memref<2x800x64xf32, #tpu.memory_space<vmem>>, vector<1x1x16xf32>,
        %get3A_1998 = vector.shape_cast %get3A_1997 : vector<1x1x16xf32> to vector<16xf32>
        %add3A_1999 = arith.addf %add3A_1963, %get3A_1998 : vector<16xf32>
        %add3A_2000 = arith.constant 39 : i32
        %add3A_2001 = arith.addi %mul3A_599, %add3A_2000 : i32
        %get3A_2002 = arith.constant 1 : i32
        %get3A_2003 = arith.index_cast %get3A_2002 : i32 to index
        %get3A_2004 = arith.index_cast %add3A_2001 : i32 to index
        %get3A_2005 = arith.constant 16 : index
        %get3A_2006 = tpu.vector_load %arg6[%get3A_2003, %get3A_2004, %get3A_2005] {strides = array<i32>} : memref<2x800x64xf32, #tpu.memory_space<vmem>>, vector<1x1x16xf32>,
        %get3A_2007 = vector.shape_cast %get3A_2006 : vector<1x1x16xf32> to vector<16xf32>
        %add3A_2008 = arith.addf %add3A_1972, %get3A_2007 : vector<16xf32>
        %add3A_2009 = arith.constant 39 : i32
        %add3A_2010 = arith.addi %mul3A_599, %add3A_2009 : i32
        %get3A_2011 = arith.constant 1 : i32
        %get3A_2012 = arith.index_cast %get3A_2011 : i32 to index
        %get3A_2013 = arith.index_cast %add3A_2010 : i32 to index
        %get3A_2014 = arith.constant 32 : index
        %get3A_2015 = tpu.vector_load %arg6[%get3A_2012, %get3A_2013, %get3A_2014] {strides = array<i32>} : memref<2x800x64xf32, #tpu.memory_space<vmem>>, vector<1x1x16xf32>,
        %get3A_2016 = vector.shape_cast %get3A_2015 : vector<1x1x16xf32> to vector<16xf32>
        %add3A_2017 = arith.addf %add3A_1981, %get3A_2016 : vector<16xf32>
        %add3A_2018 = arith.constant 39 : i32
        %add3A_2019 = arith.addi %mul3A_599, %add3A_2018 : i32
        %get3A_2020 = arith.constant 1 : i32
        %get3A_2021 = arith.index_cast %get3A_2020 : i32 to index
        %get3A_2022 = arith.index_cast %add3A_2019 : i32 to index
        %get3A_2023 = arith.constant 48 : index
        %get3A_2024 = tpu.vector_load %arg6[%get3A_2021, %get3A_2022, %get3A_2023] {strides = array<i32>} : memref<2x800x64xf32, #tpu.memory_space<vmem>>, vector<1x1x16xf32>,
        %get3A_2025 = vector.shape_cast %get3A_2024 : vector<1x1x16xf32> to vector<16xf32>
        %add3A_2026 = arith.addf %add3A_1990, %get3A_2025 : vector<16xf32>
        %add3A_2027 = arith.constant 40 : i32
        %add3A_2028 = arith.addi %mul3A_599, %add3A_2027 : i32
        %get3A_2029 = arith.constant 1 : i32
        %get3A_2030 = arith.index_cast %get3A_2029 : i32 to index
        %get3A_2031 = arith.index_cast %add3A_2028 : i32 to index
        %get3A_2032 = arith.constant 0 : index
        %get3A_2033 = tpu.vector_load %arg6[%get3A_2030, %get3A_2031, %get3A_2032] {strides = array<i32>} : memref<2x800x64xf32, #tpu.memory_space<vmem>>, vector<1x1x16xf32>,
        %get3A_2034 = vector.shape_cast %get3A_2033 : vector<1x1x16xf32> to vector<16xf32>
        %add3A_2035 = arith.addf %add3A_1999, %get3A_2034 : vector<16xf32>
        %add3A_2036 = arith.constant 40 : i32
        %add3A_2037 = arith.addi %mul3A_599, %add3A_2036 : i32
        %get3A_2038 = arith.constant 1 : i32
        %get3A_2039 = arith.index_cast %get3A_2038 : i32 to index
        %get3A_2040 = arith.index_cast %add3A_2037 : i32 to index
        %get3A_2041 = arith.constant 16 : index
        %get3A_2042 = tpu.vector_load %arg6[%get3A_2039, %get3A_2040, %get3A_2041] {strides = array<i32>} : memref<2x800x64xf32, #tpu.memory_space<vmem>>, vector<1x1x16xf32>,
        %get3A_2043 = vector.shape_cast %get3A_2042 : vector<1x1x16xf32> to vector<16xf32>
        %add3A_2044 = arith.addf %add3A_2008, %get3A_2043 : vector<16xf32>
        %add3A_2045 = arith.constant 40 : i32
        %add3A_2046 = arith.addi %mul3A_599, %add3A_2045 : i32
        %get3A_2047 = arith.constant 1 : i32
        %get3A_2048 = arith.index_cast %get3A_2047 : i32 to index
        %get3A_2049 = arith.index_cast %add3A_2046 : i32 to index
        %get3A_2050 = arith.constant 32 : index
        %get3A_2051 = tpu.vector_load %arg6[%get3A_2048, %get3A_2049, %get3A_2050] {strides = array<i32>} : memref<2x800x64xf32, #tpu.memory_space<vmem>>, vector<1x1x16xf32>,
        %get3A_2052 = vector.shape_cast %get3A_2051 : vector<1x1x16xf32> to vector<16xf32>
        %add3A_2053 = arith.addf %add3A_2017, %get3A_2052 : vector<16xf32>
        %add3A_2054 = arith.constant 40 : i32
        %add3A_2055 = arith.addi %mul3A_599, %add3A_2054 : i32
        %get3A_2056 = arith.constant 1 : i32
        %get3A_2057 = arith.index_cast %get3A_2056 : i32 to index
        %get3A_2058 = arith.index_cast %add3A_2055 : i32 to index
        %get3A_2059 = arith.constant 48 : index
        %get3A_2060 = tpu.vector_load %arg6[%get3A_2057, %get3A_2058, %get3A_2059] {strides = array<i32>} : memref<2x800x64xf32, #tpu.memory_space<vmem>>, vector<1x1x16xf32>,
        %get3A_2061 = vector.shape_cast %get3A_2060 : vector<1x1x16xf32> to vector<16xf32>
        %add3A_2062 = arith.addf %add3A_2026, %get3A_2061 : vector<16xf32>
        %add3A_2063 = arith.constant 41 : i32
        %add3A_2064 = arith.addi %mul3A_599, %add3A_2063 : i32
        %get3A_2065 = arith.constant 1 : i32
        %get3A_2066 = arith.index_cast %get3A_2065 : i32 to index
        %get3A_2067 = arith.index_cast %add3A_2064 : i32 to index
        %get3A_2068 = arith.constant 0 : index
        %get3A_2069 = tpu.vector_load %arg6[%get3A_2066, %get3A_2067, %get3A_2068] {strides = array<i32>} : memref<2x800x64xf32, #tpu.memory_space<vmem>>, vector<1x1x16xf32>,
        %get3A_2070 = vector.shape_cast %get3A_2069 : vector<1x1x16xf32> to vector<16xf32>
        %add3A_2071 = arith.addf %add3A_2035, %get3A_2070 : vector<16xf32>
        %add3A_2072 = arith.constant 41 : i32
        %add3A_2073 = arith.addi %mul3A_599, %add3A_2072 : i32
        %get3A_2074 = arith.constant 1 : i32
        %get3A_2075 = arith.index_cast %get3A_2074 : i32 to index
        %get3A_2076 = arith.index_cast %add3A_2073 : i32 to index
        %get3A_2077 = arith.constant 16 : index
        %get3A_2078 = tpu.vector_load %arg6[%get3A_2075, %get3A_2076, %get3A_2077] {strides = array<i32>} : memref<2x800x64xf32, #tpu.memory_space<vmem>>, vector<1x1x16xf32>,
        %get3A_2079 = vector.shape_cast %get3A_2078 : vector<1x1x16xf32> to vector<16xf32>
        %add3A_2080 = arith.addf %add3A_2044, %get3A_2079 : vector<16xf32>
        %add3A_2081 = arith.constant 41 : i32
        %add3A_2082 = arith.addi %mul3A_599, %add3A_2081 : i32
        %get3A_2083 = arith.constant 1 : i32
        %get3A_2084 = arith.index_cast %get3A_2083 : i32 to index
        %get3A_2085 = arith.index_cast %add3A_2082 : i32 to index
        %get3A_2086 = arith.constant 32 : index
        %get3A_2087 = tpu.vector_load %arg6[%get3A_2084, %get3A_2085, %get3A_2086] {strides = array<i32>} : memref<2x800x64xf32, #tpu.memory_space<vmem>>, vector<1x1x16xf32>,
        %get3A_2088 = vector.shape_cast %get3A_2087 : vector<1x1x16xf32> to vector<16xf32>
        %add3A_2089 = arith.addf %add3A_2053, %get3A_2088 : vector<16xf32>
        %add3A_2090 = arith.constant 41 : i32
        %add3A_2091 = arith.addi %mul3A_599, %add3A_2090 : i32
        %get3A_2092 = arith.constant 1 : i32
        %get3A_2093 = arith.index_cast %get3A_2092 : i32 to index
        %get3A_2094 = arith.index_cast %add3A_2091 : i32 to index
        %get3A_2095 = arith.constant 48 : index
        %get3A_2096 = tpu.vector_load %arg6[%get3A_2093, %get3A_2094, %get3A_2095] {strides = array<i32>} : memref<2x800x64xf32, #tpu.memory_space<vmem>>, vector<1x1x16xf32>,
        %get3A_2097 = vector.shape_cast %get3A_2096 : vector<1x1x16xf32> to vector<16xf32>
        %add3A_2098 = arith.addf %add3A_2062, %get3A_2097 : vector<16xf32>
        %add3A_2099 = arith.constant 42 : i32
        %add3A_2100 = arith.addi %mul3A_599, %add3A_2099 : i32
        %get3A_2101 = arith.constant 1 : i32
        %get3A_2102 = arith.index_cast %get3A_2101 : i32 to index
        %get3A_2103 = arith.index_cast %add3A_2100 : i32 to index
        %get3A_2104 = arith.constant 0 : index
        %get3A_2105 = tpu.vector_load %arg6[%get3A_2102, %get3A_2103, %get3A_2104] {strides = array<i32>} : memref<2x800x64xf32, #tpu.memory_space<vmem>>, vector<1x1x16xf32>,
        %get3A_2106 = vector.shape_cast %get3A_2105 : vector<1x1x16xf32> to vector<16xf32>
        %add3A_2107 = arith.addf %add3A_2071, %get3A_2106 : vector<16xf32>
        %add3A_2108 = arith.constant 42 : i32
        %add3A_2109 = arith.addi %mul3A_599, %add3A_2108 : i32
        %get3A_2110 = arith.constant 1 : i32
        %get3A_2111 = arith.index_cast %get3A_2110 : i32 to index
        %get3A_2112 = arith.index_cast %add3A_2109 : i32 to index
        %get3A_2113 = arith.constant 16 : index
        %get3A_2114 = tpu.vector_load %arg6[%get3A_2111, %get3A_2112, %get3A_2113] {strides = array<i32>} : memref<2x800x64xf32, #tpu.memory_space<vmem>>, vector<1x1x16xf32>,
        %get3A_2115 = vector.shape_cast %get3A_2114 : vector<1x1x16xf32> to vector<16xf32>
        %add3A_2116 = arith.addf %add3A_2080, %get3A_2115 : vector<16xf32>
        %add3A_2117 = arith.constant 42 : i32
        %add3A_2118 = arith.addi %mul3A_599, %add3A_2117 : i32
        %get3A_2119 = arith.constant 1 : i32
        %get3A_2120 = arith.index_cast %get3A_2119 : i32 to index
        %get3A_2121 = arith.index_cast %add3A_2118 : i32 to index
        %get3A_2122 = arith.constant 32 : index
        %get3A_2123 = tpu.vector_load %arg6[%get3A_2120, %get3A_2121, %get3A_2122] {strides = array<i32>} : memref<2x800x64xf32, #tpu.memory_space<vmem>>, vector<1x1x16xf32>,
        %get3A_2124 = vector.shape_cast %get3A_2123 : vector<1x1x16xf32> to vector<16xf32>
        %add3A_2125 = arith.addf %add3A_2089, %get3A_2124 : vector<16xf32>
        %add3A_2126 = arith.constant 42 : i32
        %add3A_2127 = arith.addi %mul3A_599, %add3A_2126 : i32
        %get3A_2128 = arith.constant 1 : i32
        %get3A_2129 = arith.index_cast %get3A_2128 : i32 to index
        %get3A_2130 = arith.index_cast %add3A_2127 : i32 to index
        %get3A_2131 = arith.constant 48 : index
        %get3A_2132 = tpu.vector_load %arg6[%get3A_2129, %get3A_2130, %get3A_2131] {strides = array<i32>} : memref<2x800x64xf32, #tpu.memory_space<vmem>>, vector<1x1x16xf32>,
        %get3A_2133 = vector.shape_cast %get3A_2132 : vector<1x1x16xf32> to vector<16xf32>
        %add3A_2134 = arith.addf %add3A_2098, %get3A_2133 : vector<16xf32>
        %add3A_2135 = arith.constant 43 : i32
        %add3A_2136 = arith.addi %mul3A_599, %add3A_2135 : i32
        %get3A_2137 = arith.constant 1 : i32
        %get3A_2138 = arith.index_cast %get3A_2137 : i32 to index
        %get3A_2139 = arith.index_cast %add3A_2136 : i32 to index
        %get3A_2140 = arith.constant 0 : index
        %get3A_2141 = tpu.vector_load %arg6[%get3A_2138, %get3A_2139, %get3A_2140] {strides = array<i32>} : memref<2x800x64xf32, #tpu.memory_space<vmem>>, vector<1x1x16xf32>,
        %get3A_2142 = vector.shape_cast %get3A_2141 : vector<1x1x16xf32> to vector<16xf32>
        %add3A_2143 = arith.addf %add3A_2107, %get3A_2142 : vector<16xf32>
        %add3A_2144 = arith.constant 43 : i32
        %add3A_2145 = arith.addi %mul3A_599, %add3A_2144 : i32
        %get3A_2146 = arith.constant 1 : i32
        %get3A_2147 = arith.index_cast %get3A_2146 : i32 to index
        %get3A_2148 = arith.index_cast %add3A_2145 : i32 to index
        %get3A_2149 = arith.constant 16 : index
        %get3A_2150 = tpu.vector_load %arg6[%get3A_2147, %get3A_2148, %get3A_2149] {strides = array<i32>} : memref<2x800x64xf32, #tpu.memory_space<vmem>>, vector<1x1x16xf32>,
        %get3A_2151 = vector.shape_cast %get3A_2150 : vector<1x1x16xf32> to vector<16xf32>
        %add3A_2152 = arith.addf %add3A_2116, %get3A_2151 : vector<16xf32>
        %add3A_2153 = arith.constant 43 : i32
        %add3A_2154 = arith.addi %mul3A_599, %add3A_2153 : i32
        %get3A_2155 = arith.constant 1 : i32
        %get3A_2156 = arith.index_cast %get3A_2155 : i32 to index
        %get3A_2157 = arith.index_cast %add3A_2154 : i32 to index
        %get3A_2158 = arith.constant 32 : index
        %get3A_2159 = tpu.vector_load %arg6[%get3A_2156, %get3A_2157, %get3A_2158] {strides = array<i32>} : memref<2x800x64xf32, #tpu.memory_space<vmem>>, vector<1x1x16xf32>,
        %get3A_2160 = vector.shape_cast %get3A_2159 : vector<1x1x16xf32> to vector<16xf32>
        %add3A_2161 = arith.addf %add3A_2125, %get3A_2160 : vector<16xf32>
        %add3A_2162 = arith.constant 43 : i32
        %add3A_2163 = arith.addi %mul3A_599, %add3A_2162 : i32
        %get3A_2164 = arith.constant 1 : i32
        %get3A_2165 = arith.index_cast %get3A_2164 : i32 to index
        %get3A_2166 = arith.index_cast %add3A_2163 : i32 to index
        %get3A_2167 = arith.constant 48 : index
        %get3A_2168 = tpu.vector_load %arg6[%get3A_2165, %get3A_2166, %get3A_2167] {strides = array<i32>} : memref<2x800x64xf32, #tpu.memory_space<vmem>>, vector<1x1x16xf32>,
        %get3A_2169 = vector.shape_cast %get3A_2168 : vector<1x1x16xf32> to vector<16xf32>
        %add3A_2170 = arith.addf %add3A_2134, %get3A_2169 : vector<16xf32>
        %add3A_2171 = arith.constant 44 : i32
        %add3A_2172 = arith.addi %mul3A_599, %add3A_2171 : i32
        %get3A_2173 = arith.constant 1 : i32
        %get3A_2174 = arith.index_cast %get3A_2173 : i32 to index
        %get3A_2175 = arith.index_cast %add3A_2172 : i32 to index
        %get3A_2176 = arith.constant 0 : index
        %get3A_2177 = tpu.vector_load %arg6[%get3A_2174, %get3A_2175, %get3A_2176] {strides = array<i32>} : memref<2x800x64xf32, #tpu.memory_space<vmem>>, vector<1x1x16xf32>,
        %get3A_2178 = vector.shape_cast %get3A_2177 : vector<1x1x16xf32> to vector<16xf32>
        %add3A_2179 = arith.addf %add3A_2143, %get3A_2178 : vector<16xf32>
        %add3A_2180 = arith.constant 44 : i32
        %add3A_2181 = arith.addi %mul3A_599, %add3A_2180 : i32
        %get3A_2182 = arith.constant 1 : i32
        %get3A_2183 = arith.index_cast %get3A_2182 : i32 to index
        %get3A_2184 = arith.index_cast %add3A_2181 : i32 to index
        %get3A_2185 = arith.constant 16 : index
        %get3A_2186 = tpu.vector_load %arg6[%get3A_2183, %get3A_2184, %get3A_2185] {strides = array<i32>} : memref<2x800x64xf32, #tpu.memory_space<vmem>>, vector<1x1x16xf32>,
        %get3A_2187 = vector.shape_cast %get3A_2186 : vector<1x1x16xf32> to vector<16xf32>
        %add3A_2188 = arith.addf %add3A_2152, %get3A_2187 : vector<16xf32>
        %add3A_2189 = arith.constant 44 : i32
        %add3A_2190 = arith.addi %mul3A_599, %add3A_2189 : i32
        %get3A_2191 = arith.constant 1 : i32
        %get3A_2192 = arith.index_cast %get3A_2191 : i32 to index
        %get3A_2193 = arith.index_cast %add3A_2190 : i32 to index
        %get3A_2194 = arith.constant 32 : index
        %get3A_2195 = tpu.vector_load %arg6[%get3A_2192, %get3A_2193, %get3A_2194] {strides = array<i32>} : memref<2x800x64xf32, #tpu.memory_space<vmem>>, vector<1x1x16xf32>,
        %get3A_2196 = vector.shape_cast %get3A_2195 : vector<1x1x16xf32> to vector<16xf32>
        %add3A_2197 = arith.addf %add3A_2161, %get3A_2196 : vector<16xf32>
        %add3A_2198 = arith.constant 44 : i32
        %add3A_2199 = arith.addi %mul3A_599, %add3A_2198 : i32
        %get3A_2200 = arith.constant 1 : i32
        %get3A_2201 = arith.index_cast %get3A_2200 : i32 to index
        %get3A_2202 = arith.index_cast %add3A_2199 : i32 to index
        %get3A_2203 = arith.constant 48 : index
        %get3A_2204 = tpu.vector_load %arg6[%get3A_2201, %get3A_2202, %get3A_2203] {strides = array<i32>} : memref<2x800x64xf32, #tpu.memory_space<vmem>>, vector<1x1x16xf32>,
        %get3A_2205 = vector.shape_cast %get3A_2204 : vector<1x1x16xf32> to vector<16xf32>
        %add3A_2206 = arith.addf %add3A_2170, %get3A_2205 : vector<16xf32>
        %add3A_2207 = arith.constant 45 : i32
        %add3A_2208 = arith.addi %mul3A_599, %add3A_2207 : i32
        %get3A_2209 = arith.constant 1 : i32
        %get3A_2210 = arith.index_cast %get3A_2209 : i32 to index
        %get3A_2211 = arith.index_cast %add3A_2208 : i32 to index
        %get3A_2212 = arith.constant 0 : index
        %get3A_2213 = tpu.vector_load %arg6[%get3A_2210, %get3A_2211, %get3A_2212] {strides = array<i32>} : memref<2x800x64xf32, #tpu.memory_space<vmem>>, vector<1x1x16xf32>,
        %get3A_2214 = vector.shape_cast %get3A_2213 : vector<1x1x16xf32> to vector<16xf32>
        %add3A_2215 = arith.addf %add3A_2179, %get3A_2214 : vector<16xf32>
        %add3A_2216 = arith.constant 45 : i32
        %add3A_2217 = arith.addi %mul3A_599, %add3A_2216 : i32
        %get3A_2218 = arith.constant 1 : i32
        %get3A_2219 = arith.index_cast %get3A_2218 : i32 to index
        %get3A_2220 = arith.index_cast %add3A_2217 : i32 to index
        %get3A_2221 = arith.constant 16 : index
        %get3A_2222 = tpu.vector_load %arg6[%get3A_2219, %get3A_2220, %get3A_2221] {strides = array<i32>} : memref<2x800x64xf32, #tpu.memory_space<vmem>>, vector<1x1x16xf32>,
        %get3A_2223 = vector.shape_cast %get3A_2222 : vector<1x1x16xf32> to vector<16xf32>
        %add3A_2224 = arith.addf %add3A_2188, %get3A_2223 : vector<16xf32>
        %add3A_2225 = arith.constant 45 : i32
        %add3A_2226 = arith.addi %mul3A_599, %add3A_2225 : i32
        %get3A_2227 = arith.constant 1 : i32
        %get3A_2228 = arith.index_cast %get3A_2227 : i32 to index
        %get3A_2229 = arith.index_cast %add3A_2226 : i32 to index
        %get3A_2230 = arith.constant 32 : index
        %get3A_2231 = tpu.vector_load %arg6[%get3A_2228, %get3A_2229, %get3A_2230] {strides = array<i32>} : memref<2x800x64xf32, #tpu.memory_space<vmem>>, vector<1x1x16xf32>,
        %get3A_2232 = vector.shape_cast %get3A_2231 : vector<1x1x16xf32> to vector<16xf32>
        %add3A_2233 = arith.addf %add3A_2197, %get3A_2232 : vector<16xf32>
        %add3A_2234 = arith.constant 45 : i32
        %add3A_2235 = arith.addi %mul3A_599, %add3A_2234 : i32
        %get3A_2236 = arith.constant 1 : i32
        %get3A_2237 = arith.index_cast %get3A_2236 : i32 to index
        %get3A_2238 = arith.index_cast %add3A_2235 : i32 to index
        %get3A_2239 = arith.constant 48 : index
        %get3A_2240 = tpu.vector_load %arg6[%get3A_2237, %get3A_2238, %get3A_2239] {strides = array<i32>} : memref<2x800x64xf32, #tpu.memory_space<vmem>>, vector<1x1x16xf32>,
        %get3A_2241 = vector.shape_cast %get3A_2240 : vector<1x1x16xf32> to vector<16xf32>
        %add3A_2242 = arith.addf %add3A_2206, %get3A_2241 : vector<16xf32>
        %add3A_2243 = arith.constant 46 : i32
        %add3A_2244 = arith.addi %mul3A_599, %add3A_2243 : i32
        %get3A_2245 = arith.constant 1 : i32
        %get3A_2246 = arith.index_cast %get3A_2245 : i32 to index
        %get3A_2247 = arith.index_cast %add3A_2244 : i32 to index
        %get3A_2248 = arith.constant 0 : index
        %get3A_2249 = tpu.vector_load %arg6[%get3A_2246, %get3A_2247, %get3A_2248] {strides = array<i32>} : memref<2x800x64xf32, #tpu.memory_space<vmem>>, vector<1x1x16xf32>,
        %get3A_2250 = vector.shape_cast %get3A_2249 : vector<1x1x16xf32> to vector<16xf32>
        %add3A_2251 = arith.addf %add3A_2215, %get3A_2250 : vector<16xf32>
        %add3A_2252 = arith.constant 46 : i32
        %add3A_2253 = arith.addi %mul3A_599, %add3A_2252 : i32
        %get3A_2254 = arith.constant 1 : i32
        %get3A_2255 = arith.index_cast %get3A_2254 : i32 to index
        %get3A_2256 = arith.index_cast %add3A_2253 : i32 to index
        %get3A_2257 = arith.constant 16 : index
        %get3A_2258 = tpu.vector_load %arg6[%get3A_2255, %get3A_2256, %get3A_2257] {strides = array<i32>} : memref<2x800x64xf32, #tpu.memory_space<vmem>>, vector<1x1x16xf32>,
        %get3A_2259 = vector.shape_cast %get3A_2258 : vector<1x1x16xf32> to vector<16xf32>
        %add3A_2260 = arith.addf %add3A_2224, %get3A_2259 : vector<16xf32>
        %add3A_2261 = arith.constant 46 : i32
        %add3A_2262 = arith.addi %mul3A_599, %add3A_2261 : i32
        %get3A_2263 = arith.constant 1 : i32
        %get3A_2264 = arith.index_cast %get3A_2263 : i32 to index
        %get3A_2265 = arith.index_cast %add3A_2262 : i32 to index
        %get3A_2266 = arith.constant 32 : index
        %get3A_2267 = tpu.vector_load %arg6[%get3A_2264, %get3A_2265, %get3A_2266] {strides = array<i32>} : memref<2x800x64xf32, #tpu.memory_space<vmem>>, vector<1x1x16xf32>,
        %get3A_2268 = vector.shape_cast %get3A_2267 : vector<1x1x16xf32> to vector<16xf32>
        %add3A_2269 = arith.addf %add3A_2233, %get3A_2268 : vector<16xf32>
        %add3A_2270 = arith.constant 46 : i32
        %add3A_2271 = arith.addi %mul3A_599, %add3A_2270 : i32
        %get3A_2272 = arith.constant 1 : i32
        %get3A_2273 = arith.index_cast %get3A_2272 : i32 to index
        %get3A_2274 = arith.index_cast %add3A_2271 : i32 to index
        %get3A_2275 = arith.constant 48 : index
        %get3A_2276 = tpu.vector_load %arg6[%get3A_2273, %get3A_2274, %get3A_2275] {strides = array<i32>} : memref<2x800x64xf32, #tpu.memory_space<vmem>>, vector<1x1x16xf32>,
        %get3A_2277 = vector.shape_cast %get3A_2276 : vector<1x1x16xf32> to vector<16xf32>
        %add3A_2278 = arith.addf %add3A_2242, %get3A_2277 : vector<16xf32>
        %add3A_2279 = arith.constant 47 : i32
        %add3A_2280 = arith.addi %mul3A_599, %add3A_2279 : i32
        %get3A_2281 = arith.constant 1 : i32
        %get3A_2282 = arith.index_cast %get3A_2281 : i32 to index
        %get3A_2283 = arith.index_cast %add3A_2280 : i32 to index
        %get3A_2284 = arith.constant 0 : index
        %get3A_2285 = tpu.vector_load %arg6[%get3A_2282, %get3A_2283, %get3A_2284] {strides = array<i32>} : memref<2x800x64xf32, #tpu.memory_space<vmem>>, vector<1x1x16xf32>,
        %get3A_2286 = vector.shape_cast %get3A_2285 : vector<1x1x16xf32> to vector<16xf32>
        %add3A_2287 = arith.addf %add3A_2251, %get3A_2286 : vector<16xf32>
        %add3A_2288 = arith.constant 47 : i32
        %add3A_2289 = arith.addi %mul3A_599, %add3A_2288 : i32
        %get3A_2290 = arith.constant 1 : i32
        %get3A_2291 = arith.index_cast %get3A_2290 : i32 to index
        %get3A_2292 = arith.index_cast %add3A_2289 : i32 to index
        %get3A_2293 = arith.constant 16 : index
        %get3A_2294 = tpu.vector_load %arg6[%get3A_2291, %get3A_2292, %get3A_2293] {strides = array<i32>} : memref<2x800x64xf32, #tpu.memory_space<vmem>>, vector<1x1x16xf32>,
        %get3A_2295 = vector.shape_cast %get3A_2294 : vector<1x1x16xf32> to vector<16xf32>
        %add3A_2296 = arith.addf %add3A_2260, %get3A_2295 : vector<16xf32>
        %add3A_2297 = arith.constant 47 : i32
        %add3A_2298 = arith.addi %mul3A_599, %add3A_2297 : i32
        %get3A_2299 = arith.constant 1 : i32
        %get3A_2300 = arith.index_cast %get3A_2299 : i32 to index
        %get3A_2301 = arith.index_cast %add3A_2298 : i32 to index
        %get3A_2302 = arith.constant 32 : index
        %get3A_2303 = tpu.vector_load %arg6[%get3A_2300, %get3A_2301, %get3A_2302] {strides = array<i32>} : memref<2x800x64xf32, #tpu.memory_space<vmem>>, vector<1x1x16xf32>,
        %get3A_2304 = vector.shape_cast %get3A_2303 : vector<1x1x16xf32> to vector<16xf32>
        %add3A_2305 = arith.addf %add3A_2269, %get3A_2304 : vector<16xf32>
        %add3A_2306 = arith.constant 47 : i32
        %add3A_2307 = arith.addi %mul3A_599, %add3A_2306 : i32
        %get3A_2308 = arith.constant 1 : i32
        %get3A_2309 = arith.index_cast %get3A_2308 : i32 to index
        %get3A_2310 = arith.index_cast %add3A_2307 : i32 to index
        %get3A_2311 = arith.constant 48 : index
        %get3A_2312 = tpu.vector_load %arg6[%get3A_2309, %get3A_2310, %get3A_2311] {strides = array<i32>} : memref<2x800x64xf32, #tpu.memory_space<vmem>>, vector<1x1x16xf32>,
        %get3A_2313 = vector.shape_cast %get3A_2312 : vector<1x1x16xf32> to vector<16xf32>
        %add3A_2314 = arith.addf %add3A_2278, %get3A_2313 : vector<16xf32>
        %add3A_2315 = arith.constant 48 : i32
        %add3A_2316 = arith.addi %mul3A_599, %add3A_2315 : i32
        %get3A_2317 = arith.constant 1 : i32
        %get3A_2318 = arith.index_cast %get3A_2317 : i32 to index
        %get3A_2319 = arith.index_cast %add3A_2316 : i32 to index
        %get3A_2320 = arith.constant 0 : index
        %get3A_2321 = tpu.vector_load %arg6[%get3A_2318, %get3A_2319, %get3A_2320] {strides = array<i32>} : memref<2x800x64xf32, #tpu.memory_space<vmem>>, vector<1x1x16xf32>,
        %get3A_2322 = vector.shape_cast %get3A_2321 : vector<1x1x16xf32> to vector<16xf32>
        %add3A_2323 = arith.addf %add3A_2287, %get3A_2322 : vector<16xf32>
        %add3A_2324 = arith.constant 48 : i32
        %add3A_2325 = arith.addi %mul3A_599, %add3A_2324 : i32
        %get3A_2326 = arith.constant 1 : i32
        %get3A_2327 = arith.index_cast %get3A_2326 : i32 to index
        %get3A_2328 = arith.index_cast %add3A_2325 : i32 to index
        %get3A_2329 = arith.constant 16 : index
        %get3A_2330 = tpu.vector_load %arg6[%get3A_2327, %get3A_2328, %get3A_2329] {strides = array<i32>} : memref<2x800x64xf32, #tpu.memory_space<vmem>>, vector<1x1x16xf32>,
        %get3A_2331 = vector.shape_cast %get3A_2330 : vector<1x1x16xf32> to vector<16xf32>
        %add3A_2332 = arith.addf %add3A_2296, %get3A_2331 : vector<16xf32>
        %add3A_2333 = arith.constant 48 : i32
        %add3A_2334 = arith.addi %mul3A_599, %add3A_2333 : i32
        %get3A_2335 = arith.constant 1 : i32
        %get3A_2336 = arith.index_cast %get3A_2335 : i32 to index
        %get3A_2337 = arith.index_cast %add3A_2334 : i32 to index
        %get3A_2338 = arith.constant 32 : index
        %get3A_2339 = tpu.vector_load %arg6[%get3A_2336, %get3A_2337, %get3A_2338] {strides = array<i32>} : memref<2x800x64xf32, #tpu.memory_space<vmem>>, vector<1x1x16xf32>,
        %get3A_2340 = vector.shape_cast %get3A_2339 : vector<1x1x16xf32> to vector<16xf32>
        %add3A_2341 = arith.addf %add3A_2305, %get3A_2340 : vector<16xf32>
        %add3A_2342 = arith.constant 48 : i32
        %add3A_2343 = arith.addi %mul3A_599, %add3A_2342 : i32
        %get3A_2344 = arith.constant 1 : i32
        %get3A_2345 = arith.index_cast %get3A_2344 : i32 to index
        %get3A_2346 = arith.index_cast %add3A_2343 : i32 to index
        %get3A_2347 = arith.constant 48 : index
        %get3A_2348 = tpu.vector_load %arg6[%get3A_2345, %get3A_2346, %get3A_2347] {strides = array<i32>} : memref<2x800x64xf32, #tpu.memory_space<vmem>>, vector<1x1x16xf32>,
        %get3A_2349 = vector.shape_cast %get3A_2348 : vector<1x1x16xf32> to vector<16xf32>
        %add3A_2350 = arith.addf %add3A_2314, %get3A_2349 : vector<16xf32>
        %add3A_2351 = arith.constant 49 : i32
        %add3A_2352 = arith.addi %mul3A_599, %add3A_2351 : i32
        %get3A_2353 = arith.constant 1 : i32
        %get3A_2354 = arith.index_cast %get3A_2353 : i32 to index
        %get3A_2355 = arith.index_cast %add3A_2352 : i32 to index
        %get3A_2356 = arith.constant 0 : index
        %get3A_2357 = tpu.vector_load %arg6[%get3A_2354, %get3A_2355, %get3A_2356] {strides = array<i32>} : memref<2x800x64xf32, #tpu.memory_space<vmem>>, vector<1x1x16xf32>,
        %get3A_2358 = vector.shape_cast %get3A_2357 : vector<1x1x16xf32> to vector<16xf32>
        %add3A_2359 = arith.addf %add3A_2323, %get3A_2358 : vector<16xf32>
        %add3A_2360 = arith.constant 49 : i32
        %add3A_2361 = arith.addi %mul3A_599, %add3A_2360 : i32
        %get3A_2362 = arith.constant 1 : i32
        %get3A_2363 = arith.index_cast %get3A_2362 : i32 to index
        %get3A_2364 = arith.index_cast %add3A_2361 : i32 to index
        %get3A_2365 = arith.constant 16 : index
        %get3A_2366 = tpu.vector_load %arg6[%get3A_2363, %get3A_2364, %get3A_2365] {strides = array<i32>} : memref<2x800x64xf32, #tpu.memory_space<vmem>>, vector<1x1x16xf32>,
        %get3A_2367 = vector.shape_cast %get3A_2366 : vector<1x1x16xf32> to vector<16xf32>
        %add3A_2368 = arith.addf %add3A_2332, %get3A_2367 : vector<16xf32>
        %add3A_2369 = arith.constant 49 : i32
        %add3A_2370 = arith.addi %mul3A_599, %add3A_2369 : i32
        %get3A_2371 = arith.constant 1 : i32
        %get3A_2372 = arith.index_cast %get3A_2371 : i32 to index
        %get3A_2373 = arith.index_cast %add3A_2370 : i32 to index
        %get3A_2374 = arith.constant 32 : index
        %get3A_2375 = tpu.vector_load %arg6[%get3A_2372, %get3A_2373, %get3A_2374] {strides = array<i32>} : memref<2x800x64xf32, #tpu.memory_space<vmem>>, vector<1x1x16xf32>,
        %get3A_2376 = vector.shape_cast %get3A_2375 : vector<1x1x16xf32> to vector<16xf32>
        %add3A_2377 = arith.addf %add3A_2341, %get3A_2376 : vector<16xf32>
        %add3A_2378 = arith.constant 49 : i32
        %add3A_2379 = arith.addi %mul3A_599, %add3A_2378 : i32
        %get3A_2380 = arith.constant 1 : i32
        %get3A_2381 = arith.index_cast %get3A_2380 : i32 to index
        %get3A_2382 = arith.index_cast %add3A_2379 : i32 to index
        %get3A_2383 = arith.constant 48 : index
        %get3A_2384 = tpu.vector_load %arg6[%get3A_2381, %get3A_2382, %get3A_2383] {strides = array<i32>} : memref<2x800x64xf32, #tpu.memory_space<vmem>>, vector<1x1x16xf32>,
        %get3A_2385 = vector.shape_cast %get3A_2384 : vector<1x1x16xf32> to vector<16xf32>
        %add3A_2386 = arith.addf %add3A_2350, %get3A_2385 : vector<16xf32>
        %mul3A_2387 = arith.constant 2.000000e-02 : f32
        %mul3A_2388 = vector.broadcast %mul3A_2387 : f32 to vector<16xf32>
        %mul3A_2389 = arith.mulf %add3A_2359, %mul3A_2388 : vector<16xf32>
        %swap3A = arith.constant 1 : i32
        %swap3A_2390 = arith.index_cast %swap3A : i32 to index
        %swap3A_2391 = arith.index_cast %scan3A_597 : i32 to index
        %swap3A_2392 = arith.constant 0 : index
        %swap3A_2393 = tpu.vector_load %arg7[%swap3A_2390, %swap3A_2391, %swap3A_2392] {strides = array<i32>} : memref<2x16x128xf32, #tpu.memory_space<vmem>>, vector<1x1x16xf32>,
        %swap3A_2394 = vector.shape_cast %swap3A_2393 : vector<1x1x16xf32> to vector<16xf32>
        %swap3A_2395 = vector.shape_cast %mul3A_2389 : vector<16xf32> to vector<1x1x16xf32>
        tpu.vector_store %arg7[%swap3A_2390, %swap3A_2391, %swap3A_2392], %swap3A_2395 {strides = array<i32>} : memref<2x16x128xf32, #tpu.memory_space<vmem>>, vector<1x1x16xf32>,
        %mul3A_2396 = arith.constant 2.000000e-02 : f32
        %mul3A_2397 = vector.broadcast %mul3A_2396 : f32 to vector<16xf32>
        %mul3A_2398 = arith.mulf %add3A_2368, %mul3A_2397 : vector<16xf32>
        %swap3A_2399 = arith.constant 1 : i32
        %swap3A_2400 = arith.index_cast %swap3A_2399 : i32 to index
        %swap3A_2401 = arith.index_cast %scan3A_597 : i32 to index
        %swap3A_2402 = arith.constant 16 : index
        %swap3A_2403 = tpu.vector_load %arg7[%swap3A_2400, %swap3A_2401, %swap3A_2402] {strides = array<i32>} : memref<2x16x128xf32, #tpu.memory_space<vmem>>, vector<1x1x16xf32>,
        %swap3A_2404 = vector.shape_cast %swap3A_2403 : vector<1x1x16xf32> to vector<16xf32>
        %swap3A_2405 = vector.shape_cast %mul3A_2398 : vector<16xf32> to vector<1x1x16xf32>
        tpu.vector_store %arg7[%swap3A_2400, %swap3A_2401, %swap3A_2402], %swap3A_2405 {strides = array<i32>} : memref<2x16x128xf32, #tpu.memory_space<vmem>>, vector<1x1x16xf32>,
        %mul3A_2406 = arith.constant 2.000000e-02 : f32
        %mul3A_2407 = vector.broadcast %mul3A_2406 : f32 to vector<16xf32>
        %mul3A_2408 = arith.mulf %add3A_2377, %mul3A_2407 : vector<16xf32>
        %swap3A_2409 = arith.constant 1 : i32
        %swap3A_2410 = arith.index_cast %swap3A_2409 : i32 to index
        %swap3A_2411 = arith.index_cast %scan3A_597 : i32 to index
        %swap3A_2412 = arith.constant 32 : index
        %swap3A_2413 = tpu.vector_load %arg7[%swap3A_2410, %swap3A_2411, %swap3A_2412] {strides = array<i32>} : memref<2x16x128xf32, #tpu.memory_space<vmem>>, vector<1x1x16xf32>,
        %swap3A_2414 = vector.shape_cast %swap3A_2413 : vector<1x1x16xf32> to vector<16xf32>
        %swap3A_2415 = vector.shape_cast %mul3A_2408 : vector<16xf32> to vector<1x1x16xf32>
        tpu.vector_store %arg7[%swap3A_2410, %swap3A_2411, %swap3A_2412], %swap3A_2415 {strides = array<i32>} : memref<2x16x128xf32, #tpu.memory_space<vmem>>, vector<1x1x16xf32>,
        %mul3A_2416 = arith.constant 2.000000e-02 : f32
        %mul3A_2417 = vector.broadcast %mul3A_2416 : f32 to vector<16xf32>
        %mul3A_2418 = arith.mulf %add3A_2386, %mul3A_2417 : vector<16xf32>
        %swap3A_2419 = arith.constant 1 : i32
        %swap3A_2420 = arith.index_cast %swap3A_2419 : i32 to index
        %swap3A_2421 = arith.index_cast %scan3A_597 : i32 to index
        %swap3A_2422 = arith.constant 48 : index
        %swap3A_2423 = tpu.vector_load %arg7[%swap3A_2420, %swap3A_2421, %swap3A_2422] {strides = array<i32>} : memref<2x16x128xf32, #tpu.memory_space<vmem>>, vector<1x1x16xf32>,
        %swap3A_2424 = vector.shape_cast %swap3A_2423 : vector<1x1x16xf32> to vector<16xf32>
        %swap3A_2425 = vector.shape_cast %mul3A_2418 : vector<16xf32> to vector<1x1x16xf32>
        tpu.vector_store %arg7[%swap3A_2420, %swap3A_2421, %swap3A_2422], %swap3A_2425 {strides = array<i32>} : memref<2x16x128xf32, #tpu.memory_space<vmem>>, vector<1x1x16xf32>,
      }
      %scan3A_580 = arith.constant 16 : i32
      %mul3A_581 = arith.constant 16 : i32
      %mul3A_582 = arith.muli %add3A_175, %mul3A_581 : i32
      %add3A_583 = arith.addi %mul3A_4, %mul3A_582 : i32
      %dma_start3A_584 = arith.constant 1 : i32
      %dma_start3A_585 = arith.constant 0 : i32
      %dma_start3A_586 = arith.constant 0 : i32
      %dma_start3A_587 = tpu.memref_slice %arg7[%dma_start3A_584, %dma_start3A_585, %dma_start3A_586] : memref<2x16x128xf32, #tpu.memory_space<vmem>> -> memref<1x16x128xf32, #tpu.memory_space<vmem>>
      %dma_start3A_588 = tpu.memref_squeeze %dma_start3A_587 : memref<1x16x128xf32, #tpu.memory_space<vmem>> -> memref<16x128xf32, #tpu.memory_space<vmem>>
      %dma_start3A_589 = arith.constant 0 : i32
      %dma_start3A_590 = tpu.memref_slice %arg4[%add3A_583, %dma_start3A_589] : memref<16384x128xf32, #tpu.memory_space<hbm>> -> memref<16x128xf32, #tpu.memory_space<hbm>>
      %dma_start3A_591 = arith.constant 0 : i32
      %dma_start3A_592 = tpu.memref_slice %arg4[%add3A_583, %dma_start3A_591] : memref<16384x128xf32, #tpu.memory_space<hbm>> -> memref<16x128xf32, #tpu.memory_space<hbm>>
      %dma_start3A_593 = arith.constant 0 : i32
      %dma_start3A_594 = arith.constant 0 : i32
      %dma_start3A_595 = tpu.memref_slice %arg7[%dma_start3A_584, %dma_start3A_593, %dma_start3A_594] : memref<2x16x128xf32, #tpu.memory_space<vmem>> -> memref<1x16x128xf32, #tpu.memory_space<vmem>>
      %dma_start3A_596 = tpu.memref_squeeze %dma_start3A_595 : memref<1x16x128xf32, #tpu.memory_space<vmem>> -> memref<16x128xf32, #tpu.memory_space<vmem>>
      tpu.enqueue_dma source(%dma_start3A_596 : memref<16x128xf32, #tpu.memory_space<vmem>>) target(%dma_start3A_592 : memref<16x128xf32, #tpu.memory_space<hbm>>) target_semaphore(%arg11 : memref<!tpu.dma_semaphore, #tpu.memory_space<semaphore_mem>>)
    }
    %scan3A_143 = arith.constant 16 : i32
    %dma_wait3A = arith.constant 0 : i32
    %dma_wait3A_144 = arith.constant 0 : i32
    %dma_wait3A_145 = arith.constant 0 : i32
    %dma_wait3A_146 = tpu.memref_slice %arg7[%dma_wait3A, %dma_wait3A_144, %dma_wait3A_145] : memref<2x16x128xf32, #tpu.memory_space<vmem>> -> memref<1x16x128xf32, #tpu.memory_space<vmem>>
    %dma_wait3A_147 = tpu.memref_squeeze %dma_wait3A_146 : memref<1x16x128xf32, #tpu.memory_space<vmem>> -> memref<16x128xf32, #tpu.memory_space<vmem>>
    %dma_wait3A_148 = arith.constant 0 : i32
    %dma_wait3A_149 = tpu.memref_slice %arg4[%mul3A_4, %dma_wait3A_148] : memref<16384x128xf32, #tpu.memory_space<hbm>> -> memref<16x128xf32, #tpu.memory_space<hbm>>
    %dma_wait3A_150 = arith.constant 0 : i32
    %dma_wait3A_151 = tpu.memref_slice %arg4[%mul3A_4, %dma_wait3A_150] : memref<16384x128xf32, #tpu.memory_space<hbm>> -> memref<16x128xf32, #tpu.memory_space<hbm>>
    %dma_wait3A_152 = arith.constant 0 : i32
    %dma_wait3A_153 = arith.constant 0 : i32
    %dma_wait3A_154 = tpu.memref_slice %arg7[%dma_wait3A, %dma_wait3A_152, %dma_wait3A_153] : memref<2x16x128xf32, #tpu.memory_space<vmem>> -> memref<1x16x128xf32, #tpu.memory_space<vmem>>
    %dma_wait3A_155 = tpu.memref_squeeze %dma_wait3A_154 : memref<1x16x128xf32, #tpu.memory_space<vmem>> -> memref<16x128xf32, #tpu.memory_space<vmem>>
    tpu.wait_dma2 semaphore(%arg10 : memref<!tpu.dma_semaphore, #tpu.memory_space<semaphore_mem>>) src(%dma_wait3A_155 : memref<16x128xf32, #tpu.memory_space<vmem>>) dst(%dma_wait3A_151 : memref<16x128xf32, #tpu.memory_space<hbm>>)
    %dma_wait3A_156 = arith.constant 1 : i32
    %dma_wait3A_157 = arith.constant 0 : i32
    %dma_wait3A_158 = arith.constant 0 : i32
    %dma_wait3A_159 = tpu.memref_slice %arg7[%dma_wait3A_156, %dma_wait3A_157, %dma_wait3A_158] : memref<2x16x128xf32, #tpu.memory_space<vmem>> -> memref<1x16x128xf32, #tpu.memory_space<vmem>>
    %dma_wait3A_160 = tpu.memref_squeeze %dma_wait3A_159 : memref<1x16x128xf32, #tpu.memory_space<vmem>> -> memref<16x128xf32, #tpu.memory_space<vmem>>
    %dma_wait3A_161 = arith.constant 0 : i32
    %dma_wait3A_162 = tpu.memref_slice %arg4[%mul3A_4, %dma_wait3A_161] : memref<16384x128xf32, #tpu.memory_space<hbm>> -> memref<16x128xf32, #tpu.memory_space<hbm>>
    %dma_wait3A_163 = arith.constant 0 : i32
    %dma_wait3A_164 = tpu.memref_slice %arg4[%mul3A_4, %dma_wait3A_163] : memref<16384x128xf32, #tpu.memory_space<hbm>> -> memref<16x128xf32, #tpu.memory_space<hbm>>
    %dma_wait3A_165 = arith.constant 0 : i32
    %dma_wait3A_166 = arith.constant 0 : i32
    %dma_wait3A_167 = tpu.memref_slice %arg7[%dma_wait3A_156, %dma_wait3A_165, %dma_wait3A_166] : memref<2x16x128xf32, #tpu.memory_space<vmem>> -> memref<1x16x128xf32, #tpu.memory_space<vmem>>
    %dma_wait3A_168 = tpu.memref_squeeze %dma_wait3A_167 : memref<1x16x128xf32, #tpu.memory_space<vmem>> -> memref<16x128xf32, #tpu.memory_space<vmem>>
    tpu.wait_dma2 semaphore(%arg11 : memref<!tpu.dma_semaphore, #tpu.memory_space<semaphore_mem>>) src(%dma_wait3A_168 : memref<16x128xf32, #tpu.memory_space<vmem>>) dst(%dma_wait3A_164 : memref<16x128xf32, #tpu.memory_space<hbm>>)
    return
  }
}

</mosaic_0001>

<sc_bundles>
// kernel: kernel.3.cloned.1.call-start
scs
__scs_entry_jumppad:
0x0: {  	(pc) =	sbr.rel $0x88, $3  }
0x1: {  	(tag) =	ssettag $0x0;
	lr =	simm.s32 $0x1  }
0x2: {  	[smem:$0x3F9F] =	sst lr;
	_ =	strace $0xD0000000  }
0x3: {  	_ = 	snop  }
0x4: {  	_ = 	snop  }
0x5: {  	_ = 	snop  }
0x6: {  	_ = 	snop  }
0x7: {  	_ = 	snop  }
__scs_overlays_trampoline_lowered:
0x8: {  	[smem:$0x3FAE] =	sst s0  }
0x9: {  	[smem:$0x3FAF] =	sst s1  }
0xa: {  	[smem:$0x3FB0] =	sst s2  }
0xb: {  	[smem:$0x3FB1] =	sst s3  }
0xc: {  	[smem:$0x3FB2] =	sst s4  }
0xd: {  	[smem:$0x3FB3] =	sst s5  }
0xe: {  	[smem:$0x3FB4] =	sst s6  }
0xf: {  	[smem:$0x3FB5] =	sst s7  }
0x10: {  	[smem:$0x3FB6] =	sst s8  }
0x11: {  	[smem:$0x3FB7] =	sst s9;
	s0 =	simm.s32 @!p0 $0x0  }
0x12: {  	s1 =	sld [smem:$0x3F9D];
	s0 =	simm.s32 @p0 $0x1  }
0x13: {  	[smem:$0x3FB8] =	sst s0;
	s0 =	simm.s32 @!p1 $0x0  }
0x14: {  	s2 =	sld [smem:$0x3F9C];
	s0 =	simm.s32 @p1 $0x1  }
0x15: {  	[smem:$0x3FB9] =	sst s0;
	s0 =	simm.s32 @!p2 $0x0  }
0x16: {  	s3 =	sld [smem:$0x3FDB];
	s0 =	simm.s32 @p2 $0x1  }
0x17: {  	s4 =	simm.s32 $0x1BF5;
	[smem:$0x3FBB] =	sst s0  }
0x18: {  	s0 =	sld [smem:$0x3F9E];
	_ =	swait.ge [sflag:s4], $0x0  }
0x19: {  	s7 =	sld [smem:$0x3F9F]  }
0x1a: {  	s8 =	sadd.s32 $0xFFFFE003, lr  }
0x1b: {  	s9 =	sadd.s32 $0xFFFFFEF7, lr;
	s5 =	simm.s32 $0xFFFFFFFF;
	p2 =	slt.u32 s8, $0xFFFFF086  }
0x1c: {  	p1 =	slt.u32 s9, $0xF7A;
	s5 =	simm.s32 @!p2 $0x0  }
0x1d: {  	s5 =	simm.s32 @p1 $0x1;
	p0 =	seq.s32 s7, s2  }
0x1e: {  	s7 =	smul.u32 @!p0 $0xF7A, s2;
	p2 =	seq.s32 @!p0 s5, $0x0  }
0x1f: {  	s9 =	smul.u32 $0xF7A, s1;
	s8 =	simm.s32 @!p0 $0x1BF5;
	p2 =	por !p2, p0  }
0x20: {  	[sflag:s8] =	ssyncset.s32 @!p0 $0xFFFFF086;
	s6 =	sadd.s32 @!p0 s3, s7;
	s7 =	simm.s32 @!p0 $0x108  }
0x21: {  	s3 =	sadd.s32 s3, s9;
	s6 =	sadd.s32 @!p0 $0x88, s6;
	s7 =	simm.s32 @p2 $0x1082  }
0x22: {  	[simem:s7], [sflag:s8] =	dma.local @!p0 [hbm:s6], $0xF7A  }
0x23: {  	s9 =	sor.u32 $0xD0000000, s2;
	s6 =	simm.s32 $0x108;
	_ =	swait.ge @!p0 [sflag:s8], $0x0  }
0x24: {  	s3 =	sadd.s32 $0x88, s3;
	s6 =	simm.s32 @!p1 $0x1082;
	[sflag:s4] =	ssyncset.s32 $0xFFFFF086  }
0x25: {  	[simem:s6], [sflag:s4] =	dma.local [hbm:s3], $0xF7A  }
0x26: {  	[smem:$0x3F9F] =	sst s1;
	(tag) =	ssettag s2;
	_ =	strace s9  }
0x27: {  	s1 =	sld [smem:$0x3FAF]  }
0x28: {  	s2 =	sld [smem:$0x3FB0]  }
0x29: {  	s4 =	sld [smem:$0x3FB2]  }
0x2a: {  	p0 =	seq.s32 s5, $0x0;
	s5 =	sld [smem:$0x3FB3]  }
0x2b: {  	s6 =	sld [smem:$0x3FB4]  }
0x2c: {  	s7 =	sld [smem:$0x3FB5]  }
0x2d: {  	s3 =	simm.s32 $0x108;
	s8 =	sld [smem:$0x3FB6]  }
0x2e: {  	s3 =	simm.s32 @!p0 $0x1082;
	s9 =	sld [smem:$0x3FB7]  }
0x2f: {  	lr =	sadd.s32 s0, s3;
	s0 =	sld [smem:$0x3FAE]  }
0x30: {  	s3 =	sld [smem:$0x3FB1]  }
0x31: {  	[smem:$0x3FBA] =	sst s10  }
0x32: {  	s10 =	sld [smem:$0x3FB8];
	_ =	sdelay $0x3  }
0x33: {  	p0 =	seq.s32 s10, $0x1;
	s10 =	sld [smem:$0x3FBA];
	_ =	sdelay $0x3  }
0x34: {  	[smem:$0x3FBA] =	sst s10  }
0x35: {  	s10 =	sld [smem:$0x3FB9];
	_ =	sdelay $0x3  }
0x36: {  	p1 =	seq.s32 s10, $0x1;
	s10 =	sld [smem:$0x3FBA];
	_ =	sdelay $0x3  }
0x37: {  	[smem:$0x3FBA] =	sst s10  }
0x38: {  	s10 =	sld [smem:$0x3FBB]  }
0x39: {  	_ = 	snop;
	(pc) =	sbr.ind lr, $3  }
0x3a: {  	_ = 	snop  }
0x3b: {  	_ = 	snop  }
0x3c: {  	p2 =	seq.s32 s10, $0x1;
	s10 =	sld [smem:$0x3FBA]  }
0x3d: {  	_ =	shalt  }
0x3e: {  	_ =	shalt  }
0x3f: {  	_ =	shalt  }
0x40: {  	_ =	shalt  }
0x41: {  	_ =	shalt  }
0x42: {  	_ =	shalt  }
0x43: {  	_ =	shalt  }
0x44: {  	_ =	shalt  }
0x45: {  	_ =	shalt  }
0x46: {  	_ =	shalt  }
0x47: {  	_ =	shalt  }
0x48: {  	_ =	shalt  }
0x49: {  	_ =	shalt  }
0x4a: {  	_ =	shalt  }
0x4b: {  	_ =	shalt  }
0x4c: {  	_ =	shalt  }
0x4d: {  	_ =	shalt  }
0x4e: {  	_ =	shalt  }
0x4f: {  	_ =	shalt  }
0x50: {  	_ =	shalt  }
0x51: {  	_ =	shalt  }
0x52: {  	_ =	shalt  }
0x53: {  	_ =	shalt  }
0x54: {  	_ =	shalt  }
0x55: {  	_ =	shalt  }
0x56: {  	_ =	shalt  }
0x57: {  	_ =	shalt  }
0x58: {  	_ =	shalt  }
0x59: {  	_ =	shalt  }
0x5a: {  	_ =	shalt  }
0x5b: {  	_ =	shalt  }
0x5c: {  	_ =	shalt  }
0x5d: {  	_ =	shalt  }
0x5e: {  	_ =	shalt  }
0x5f: {  	_ =	shalt  }
0x60: {  	_ =	shalt  }
0x61: {  	_ =	shalt  }
0x62: {  	_ =	shalt  }
0x63: {  	_ =	shalt  }
0x64: {  	_ =	shalt  }
0x65: {  	_ =	shalt  }
0x66: {  	_ =	shalt  }
0x67: {  	_ =	shalt  }
0x68: {  	_ =	shalt  }
0x69: {  	_ =	shalt  }
0x6a: {  	_ =	shalt  }
0x6b: {  	_ =	shalt  }
0x6c: {  	_ =	shalt  }
0x6d: {  	_ =	shalt  }
0x6e: {  	_ =	shalt  }
0x6f: {  	_ =	shalt  }
0x70: {  	_ =	shalt  }
0x71: {  	_ =	shalt  }
0x72: {  	_ =	shalt  }
0x73: {  	_ =	shalt  }
0x74: {  	_ =	shalt  }
0x75: {  	_ =	shalt  }
0x76: {  	_ =	shalt  }
0x77: {  	_ =	shalt  }
0x78: {  	_ =	shalt  }
0x79: {  	_ =	shalt  }
0x7a: {  	_ =	shalt  }
0x7b: {  	_ =	shalt  }
0x7c: {  	_ =	shalt  }
0x7d: {  	_ =	shalt  }
0x7e: {  	_ =	shalt  }
0x7f: {  	_ =	shalt  }
0x80: {  	_ =	shalt  }
0x81: {  	_ =	shalt  }
0x82: {  	_ =	shalt  }
0x83: {  	_ =	shalt  }
0x84: {  	_ =	shalt  }
0x85: {  	_ =	shalt  }
0x86: {  	_ =	shalt  }
0x87: {  	_ =	shalt  }
.Lfunc_end0:
.L_simem_size_0:
called_computation_lowered:
.L_overlay_start_0:
0x88: {  	s2 =	sld [smem:$0x3FD9]  }
0x89: {  	s3 =	sld [smem:$0x3FFE];
	_ =	sdelay $0x1  }
0x8a: {  	s1 =	srdreg.scid  }
0x8b: {  	s0 =	sand.u32 $0x1, s1  }
0x8c: {  	s17 =	sshll.u32 s0, $0xA;
	s2 =	sadd.s32 s3, s2  }
0x8d: {  	s2 =	sadd.s32 s2, s17  }
0x8e: {  	[smem:$0x3FC6] =	sst s2  }
0x8f: {  	_ = 	snop  }
0x90: {  	s2 =	sld [smem:$0x3FD0];
	(tm) =	ssettm $0x1  }
0x91: {  	s18 =	sld [smem:$0x3FFB];
	_ =	sdelay $0x3  }
0x92: {  	_ =	strace s18  }
0x93: {  	s3 =	sld [smem:$0x3FFC];
	_ =	sdelay $0x3  }
0x94: {  	_ =	strace s3  }
0x95: {  	s3 =	sld [smem:$0x3FFD];
	_ =	sdelay $0x3  }
0x96: {  	_ =	strace s3  }
0x97: {  	_ =	strace $0x8FFFFFFF  }
0x98: {  	s19 =	sld [smem:$0x3FDB];
	_ =	sdelay $0x1  }
0x99: {  	s4 =	simm.s32 $_scs_section_size  }
0x9a: {  	s5 =	simm.s32 $_size__tile_overlayer_lowered;
	s6 =	simm.s32 $_tile_overlayer_lowered  }
0x9b: {  	s22 =	simm.s32 $0x1BFF;
	s21 =	sshll.u32 s6, $0x1;
	s3 =	sadd.s32 s4, s19  }
0x9c: {  	s7 =	simm.s32 $0x0;
	s20 =	sshll.u32 s5, $0x1;
	s5 =	sadd.s32 s21, s3  }
0x9d: {  	[timem:s7], [sflag:s22] =	dma.local [hbm:s5], s20  }
0x9e: {  	_ =	swait.ge [sflag:s22], s20  }
0x9f: {  	s4 =	ssub.s32 $0x0, s20;
	[sflag:s22] =	ssyncset.done $0x0  }
0xa0: {  	[sflag:s22] =	ssyncadd.s32 s4;
	_ =	sdelay $0x1  }
0xa1: {  	s23 =	simm.s32 $0x1B8B  }
0xa2: {  	_ =	swait.ge [sflag:s23], $0x1  }
0xa3: {  	[sflag:s23] =	ssyncset.done $0x0  }
0xa4: {  	s25 =	simm.s32 $0x1B8E;
	s24 =	sld [smem:$0x3FFE];
	[sflag:s23] =	ssyncadd.s32 $0xFFFFFFFF  }
0xa5: {  	s26 =	simm.s32 $execute0_lowered;
	[smem:$0x3FD2] =	sst s25  }
0xa6: {  	s5 =	sshll.u32 s26, $0x1;
	_ =	strace $0x80000046;
	[dreg:$0x1] =	wrdreg $0xFFFFFFFF  }
0xa7: {  	s28 =	simm.s32 $_size_execute0_lowered;
	s3 =	sadd.s32 s3, s5;
	[dreg:$0x0] =	wrdreg $0x0  }
0xa8: {  	s5 =	sshll.u32 s28, $0x1;
	[dreg:$0x2] =	wrdreg s3  }
0xa9: {  	[dreg:$0x3] =	wrdreg s5  }
0xaa: {  	[dreg:$0x4] =	wrdreg $0xC0  }
0xab: {  	_ =	task [dreg:s7], $0x5FFFF  }
0xac: {  	[dreg:$0x1] =	wrdreg $0xFFFFFFFF  }
0xad: {  	[dreg:$0x0] =	wrdreg $0x60  }
0xae: {  	[dreg:$0x2] =	wrdreg s24  }
0xaf: {  	[dreg:$0x3] =	wrdreg s2  }
0xb0: {  	[dreg:$0x4] =	wrdreg $0x9  }
0xb1: {  	_ =	task.clear_ibuf [dreg:s7], $0x5FFFF;
	_ =	strace $0x90000046  }
0xb2: {  	s29 =	simm.s32 $0x9;
	_ =	strace $0x80000048  }
0xb3: {  	_ =	swait.ge [sflag:s29], $0x1  }
0xb4: {  	[sflag:s29] =	ssyncadd.s32 $0xFFFFFFFF  }
0xb5: {  	_ =	strace $0x90000048  }
0xb6: {  	_ =	sfence  }
0xb7: {  	s30 =	sld [smem:$0x0];
	_ =	sdelay $0x2  }
0xb8: {  	s31 =	sshll.u32 s1, $0xD;
	s1 =	sshrl.u32 s1, $0x2  }
0xb9: {  	s3 =	sand.u32 $0x4000, s31;
	s1 =	sadd.s32 s1, s30  }
0xba: {  	s0 =	sor.u32 s3, s0;
	s1 =	sshll.u32 s1, $0x11  }
0xbb: {  	s0 =	sor.u32 s1, s0  }
0xbc: {  	s0 =	sadd.s32 $0x8F2B, s0  }
0xbd: {  	[sflag:s0] =	ssyncadd.remote.s32 $0x1  }
0xbe: {  	_ =	sfence.sel $0xFFFF  }
0xbf: {  	[dreg:$0x0] =	wrdreg $0xFFFFFFFF;
	(pc) =	sbr.abs _section_cstart, $3  }
0xc0: {  	[dreg:$0x1] =	wrdreg $0xFFFFFFFF  }
0xc1: {  	_ =	task.clear_ibuf [dreg:s7], $0x2FFFF;
	_ =	strace $0x9FFFFFFF  }
0xc2: {  	(tm) =	ssettm $0x7FFFFFFF  }
0xc3: {  	_ =	shalt  }
tec
execute0_lowered:
.L_overlay_start_1:
0x0: {  	(tag) =	ssettag $0x1  }
0x1: {  	s0 =	rddreg [dreg:$0x0]  }
0x2: {  	s2 =	rddreg [dreg:$0x1];
	s1 =	srdreg.scid  }
0x3: {  	s4 =	stileid.u32;
	s3 =	simm.s32 $0x0;
	s10 =	simm.s32 $0x5  }
0x4: {  	s11 =	simm.s32 $0x50;
	s31 =	simm.s32 $0x320;
	s16 =	simm.s32 $0x10A40  }
0x5: {  	s17 =	simm.s32 $0x460;
	s18 =	simm.s32 $0x11E40;
	s19 =	simm.s32 $0x4B0  }
0x6: {  	s20 =	simm.s32 $0x13240;
	s21 =	simm.s32 $0x500;
	s22 =	simm.s32 $0x14640  }
0x7: {  	s23 =	simm.s32 $0x550;
	s24 =	simm.s32 $0x15A40;
	s28 =	simm.s32 $0x5F0  }
0x8: {  	s29 =	simm.s32 $0x18240;
	s30 =	simm.s32 $0x1;
	s9 =	simm.s32 $0x2  }
0x9: {  	s13 =	simm.s32 $0x0;
	s1 =	sand.u32 $0x1, s1;
	s4 =	sshll.u32 s4, $0x1  }
0xa: {  	[smem:$0x7FF] =	sst s3;
	s5 =	sadd.s32 $0xF42A00, s0;
	s6 =	sor.u32 s1, s4  }
0xb: {  	s1 =	ssub.s32 $0x2, s1;
	s4 =	smul.u32 $0x6400, s6;
	s6 =	sshll.u32 s6, $0xD  }
0xc: {  	_ =	strace $0x80000047;
	s7 =	sshrl.u32 s1, $0x1;
	s0 =	sadd.s32 s6, s0  }
0xd: {  	s1 =	ssub.s32 s1, s7;
	s25 =	sshrl.u32 s4, $0x3;
	s7 =	sadd.s32 $0x600, s0  }
0xe: {  	s8 =	sadd.s32 $0x640, s4;
	s26 =	smax.u32 s1, $0x1;
	s0 =	simm.s32 $0x19E40  }
0xf: {  	s6 =	sadd.s32 s2, s25;
	[dreg:$0x4] =	wrdreg s26;
	s25 =	simm.s32 $0x5A0  }
0x10: {  	s26 =	simm.s32 $0x16E40;
	[dreg:$0x3] =	wrdreg s6;
	s6 =	simm.s32 $0x19640  }
.LBB2_1:
0x11: {  	v0 =	vimm.f32 $0.0e+00  }
0x12: {  	[tilespmem:$0x19680] =	vst v0  }
0x13: {  	[tilespmem:$0x19690] =	vst v0  }
0x14: {  	[tilespmem:$0x196A0] =	vst v0  }
0x15: {  	[tilespmem:$0x196B0] =	vst v0  }
0x16: {  	[tilespmem:$0x19700] =	vst v0  }
0x17: {  	[tilespmem:$0x19710] =	vst v0  }
0x18: {  	[tilespmem:$0x19720] =	vst v0  }
0x19: {  	[tilespmem:$0x19730] =	vst v0  }
0x1a: {  	[tilespmem:$0x19780] =	vst v0  }
0x1b: {  	[tilespmem:$0x19790] =	vst v0  }
0x1c: {  	[tilespmem:$0x197A0] =	vst v0  }
0x1d: {  	[tilespmem:$0x197B0] =	vst v0  }
0x1e: {  	[tilespmem:$0x19800] =	vst v0  }
0x1f: {  	[tilespmem:$0x19810] =	vst v0  }
0x20: {  	[tilespmem:$0x19820] =	vst v0  }
0x21: {  	[tilespmem:$0x19830] =	vst v0  }
0x22: {  	[tilespmem:$0x19880] =	vst v0  }
0x23: {  	[tilespmem:$0x19890] =	vst v0  }
0x24: {  	[tilespmem:$0x198A0] =	vst v0  }
0x25: {  	[tilespmem:$0x198B0] =	vst v0  }
0x26: {  	[tilespmem:$0x19900] =	vst v0  }
0x27: {  	[tilespmem:$0x19910] =	vst v0  }
0x28: {  	[tilespmem:$0x19920] =	vst v0  }
0x29: {  	[tilespmem:$0x19930] =	vst v0  }
0x2a: {  	[tilespmem:$0x19980] =	vst v0  }
0x2b: {  	[tilespmem:$0x19990] =	vst v0  }
0x2c: {  	[tilespmem:$0x199A0] =	vst v0  }
0x2d: {  	[tilespmem:$0x199B0] =	vst v0  }
0x2e: {  	[tilespmem:$0x19A00] =	vst v0  }
0x2f: {  	[tilespmem:$0x19A10] =	vst v0  }
0x30: {  	[tilespmem:$0x19A20] =	vst v0  }
0x31: {  	[tilespmem:$0x19A30] =	vst v0  }
0x32: {  	[tilespmem:$0x19A80] =	vst v0  }
0x33: {  	[tilespmem:$0x19A90] =	vst v0  }
0x34: {  	[tilespmem:$0x19AA0] =	vst v0  }
0x35: {  	[tilespmem:$0x19AB0] =	vst v0  }
0x36: {  	[tilespmem:$0x19B00] =	vst v0  }
0x37: {  	[tilespmem:$0x19B10] =	vst v0  }
0x38: {  	[tilespmem:$0x19B20] =	vst v0  }
0x39: {  	[tilespmem:$0x19B30] =	vst v0  }
0x3a: {  	[tilespmem:$0x19B80] =	vst v0  }
0x3b: {  	[tilespmem:$0x19B90] =	vst v0  }
0x3c: {  	[tilespmem:$0x19BA0] =	vst v0  }
0x3d: {  	[tilespmem:$0x19BB0] =	vst v0  }
0x3e: {  	[tilespmem:$0x19C00] =	vst v0  }
0x3f: {  	[tilespmem:$0x19C10] =	vst v0  }
0x40: {  	[tilespmem:$0x19C20] =	vst v0  }
0x41: {  	[tilespmem:$0x19C30] =	vst v0  }
0x42: {  	[tilespmem:$0x19C80] =	vst v0  }
0x43: {  	[tilespmem:$0x19C90] =	vst v0  }
0x44: {  	[tilespmem:$0x19CA0] =	vst v0  }
0x45: {  	[tilespmem:$0x19CB0] =	vst v0  }
0x46: {  	[tilespmem:$0x19D00] =	vst v0  }
0x47: {  	[tilespmem:$0x19D10] =	vst v0  }
0x48: {  	[tilespmem:$0x19D20] =	vst v0  }
0x49: {  	[tilespmem:$0x19D30] =	vst v0  }
0x4a: {  	[tilespmem:$0x19D80] =	vst v0  }
0x4b: {  	[tilespmem:$0x19D90] =	vst v0  }
0x4c: {  	[tilespmem:$0x19DA0] =	vst v0  }
0x4d: {  	[tilespmem:$0x19DB0] =	vst v0  }
0x4e: {  	[tilespmem:$0x19E00] =	vst v0  }
0x4f: {  	[tilespmem:$0x19E10] =	vst v0  }
0x50: {  	[tilespmem:$0x19E20] =	vst v0  }
0x51: {  	[tilespmem:$0x19E30] =	vst v0  }
0x52: {  	[tilespmem:$0x19E80] =	vst v0  }
0x53: {  	[tilespmem:$0x19E90] =	vst v0  }
0x54: {  	[tilespmem:$0x19EA0] =	vst v0  }
0x55: {  	[tilespmem:$0x19EB0] =	vst v0  }
0x56: {  	[tilespmem:$0x19F00] =	vst v0  }
0x57: {  	[tilespmem:$0x19F10] =	vst v0  }
0x58: {  	[tilespmem:$0x19F20] =	vst v0  }
0x59: {  	[tilespmem:$0x19F30] =	vst v0  }
0x5a: {  	[tilespmem:$0x19F80] =	vst v0  }
0x5b: {  	[tilespmem:$0x19F90] =	vst v0  }
0x5c: {  	[tilespmem:$0x19FA0] =	vst v0  }
0x5d: {  	[tilespmem:$0x19FB0] =	vst v0  }
0x5e: {  	[tilespmem:$0x1A000] =	vst v0  }
0x5f: {  	[tilespmem:$0x1A010] =	vst v0  }
0x60: {  	[tilespmem:$0x1A020] =	vst v0  }
0x61: {  	[tilespmem:$0x1A030] =	vst v0  }
0x62: {  	[tilespmem:$0x1A080] =	vst v0  }
0x63: {  	[tilespmem:$0x1A090] =	vst v0  }
0x64: {  	[tilespmem:$0x1A0A0] =	vst v0  }
0x65: {  	[tilespmem:$0x1A0B0] =	vst v0  }
0x66: {  	[tilespmem:$0x1A100] =	vst v0  }
0x67: {  	[tilespmem:$0x1A110] =	vst v0  }
0x68: {  	[tilespmem:$0x1A120] =	vst v0  }
0x69: {  	[tilespmem:$0x1A130] =	vst v0  }
0x6a: {  	[tilespmem:$0x1A180] =	vst v0  }
0x6b: {  	[tilespmem:$0x1A190] =	vst v0  }
0x6c: {  	[tilespmem:$0x1A1A0] =	vst v0  }
0x6d: {  	[tilespmem:$0x1A1B0] =	vst v0  }
0x6e: {  	[tilespmem:$0x1A200] =	vst v0  }
0x6f: {  	[tilespmem:$0x1A210] =	vst v0  }
0x70: {  	[tilespmem:$0x1A220] =	vst v0  }
0x71: {  	[tilespmem:$0x1A230] =	vst v0  }
0x72: {  	[tilespmem:$0x1A280] =	vst v0  }
0x73: {  	[tilespmem:$0x1A290] =	vst v0  }
0x74: {  	[tilespmem:$0x1A2A0] =	vst v0  }
0x75: {  	[tilespmem:$0x1A2B0] =	vst v0  }
0x76: {  	[tilespmem:$0x1A300] =	vst v0  }
0x77: {  	[tilespmem:$0x1A310] =	vst v0  }
0x78: {  	[tilespmem:$0x1A320] =	vst v0  }
0x79: {  	[tilespmem:$0x1A330] =	vst v0  }
0x7a: {  	[tilespmem:$0x1A380] =	vst v0  }
0x7b: {  	[tilespmem:$0x1A390] =	vst v0  }
0x7c: {  	[tilespmem:$0x1A3A0] =	vst v0  }
0x7d: {  	[tilespmem:$0x1A3B0] =	vst v0  }
0x7e: {  	[tilespmem:$0x1A400] =	vst v0  }
0x7f: {  	[tilespmem:$0x1A410] =	vst v0  }
0x80: {  	[tilespmem:$0x1A420] =	vst v0  }
0x81: {  	[tilespmem:$0x1A430] =	vst v0  }
0x82: {  	[tilespmem:$0x1A480] =	vst v0  }
0x83: {  	[tilespmem:$0x1A490] =	vst v0  }
0x84: {  	[tilespmem:$0x1A4A0] =	vst v0  }
0x85: {  	[tilespmem:$0x1A4B0] =	vst v0  }
0x86: {  	[tilespmem:$0x1A500] =	vst v0  }
0x87: {  	[tilespmem:$0x1A510] =	vst v0  }
0x88: {  	[tilespmem:$0x1A520] =	vst v0  }
0x89: {  	[tilespmem:$0x1A530] =	vst v0  }
0x8a: {  	[tilespmem:$0x1A580] =	vst v0  }
0x8b: {  	[tilespmem:$0x1A590] =	vst v0  }
0x8c: {  	[tilespmem:$0x1A5A0] =	vst v0  }
0x8d: {  	[tilespmem:$0x1A5B0] =	vst v0  }
0x8e: {  	[tilespmem:$0x1A600] =	vst v0  }
0x8f: {  	[tilespmem:$0x1A610] =	vst v0  }
0x90: {  	[dreg:$0x5] =	wrdreg s13;
	[tilespmem:$0x1A620] =	vst v0  }
0x91: {  	s1 =	rddreg [dreg:$0x3];
	[tilespmem:$0x1A630] =	vst v0  }
0x92: {  	[tilespmem:s3], [sflag:$0x5] =	stream.linear.gather [hbm4b:s1+s3], $0x320, $0x38;
	[tilespmem:$0x1A640] =	vst v63  }
0x93: {  	_ =	swait.ge [sflag:s10], $0x320  }
0x94: {  	[sflag:s10] =	ssyncset.done $0x0  }
0x95: {  	s15 =	simm.s32 $0x640;
	[sflag:s10] =	ssyncadd.s32 $0xFFFFFCE0  }
0x96: {  	[tilespmem:s15], [sflag:$0x1] =	stream.indirect.gather [hbm4b:s5+s11], $0x40, s3, s11, $0xb8;
	[tilespmem:$0x1A640] =	vst v63  }
0x97: {  	s12 =	simm.s32 $0x1A40  }
0x98: {  	[tilespmem:s12], [sflag:$0x1] =	stream.indirect.gather [hbm4b:s5+s11], $0x40, s11, s11, $0xb8;
	[tilespmem:$0x1A640] =	vst v63  }
0x99: {  	s13 =	simm.s32 $0xA0;
	s12 =	simm.s32 $0x2E40  }
0x9a: {  	[tilespmem:s12], [sflag:$0x1] =	stream.indirect.gather [hbm4b:s5+s11], $0x40, s13, s11, $0xb8;
	[tilespmem:$0x1A640] =	vst v63  }
0x9b: {  	s14 =	simm.s32 $0xF0;
	s15 =	simm.s32 $0x4240  }
0x9c: {  	[tilespmem:s15], [sflag:$0x1] =	stream.indirect.gather [hbm4b:s5+s11], $0x40, s14, s11, $0xb8;
	[tilespmem:$0x1A640] =	vst v63  }
0x9d: {  	s12 =	simm.s32 $0x140;
	s13 =	simm.s32 $0x5640  }
0x9e: {  	[tilespmem:s13], [sflag:$0x1] =	stream.indirect.gather [hbm4b:s5+s11], $0x40, s12, s11, $0xb8;
	[tilespmem:$0x1A640] =	vst v63  }
0x9f: {  	s14 =	simm.s32 $0x190;
	s15 =	simm.s32 $0x6A40  }
0xa0: {  	[tilespmem:s15], [sflag:$0x1] =	stream.indirect.gather [hbm4b:s5+s11], $0x40, s14, s11, $0xb8;
	[tilespmem:$0x1A640] =	vst v63  }
0xa1: {  	s12 =	simm.s32 $0x1E0;
	s13 =	simm.s32 $0x7E40  }
0xa2: {  	[tilespmem:s13], [sflag:$0x1] =	stream.indirect.gather [hbm4b:s5+s11], $0x40, s12, s11, $0xb8;
	[tilespmem:$0x1A640] =	vst v63  }
0xa3: {  	s14 =	simm.s32 $0x230;
	s15 =	simm.s32 $0x9240  }
0xa4: {  	[tilespmem:s15], [sflag:$0x1] =	stream.indirect.gather [hbm4b:s5+s11], $0x40, s14, s11, $0xb8;
	[tilespmem:$0x1A640] =	vst v63  }
0xa5: {  	s12 =	simm.s32 $0x280;
	s13 =	simm.s32 $0xA640  }
0xa6: {  	[tilespmem:s13], [sflag:$0x1] =	stream.indirect.gather [hbm4b:s5+s11], $0x40, s12, s11, $0xb8;
	[tilespmem:$0x1A640] =	vst v63  }
0xa7: {  	s1 =	simm.s32 $0x0;
	s14 =	simm.s32 $0x2D0;
	s15 =	simm.s32 $0xBA40  }
0xa8: {  	[tilespmem:s15], [sflag:$0x1] =	stream.indirect.gather [hbm4b:s5+s11], $0x40, s14, s11, $0xb8;
	[tilespmem:$0x1A640] =	vst v63  }
.LBB2_2:
0xa9: {  	s12 =	sshllo.u32 s1, $0x1  }
0xaa: {  	s13 =	smul.u32 $0x320, s12;
	_ =	sdelay $0x1  }
0xab: {  	s13 =	sadd.s32 s4, s13  }
0xac: {  	s13 =	sshrl.u32 s13, $0x3  }
0xad: {  	s13 =	sadd.s32 s2, s13  }
0xae: {  	[tilespmem:s31], [sflag:$0x5] =	stream.linear.gather [hbm4b:s13+s3], $0x320, $0x38;
	[tilespmem:$0x1A640] =	vst v63  }
0xaf: {  	_ =	swait.ge [sflag:s10], $0x320  }
0xb0: {  	[sflag:s10] =	ssyncset.done $0x0  }
0xb1: {  	s14 =	simm.s32 $0xCE40;
	[sflag:s10] =	ssyncadd.s32 $0xFFFFFCE0  }
0xb2: {  	[tilespmem:s14], [sflag:$0x2] =	stream.indirect.gather [hbm4b:s5+s11], $0x40, s31, s11, $0xb8;
	[tilespmem:$0x1A640] =	vst v63  }
0xb3: {  	s15 =	simm.s32 $0x370;
	s14 =	simm.s32 $0xE240  }
0xb4: {  	[tilespmem:s14], [sflag:$0x2] =	stream.indirect.gather [hbm4b:s5+s11], $0x40, s15, s11, $0xb8;
	[tilespmem:$0x1A640] =	vst v63  }
0xb5: {  	s14 =	simm.s32 $0x3C0;
	s15 =	simm.s32 $0xF640  }
0xb6: {  	[tilespmem:s15], [sflag:$0x2] =	stream.indirect.gather [hbm4b:s5+s11], $0x40, s14, s11, $0xb8;
	[tilespmem:$0x1A640] =	vst v63  }
0xb7: {  	s15 =	simm.s32 $0x410  }
0xb8: {  	[tilespmem:s16], [sflag:$0x2] =	stream.indirect.gather [hbm4b:s5+s11], $0x40, s15, s11, $0xb8;
	[tilespmem:$0x1A640] =	vst v63  }
0xb9: {  	_ = 	snop  }
0xba: {  	[tilespmem:s18], [sflag:$0x2] =	stream.indirect.gather [hbm4b:s5+s11], $0x40, s17, s11, $0xb8;
	[tilespmem:$0x1A640] =	vst v63  }
0xbb: {  	_ = 	snop  }
0xbc: {  	[tilespmem:s20], [sflag:$0x2] =	stream.indirect.gather [hbm4b:s5+s11], $0x40, s19, s11, $0xb8;
	[tilespmem:$0x1A640] =	vst v63  }
0xbd: {  	_ = 	snop  }
0xbe: {  	[tilespmem:s22], [sflag:$0x2] =	stream.indirect.gather [hbm4b:s5+s11], $0x40, s21, s11, $0xb8;
	[tilespmem:$0x1A640] =	vst v63  }
0xbf: {  	_ = 	snop  }
0xc0: {  	[tilespmem:s24], [sflag:$0x2] =	stream.indirect.gather [hbm4b:s5+s11], $0x40, s23, s11, $0xb8;
	[tilespmem:$0x1A640] =	vst v63  }
0xc1: {  	_ = 	snop  }
0xc2: {  	[tilespmem:s26], [sflag:$0x2] =	stream.indirect.gather [hbm4b:s5+s11], $0x40, s25, s11, $0xb8;
	[tilespmem:$0x1A640] =	vst v63  }
0xc3: {  	_ = 	snop  }
0xc4: {  	[tilespmem:s29], [sflag:$0x2] =	stream.indirect.gather [hbm4b:s5+s11], $0x40, s28, s11, $0xb8;
	[tilespmem:$0x1A640] =	vst v63  }
0xc5: {  	_ =	swait.ge [sflag:s30], $0x1400  }
0xc6: {  	[sflag:s30] =	ssyncset.done $0x0  }
0xc7: {  	[sflag:s30] =	ssyncadd.s32 $0xFFFFEC00  }
0xc8: {  	_ =	swait.ge [sflag:s30], $0x1400  }
0xc9: {  	[sflag:s30] =	ssyncset.done $0x0  }
0xca: {  	[sflag:s30] =	ssyncadd.s32 $0xFFFFEC00  }
0xcb: {  	_ =	swait.ge [sflag:s30], $0x1400  }
0xcc: {  	[sflag:s30] =	ssyncset.done $0x0  }
0xcd: {  	[sflag:s30] =	ssyncadd.s32 $0xFFFFEC00  }
0xce: {  	_ =	swait.ge [sflag:s30], $0x1400  }
0xcf: {  	[sflag:s30] =	ssyncset.done $0x0  }
0xd0: {  	[sflag:s30] =	ssyncadd.s32 $0xFFFFEC00  }
0xd1: {  	_ =	swait.ge [sflag:s30], $0x1400  }
0xd2: {  	[sflag:s30] =	ssyncset.done $0x0  }
0xd3: {  	[sflag:s30] =	ssyncadd.s32 $0xFFFFEC00  }
0xd4: {  	_ =	swait.ge [sflag:s30], $0x1400  }
0xd5: {  	[sflag:s30] =	ssyncset.done $0x0  }
0xd6: {  	[sflag:s30] =	ssyncadd.s32 $0xFFFFEC00  }
0xd7: {  	_ =	swait.ge [sflag:s30], $0x1400  }
0xd8: {  	[sflag:s30] =	ssyncset.done $0x0  }
0xd9: {  	[sflag:s30] =	ssyncadd.s32 $0xFFFFEC00  }
0xda: {  	_ =	swait.ge [sflag:s30], $0x1400  }
0xdb: {  	[sflag:s30] =	ssyncset.done $0x0  }
0xdc: {  	[sflag:s30] =	ssyncadd.s32 $0xFFFFEC00  }
0xdd: {  	_ =	swait.ge [sflag:s30], $0x1400  }
0xde: {  	[sflag:s30] =	ssyncset.done $0x0  }
0xdf: {  	[sflag:s30] =	ssyncadd.s32 $0xFFFFEC00  }
0xe0: {  	_ =	swait.ge [sflag:s30], $0x1400  }
0xe1: {  	p0 =	seq.s32 s1, $0x0;
	[sflag:s30] =	ssyncset.done $0x0  }
0xe2: {  	s13 =	simm.s32 @!p0 $0x3;
	[sflag:s30] =	ssyncadd.s32 $0xFFFFEC00  }
0xe3: {  	_ =	swait.ge @!p0 [sflag:s13], $0x800  }
0xe4: {  	[sflag:s13] =	ssyncset.done @!p0 $0x0  }
0xe5: {  	[sflag:s13] =	ssyncadd.s32 @!p0 $0xFFFFF800;
	s13 =	simm.s32 $0x0  }
.LBB2_3:
0xe6: {  	s14 =	smul.u32 $0x3200, s13;
	_ =	sdelay $0x1  }
0xe7: {  	s14 =	sshra.s32 s14, $0x2  }
0xe8: {  	v57 =	vld [tilespmem:s14+$0xA30];
	_ =	sdelay $0x4  }
0xe9: {  	[tilespmem:$0x1FD80] =	vst v57;
	v57 =	vld [tilespmem:s14+$0xA50];
	_ =	sdelay $0x4  }
0xea: {  	[tilespmem:$0x1FD90] =	vst v57;
	v57 =	vld [tilespmem:s14+$0xA60];
	_ =	sdelay $0x1  }
0xeb: {  	v4 =	vld [tilespmem:s14+$0x640]  }
0xec: {  	v5 =	vld [tilespmem:s14+$0x650]  }
0xed: {  	v6 =	vld [tilespmem:s14+$0x660]  }
0xee: {  	[tilespmem:$0x1FDA0] =	vst v57;
	v57 =	vld [tilespmem:s14+$0xA70]  }
0xef: {  	v17 =	vld [tilespmem:s14+$0x670]  }
0xf0: {  	v18 =	vld [tilespmem:s14+$0x680]  }
0xf1: {  	v21 =	vld [tilespmem:s14+$0x690]  }
0xf2: {  	v22 =	vld [tilespmem:s14+$0x6A0]  }
0xf3: {  	[tilespmem:$0x1FDC0] =	vst v57;
	v57 =	vld [tilespmem:s14+$0xA80]  }
0xf4: {  	v33 =	vld [tilespmem:s14+$0x6B0]  }
0xf5: {  	v34 =	vld [tilespmem:s14+$0x6C0]  }
0xf6: {  	v37 =	vld [tilespmem:s14+$0x6D0]  }
0xf7: {  	v38 =	vld [tilespmem:s14+$0x6E0]  }
0xf8: {  	[tilespmem:$0x1FDB0] =	vst v57;
	v57 =	vld [tilespmem:s14+$0xA90]  }
0xf9: {  	v49 =	vld [tilespmem:s14+$0x6F0]  }
0xfa: {  	v50 =	vld [tilespmem:s14+$0x700]  }
0xfb: {  	v53 =	vld [tilespmem:s14+$0x710]  }
0xfc: {  	v54 =	vld [tilespmem:s14+$0x720]  }
0xfd: {  	[tilespmem:$0x1FDD0] =	vst v57;
	v57 =	vld [tilespmem:s14+$0xAA0]  }
0xfe: {  	v63 =	vld [tilespmem:s14+$0x730]  }
0xff: {  	v0 =	vld [tilespmem:s14+$0x740]  }
0x100: {  	v1 =	vld [tilespmem:s14+$0x750]  }
0x101: {  	v3 =	vld [tilespmem:s14+$0x760]  }
0x102: {  	[tilespmem:$0x1FDE0] =	vst v57;
	v57 =	vld [tilespmem:s14+$0xAB0]  }
0x103: {  	v10 =	vld [tilespmem:s14+$0x770]  }
0x104: {  	v2 =	vld [tilespmem:s14+$0x780]  }
0x105: {  	v7 =	vld [tilespmem:s14+$0x790]  }
0x106: {  	v9 =	vld [tilespmem:s14+$0x7A0]  }
0x107: {  	[tilespmem:$0x1FE00] =	vst v57;
	v57 =	vld [tilespmem:s14+$0xAC0]  }
0x108: {  	v14 =	vld [tilespmem:s14+$0x7B0]  }
0x109: {  	v8 =	vld [tilespmem:s14+$0x7C0]  }
0x10a: {  	v11 =	vld [tilespmem:s14+$0x7D0]  }
0x10b: {  	v13 =	vld [tilespmem:s14+$0x7E0]  }
0x10c: {  	[tilespmem:$0x1FDF0] =	vst v57;
	v57 =	vld [tilespmem:s14+$0xAD0]  }
0x10d: {  	v20 =	vld [tilespmem:s14+$0x7F0]  }
0x10e: {  	v12 =	vld [tilespmem:s14+$0x800]  }
0x10f: {  	v15 =	vld [tilespmem:s14+$0x810]  }
0x110: {  	v19 =	vld [tilespmem:s14+$0x820]  }
0x111: {  	[tilespmem:$0x1FE10] =	vst v57;
	v57 =	vld [tilespmem:s14+$0xAE0]  }
0x112: {  	v26 =	vld [tilespmem:s14+$0x830]  }
0x113: {  	v16 =	vld [tilespmem:s14+$0x840]  }
0x114: {  	v23 =	vld [tilespmem:s14+$0x850]  }
0x115: {  	v25 =	vld [tilespmem:s14+$0x860]  }
0x116: {  	[tilespmem:$0x1FE20] =	vst v57;
	v57 =	vld [tilespmem:s14+$0xAF0]  }
0x117: {  	v30 =	vld [tilespmem:s14+$0x870]  }
0x118: {  	v24 =	vld [tilespmem:s14+$0x880]  }
0x119: {  	v27 =	vld [tilespmem:s14+$0x890]  }
0x11a: {  	v29 =	vld [tilespmem:s14+$0x8A0]  }
0x11b: {  	[tilespmem:$0x1FE40] =	vst v57;
	v57 =	vld [tilespmem:s14+$0xB00]  }
0x11c: {  	v36 =	vld [tilespmem:s14+$0x8B0]  }
0x11d: {  	v28 =	vld [tilespmem:s14+$0x8C0]  }
0x11e: {  	v31 =	vld [tilespmem:s14+$0x8D0]  }
0x11f: {  	v35 =	vld [tilespmem:s14+$0x8E0]  }
0x120: {  	[tilespmem:$0x1FE30] =	vst v57;
	v57 =	vld [tilespmem:s14+$0xB10]  }
0x121: {  	v42 =	vld [tilespmem:s14+$0x8F0]  }
0x122: {  	v32 =	vld [tilespmem:s14+$0x900]  }
0x123: {  	v39 =	vld [tilespmem:s14+$0x910]  }
0x124: {  	v41 =	vld [tilespmem:s14+$0x920]  }
0x125: {  	[tilespmem:$0x1FE50] =	vst v57;
	v57 =	vld [tilespmem:s14+$0xB20]  }
0x126: {  	v46 =	vld [tilespmem:s14+$0x930]  }
0x127: {  	v40 =	vld [tilespmem:s14+$0x940]  }
0x128: {  	v43 =	vld [tilespmem:s14+$0x950]  }
0x129: {  	v45 =	vld [tilespmem:s14+$0x960]  }
0x12a: {  	[tilespmem:$0x1FE60] =	vst v57;
	v57 =	vld [tilespmem:s14+$0xB30]  }
0x12b: {  	v52 =	vld [tilespmem:s14+$0x970]  }
0x12c: {  	v44 =	vld [tilespmem:s14+$0x980]  }
0x12d: {  	v47 =	vld [tilespmem:s14+$0x990]  }
0x12e: {  	v51 =	vld [tilespmem:s14+$0x9A0]  }
0x12f: {  	[tilespmem:$0x1FE80] =	vst v57;
	v57 =	vld [tilespmem:s14+$0xB40]  }
0x130: {  	v61 =	vld [tilespmem:s14+$0x9B0]  }
0x131: {  	v48 =	vld [tilespmem:s14+$0x9C0]  }
0x132: {  	v55 =	vld [tilespmem:s14+$0x9D0]  }
0x133: {  	v62 =	vld [tilespmem:s14+$0x9E0]  }
0x134: {  	[tilespmem:$0x1FE70] =	vst v57;
	v57 =	vld [tilespmem:s14+$0xB50]  }
0x135: {  	v56 =	vld [tilespmem:s14+$0x9F0]  }
0x136: {  	v59 =	vld [tilespmem:s14+$0xA10]  }
0x137: {  	v58 =	vld [tilespmem:s14+$0xA20]  }
0x138: {  	v60 =	vld [tilespmem:s14+$0xA40]  }
0x139: {  	[tilespmem:$0x1FE90] =	vst v57;
	v57 =	vld [tilespmem:s14+$0xB60]  }
0x13a: {  	[tilespmem:$0x1FD70] =	vst v56;
	v56 =	vld [tilespmem:s14+$0xA00]  }
0x13b: {  	v18 =	vadd.f32 v18, v4;
	v4 =	vld [tilespmem:s14+$0xCD0]  }
0x13c: {  	v21 =	vadd.f32 v21, v5;
	v5 =	vld [tilespmem:s14+$0xCE0]  }
0x13d: {  	v22 =	vadd.f32 v22, v6;
	v6 =	vld [tilespmem:s14+$0xCF0]  }
0x13e: {  	v18 =	vadd.f32 v34, v18;
	[tilespmem:$0x1FEA0] =	vst v57;
	v57 =	vld [tilespmem:s14+$0xB70]  }
0x13f: {  	v33 =	vadd.f32 v33, v17;
	v17 =	vld [tilespmem:s14+$0xD00];
	v21 =	vadd.f32 v37, v21  }
0x140: {  	v22 =	vadd.f32 v38, v22;
	v34 =	vadd.f32 v50, v18;
	v18 =	vld [tilespmem:s14+$0xD10]  }
0x141: {  	v37 =	vadd.f32 v53, v21;
	v21 =	vld [tilespmem:s14+$0xD20]  }
0x142: {  	v33 =	vadd.f32 v49, v33;
	v38 =	vadd.f32 v54, v22;
	v22 =	vld [tilespmem:s14+$0xD30]  }
0x143: {  	[tilespmem:$0x1FEC0] =	vst v57;
	v57 =	vld [tilespmem:s14+$0xB80]  }
0x144: {  	v49 =	vadd.f32 v63, v33;
	v33 =	vld [tilespmem:s14+$0xD40]  }
0x145: {  	v50 =	vld [tilespmem:s14+$0xD90]  }
0x146: {  	v53 =	vld [tilespmem:s14+$0xDA0]  }
0x147: {  	v0 =	vadd.f32 v0, v34;
	v34 =	vld [tilespmem:s14+$0xD50]  }
0x148: {  	[tilespmem:$0x1FEB0] =	vst v57;
	v57 =	vld [tilespmem:s14+$0xB90]  }
0x149: {  	v1 =	vadd.f32 v1, v37;
	v37 =	vld [tilespmem:s14+$0xD60]  }
0x14a: {  	v3 =	vadd.f32 v3, v38;
	v38 =	vld [tilespmem:s14+$0xD70]  }
0x14b: {  	v54 =	vadd.f32 v10, v49;
	v49 =	vld [tilespmem:s14+$0xD80]  }
0x14c: {  	v10 =	vld [tilespmem:s14+$0xDF0]  }
0x14d: {  	[tilespmem:$0x1FED0] =	vst v57;
	v57 =	vld [tilespmem:s14+$0xBA0]  }
0x14e: {  	v0 =	vadd.f32 v2, v0;
	v2 =	vadd.f32 v14, v54;
	v54 =	vld [tilespmem:s14+$0xDB0]  }
0x14f: {  	v1 =	vadd.f32 v7, v1;
	v7 =	vld [tilespmem:s14+$0xDC0]  }
0x150: {  	v3 =	vadd.f32 v9, v3;
	v9 =	vld [tilespmem:s14+$0xDE0]  }
0x151: {  	v14 =	vld [tilespmem:s14+$0xE30]  }
0x152: {  	[tilespmem:$0x1FEE0] =	vst v57;
	v57 =	vld [tilespmem:s14+$0xBB0]  }
0x153: {  	v0 =	vadd.f32 v8, v0;
	v8 =	vld [tilespmem:s14+$0xDD0]  }
0x154: {  	v1 =	vadd.f32 v11, v1;
	v11 =	vld [tilespmem:s14+$0xE00]  }
0x155: {  	v3 =	vadd.f32 v13, v3;
	v13 =	vld [tilespmem:s14+$0xE20]  }
0x156: {  	v2 =	vadd.f32 v20, v2;
	v20 =	vld [tilespmem:s14+$0xE70]  }
0x157: {  	[tilespmem:$0x1FF00] =	vst v57;
	v57 =	vld [tilespmem:s14+$0xBC0]  }
0x158: {  	v0 =	vadd.f32 v12, v0;
	v12 =	vld [tilespmem:s14+$0xE10]  }
0x159: {  	v1 =	vadd.f32 v15, v1;
	v15 =	vld [tilespmem:s14+$0xE40]  }
0x15a: {  	v3 =	vadd.f32 v19, v3;
	v19 =	vld [tilespmem:s14+$0xE60]  }
0x15b: {  	v2 =	vadd.f32 v26, v2;
	v26 =	vld [tilespmem:s14+$0xEB0]  }
0x15c: {  	[tilespmem:$0x1FEF0] =	vst v57;
	v57 =	vld [tilespmem:s14+$0xBD0]  }
0x15d: {  	v0 =	vadd.f32 v16, v0;
	v16 =	vld [tilespmem:s14+$0xE50]  }
0x15e: {  	v1 =	vadd.f32 v23, v1;
	v23 =	vld [tilespmem:s14+$0xE80]  }
0x15f: {  	v3 =	vadd.f32 v25, v3;
	v2 =	vadd.f32 v30, v2;
	v25 =	vld [tilespmem:s14+$0xEA0]  }
0x160: {  	v30 =	vld [tilespmem:s14+$0xEF0];
	v1 =	vadd.f32 v27, v1  }
0x161: {  	v0 =	vadd.f32 v24, v0;
	v2 =	vadd.f32 v36, v2;
	[tilespmem:$0x1FF10] =	vst v57;
	v57 =	vld [tilespmem:s14+$0xBE0]  }
0x162: {  	v3 =	vadd.f32 v29, v3;
	v24 =	vld [tilespmem:s14+$0xE90];
	v1 =	vadd.f32 v31, v1  }
0x163: {  	v27 =	vld [tilespmem:s14+$0xEC0];
	v0 =	vadd.f32 v28, v0;
	v2 =	vadd.f32 v42, v2  }
0x164: {  	v29 =	vld [tilespmem:s14+$0xEE0];
	v3 =	vadd.f32 v35, v3;
	v1 =	vadd.f32 v39, v1  }
0x165: {  	v28 =	vld [tilespmem:s14+$0xED0];
	v0 =	vadd.f32 v32, v0;
	v2 =	vadd.f32 v46, v2  }
0x166: {  	v3 =	vadd.f32 v41, v3;
	v1 =	vadd.f32 v43, v1;
	[tilespmem:$0x1FF20] =	vst v57;
	v57 =	vld [tilespmem:s14+$0xBF0]  }
0x167: {  	v31 =	vld [tilespmem:s14+$0xF00];
	v0 =	vadd.f32 v40, v0;
	v2 =	vadd.f32 v52, v2  }
0x168: {  	v32 =	vld [tilespmem:s14+$0xF10];
	v3 =	vadd.f32 v45, v3;
	v1 =	vadd.f32 v47, v1  }
0x169: {  	v0 =	vadd.f32 v44, v0;
	v2 =	vadd.f32 v61, v2;
	v61 =	vld [tilespmem:$0x1FDC0]  }
0x16a: {  	v3 =	vadd.f32 v51, v3;
	v1 =	vadd.f32 v55, v1;
	v55 =	vld [tilespmem:$0x1FD70]  }
0x16b: {  	v0 =	vadd.f32 v48, v0;
	[tilespmem:$0x1FF40] =	vst v57;
	v57 =	vld [tilespmem:s14+$0xC00]  }
0x16c: {  	v3 =	vadd.f32 v62, v3;
	v62 =	vld [tilespmem:$0x1FDD0]  }
0x16d: {  	v0 =	vadd.f32 v56, v0;
	v56 =	vld [tilespmem:$0x1FD80]  }
0x16e: {  	v3 =	vadd.f32 v58, v3;
	v58 =	vld [tilespmem:$0x1FD90]  }
0x16f: {  	v1 =	vadd.f32 v59, v1;
	v59 =	vld [tilespmem:$0x1FDA0]  }
0x170: {  	[tilespmem:$0x1FF30] =	vst v57;
	v57 =	vld [tilespmem:s14+$0xC10]  }
0x171: {  	v0 =	vadd.f32 v60, v0;
	v60 =	vld [tilespmem:$0x1FDB0];
	v2 =	vadd.f32 v55, v2  }
0x172: {  	v36 =	vld [tilespmem:$0x1FE00]  }
0x173: {  	v2 =	vadd.f32 v56, v2;
	v35 =	vld [tilespmem:$0x1FDF0]  }
0x174: {  	v63 =	vld [tilespmem:$0x1FDE0]  }
0x175: {  	v2 =	vadd.f32 v61, v2;
	[tilespmem:$0x1FF50] =	vst v57;
	v57 =	vld [tilespmem:s14+$0xC20]  }
0x176: {  	v0 =	vadd.f32 v60, v0;
	v39 =	vld [tilespmem:$0x1FE10]  }
0x177: {  	v1 =	vadd.f32 v58, v1;
	v2 =	vadd.f32 v36, v2;
	v36 =	vld [tilespmem:s14+$0xF30]  }
0x178: {  	v0 =	vadd.f32 v35, v0;
	v35 =	vld [tilespmem:s14+$0xF20]  }
0x179: {  	v1 =	vadd.f32 v62, v1;
	v40 =	vld [tilespmem:$0x1FE20]  }
0x17a: {  	v3 =	vadd.f32 v59, v3;
	[tilespmem:$0x1FF60] =	vst v57;
	v57 =	vld [tilespmem:s14+$0xC30]  }
0x17b: {  	v1 =	vadd.f32 v39, v1;
	v39 =	vld [tilespmem:s14+$0xF40]  }
0x17c: {  	v3 =	vadd.f32 v63, v3;
	v42 =	vld [tilespmem:$0x1FE40]  }
0x17d: {  	v41 =	vld [tilespmem:$0x1FE30]  }
0x17e: {  	v3 =	vadd.f32 v40, v3;
	v40 =	vld [tilespmem:s14+$0xF50]  }
0x17f: {  	[tilespmem:$0x1FF80] =	vst v57;
	v57 =	vld [tilespmem:s14+$0xC40]  }
0x180: {  	v43 =	vld [tilespmem:$0x1FE50]  }
0x181: {  	v2 =	vadd.f32 v42, v2;
	v42 =	vld [tilespmem:s14+$0xF70]  }
0x182: {  	v0 =	vadd.f32 v41, v0;
	v41 =	vld [tilespmem:s14+$0xF60]  }
0x183: {  	v44 =	vld [tilespmem:$0x1FE60]  }
0x184: {  	[tilespmem:$0x1FF70] =	vst v57;
	v57 =	vld [tilespmem:s14+$0xC50]  }
0x185: {  	v1 =	vadd.f32 v43, v1;
	v43 =	vld [tilespmem:s14+$0xF80]  }
0x186: {  	v46 =	vld [tilespmem:$0x1FE80]  }
0x187: {  	v45 =	vld [tilespmem:$0x1FE70]  }
0x188: {  	v3 =	vadd.f32 v44, v3;
	v44 =	vld [tilespmem:s14+$0xF90]  }
0x189: {  	[tilespmem:$0x1FF90] =	vst v57;
	v57 =	vld [tilespmem:s14+$0xC60]  }
0x18a: {  	v47 =	vld [tilespmem:$0x1FE90]  }
0x18b: {  	v2 =	vadd.f32 v46, v2;
	v46 =	vld [tilespmem:s14+$0xFB0]  }
0x18c: {  	v0 =	vadd.f32 v45, v0;
	v45 =	vld [tilespmem:s14+$0xFA0]  }
0x18d: {  	v48 =	vld [tilespmem:$0x1FEA0]  }
0x18e: {  	[tilespmem:$0x1FFA0] =	vst v57;
	v57 =	vld [tilespmem:s14+$0xC70]  }
0x18f: {  	v1 =	vadd.f32 v47, v1;
	v47 =	vld [tilespmem:s14+$0xFC0]  }
0x190: {  	v52 =	vld [tilespmem:$0x1FEC0]  }
0x191: {  	v51 =	vld [tilespmem:$0x1FEB0]  }
0x192: {  	v55 =	vld [tilespmem:$0x1FED0]  }
0x193: {  	[tilespmem:$0x1FFC0] =	vst v57;
	v57 =	vld [tilespmem:s14+$0xC80]  }
0x194: {  	v56 =	vld [tilespmem:$0x1FEE0]  }
0x195: {  	v59 =	vld [tilespmem:$0x1FF00]  }
0x196: {  	v58 =	vld [tilespmem:$0x1FEF0]  }
0x197: {  	v60 =	vld [tilespmem:$0x1FF10]  }
0x198: {  	[tilespmem:$0x1FFB0] =	vst v57;
	v57 =	vld [tilespmem:s14+$0xC90]  }
0x199: {  	v61 =	vld [tilespmem:$0x1FF20]  }
0x19a: {  	v63 =	vld [tilespmem:$0x1FF40]  }
0x19b: {  	v62 =	vld [tilespmem:$0x1FF30]  }
0x19c: {  	v3 =	vadd.f32 v48, v3;
	v48 =	vld [tilespmem:$0x1FF50]  }
0x19d: {  	[tilespmem:$0x1FFD0] =	vst v57;
	v57 =	vld [tilespmem:s14+$0xCA0]  }
0x19e: {  	v0 =	vadd.f32 v51, v0;
	v51 =	vld [tilespmem:$0x1FF60]  }
0x19f: {  	v1 =	vadd.f32 v55, v1;
	v55 =	vld [tilespmem:$0x1FF80]  }
0x1a0: {  	v2 =	vadd.f32 v52, v2;
	v52 =	vld [tilespmem:$0x1FF70]  }
0x1a1: {  	v3 =	vadd.f32 v56, v3;
	v56 =	vld [tilespmem:$0x1FF90]  }
0x1a2: {  	[tilespmem:$0x1FFE0] =	vst v57;
	v57 =	vld [tilespmem:s14+$0xCB0]  }
0x1a3: {  	v0 =	vadd.f32 v58, v0;
	v58 =	vld [tilespmem:$0x1FFA0]  }
0x1a4: {  	v1 =	vadd.f32 v60, v1;
	v60 =	vld [tilespmem:$0x1FFC0]  }
0x1a5: {  	v2 =	vadd.f32 v59, v2;
	v3 =	vadd.f32 v61, v3;
	v61 =	vld [tilespmem:$0x1FFD0]  }
0x1a6: {  	v0 =	vadd.f32 v62, v0;
	v1 =	vadd.f32 v48, v1;
	v62 =	vld [tilespmem:$0x1FFE0]  }
0x1a7: {  	v2 =	vadd.f32 v63, v2;
	v3 =	vadd.f32 v51, v3;
	v59 =	vld [tilespmem:$0x1FFB0];
	[tilespmem:$0x1FFF0] =	vst v57  }
0x1a8: {  	v1 =	vadd.f32 v56, v1;
	v63 =	vld [tilespmem:$0x1FFF0]  }
0x1a9: {  	v2 =	vadd.f32 v55, v2;
	v3 =	vadd.f32 v58, v3;
	v57 =	vld [tilespmem:s14+$0xCC0]  }
0x1aa: {  	v48 =	vld [tilespmem:s14+$0xFD0];
	v0 =	vadd.f32 v52, v0;
	v1 =	vadd.f32 v61, v1  }
0x1ab: {  	v51 =	vld [tilespmem:s14+$0xFE0];
	v2 =	vadd.f32 v60, v2;
	v3 =	vadd.f32 v62, v3  }
0x1ac: {  	v55 =	vld [tilespmem:s14+$0x1080];
	v0 =	vadd.f32 v59, v0;
	v1 =	vadd.f32 v4, v1  }
0x1ad: {  	v52 =	vld [tilespmem:s14+$0xFF0];
	v3 =	vadd.f32 v5, v3;
	v2 =	vadd.f32 v63, v2  }
0x1ae: {  	v56 =	vld [tilespmem:s14+$0x1090];
	v1 =	vadd.f32 v18, v1;
	v0 =	vadd.f32 v57, v0  }
0x1af: {  	v58 =	vld [tilespmem:s14+$0x10B0];
	v3 =	vadd.f32 v21, v3;
	v2 =	vadd.f32 v6, v2  }
0x1b0: {  	v60 =	vld [tilespmem:s14+$0x10D0];
	v1 =	vadd.f32 v34, v1;
	v0 =	vadd.f32 v17, v0  }
0x1b1: {  	v59 =	vld [tilespmem:s14+$0x10C0];
	v3 =	vadd.f32 v37, v3;
	v2 =	vadd.f32 v22, v2  }
0x1b2: {  	v61 =	vld [tilespmem:s14+$0x10E0];
	v1 =	vadd.f32 v50, v1;
	v0 =	vadd.f32 v33, v0  }
0x1b3: {  	v4 =	vld [tilespmem:s14+$0x1000];
	v3 =	vadd.f32 v53, v3;
	v2 =	vadd.f32 v38, v2  }
0x1b4: {  	v18 =	vld [tilespmem:s14+$0x1040];
	v1 =	vadd.f32 v8, v1;
	v0 =	vadd.f32 v49, v0  }
0x1b5: {  	v62 =	vld [tilespmem:s14+$0x10F0];
	v3 =	vadd.f32 v9, v3;
	v2 =	vadd.f32 v54, v2  }
0x1b6: {  	v34 =	vld [tilespmem:s14+$0x1120];
	v1 =	vadd.f32 v12, v1;
	v0 =	vadd.f32 v7, v0  }
0x1b7: {  	v5 =	vld [tilespmem:s14+$0x1010];
	v3 =	vadd.f32 v13, v3;
	v2 =	vadd.f32 v10, v2  }
0x1b8: {  	v50 =	vld [tilespmem:s14+$0x1060];
	v1 =	vadd.f32 v16, v1;
	v0 =	vadd.f32 v11, v0  }
0x1b9: {  	v57 =	vld [tilespmem:s14+$0x10A0];
	v3 =	vadd.f32 v19, v3;
	v2 =	vadd.f32 v14, v2  }
0x1ba: {  	v63 =	vld [tilespmem:s14+$0x1100];
	v1 =	vadd.f32 v24, v1;
	v0 =	vadd.f32 v15, v0  }
0x1bb: {  	v17 =	vld [tilespmem:s14+$0x1030];
	v3 =	vadd.f32 v25, v3;
	v2 =	vadd.f32 v20, v2  }
0x1bc: {  	v37 =	vld [tilespmem:s14+$0x1130];
	v1 =	vadd.f32 v28, v1;
	v0 =	vadd.f32 v23, v0  }
0x1bd: {  	v6 =	vld [tilespmem:s14+$0x1020];
	v3 =	vadd.f32 v29, v3;
	v2 =	vadd.f32 v26, v2  }
0x1be: {  	v53 =	vld [tilespmem:s14+$0x1070];
	v1 =	vadd.f32 v32, v1;
	v0 =	vadd.f32 v27, v0  }
0x1bf: {  	v33 =	vld [tilespmem:s14+$0x1110];
	v3 =	vadd.f32 v35, v3;
	v2 =	vadd.f32 v30, v2  }
0x1c0: {  	v49 =	vld [tilespmem:s14+$0x1050];
	v1 =	vadd.f32 v40, v1;
	v0 =	vadd.f32 v31, v0  }
0x1c1: {  	v38 =	vld [tilespmem:s14+$0x1140];
	v3 =	vadd.f32 v41, v3;
	v2 =	vadd.f32 v36, v2  }
0x1c2: {  	v54 =	vld [tilespmem:s14+$0x1240];
	v1 =	vadd.f32 v44, v1;
	v0 =	vadd.f32 v39, v0  }
0x1c3: {  	v40 =	vld [tilespmem:s14+$0x1160];
	v3 =	vadd.f32 v45, v3;
	v2 =	vadd.f32 v42, v2  }
0x1c4: {  	v44 =	vld [tilespmem:s14+$0x11A0];
	v1 =	vadd.f32 v48, v1;
	v0 =	vadd.f32 v43, v0  }
0x1c5: {  	v48 =	vld [tilespmem:s14+$0x11E0];
	v3 =	vadd.f32 v51, v3;
	v2 =	vadd.f32 v46, v2  }
0x1c6: {  	v41 =	vld [tilespmem:s14+$0x1170];
	v1 =	vadd.f32 v5, v1;
	v0 =	vadd.f32 v47, v0  }
0x1c7: {  	v39 =	vld [tilespmem:s14+$0x1150];
	v3 =	vadd.f32 v6, v3;
	v2 =	vadd.f32 v52, v2  }
0x1c8: {  	v45 =	vld [tilespmem:s14+$0x11B0];
	v1 =	vadd.f32 v49, v1;
	v0 =	vadd.f32 v4, v0  }
0x1c9: {  	v49 =	vld [tilespmem:s14+$0x11F0];
	v3 =	vadd.f32 v50, v3;
	v2 =	vadd.f32 v17, v2  }
0x1ca: {  	v43 =	vld [tilespmem:s14+$0x1190];
	v1 =	vadd.f32 v56, v1;
	v0 =	vadd.f32 v18, v0  }
0x1cb: {  	v51 =	vld [tilespmem:s14+$0x1210];
	v3 =	vadd.f32 v57, v3;
	v2 =	vadd.f32 v53, v2  }
0x1cc: {  	v42 =	vld [tilespmem:s14+$0x1180];
	v1 =	vadd.f32 v60, v1;
	v0 =	vadd.f32 v55, v0  }
0x1cd: {  	v56 =	vld [tilespmem:s14+$0x1260];
	v3 =	vadd.f32 v61, v3;
	v2 =	vadd.f32 v58, v2  }
0x1ce: {  	v47 =	vld [tilespmem:s14+$0x11D0];
	v1 =	vadd.f32 v33, v1;
	v0 =	vadd.f32 v59, v0  }
0x1cf: {  	v46 =	vld [tilespmem:s14+$0x11C0];
	v3 =	vadd.f32 v34, v3;
	v2 =	vadd.f32 v62, v2  }
0x1d0: {  	v60 =	vld [tilespmem:s14+$0x12A0];
	v1 =	vadd.f32 v39, v1;
	v0 =	vadd.f32 v63, v0  }
0x1d1: {  	v50 =	vld [tilespmem:s14+$0x1200];
	v3 =	vadd.f32 v40, v3;
	v2 =	vadd.f32 v37, v2  }
0x1d2: {  	v52 =	vld [tilespmem:s14+$0x1220];
	v1 =	vadd.f32 v43, v1;
	v0 =	vadd.f32 v38, v0  }
0x1d3: {  	v55 =	vld [tilespmem:s14+$0x1250];
	v3 =	vadd.f32 v44, v3;
	v2 =	vadd.f32 v41, v2  }
0x1d4: {  	v53 =	vld [tilespmem:s14+$0x1230];
	v1 =	vadd.f32 v47, v1;
	v0 =	vadd.f32 v42, v0  }
0x1d5: {  	v59 =	vld [tilespmem:s14+$0x1290];
	v3 =	vadd.f32 v48, v3;
	v2 =	vadd.f32 v45, v2  }
0x1d6: {  	v57 =	vld [tilespmem:s14+$0x1270];
	v1 =	vadd.f32 v51, v1;
	v0 =	vadd.f32 v46, v0  }
0x1d7: {  	v58 =	vld [tilespmem:s14+$0x1280];
	v3 =	vadd.f32 v52, v3;
	v2 =	vadd.f32 v49, v2  }
0x1d8: {  	v61 =	vld [tilespmem:s14+$0x12B0];
	v1 =	vadd.f32 v55, v1;
	v0 =	vadd.f32 v50, v0  }
0x1d9: {  	v3 =	vadd.f32 v56, v3;
	v2 =	vadd.f32 v53, v2  }
0x1da: {  	v1 =	vadd.f32 v59, v1;
	v0 =	vadd.f32 v54, v0  }
0x1db: {  	v3 =	vadd.f32 v60, v3;
	v2 =	vadd.f32 v57, v2  }
0x1dc: {  	s15 =	sshll.u32 s13, $0x7;
	p1 =	sne.s32 s13, $0xF;
	v1 =	vmul.f32 $1.999999960e-02, v1;
	v0 =	vadd.f32 v58, v0  }
.Ltmp0:
0x1dd: {  	s14 =	sand.u32 $0x3FFFFF80, s15;
	v62 =	vmul.f32 $1.999999960e-02, v3;
	v2 =	vadd.f32 v61, v2;
	(pc) =	sbr.rel @p1 .LBB2_3-.Ltmp0, $4  }
0x1de: {  	[tilespmem:s14+$0x19650] =	vst v1;
	v0 =	vmul.f32 $1.999999960e-02, v0  }
0x1df: {  	[tilespmem:s14+$0x19660] =	vst v62;
	v63 =	vmul.f32 $1.999999960e-02, v2  }
0x1e0: {  	[tilespmem:s14+$0x19640] =	vst v0  }
0x1e1: {  	s13 =	sadd.s32 $0x1, s13;
	[tilespmem:s14+$0x19670] =	vst v63  }
0x1e2: {  	s13 =	sshll.u32 s1, $0x9;
	p1 =	seq.s32 s1, $0xF  }
0x1e3: {  	s13 =	sadd.s32 s13, s7;
	s14 =	smul.u32 @!p1 $0x640, s1  }
0x1e4: {  	[hbm4b:s13+s3] =	stream.linear.scatter [tilespmem:s6], [sflag:$0x3], $0x800, $0x38;
	[tilespmem:$0x1A640] =	vst v63  }
0x1e5: {  	s13 =	sadd.s32 @!p1 s14, s8  }
0x1e6: {  	s13 =	sshrl.u32 @!p1 s13, $0x3  }
0x1e7: {  	s14 =	simm.s32 @!p1 $0x0;
	s13 =	sadd.s32 @!p1 s2, s13  }
0x1e8: {  	[tilespmem:s14], [sflag:$0x5] =	stream.linear.gather @!p1 [hbm4b:s13+s14], $0x320, $0x38;
	[tilespmem:$0x1A640] =	vst v63  }
0x1e9: {  	s13 =	simm.s32 @!p1 $0x5  }
0x1ea: {  	_ =	swait.ge @!p1 [sflag:s13], $0x320  }
0x1eb: {  	[sflag:s13] =	ssyncset.done @!p1 $0x0  }
0x1ec: {  	s15 =	simm.s32 @!p1 $0x640;
	[sflag:s13] =	ssyncadd.s32 @!p1 $0xFFFFFCE0;
	s13 =	simm.s32 @!p1 $0x50  }
0x1ed: {  	[tilespmem:s15], [sflag:$0x1] =	stream.indirect.gather @!p1 [hbm4b:s5+s13], $0x40, s14, s13, $0xb8;
	[tilespmem:$0x1A640] =	vst v63  }
0x1ee: {  	s14 =	simm.s32 @!p1 $0x1A40  }
0x1ef: {  	[tilespmem:s14], [sflag:$0x1] =	stream.indirect.gather @!p1 [hbm4b:s5+s13], $0x40, s13, s13, $0xb8;
	[tilespmem:$0x1A640] =	vst v63  }
0x1f0: {  	s15 =	simm.s32 @!p1 $0x2E40;
	s14 =	simm.s32 @!p1 $0xA0  }
0x1f1: {  	[tilespmem:s15], [sflag:$0x1] =	stream.indirect.gather @!p1 [hbm4b:s5+s13], $0x40, s14, s13, $0xb8;
	[tilespmem:$0x1A640] =	vst v63  }
0x1f2: {  	s14 =	simm.s32 @!p1 $0xF0;
	s15 =	simm.s32 @!p1 $0x4240  }
0x1f3: {  	[tilespmem:s15], [sflag:$0x1] =	stream.indirect.gather @!p1 [hbm4b:s5+s13], $0x40, s14, s13, $0xb8;
	[tilespmem:$0x1A640] =	vst v63  }
0x1f4: {  	s14 =	simm.s32 @!p1 $0x140;
	s15 =	simm.s32 @!p1 $0x5640  }
0x1f5: {  	[tilespmem:s15], [sflag:$0x1] =	stream.indirect.gather @!p1 [hbm4b:s5+s13], $0x40, s14, s13, $0xb8;
	[tilespmem:$0x1A640] =	vst v63  }
0x1f6: {  	s14 =	simm.s32 @!p1 $0x190;
	s15 =	simm.s32 @!p1 $0x6A40  }
0x1f7: {  	[tilespmem:s15], [sflag:$0x1] =	stream.indirect.gather @!p1 [hbm4b:s5+s13], $0x40, s14, s13, $0xb8;
	[tilespmem:$0x1A640] =	vst v63  }
0x1f8: {  	s14 =	simm.s32 @!p1 $0x1E0;
	s15 =	simm.s32 @!p1 $0x7E40  }
0x1f9: {  	[tilespmem:s15], [sflag:$0x1] =	stream.indirect.gather @!p1 [hbm4b:s5+s13], $0x40, s14, s13, $0xb8;
	[tilespmem:$0x1A640] =	vst v63  }
0x1fa: {  	s14 =	simm.s32 @!p1 $0x230;
	s15 =	simm.s32 @!p1 $0x9240  }
0x1fb: {  	[tilespmem:s15], [sflag:$0x1] =	stream.indirect.gather @!p1 [hbm4b:s5+s13], $0x40, s14, s13, $0xb8;
	[tilespmem:$0x1A640] =	vst v63  }
0x1fc: {  	s14 =	simm.s32 @!p1 $0x280;
	s15 =	simm.s32 @!p1 $0xA640  }
0x1fd: {  	[tilespmem:s15], [sflag:$0x1] =	stream.indirect.gather @!p1 [hbm4b:s5+s13], $0x40, s14, s13, $0xb8;
	[tilespmem:$0x1A640] =	vst v63  }
0x1fe: {  	s14 =	simm.s32 @!p1 $0x2D0;
	s15 =	simm.s32 @!p1 $0xBA40  }
0x1ff: {  	[tilespmem:s15], [sflag:$0x1] =	stream.indirect.gather @!p1 [hbm4b:s5+s13], $0x40, s14, s13, $0xb8;
	[tilespmem:$0x1A640] =	vst v63  }
0x200: {  	_ =	swait.ge [sflag:s9], $0x1400  }
0x201: {  	[sflag:s9] =	ssyncset.done $0x0  }
0x202: {  	[sflag:s9] =	ssyncadd.s32 $0xFFFFEC00  }
0x203: {  	_ =	swait.ge [sflag:s9], $0x1400  }
0x204: {  	[sflag:s9] =	ssyncset.done $0x0  }
0x205: {  	[sflag:s9] =	ssyncadd.s32 $0xFFFFEC00  }
0x206: {  	_ =	swait.ge [sflag:s9], $0x1400  }
0x207: {  	[sflag:s9] =	ssyncset.done $0x0  }
0x208: {  	[sflag:s9] =	ssyncadd.s32 $0xFFFFEC00  }
0x209: {  	_ =	swait.ge [sflag:s9], $0x1400  }
0x20a: {  	[sflag:s9] =	ssyncset.done $0x0  }
0x20b: {  	[sflag:s9] =	ssyncadd.s32 $0xFFFFEC00  }
0x20c: {  	_ =	swait.ge [sflag:s9], $0x1400  }
0x20d: {  	[sflag:s9] =	ssyncset.done $0x0  }
0x20e: {  	[sflag:s9] =	ssyncadd.s32 $0xFFFFEC00  }
0x20f: {  	_ =	swait.ge [sflag:s9], $0x1400  }
0x210: {  	[sflag:s9] =	ssyncset.done $0x0  }
0x211: {  	[sflag:s9] =	ssyncadd.s32 $0xFFFFEC00  }
0x212: {  	_ =	swait.ge [sflag:s9], $0x1400  }
0x213: {  	[sflag:s9] =	ssyncset.done $0x0  }
0x214: {  	[sflag:s9] =	ssyncadd.s32 $0xFFFFEC00  }
0x215: {  	_ =	swait.ge [sflag:s9], $0x1400  }
0x216: {  	[sflag:s9] =	ssyncset.done $0x0  }
0x217: {  	[sflag:s9] =	ssyncadd.s32 $0xFFFFEC00  }
0x218: {  	_ =	swait.ge [sflag:s9], $0x1400  }
0x219: {  	[sflag:s9] =	ssyncset.done $0x0  }
0x21a: {  	[sflag:s9] =	ssyncadd.s32 $0xFFFFEC00  }
0x21b: {  	_ =	swait.ge [sflag:s9], $0x1400  }
0x21c: {  	[sflag:s9] =	ssyncset.done $0x0  }
0x21d: {  	s13 =	simm.s32 @!p0 $0x4;
	[sflag:s9] =	ssyncadd.s32 $0xFFFFEC00  }
0x21e: {  	_ =	swait.ge @!p0 [sflag:s13], $0x800  }
0x21f: {  	[sflag:s13] =	ssyncset.done @!p0 $0x0  }
0x220: {  	[sflag:s13] =	ssyncadd.s32 @!p0 $0xFFFFF800;
	s13 =	simm.s32 $0x0  }
.LBB2_5:
0x221: {  	s14 =	smul.u32 $0x3200, s13;
	_ =	sdelay $0x1  }
0x222: {  	s14 =	sshra.s32 s14, $0x2  }
0x223: {  	v57 =	vld [tilespmem:s14+$0xD230];
	_ =	sdelay $0x4  }
0x224: {  	[tilespmem:$0x1FAF0] =	vst v57;
	v57 =	vld [tilespmem:s14+$0xD250];
	_ =	sdelay $0x4  }
0x225: {  	[tilespmem:$0x1FB00] =	vst v57;
	v57 =	vld [tilespmem:s14+$0xD260];
	_ =	sdelay $0x1  }
0x226: {  	v0 =	vld [tilespmem:s14+$0xCE40]  }
0x227: {  	v5 =	vld [tilespmem:s14+$0xCE50]  }
0x228: {  	v6 =	vld [tilespmem:s14+$0xCE60]  }
0x229: {  	[tilespmem:$0x1FB10] =	vst v57;
	v57 =	vld [tilespmem:s14+$0xD270]  }
0x22a: {  	v17 =	vld [tilespmem:s14+$0xCE70]  }
0x22b: {  	v4 =	vld [tilespmem:s14+$0xCE80]  }
0x22c: {  	v18 =	vld [tilespmem:s14+$0xCE90]  }
0x22d: {  	v21 =	vld [tilespmem:s14+$0xCEA0]  }
0x22e: {  	[tilespmem:$0x1FB30] =	vst v57;
	v57 =	vld [tilespmem:s14+$0xD280]  }
0x22f: {  	v22 =	vld [tilespmem:s14+$0xCEB0]  }
0x230: {  	v33 =	vld [tilespmem:s14+$0xCEC0]  }
0x231: {  	v34 =	vld [tilespmem:s14+$0xCED0]  }
0x232: {  	v37 =	vld [tilespmem:s14+$0xCEE0]  }
0x233: {  	[tilespmem:$0x1FB20] =	vst v57;
	v57 =	vld [tilespmem:s14+$0xD290]  }
0x234: {  	v38 =	vld [tilespmem:s14+$0xCEF0]  }
0x235: {  	v49 =	vld [tilespmem:s14+$0xCF00]  }
0x236: {  	v50 =	vld [tilespmem:s14+$0xCF10]  }
0x237: {  	v53 =	vld [tilespmem:s14+$0xCF20]  }
0x238: {  	[tilespmem:$0x1FB40] =	vst v57;
	v57 =	vld [tilespmem:s14+$0xD2A0]  }
0x239: {  	v54 =	vld [tilespmem:s14+$0xCF30]  }
0x23a: {  	v63 =	vld [tilespmem:s14+$0xCF40]  }
0x23b: {  	v1 =	vld [tilespmem:s14+$0xCF50]  }
0x23c: {  	v3 =	vld [tilespmem:s14+$0xCF60]  }
0x23d: {  	[tilespmem:$0x1FB50] =	vst v57;
	v57 =	vld [tilespmem:s14+$0xD2B0]  }
0x23e: {  	v10 =	vld [tilespmem:s14+$0xCF70]  }
0x23f: {  	v2 =	vld [tilespmem:s14+$0xCF80]  }
0x240: {  	v7 =	vld [tilespmem:s14+$0xCF90]  }
0x241: {  	v9 =	vld [tilespmem:s14+$0xCFA0]  }
0x242: {  	[tilespmem:$0x1FB70] =	vst v57;
	v57 =	vld [tilespmem:s14+$0xD2C0]  }
0x243: {  	v14 =	vld [tilespmem:s14+$0xCFB0]  }
0x244: {  	v8 =	vld [tilespmem:s14+$0xCFC0]  }
0x245: {  	v11 =	vld [tilespmem:s14+$0xCFD0]  }
0x246: {  	v13 =	vld [tilespmem:s14+$0xCFE0]  }
0x247: {  	[tilespmem:$0x1FB60] =	vst v57;
	v57 =	vld [tilespmem:s14+$0xD2D0]  }
0x248: {  	v20 =	vld [tilespmem:s14+$0xCFF0]  }
0x249: {  	v12 =	vld [tilespmem:s14+$0xD000]  }
0x24a: {  	v15 =	vld [tilespmem:s14+$0xD010]  }
0x24b: {  	v19 =	vld [tilespmem:s14+$0xD020]  }
0x24c: {  	[tilespmem:$0x1FB80] =	vst v57;
	v57 =	vld [tilespmem:s14+$0xD2E0]  }
0x24d: {  	v26 =	vld [tilespmem:s14+$0xD030]  }
0x24e: {  	v16 =	vld [tilespmem:s14+$0xD040]  }
0x24f: {  	v23 =	vld [tilespmem:s14+$0xD050]  }
0x250: {  	v25 =	vld [tilespmem:s14+$0xD060]  }
0x251: {  	[tilespmem:$0x1FB90] =	vst v57;
	v57 =	vld [tilespmem:s14+$0xD2F0]  }
0x252: {  	v30 =	vld [tilespmem:s14+$0xD070]  }
0x253: {  	v24 =	vld [tilespmem:s14+$0xD080]  }
0x254: {  	v27 =	vld [tilespmem:s14+$0xD090]  }
0x255: {  	v29 =	vld [tilespmem:s14+$0xD0A0]  }
0x256: {  	[tilespmem:$0x1FBB0] =	vst v57;
	v57 =	vld [tilespmem:s14+$0xD300]  }
0x257: {  	v36 =	vld [tilespmem:s14+$0xD0B0]  }
0x258: {  	v28 =	vld [tilespmem:s14+$0xD0C0]  }
0x259: {  	v31 =	vld [tilespmem:s14+$0xD0D0]  }
0x25a: {  	v35 =	vld [tilespmem:s14+$0xD0E0]  }
0x25b: {  	[tilespmem:$0x1FBA0] =	vst v57;
	v57 =	vld [tilespmem:s14+$0xD310]  }
0x25c: {  	v42 =	vld [tilespmem:s14+$0xD0F0]  }
0x25d: {  	v32 =	vld [tilespmem:s14+$0xD100]  }
0x25e: {  	v39 =	vld [tilespmem:s14+$0xD110]  }
0x25f: {  	v41 =	vld [tilespmem:s14+$0xD120]  }
0x260: {  	[tilespmem:$0x1FBC0] =	vst v57;
	v57 =	vld [tilespmem:s14+$0xD320]  }
0x261: {  	v46 =	vld [tilespmem:s14+$0xD130]  }
0x262: {  	v40 =	vld [tilespmem:s14+$0xD140]  }
0x263: {  	v43 =	vld [tilespmem:s14+$0xD150]  }
0x264: {  	v45 =	vld [tilespmem:s14+$0xD160]  }
0x265: {  	[tilespmem:$0x1FBD0] =	vst v57;
	v57 =	vld [tilespmem:s14+$0xD330]  }
0x266: {  	v52 =	vld [tilespmem:s14+$0xD170]  }
0x267: {  	v44 =	vld [tilespmem:s14+$0xD180]  }
0x268: {  	v47 =	vld [tilespmem:s14+$0xD190]  }
0x269: {  	v51 =	vld [tilespmem:s14+$0xD1A0]  }
0x26a: {  	[tilespmem:$0x1FBF0] =	vst v57;
	v57 =	vld [tilespmem:s14+$0xD340]  }
0x26b: {  	v61 =	vld [tilespmem:s14+$0xD1B0]  }
0x26c: {  	v48 =	vld [tilespmem:s14+$0xD1C0]  }
0x26d: {  	v55 =	vld [tilespmem:s14+$0xD1D0]  }
0x26e: {  	v62 =	vld [tilespmem:s14+$0xD1E0]  }
0x26f: {  	[tilespmem:$0x1FBE0] =	vst v57;
	v57 =	vld [tilespmem:s14+$0xD350]  }
0x270: {  	v56 =	vld [tilespmem:s14+$0xD1F0]  }
0x271: {  	v59 =	vld [tilespmem:s14+$0xD210]  }
0x272: {  	v58 =	vld [tilespmem:s14+$0xD220]  }
0x273: {  	v60 =	vld [tilespmem:s14+$0xD240]  }
0x274: {  	[tilespmem:$0x1FC00] =	vst v57;
	v57 =	vld [tilespmem:s14+$0xD360]  }
0x275: {  	[tilespmem:$0x1FAE0] =	vst v56;
	v56 =	vld [tilespmem:s14+$0xD200]  }
0x276: {  	v0 =	vadd.f32 v4, v0;
	v4 =	vld [tilespmem:s14+$0xD4D0]  }
0x277: {  	v18 =	vadd.f32 v18, v5;
	v5 =	vld [tilespmem:s14+$0xD4E0]  }
0x278: {  	v21 =	vadd.f32 v21, v6;
	v6 =	vld [tilespmem:s14+$0xD4F0]  }
0x279: {  	[tilespmem:$0x1FC10] =	vst v57;
	v57 =	vld [tilespmem:s14+$0xD370]  }
0x27a: {  	v22 =	vadd.f32 v22, v17;
	v17 =	vld [tilespmem:s14+$0xD500]  }
0x27b: {  	v0 =	vadd.f32 v33, v0;
	v33 =	vadd.f32 v34, v18;
	v18 =	vld [tilespmem:s14+$0xD510]  }
0x27c: {  	v34 =	vadd.f32 v37, v21;
	v21 =	vld [tilespmem:s14+$0xD520]  }
0x27d: {  	v0 =	vadd.f32 v49, v0;
	v49 =	vadd.f32 v38, v22;
	v22 =	vld [tilespmem:s14+$0xD530]  }
0x27e: {  	[tilespmem:$0x1FC30] =	vst v57;
	v57 =	vld [tilespmem:s14+$0xD380]  }
0x27f: {  	v38 =	vld [tilespmem:s14+$0xD570]  }
0x280: {  	v33 =	vadd.f32 v50, v33;
	v50 =	vld [tilespmem:s14+$0xD590]  }
0x281: {  	v34 =	vadd.f32 v53, v34;
	v53 =	vld [tilespmem:s14+$0xD5A0]  }
0x282: {  	v1 =	vadd.f32 v1, v33;
	v33 =	vld [tilespmem:s14+$0xD540]  }
0x283: {  	[tilespmem:$0x1FC20] =	vst v57;
	v57 =	vld [tilespmem:s14+$0xD390]  }
0x284: {  	v37 =	vadd.f32 v54, v49;
	v3 =	vadd.f32 v3, v34;
	v34 =	vld [tilespmem:s14+$0xD550]  }
0x285: {  	v49 =	vld [tilespmem:s14+$0xD580]  }
0x286: {  	v54 =	vadd.f32 v10, v37;
	v37 =	vld [tilespmem:s14+$0xD560]  }
0x287: {  	v1 =	vadd.f32 v7, v1;
	v7 =	vld [tilespmem:s14+$0xD5C0]  }
0x288: {  	v0 =	vadd.f32 v63, v0;
	[tilespmem:$0x1FC40] =	vst v57;
	v57 =	vld [tilespmem:s14+$0xD3A0]  }
0x289: {  	v3 =	vadd.f32 v9, v3;
	v9 =	vld [tilespmem:s14+$0xD5E0]  }
0x28a: {  	v0 =	vadd.f32 v2, v0;
	v10 =	vld [tilespmem:s14+$0xD5F0]  }
0x28b: {  	v2 =	vadd.f32 v14, v54;
	v54 =	vld [tilespmem:s14+$0xD5B0]  }
0x28c: {  	v0 =	vadd.f32 v8, v0;
	v8 =	vld [tilespmem:s14+$0xD5D0]  }
0x28d: {  	[tilespmem:$0x1FC50] =	vst v57;
	v57 =	vld [tilespmem:s14+$0xD3B0]  }
0x28e: {  	v1 =	vadd.f32 v11, v1;
	v11 =	vld [tilespmem:s14+$0xD600]  }
0x28f: {  	v3 =	vadd.f32 v13, v3;
	v13 =	vld [tilespmem:s14+$0xD620]  }
0x290: {  	v14 =	vld [tilespmem:s14+$0xD630]  }
0x291: {  	v0 =	vadd.f32 v12, v0;
	v12 =	vld [tilespmem:s14+$0xD610]  }
0x292: {  	[tilespmem:$0x1FC70] =	vst v57;
	v57 =	vld [tilespmem:s14+$0xD3C0]  }
0x293: {  	v1 =	vadd.f32 v15, v1;
	v15 =	vld [tilespmem:s14+$0xD640]  }
0x294: {  	v3 =	vadd.f32 v19, v3;
	v19 =	vld [tilespmem:s14+$0xD660]  }
0x295: {  	v2 =	vadd.f32 v20, v2;
	v20 =	vld [tilespmem:s14+$0xD670]  }
0x296: {  	v0 =	vadd.f32 v16, v0;
	v16 =	vld [tilespmem:s14+$0xD650]  }
0x297: {  	[tilespmem:$0x1FC60] =	vst v57;
	v57 =	vld [tilespmem:s14+$0xD3D0]  }
0x298: {  	v1 =	vadd.f32 v23, v1;
	v23 =	vld [tilespmem:s14+$0xD680]  }
0x299: {  	v2 =	vadd.f32 v26, v2;
	v3 =	vadd.f32 v25, v3;
	v25 =	vld [tilespmem:s14+$0xD6A0]  }
0x29a: {  	v26 =	vld [tilespmem:s14+$0xD6B0];
	v1 =	vadd.f32 v27, v1  }
0x29b: {  	v0 =	vadd.f32 v24, v0;
	v2 =	vadd.f32 v30, v2;
	v24 =	vld [tilespmem:s14+$0xD690]  }
0x29c: {  	v1 =	vadd.f32 v31, v1;
	[tilespmem:$0x1FC80] =	vst v57;
	v57 =	vld [tilespmem:s14+$0xD3E0]  }
0x29d: {  	v3 =	vadd.f32 v29, v3;
	v27 =	vld [tilespmem:s14+$0xD6C0];
	v2 =	vadd.f32 v36, v2  }
0x29e: {  	v29 =	vld [tilespmem:s14+$0xD6E0];
	v0 =	vadd.f32 v28, v0;
	v1 =	vadd.f32 v39, v1  }
0x29f: {  	v30 =	vld [tilespmem:s14+$0xD6F0];
	v3 =	vadd.f32 v35, v3;
	v2 =	vadd.f32 v42, v2  }
0x2a0: {  	v28 =	vld [tilespmem:s14+$0xD6D0];
	v0 =	vadd.f32 v32, v0;
	v1 =	vadd.f32 v43, v1  }
0x2a1: {  	v3 =	vadd.f32 v41, v3;
	v2 =	vadd.f32 v46, v2;
	[tilespmem:$0x1FC90] =	vst v57;
	v57 =	vld [tilespmem:s14+$0xD3F0]  }
0x2a2: {  	v31 =	vld [tilespmem:s14+$0xD700];
	v0 =	vadd.f32 v40, v0;
	v1 =	vadd.f32 v47, v1  }
0x2a3: {  	v32 =	vld [tilespmem:s14+$0xD710];
	v3 =	vadd.f32 v45, v3;
	v2 =	vadd.f32 v52, v2  }
0x2a4: {  	v0 =	vadd.f32 v44, v0;
	v1 =	vadd.f32 v55, v1;
	v55 =	vld [tilespmem:$0x1FAE0]  }
0x2a5: {  	v3 =	vadd.f32 v51, v3;
	v2 =	vadd.f32 v61, v2;
	v61 =	vld [tilespmem:$0x1FB30]  }
0x2a6: {  	v0 =	vadd.f32 v48, v0;
	[tilespmem:$0x1FCB0] =	vst v57;
	v57 =	vld [tilespmem:s14+$0xD400]  }
0x2a7: {  	v3 =	vadd.f32 v62, v3;
	v62 =	vld [tilespmem:$0x1FB40]  }
0x2a8: {  	v0 =	vadd.f32 v56, v0;
	v56 =	vld [tilespmem:$0x1FAF0]  }
0x2a9: {  	v3 =	vadd.f32 v58, v3;
	v58 =	vld [tilespmem:$0x1FB00]  }
0x2aa: {  	v1 =	vadd.f32 v59, v1;
	v59 =	vld [tilespmem:$0x1FB10]  }
0x2ab: {  	[tilespmem:$0x1FCA0] =	vst v57;
	v57 =	vld [tilespmem:s14+$0xD410]  }
0x2ac: {  	v0 =	vadd.f32 v60, v0;
	v60 =	vld [tilespmem:$0x1FB20];
	v2 =	vadd.f32 v55, v2  }
0x2ad: {  	v36 =	vld [tilespmem:$0x1FB70]  }
0x2ae: {  	v2 =	vadd.f32 v56, v2;
	v35 =	vld [tilespmem:$0x1FB60]  }
0x2af: {  	v63 =	vld [tilespmem:$0x1FB50]  }
0x2b0: {  	v2 =	vadd.f32 v61, v2;
	[tilespmem:$0x1FCC0] =	vst v57;
	v57 =	vld [tilespmem:s14+$0xD420]  }
0x2b1: {  	v0 =	vadd.f32 v60, v0;
	v39 =	vld [tilespmem:$0x1FB80]  }
0x2b2: {  	v1 =	vadd.f32 v58, v1;
	v2 =	vadd.f32 v36, v2;
	v36 =	vld [tilespmem:s14+$0xD730]  }
0x2b3: {  	v0 =	vadd.f32 v35, v0;
	v35 =	vld [tilespmem:s14+$0xD720]  }
0x2b4: {  	v1 =	vadd.f32 v62, v1;
	v40 =	vld [tilespmem:$0x1FB90]  }
0x2b5: {  	v3 =	vadd.f32 v59, v3;
	[tilespmem:$0x1FCD0] =	vst v57;
	v57 =	vld [tilespmem:s14+$0xD430]  }
0x2b6: {  	v1 =	vadd.f32 v39, v1;
	v39 =	vld [tilespmem:s14+$0xD740]  }
0x2b7: {  	v3 =	vadd.f32 v63, v3;
	v42 =	vld [tilespmem:$0x1FBB0]  }
0x2b8: {  	v41 =	vld [tilespmem:$0x1FBA0]  }
0x2b9: {  	v3 =	vadd.f32 v40, v3;
	v40 =	vld [tilespmem:s14+$0xD750]  }
0x2ba: {  	[tilespmem:$0x1FCF0] =	vst v57;
	v57 =	vld [tilespmem:s14+$0xD440]  }
0x2bb: {  	v43 =	vld [tilespmem:$0x1FBC0]  }
0x2bc: {  	v2 =	vadd.f32 v42, v2;
	v42 =	vld [tilespmem:s14+$0xD770]  }
0x2bd: {  	v0 =	vadd.f32 v41, v0;
	v41 =	vld [tilespmem:s14+$0xD760]  }
0x2be: {  	v44 =	vld [tilespmem:$0x1FBD0]  }
0x2bf: {  	[tilespmem:$0x1FCE0] =	vst v57;
	v57 =	vld [tilespmem:s14+$0xD450]  }
0x2c0: {  	v1 =	vadd.f32 v43, v1;
	v43 =	vld [tilespmem:s14+$0xD780]  }
0x2c1: {  	v46 =	vld [tilespmem:$0x1FBF0]  }
0x2c2: {  	v45 =	vld [tilespmem:$0x1FBE0]  }
0x2c3: {  	v3 =	vadd.f32 v44, v3;
	v44 =	vld [tilespmem:s14+$0xD790]  }
0x2c4: {  	[tilespmem:$0x1FD00] =	vst v57;
	v57 =	vld [tilespmem:s14+$0xD460]  }
0x2c5: {  	v47 =	vld [tilespmem:$0x1FC00]  }
0x2c6: {  	v2 =	vadd.f32 v46, v2;
	v46 =	vld [tilespmem:s14+$0xD7B0]  }
0x2c7: {  	v0 =	vadd.f32 v45, v0;
	v45 =	vld [tilespmem:s14+$0xD7A0]  }
0x2c8: {  	v48 =	vld [tilespmem:$0x1FC10]  }
0x2c9: {  	[tilespmem:$0x1FD10] =	vst v57;
	v57 =	vld [tilespmem:s14+$0xD470]  }
0x2ca: {  	v1 =	vadd.f32 v47, v1;
	v47 =	vld [tilespmem:s14+$0xD7C0]  }
0x2cb: {  	v52 =	vld [tilespmem:$0x1FC30]  }
0x2cc: {  	v51 =	vld [tilespmem:$0x1FC20]  }
0x2cd: {  	v55 =	vld [tilespmem:$0x1FC40]  }
0x2ce: {  	[tilespmem:$0x1FD30] =	vst v57;
	v57 =	vld [tilespmem:s14+$0xD480]  }
0x2cf: {  	v56 =	vld [tilespmem:$0x1FC50]  }
0x2d0: {  	v59 =	vld [tilespmem:$0x1FC70]  }
0x2d1: {  	v58 =	vld [tilespmem:$0x1FC60]  }
0x2d2: {  	v60 =	vld [tilespmem:$0x1FC80]  }
0x2d3: {  	[tilespmem:$0x1FD20] =	vst v57;
	v57 =	vld [tilespmem:s14+$0xD490]  }
0x2d4: {  	v61 =	vld [tilespmem:$0x1FC90]  }
0x2d5: {  	v63 =	vld [tilespmem:$0x1FCB0]  }
0x2d6: {  	v62 =	vld [tilespmem:$0x1FCA0]  }
0x2d7: {  	v3 =	vadd.f32 v48, v3;
	v48 =	vld [tilespmem:$0x1FCC0]  }
0x2d8: {  	[tilespmem:$0x1FD40] =	vst v57;
	v57 =	vld [tilespmem:s14+$0xD4A0]  }
0x2d9: {  	v0 =	vadd.f32 v51, v0;
	v51 =	vld [tilespmem:$0x1FCD0]  }
0x2da: {  	v1 =	vadd.f32 v55, v1;
	v55 =	vld [tilespmem:$0x1FCF0]  }
0x2db: {  	v2 =	vadd.f32 v52, v2;
	v52 =	vld [tilespmem:$0x1FCE0]  }
0x2dc: {  	v3 =	vadd.f32 v56, v3;
	v56 =	vld [tilespmem:$0x1FD00]  }
0x2dd: {  	[tilespmem:$0x1FD50] =	vst v57;
	v57 =	vld [tilespmem:s14+$0xD4B0]  }
0x2de: {  	v0 =	vadd.f32 v58, v0;
	v58 =	vld [tilespmem:$0x1FD10]  }
0x2df: {  	v1 =	vadd.f32 v60, v1;
	v60 =	vld [tilespmem:$0x1FD30]  }
0x2e0: {  	v2 =	vadd.f32 v59, v2;
	v3 =	vadd.f32 v61, v3;
	v61 =	vld [tilespmem:$0x1FD40]  }
0x2e1: {  	v0 =	vadd.f32 v62, v0;
	v1 =	vadd.f32 v48, v1;
	v62 =	vld [tilespmem:$0x1FD50]  }
0x2e2: {  	v2 =	vadd.f32 v63, v2;
	v3 =	vadd.f32 v51, v3;
	v59 =	vld [tilespmem:$0x1FD20];
	[tilespmem:$0x1FD60] =	vst v57  }
0x2e3: {  	v1 =	vadd.f32 v56, v1;
	v63 =	vld [tilespmem:$0x1FD60]  }
0x2e4: {  	v2 =	vadd.f32 v55, v2;
	v3 =	vadd.f32 v58, v3;
	v57 =	vld [tilespmem:s14+$0xD4C0]  }
0x2e5: {  	v48 =	vld [tilespmem:s14+$0xD7D0];
	v0 =	vadd.f32 v52, v0;
	v1 =	vadd.f32 v61, v1  }
0x2e6: {  	v51 =	vld [tilespmem:s14+$0xD7E0];
	v2 =	vadd.f32 v60, v2;
	v3 =	vadd.f32 v62, v3  }
0x2e7: {  	v55 =	vld [tilespmem:s14+$0xD880];
	v0 =	vadd.f32 v59, v0;
	v1 =	vadd.f32 v4, v1  }
0x2e8: {  	v52 =	vld [tilespmem:s14+$0xD7F0];
	v3 =	vadd.f32 v5, v3;
	v2 =	vadd.f32 v63, v2  }
0x2e9: {  	v56 =	vld [tilespmem:s14+$0xD890];
	v1 =	vadd.f32 v18, v1;
	v0 =	vadd.f32 v57, v0  }
0x2ea: {  	v58 =	vld [tilespmem:s14+$0xD8B0];
	v3 =	vadd.f32 v21, v3;
	v2 =	vadd.f32 v6, v2  }
0x2eb: {  	v60 =	vld [tilespmem:s14+$0xD8D0];
	v1 =	vadd.f32 v34, v1;
	v0 =	vadd.f32 v17, v0  }
0x2ec: {  	v59 =	vld [tilespmem:s14+$0xD8C0];
	v3 =	vadd.f32 v37, v3;
	v2 =	vadd.f32 v22, v2  }
0x2ed: {  	v61 =	vld [tilespmem:s14+$0xD8E0];
	v1 =	vadd.f32 v50, v1;
	v0 =	vadd.f32 v33, v0  }
0x2ee: {  	v4 =	vld [tilespmem:s14+$0xD800];
	v3 =	vadd.f32 v53, v3;
	v2 =	vadd.f32 v38, v2  }
0x2ef: {  	v18 =	vld [tilespmem:s14+$0xD840];
	v1 =	vadd.f32 v8, v1;
	v0 =	vadd.f32 v49, v0  }
0x2f0: {  	v62 =	vld [tilespmem:s14+$0xD8F0];
	v3 =	vadd.f32 v9, v3;
	v2 =	vadd.f32 v54, v2  }
0x2f1: {  	v34 =	vld [tilespmem:s14+$0xD920];
	v1 =	vadd.f32 v12, v1;
	v0 =	vadd.f32 v7, v0  }
0x2f2: {  	v5 =	vld [tilespmem:s14+$0xD810];
	v3 =	vadd.f32 v13, v3;
	v2 =	vadd.f32 v10, v2  }
0x2f3: {  	v50 =	vld [tilespmem:s14+$0xD860];
	v1 =	vadd.f32 v16, v1;
	v0 =	vadd.f32 v11, v0  }
0x2f4: {  	v57 =	vld [tilespmem:s14+$0xD8A0];
	v3 =	vadd.f32 v19, v3;
	v2 =	vadd.f32 v14, v2  }
0x2f5: {  	v63 =	vld [tilespmem:s14+$0xD900];
	v1 =	vadd.f32 v24, v1;
	v0 =	vadd.f32 v15, v0  }
0x2f6: {  	v17 =	vld [tilespmem:s14+$0xD830];
	v3 =	vadd.f32 v25, v3;
	v2 =	vadd.f32 v20, v2  }
0x2f7: {  	v37 =	vld [tilespmem:s14+$0xD930];
	v1 =	vadd.f32 v28, v1;
	v0 =	vadd.f32 v23, v0  }
0x2f8: {  	v6 =	vld [tilespmem:s14+$0xD820];
	v3 =	vadd.f32 v29, v3;
	v2 =	vadd.f32 v26, v2  }
0x2f9: {  	v53 =	vld [tilespmem:s14+$0xD870];
	v1 =	vadd.f32 v32, v1;
	v0 =	vadd.f32 v27, v0  }
0x2fa: {  	v33 =	vld [tilespmem:s14+$0xD910];
	v3 =	vadd.f32 v35, v3;
	v2 =	vadd.f32 v30, v2  }
0x2fb: {  	v49 =	vld [tilespmem:s14+$0xD850];
	v1 =	vadd.f32 v40, v1;
	v0 =	vadd.f32 v31, v0  }
0x2fc: {  	v38 =	vld [tilespmem:s14+$0xD940];
	v3 =	vadd.f32 v41, v3;
	v2 =	vadd.f32 v36, v2  }
0x2fd: {  	v54 =	vld [tilespmem:s14+$0xDA40];
	v1 =	vadd.f32 v44, v1;
	v0 =	vadd.f32 v39, v0  }
0x2fe: {  	v40 =	vld [tilespmem:s14+$0xD960];
	v3 =	vadd.f32 v45, v3;
	v2 =	vadd.f32 v42, v2  }
0x2ff: {  	v44 =	vld [tilespmem:s14+$0xD9A0];
	v1 =	vadd.f32 v48, v1;
	v0 =	vadd.f32 v43, v0  }
0x300: {  	v48 =	vld [tilespmem:s14+$0xD9E0];
	v3 =	vadd.f32 v51, v3;
	v2 =	vadd.f32 v46, v2  }
0x301: {  	v41 =	vld [tilespmem:s14+$0xD970];
	v1 =	vadd.f32 v5, v1;
	v0 =	vadd.f32 v47, v0  }
0x302: {  	v39 =	vld [tilespmem:s14+$0xD950];
	v3 =	vadd.f32 v6, v3;
	v2 =	vadd.f32 v52, v2  }
0x303: {  	v45 =	vld [tilespmem:s14+$0xD9B0];
	v1 =	vadd.f32 v49, v1;
	v0 =	vadd.f32 v4, v0  }
0x304: {  	v49 =	vld [tilespmem:s14+$0xD9F0];
	v3 =	vadd.f32 v50, v3;
	v2 =	vadd.f32 v17, v2  }
0x305: {  	v43 =	vld [tilespmem:s14+$0xD990];
	v1 =	vadd.f32 v56, v1;
	v0 =	vadd.f32 v18, v0  }
0x306: {  	v51 =	vld [tilespmem:s14+$0xDA10];
	v3 =	vadd.f32 v57, v3;
	v2 =	vadd.f32 v53, v2  }
0x307: {  	v42 =	vld [tilespmem:s14+$0xD980];
	v1 =	vadd.f32 v60, v1;
	v0 =	vadd.f32 v55, v0  }
0x308: {  	v56 =	vld [tilespmem:s14+$0xDA60];
	v3 =	vadd.f32 v61, v3;
	v2 =	vadd.f32 v58, v2  }
0x309: {  	v47 =	vld [tilespmem:s14+$0xD9D0];
	v1 =	vadd.f32 v33, v1;
	v0 =	vadd.f32 v59, v0  }
0x30a: {  	v46 =	vld [tilespmem:s14+$0xD9C0];
	v3 =	vadd.f32 v34, v3;
	v2 =	vadd.f32 v62, v2  }
0x30b: {  	v60 =	vld [tilespmem:s14+$0xDAA0];
	v1 =	vadd.f32 v39, v1;
	v0 =	vadd.f32 v63, v0  }
0x30c: {  	v50 =	vld [tilespmem:s14+$0xDA00];
	v3 =	vadd.f32 v40, v3;
	v2 =	vadd.f32 v37, v2  }
0x30d: {  	v52 =	vld [tilespmem:s14+$0xDA20];
	v1 =	vadd.f32 v43, v1;
	v0 =	vadd.f32 v38, v0  }
0x30e: {  	v55 =	vld [tilespmem:s14+$0xDA50];
	v3 =	vadd.f32 v44, v3;
	v2 =	vadd.f32 v41, v2  }
0x30f: {  	v53 =	vld [tilespmem:s14+$0xDA30];
	v1 =	vadd.f32 v47, v1;
	v0 =	vadd.f32 v42, v0  }
0x310: {  	v59 =	vld [tilespmem:s14+$0xDA90];
	v3 =	vadd.f32 v48, v3;
	v2 =	vadd.f32 v45, v2  }
0x311: {  	v57 =	vld [tilespmem:s14+$0xDA70];
	v1 =	vadd.f32 v51, v1;
	v0 =	vadd.f32 v46, v0  }
0x312: {  	v58 =	vld [tilespmem:s14+$0xDA80];
	v3 =	vadd.f32 v52, v3;
	v2 =	vadd.f32 v49, v2  }
0x313: {  	v61 =	vld [tilespmem:s14+$0xDAB0];
	v1 =	vadd.f32 v55, v1;
	v0 =	vadd.f32 v50, v0  }
0x314: {  	v3 =	vadd.f32 v56, v3;
	v2 =	vadd.f32 v53, v2  }
0x315: {  	v1 =	vadd.f32 v59, v1;
	v0 =	vadd.f32 v54, v0  }
0x316: {  	v3 =	vadd.f32 v60, v3;
	v2 =	vadd.f32 v57, v2  }
0x317: {  	s15 =	sshll.u32 s13, $0x7;
	p0 =	sne.s32 s13, $0xF;
	v1 =	vmul.f32 $1.999999960e-02, v1;
	v0 =	vadd.f32 v58, v0  }
.Ltmp1:
0x318: {  	s14 =	sand.u32 $0x3FFFFF80, s15;
	v62 =	vmul.f32 $1.999999960e-02, v3;
	v2 =	vadd.f32 v61, v2;
	(pc) =	sbr.rel @p0 .LBB2_5-.Ltmp1, $4  }
0x319: {  	[tilespmem:s14+$0x19E50] =	vst v1;
	v0 =	vmul.f32 $1.999999960e-02, v0  }
0x31a: {  	[tilespmem:s14+$0x19E60] =	vst v62;
	v63 =	vmul.f32 $1.999999960e-02, v2  }
0x31b: {  	[tilespmem:s14+$0x19E40] =	vst v0  }
0x31c: {  	s13 =	sadd.s32 $0x1, s13;
	[tilespmem:s14+$0x19E70] =	vst v63  }
0x31d: {  	s1 =	sadd.s32 $0x1, s1  }
0x31e: {  	p0 =	sne.s32 s1, $0x10  }
.Ltmp2:
0x31f: {  	_ = 	snop;
	(pc) =	sbr.rel @p0 .LBB2_2-.Ltmp2, $4  }
0x320: {  	_ = 	snop  }
0x321: {  	s12 =	sshll.u32 s12, $0x8  }
0x322: {  	s12 =	sadd.s32 s12, s7  }
0x323: {  	[hbm4b:s12+s3] =	stream.linear.scatter [tilespmem:s0], [sflag:$0x4], $0x800, $0x38;
	[tilespmem:$0x1A640] =	vst v63  }
0x324: {  	s1 =	simm.s32 $0x3  }
0x325: {  	_ =	swait.ge [sflag:s1], $0x800  }
0x326: {  	[sflag:s1] =	ssyncset.done $0x0  }
0x327: {  	s12 =	simm.s32 $0x4;
	[sflag:s1] =	ssyncadd.s32 $0xFFFFF800  }
0x328: {  	_ =	swait.ge [sflag:s12], $0x800  }
0x329: {  	s13 =	rddreg [dreg:$0x5]  }
0x32a: {  	s15 =	rddreg [dreg:$0x4];
	s13 =	sadd.s32 $0x1, s13  }
0x32b: {  	p0 =	sne.s32 s13, s15  }
.Ltmp3:
0x32c: {  	_ = 	snop;
	(pc) =	sbr.rel @p0 .LBB2_1-.Ltmp3, $3  }
0x32d: {  	_ =	sdelay $0x1  }
0x32e: {  	[sflag:s12] =	ssyncset.done $0x0  }
0x32f: {  	[sflag:s12] =	ssyncadd.s32 $0xFFFFF800  }
0x330: {  	_ =	sfence.sel $0x180000  }
0x331: {  	[bflag:$0x0] =	sbarrier.arrive $0xFFFF  }
0x332: {  	_ =	strace $0x90000047  }
0x333: {  	s0 =	stileid.u32;
	[bflag:$0x2] =	sbarrier.arrive $0xFFFF  }
0x334: {  	p0 =	sne.s32 s0, $0x0;
	s0 =	rddreg [dreg:$0x2]  }
0x335: {  	s0 =	sadd.s32 @!p0 $0x100000, s0  }
0x336: {  	[sflag:s0] =	ssyncadd.tile.s32 @!p0 $0x1;
	_ =	shalt  }
.Lfunc_end2:
_tile_overlayer_lowered:
.L_overlay_start_2:
0x337: {  	(tag) =	ssettag $0x2  }
0x338: {  	s0 =	rddreg [dreg:$0x0];
	s2 =	stileid.u32  }
0x339: {  	s1 =	rddreg [dreg:$0x1];
	p0 =	sne.s32 s2, $0x0  }
0x33a: {  	s3 =	rddreg [dreg:$0x2];
	[bflag:$0x3] =	sbarrier.arrive $0xFFFF;
	s2 =	simm.s32 @!p0 $0x1C05  }
0x33b: {  	[timem:s3], [sflag:s2] =	dma.local @!p0 [hbm:s0], s1  }
0x33c: {  	s0 =	simm.s32 @!p0 $0x5  }
0x33d: {  	_ =	swait.ge @!p0 [sflag:s0], s1  }
0x33e: {  	s1 =	ssub.s32 @!p0 $0x0, s1;
	[sflag:s0] =	ssyncset.done @!p0 $0x0  }
0x33f: {  	[sflag:s0] =	ssyncadd.s32 @!p0 s1  }
0x340: {  	[bflag:$0x3] =	sbarrier.arrive $0xFFFF  }
0x341: {  	_ =	shalt  }

</sc_bundles>
